<compile_context>
chip_gen: v7x
topology: tpu7x:2x2x1
jax: 0.10.2.dev20260603
libtpu: 0.0.44.dev20260713+nightly
codegen_flags: <defaults>
</compile_context>

<pallas_src>
import functools

import jax
import jax.numpy as jnp
from jax import lax
from jax.experimental import pallas as pl
from jax.experimental.pallas import tpu as pltpu
from jax.experimental.pallas import tpu_sc as plsc

_NC = 2
_NS = 16
_NW = _NC * _NS


def _sc_gather(table, idx, n_rows):
    per_w = n_rows // _NW
    ch = 40
    n_ch = per_w // ch
    assert per_w % ch == 0 and ch % 8 == 0

    mesh = plsc.VectorSubcoreMesh(core_axis_name="c", subcore_axis_name="s")

    @functools.partial(
        pl.kernel,
        mesh=mesh,
        out_type=jax.ShapeDtypeStruct((n_rows, 8, 128), jnp.float32),
        scratch_types=[
            pltpu.VMEM((per_w,), jnp.int32),
            pltpu.VMEM((ch, 8, 128), jnp.float32),
            pltpu.VMEM((ch, 8, 128), jnp.float32),
            pltpu.VMEM((ch, 8, 128), jnp.float32),
            pltpu.SemaphoreType.DMA,
            pltpu.SemaphoreType.DMA,
            pltpu.SemaphoreType.DMA,
            pltpu.SemaphoreType.DMA,
            pltpu.SemaphoreType.DMA,
            pltpu.SemaphoreType.DMA,
        ],
    )
    def gather_kernel(table_hbm, idx_hbm, out_hbm, idx_all, buf0, buf1, buf2,
                      gsem0, gsem1, gsem2, wsem0, wsem1, wsem2):
        wid = lax.axis_index("s") * _NC + lax.axis_index("c")
        base = wid * per_w
        buf_b = [buf0, buf1, buf2]
        gsem_b = [gsem0, gsem1, gsem2]
        wsem_b = [wsem0, wsem1, wsem2]

        pltpu.sync_copy(idx_hbm.at[pl.ds(base, per_w)], idx_all)

        for c in range(min(3, n_ch)):
            pltpu.async_copy(table_hbm.at[idx_all.at[pl.ds(c * ch, ch)]],
                             buf_b[c % 3], gsem_b[c % 3])
        for c in range(n_ch):
            p = c % 3
            pltpu.make_async_copy(
                table_hbm.at[idx_all.at[pl.ds(c * ch, ch)]],
                buf_b[p], gsem_b[p]).wait()
            pltpu.async_copy(buf_b[p], out_hbm.at[pl.ds(base + c * ch, ch)],
                             wsem_b[p])
            if c + 3 < n_ch:
                pltpu.make_async_copy(buf_b[p], out_hbm.at[pl.ds(0, ch)],
                                      wsem_b[p]).wait()
                pltpu.async_copy(
                    table_hbm.at[idx_all.at[pl.ds((c + 3) * ch, ch)]],
                    buf_b[p], gsem_b[p])
        for p in range(min(3, n_ch)):
            pltpu.make_async_copy(buf_b[p], out_hbm.at[pl.ds(0, ch)],
                                  wsem_b[p]).wait()

    return gather_kernel(table, idx)


def _tc_scan(g, s_in, fin, batch, length, s):
    d = s * s
    o = fin.shape[1]

    def scan_kernel(sin_ref, fin_ref, g_ref, r_ref, sfin_ref, s_ref):
        l = pl.program_id(0)

        @pl.when(l == 0)
        def _():
            s_ref[...] = sin_ref[...]

        st = s_ref[...]
        gl = jnp.reshape(g_ref[...], (batch, d))

        row = lax.broadcasted_iota(jnp.int32, (2 * s, d), 0) % s
        colk = lax.broadcasted_iota(jnp.int32, (2 * s, d), 1) // s
        e2 = jnp.where(row == colk, 1.0, 0.0).astype(jnp.float32)
        st_hi = st.astype(jnp.bfloat16).astype(jnp.float32)
        st_lo = st - st_hi
        st2 = jnp.concatenate([st_hi, st_lo], axis=1)
        se = jax.lax.dot_general(
            st2, e2, (((1,), (0,)), ((), ())),
            preferred_element_type=jnp.float32)

        w = gl * se

        w128 = w[:, 0:128]
        for c in range(1, d // 128):
            w128 = w128 + w[:, c * 128:(c + 1) * 128]
        s_new = w128[:, 0:s]
        for q in range(1, 128 // s):
            s_new = s_new + w128[:, q * s:(q + 1) * s]

        s_ref[...] = s_new
        r_ref[0] = jax.lax.dot_general(
            s_new, fin_ref[...], (((1,), (0,)), ((), ())),
            precision=lax.Precision.HIGHEST,
            preferred_element_type=jnp.float32)

        @pl.when(l == length - 1)
        def _():
            sfin_ref[...] = s_new

    return pl.pallas_call(
        scan_kernel,
        grid=(length,),
        in_specs=[
            pl.BlockSpec((batch, s), lambda l: (0, 0)),
            pl.BlockSpec((s, o), lambda l: (0, 0)),
            pl.BlockSpec((batch // 8, 8, 8, 128), lambda l: (l, 0, 0, 0)),
        ],
        out_specs=[
            pl.BlockSpec((1, batch, o), lambda l: (l, 0, 0)),
            pl.BlockSpec((batch, s), lambda l: (0, 0)),
        ],
        out_shape=[
            jax.ShapeDtypeStruct((length, batch, o), jnp.float32),
            jax.ShapeDtypeStruct((batch, s), jnp.float32),
        ],
        scratch_shapes=[pltpu.VMEM((batch, s), jnp.float32)],
        compiler_params=pltpu.CompilerParams(
            dimension_semantics=("arbitrary",)),
    )(s_in, fin, g)


def kernel(action_seq, trans_prob, fin_matrix):
    batch, length = action_seq.shape
    a, s, _ = trans_prob.shape
    d = s * s
    n = length * batch

    table3 = jnp.reshape(trans_prob, (a, 8, d // 8))
    idx = jnp.reshape(jnp.transpose(action_seq, (1, 0)),
                      (n,)).astype(jnp.int32)

    lcs = [5, 10, 10, 10, 10, 5] if length == 50 else [length]

    starts = [sum(lcs[:c]) for c in range(len(lcs))]
    gs = [_sc_gather(table3,
                     lax.slice(idx, (st0 * batch,), ((st0 + lc) * batch,)),
                     lc * batch)
          for st0, lc in zip(starts, lcs)]

    st = jnp.zeros((batch, s), jnp.float32).at[:, 0].set(1.0)
    parts = []
    for g_c, lc in zip(gs, lcs):
        g4 = jnp.reshape(g_c, (lc * batch // 8, 8, 8, d // 8))
        rewards_c, st = _tc_scan(g4, st, fin_matrix, batch, lc, s)
        parts.append(rewards_c)

    rewards = jnp.transpose(jnp.concatenate(parts, axis=0), (1, 0, 2))
    return rewards, st

# --- scband reference (transcript-rebuilt; emitter-appended) ---
"""Pipeline reference for scband-deep-dfa-64244120813700 (READ-ONLY COPY).

The authoritative reference and input builder live on the scoring server;
editing this copy changes nothing except your own understanding.
"""

import jax, jax.numpy as jnp
import numpy as np


def setup_inputs(seed: int = 0) -> dict:
    key = jax.random.key(seed)
    k1, k2, k3 = jax.random.split(key, 3)
    numb_of_actions = 100000
    numb_of_states = 32
    numb_of_output = 2
    action_seq = jax.random.randint(k1, (1024, 50), 0, numb_of_actions, dtype=jnp.int64 if jax.config.read('jax_enable_x64') else jnp.int32)
    trans_prob = 0.1 * jax.random.normal(k2, (numb_of_actions, numb_of_states, numb_of_states), dtype=jnp.float32)
    fin_matrix = 0.1 * jax.random.normal(k3, (numb_of_states, numb_of_output), dtype=jnp.float32)
    return {"action_seq": action_seq, "trans_prob": trans_prob, "fin_matrix": fin_matrix}


def reference(action_seq, trans_prob, fin_matrix):
    batch_size, length_seq = action_seq.shape
    numb_of_states = trans_prob.shape[1]
    s0 = jnp.zeros((batch_size, numb_of_states), dtype=jnp.float32).at[:, 0].set(1.0)

    def step(s, a):
        # embedding-style gather of per-action transition matrices: [B, S, S]
        selected_prob = jnp.take(trans_prob, a, axis=0)
        next_state = jnp.matmul(s[:, None, :], selected_prob)  # [B, 1, S]
        next_output = jnp.matmul(next_state, fin_matrix)       # [B, 1, O]
        next_state = jnp.squeeze(next_state, axis=1)
        next_output = jnp.squeeze(next_output, axis=1)
        return next_state, next_output

    s_final, rewards_t = jax.lax.scan(step, s0, jnp.transpose(action_seq, (1, 0)))
    rewards = jnp.transpose(rewards_t, (1, 0, 2))  # [B, L, O]
    return rewards, s_final

if __name__ == "__main__":
    import jax
    _d = setup_inputs()
    print(jax.jit(kernel)(*tuple(_d.values())))

</pallas_src>

<mosaic_0001>
#map = affine_map<(d0, d1) -> (0, 0, 0)>
#map1 = affine_map<(d0, d1) -> (0)>
module attributes {stable_mosaic.version = 14 : i64} {
  func.func @gather_kernel(%arg0: i32, %arg1: i32, %arg2: memref<100000x8x128xf32, #tpu.memory_space<hbm>>, %arg3: memref<5120xi32, #tpu.memory_space<hbm>>, %arg4: memref<5120x8x128xf32, #tpu.memory_space<hbm>>, %arg5: memref<160xi32, #tpu.memory_space<vmem>>, %arg6: memref<40x8x128xf32, #tpu.memory_space<vmem>>, %arg7: memref<40x8x128xf32, #tpu.memory_space<vmem>>, %arg8: memref<40x8x128xf32, #tpu.memory_space<vmem>>, %arg9: memref<!tpu.dma_semaphore, #tpu.memory_space<semaphore_mem>>, %arg10: memref<!tpu.dma_semaphore, #tpu.memory_space<semaphore_mem>>, %arg11: memref<!tpu.dma_semaphore, #tpu.memory_space<semaphore_mem>>, %arg12: memref<!tpu.dma_semaphore, #tpu.memory_space<semaphore_mem>>, %arg13: memref<!tpu.dma_semaphore, #tpu.memory_space<semaphore_mem>>, %arg14: memref<!tpu.dma_semaphore, #tpu.memory_space<semaphore_mem>>) attributes {dimension_semantics = [#tpu.dimension_semantics<core_parallel>, #tpu.dimension_semantics<subcore_parallel>], iteration_bounds = array<i64: 2, 16>, scalar_prefetch = 0 : i64, scratch_operands = 10 : i64, tpu.core_type = #tpu.core_type<sc_vector_subcore>, window_params = [{transform_indices = #map}, {transform_indices = #map1}, {transform_indices = #map}]} {
    %mul3A = arith.constant 2 : i32
    %mul3A_0 = arith.muli %arg1, %mul3A : i32
    %add3A = arith.addi %mul3A_0, %arg0 : i32
    %mul3A_1 = arith.constant 160 : i32
    %mul3A_2 = arith.muli %add3A, %mul3A_1 : i32
    "tpu.region"() ({
      %run_scoped3A = tpu.sem_alloc : memref<!tpu.dma_semaphore, #tpu.memory_space<semaphore_mem>>
      %dma_start3A_113 = tpu.memref_slice %arg3[%mul3A_2] : memref<5120xi32, #tpu.memory_space<hbm>> -> memref<160xi32, #tpu.memory_space<hbm>>
      %dma_start3A_114 = tpu.memref_slice %arg3[%mul3A_2] : memref<5120xi32, #tpu.memory_space<hbm>> -> memref<160xi32, #tpu.memory_space<hbm>>
      tpu.enqueue_dma source(%dma_start3A_114 : memref<160xi32, #tpu.memory_space<hbm>>) target(%arg5 : memref<160xi32, #tpu.memory_space<vmem>>) target_semaphore(%run_scoped3A : memref<!tpu.dma_semaphore, #tpu.memory_space<semaphore_mem>>)
      %dma_wait3A_115 = tpu.memref_slice %arg3[%mul3A_2] : memref<5120xi32, #tpu.memory_space<hbm>> -> memref<160xi32, #tpu.memory_space<hbm>>
      %dma_wait3A_116 = tpu.memref_slice %arg3[%mul3A_2] : memref<5120xi32, #tpu.memory_space<hbm>> -> memref<160xi32, #tpu.memory_space<hbm>>
      tpu.wait_dma2 semaphore(%run_scoped3A : memref<!tpu.dma_semaphore, #tpu.memory_space<semaphore_mem>>) src(%dma_wait3A_116 : memref<160xi32, #tpu.memory_space<hbm>>) dst(%arg5 : memref<160xi32, #tpu.memory_space<vmem>>)
      tpu.yield
    }) : () -> ()
    %dma_start3A = arith.constant 0 : i32
    %dma_start3A_3 = tpu.memref_slice %arg5[%dma_start3A] : memref<160xi32, #tpu.memory_space<vmem>> -> memref<40xi32, #tpu.memory_space<vmem>>
    %dma_start3A_4 = arith.constant 0 : i32
    %dma_start3A_5 = arith.constant 0 : i32
    %dma_start3A_6 = arith.constant 0 : i32
    %dma_start3A_7 = tpu.memref_slice %arg2[%dma_start3A_4, %dma_start3A_5, %dma_start3A_6] : memref<100000x8x128xf32, #tpu.memory_space<hbm>> -> memref<100000x8x128xf32, #tpu.memory_space<hbm>>
    tpu.enqueue_indirect_dma source(%dma_start3A_7 : memref<100000x8x128xf32, #tpu.memory_space<hbm>>) target(%arg6 : memref<40x8x128xf32, #tpu.memory_space<vmem>>) offsets(%dma_start3A_3 : memref<40xi32, #tpu.memory_space<vmem>>) semaphore(%arg9 : memref<!tpu.dma_semaphore, #tpu.memory_space<semaphore_mem>>)
    %dma_start3A_8 = arith.constant 40 : i32
    %dma_start3A_9 = tpu.memref_slice %arg5[%dma_start3A_8] : memref<160xi32, #tpu.memory_space<vmem>> -> memref<40xi32, #tpu.memory_space<vmem>>
    %dma_start3A_10 = arith.constant 0 : i32
    %dma_start3A_11 = arith.constant 0 : i32
    %dma_start3A_12 = arith.constant 0 : i32
    %dma_start3A_13 = tpu.memref_slice %arg2[%dma_start3A_10, %dma_start3A_11, %dma_start3A_12] : memref<100000x8x128xf32, #tpu.memory_space<hbm>> -> memref<100000x8x128xf32, #tpu.memory_space<hbm>>
    tpu.enqueue_indirect_dma source(%dma_start3A_13 : memref<100000x8x128xf32, #tpu.memory_space<hbm>>) target(%arg7 : memref<40x8x128xf32, #tpu.memory_space<vmem>>) offsets(%dma_start3A_9 : memref<40xi32, #tpu.memory_space<vmem>>) semaphore(%arg10 : memref<!tpu.dma_semaphore, #tpu.memory_space<semaphore_mem>>)
    %dma_start3A_14 = arith.constant 80 : i32
    %dma_start3A_15 = tpu.memref_slice %arg5[%dma_start3A_14] : memref<160xi32, #tpu.memory_space<vmem>> -> memref<40xi32, #tpu.memory_space<vmem>>
    %dma_start3A_16 = arith.constant 0 : i32
    %dma_start3A_17 = arith.constant 0 : i32
    %dma_start3A_18 = arith.constant 0 : i32
    %dma_start3A_19 = tpu.memref_slice %arg2[%dma_start3A_16, %dma_start3A_17, %dma_start3A_18] : memref<100000x8x128xf32, #tpu.memory_space<hbm>> -> memref<100000x8x128xf32, #tpu.memory_space<hbm>>
    tpu.enqueue_indirect_dma source(%dma_start3A_19 : memref<100000x8x128xf32, #tpu.memory_space<hbm>>) target(%arg8 : memref<40x8x128xf32, #tpu.memory_space<vmem>>) offsets(%dma_start3A_15 : memref<40xi32, #tpu.memory_space<vmem>>) semaphore(%arg11 : memref<!tpu.dma_semaphore, #tpu.memory_space<semaphore_mem>>)
    %dma_wait3A = arith.constant 0 : i32
    %dma_wait3A_20 = tpu.memref_slice %arg5[%dma_wait3A] : memref<160xi32, #tpu.memory_space<vmem>> -> memref<40xi32, #tpu.memory_space<vmem>>
    %dma_wait3A_21 = arith.constant 0 : i32
    %dma_wait3A_22 = arith.constant 0 : i32
    %dma_wait3A_23 = arith.constant 0 : i32
    %dma_wait3A_24 = tpu.memref_slice %arg2[%dma_wait3A_21, %dma_wait3A_22, %dma_wait3A_23] : memref<100000x8x128xf32, #tpu.memory_space<hbm>> -> memref<100000x8x128xf32, #tpu.memory_space<hbm>>
    tpu.wait_indirect_dma semaphore(%arg9 : memref<!tpu.dma_semaphore, #tpu.memory_space<semaphore_mem>>) src(%dma_wait3A_24 : memref<100000x8x128xf32, #tpu.memory_space<hbm>>) dst(%arg6 : memref<40x8x128xf32, #tpu.memory_space<vmem>>)
    %add3A_25 = arith.constant 0 : i32
    %add3A_26 = arith.addi %mul3A_2, %add3A_25 : i32
    %dma_start3A_27 = arith.constant 0 : i32
    %dma_start3A_28 = arith.constant 0 : i32
    %dma_start3A_29 = tpu.memref_slice %arg4[%add3A_26, %dma_start3A_27, %dma_start3A_28] : memref<5120x8x128xf32, #tpu.memory_space<hbm>> -> memref<40x8x128xf32, #tpu.memory_space<hbm>>
    %dma_start3A_30 = arith.constant 0 : i32
    %dma_start3A_31 = arith.constant 0 : i32
    %dma_start3A_32 = tpu.memref_slice %arg4[%add3A_26, %dma_start3A_30, %dma_start3A_31] : memref<5120x8x128xf32, #tpu.memory_space<hbm>> -> memref<40x8x128xf32, #tpu.memory_space<hbm>>
    tpu.enqueue_dma source(%arg6 : memref<40x8x128xf32, #tpu.memory_space<vmem>>) target(%dma_start3A_32 : memref<40x8x128xf32, #tpu.memory_space<hbm>>) target_semaphore(%arg12 : memref<!tpu.dma_semaphore, #tpu.memory_space<semaphore_mem>>)
    %dma_wait3A_33 = arith.constant 0 : i32
    %dma_wait3A_34 = arith.constant 0 : i32
    %dma_wait3A_35 = arith.constant 0 : i32
    %dma_wait3A_36 = tpu.memref_slice %arg4[%dma_wait3A_33, %dma_wait3A_34, %dma_wait3A_35] : memref<5120x8x128xf32, #tpu.memory_space<hbm>> -> memref<40x8x128xf32, #tpu.memory_space<hbm>>
    %dma_wait3A_37 = arith.constant 0 : i32
    %dma_wait3A_38 = arith.constant 0 : i32
    %dma_wait3A_39 = arith.constant 0 : i32
    %dma_wait3A_40 = tpu.memref_slice %arg4[%dma_wait3A_37, %dma_wait3A_38, %dma_wait3A_39] : memref<5120x8x128xf32, #tpu.memory_space<hbm>> -> memref<40x8x128xf32, #tpu.memory_space<hbm>>
    tpu.wait_dma2 semaphore(%arg12 : memref<!tpu.dma_semaphore, #tpu.memory_space<semaphore_mem>>) src(%arg6 : memref<40x8x128xf32, #tpu.memory_space<vmem>>) dst(%dma_wait3A_40 : memref<40x8x128xf32, #tpu.memory_space<hbm>>)
    %dma_start3A_41 = arith.constant 120 : i32
    %dma_start3A_42 = tpu.memref_slice %arg5[%dma_start3A_41] : memref<160xi32, #tpu.memory_space<vmem>> -> memref<40xi32, #tpu.memory_space<vmem>>
    %dma_start3A_43 = arith.constant 0 : i32
    %dma_start3A_44 = arith.constant 0 : i32
    %dma_start3A_45 = arith.constant 0 : i32
    %dma_start3A_46 = tpu.memref_slice %arg2[%dma_start3A_43, %dma_start3A_44, %dma_start3A_45] : memref<100000x8x128xf32, #tpu.memory_space<hbm>> -> memref<100000x8x128xf32, #tpu.memory_space<hbm>>
    tpu.enqueue_indirect_dma source(%dma_start3A_46 : memref<100000x8x128xf32, #tpu.memory_space<hbm>>) target(%arg6 : memref<40x8x128xf32, #tpu.memory_space<vmem>>) offsets(%dma_start3A_42 : memref<40xi32, #tpu.memory_space<vmem>>) semaphore(%arg9 : memref<!tpu.dma_semaphore, #tpu.memory_space<semaphore_mem>>)
    %dma_wait3A_47 = arith.constant 40 : i32
    %dma_wait3A_48 = tpu.memref_slice %arg5[%dma_wait3A_47] : memref<160xi32, #tpu.memory_space<vmem>> -> memref<40xi32, #tpu.memory_space<vmem>>
    %dma_wait3A_49 = arith.constant 0 : i32
    %dma_wait3A_50 = arith.constant 0 : i32
    %dma_wait3A_51 = arith.constant 0 : i32
    %dma_wait3A_52 = tpu.memref_slice %arg2[%dma_wait3A_49, %dma_wait3A_50, %dma_wait3A_51] : memref<100000x8x128xf32, #tpu.memory_space<hbm>> -> memref<100000x8x128xf32, #tpu.memory_space<hbm>>
    tpu.wait_indirect_dma semaphore(%arg10 : memref<!tpu.dma_semaphore, #tpu.memory_space<semaphore_mem>>) src(%dma_wait3A_52 : memref<100000x8x128xf32, #tpu.memory_space<hbm>>) dst(%arg7 : memref<40x8x128xf32, #tpu.memory_space<vmem>>)
    %add3A_53 = arith.constant 40 : i32
    %add3A_54 = arith.addi %mul3A_2, %add3A_53 : i32
    %dma_start3A_55 = arith.constant 0 : i32
    %dma_start3A_56 = arith.constant 0 : i32
    %dma_start3A_57 = tpu.memref_slice %arg4[%add3A_54, %dma_start3A_55, %dma_start3A_56] : memref<5120x8x128xf32, #tpu.memory_space<hbm>> -> memref<40x8x128xf32, #tpu.memory_space<hbm>>
    %dma_start3A_58 = arith.constant 0 : i32
    %dma_start3A_59 = arith.constant 0 : i32
    %dma_start3A_60 = tpu.memref_slice %arg4[%add3A_54, %dma_start3A_58, %dma_start3A_59] : memref<5120x8x128xf32, #tpu.memory_space<hbm>> -> memref<40x8x128xf32, #tpu.memory_space<hbm>>
    tpu.enqueue_dma source(%arg7 : memref<40x8x128xf32, #tpu.memory_space<vmem>>) target(%dma_start3A_60 : memref<40x8x128xf32, #tpu.memory_space<hbm>>) target_semaphore(%arg13 : memref<!tpu.dma_semaphore, #tpu.memory_space<semaphore_mem>>)
    %dma_wait3A_61 = arith.constant 80 : i32
    %dma_wait3A_62 = tpu.memref_slice %arg5[%dma_wait3A_61] : memref<160xi32, #tpu.memory_space<vmem>> -> memref<40xi32, #tpu.memory_space<vmem>>
    %dma_wait3A_63 = arith.constant 0 : i32
    %dma_wait3A_64 = arith.constant 0 : i32
    %dma_wait3A_65 = arith.constant 0 : i32
    %dma_wait3A_66 = tpu.memref_slice %arg2[%dma_wait3A_63, %dma_wait3A_64, %dma_wait3A_65] : memref<100000x8x128xf32, #tpu.memory_space<hbm>> -> memref<100000x8x128xf32, #tpu.memory_space<hbm>>
    tpu.wait_indirect_dma semaphore(%arg11 : memref<!tpu.dma_semaphore, #tpu.memory_space<semaphore_mem>>) src(%dma_wait3A_66 : memref<100000x8x128xf32, #tpu.memory_space<hbm>>) dst(%arg8 : memref<40x8x128xf32, #tpu.memory_space<vmem>>)
    %add3A_67 = arith.constant 80 : i32
    %add3A_68 = arith.addi %mul3A_2, %add3A_67 : i32
    %dma_start3A_69 = arith.constant 0 : i32
    %dma_start3A_70 = arith.constant 0 : i32
    %dma_start3A_71 = tpu.memref_slice %arg4[%add3A_68, %dma_start3A_69, %dma_start3A_70] : memref<5120x8x128xf32, #tpu.memory_space<hbm>> -> memref<40x8x128xf32, #tpu.memory_space<hbm>>
    %dma_start3A_72 = arith.constant 0 : i32
    %dma_start3A_73 = arith.constant 0 : i32
    %dma_start3A_74 = tpu.memref_slice %arg4[%add3A_68, %dma_start3A_72, %dma_start3A_73] : memref<5120x8x128xf32, #tpu.memory_space<hbm>> -> memref<40x8x128xf32, #tpu.memory_space<hbm>>
    tpu.enqueue_dma source(%arg8 : memref<40x8x128xf32, #tpu.memory_space<vmem>>) target(%dma_start3A_74 : memref<40x8x128xf32, #tpu.memory_space<hbm>>) target_semaphore(%arg14 : memref<!tpu.dma_semaphore, #tpu.memory_space<semaphore_mem>>)
    %dma_wait3A_75 = arith.constant 120 : i32
    %dma_wait3A_76 = tpu.memref_slice %arg5[%dma_wait3A_75] : memref<160xi32, #tpu.memory_space<vmem>> -> memref<40xi32, #tpu.memory_space<vmem>>
    %dma_wait3A_77 = arith.constant 0 : i32
    %dma_wait3A_78 = arith.constant 0 : i32
    %dma_wait3A_79 = arith.constant 0 : i32
    %dma_wait3A_80 = tpu.memref_slice %arg2[%dma_wait3A_77, %dma_wait3A_78, %dma_wait3A_79] : memref<100000x8x128xf32, #tpu.memory_space<hbm>> -> memref<100000x8x128xf32, #tpu.memory_space<hbm>>
    tpu.wait_indirect_dma semaphore(%arg9 : memref<!tpu.dma_semaphore, #tpu.memory_space<semaphore_mem>>) src(%dma_wait3A_80 : memref<100000x8x128xf32, #tpu.memory_space<hbm>>) dst(%arg6 : memref<40x8x128xf32, #tpu.memory_space<vmem>>)
    %add3A_81 = arith.constant 120 : i32
    %add3A_82 = arith.addi %mul3A_2, %add3A_81 : i32
    %dma_start3A_83 = arith.constant 0 : i32
    %dma_start3A_84 = arith.constant 0 : i32
    %dma_start3A_85 = tpu.memref_slice %arg4[%add3A_82, %dma_start3A_83, %dma_start3A_84] : memref<5120x8x128xf32, #tpu.memory_space<hbm>> -> memref<40x8x128xf32, #tpu.memory_space<hbm>>
    %dma_start3A_86 = arith.constant 0 : i32
    %dma_start3A_87 = arith.constant 0 : i32
    %dma_start3A_88 = tpu.memref_slice %arg4[%add3A_82, %dma_start3A_86, %dma_start3A_87] : memref<5120x8x128xf32, #tpu.memory_space<hbm>> -> memref<40x8x128xf32, #tpu.memory_space<hbm>>
    tpu.enqueue_dma source(%arg6 : memref<40x8x128xf32, #tpu.memory_space<vmem>>) target(%dma_start3A_88 : memref<40x8x128xf32, #tpu.memory_space<hbm>>) target_semaphore(%arg12 : memref<!tpu.dma_semaphore, #tpu.memory_space<semaphore_mem>>)
    %dma_wait3A_89 = arith.constant 0 : i32
    %dma_wait3A_90 = arith.constant 0 : i32
    %dma_wait3A_91 = arith.constant 0 : i32
    %dma_wait3A_92 = tpu.memref_slice %arg4[%dma_wait3A_89, %dma_wait3A_90, %dma_wait3A_91] : memref<5120x8x128xf32, #tpu.memory_space<hbm>> -> memref<40x8x128xf32, #tpu.memory_space<hbm>>
    %dma_wait3A_93 = arith.constant 0 : i32
    %dma_wait3A_94 = arith.constant 0 : i32
    %dma_wait3A_95 = arith.constant 0 : i32
    %dma_wait3A_96 = tpu.memref_slice %arg4[%dma_wait3A_93, %dma_wait3A_94, %dma_wait3A_95] : memref<5120x8x128xf32, #tpu.memory_space<hbm>> -> memref<40x8x128xf32, #tpu.memory_space<hbm>>
    tpu.wait_dma2 semaphore(%arg12 : memref<!tpu.dma_semaphore, #tpu.memory_space<semaphore_mem>>) src(%arg6 : memref<40x8x128xf32, #tpu.memory_space<vmem>>) dst(%dma_wait3A_96 : memref<40x8x128xf32, #tpu.memory_space<hbm>>)
    %dma_wait3A_97 = arith.constant 0 : i32
    %dma_wait3A_98 = arith.constant 0 : i32
    %dma_wait3A_99 = arith.constant 0 : i32
    %dma_wait3A_100 = tpu.memref_slice %arg4[%dma_wait3A_97, %dma_wait3A_98, %dma_wait3A_99] : memref<5120x8x128xf32, #tpu.memory_space<hbm>> -> memref<40x8x128xf32, #tpu.memory_space<hbm>>
    %dma_wait3A_101 = arith.constant 0 : i32
    %dma_wait3A_102 = arith.constant 0 : i32
    %dma_wait3A_103 = arith.constant 0 : i32
    %dma_wait3A_104 = tpu.memref_slice %arg4[%dma_wait3A_101, %dma_wait3A_102, %dma_wait3A_103] : memref<5120x8x128xf32, #tpu.memory_space<hbm>> -> memref<40x8x128xf32, #tpu.memory_space<hbm>>
    tpu.wait_dma2 semaphore(%arg13 : memref<!tpu.dma_semaphore, #tpu.memory_space<semaphore_mem>>) src(%arg7 : memref<40x8x128xf32, #tpu.memory_space<vmem>>) dst(%dma_wait3A_104 : memref<40x8x128xf32, #tpu.memory_space<hbm>>)
    %dma_wait3A_105 = arith.constant 0 : i32
    %dma_wait3A_106 = arith.constant 0 : i32
    %dma_wait3A_107 = arith.constant 0 : i32
    %dma_wait3A_108 = tpu.memref_slice %arg4[%dma_wait3A_105, %dma_wait3A_106, %dma_wait3A_107] : memref<5120x8x128xf32, #tpu.memory_space<hbm>> -> memref<40x8x128xf32, #tpu.memory_space<hbm>>
    %dma_wait3A_109 = arith.constant 0 : i32
    %dma_wait3A_110 = arith.constant 0 : i32
    %dma_wait3A_111 = arith.constant 0 : i32
    %dma_wait3A_112 = tpu.memref_slice %arg4[%dma_wait3A_109, %dma_wait3A_110, %dma_wait3A_111] : memref<5120x8x128xf32, #tpu.memory_space<hbm>> -> memref<40x8x128xf32, #tpu.memory_space<hbm>>
    tpu.wait_dma2 semaphore(%arg14 : memref<!tpu.dma_semaphore, #tpu.memory_space<semaphore_mem>>) src(%arg8 : memref<40x8x128xf32, #tpu.memory_space<vmem>>) dst(%dma_wait3A_112 : memref<40x8x128xf32, #tpu.memory_space<hbm>>)
    return
  }
}

#map = affine_map<(d0, d1) -> (0, 0, 0)>
#map1 = affine_map<(d0, d1) -> (0)>
module attributes {stable_mosaic.version = 14 : i64} {
  func.func @gather_kernel(%arg0: i32, %arg1: i32, %arg2: memref<100000x8x128xf32, #tpu.memory_space<hbm>>, %arg3: memref<10240xi32, #tpu.memory_space<hbm>>, %arg4: memref<10240x8x128xf32, #tpu.memory_space<hbm>>, %arg5: memref<320xi32, #tpu.memory_space<vmem>>, %arg6: memref<40x8x128xf32, #tpu.memory_space<vmem>>, %arg7: memref<40x8x128xf32, #tpu.memory_space<vmem>>, %arg8: memref<40x8x128xf32, #tpu.memory_space<vmem>>, %arg9: memref<!tpu.dma_semaphore, #tpu.memory_space<semaphore_mem>>, %arg10: memref<!tpu.dma_semaphore, #tpu.memory_space<semaphore_mem>>, %arg11: memref<!tpu.dma_semaphore, #tpu.memory_space<semaphore_mem>>, %arg12: memref<!tpu.dma_semaphore, #tpu.memory_space<semaphore_mem>>, %arg13: memref<!tpu.dma_semaphore, #tpu.memory_space<semaphore_mem>>, %arg14: memref<!tpu.dma_semaphore, #tpu.memory_space<semaphore_mem>>) attributes {dimension_semantics = [#tpu.dimension_semantics<core_parallel>, #tpu.dimension_semantics<subcore_parallel>], iteration_bounds = array<i64: 2, 16>, scalar_prefetch = 0 : i64, scratch_operands = 10 : i64, tpu.core_type = #tpu.core_type<sc_vector_subcore>, window_params = [{transform_indices = #map}, {transform_indices = #map1}, {transform_indices = #map}]} {
    %mul3A = arith.constant 2 : i32
    %mul3A_0 = arith.muli %arg1, %mul3A : i32
    %add3A = arith.addi %mul3A_0, %arg0 : i32
    %mul3A_1 = arith.constant 320 : i32
    %mul3A_2 = arith.muli %add3A, %mul3A_1 : i32
    "tpu.region"() ({
      %run_scoped3A = tpu.sem_alloc : memref<!tpu.dma_semaphore, #tpu.memory_space<semaphore_mem>>
      %dma_start3A_225 = tpu.memref_slice %arg3[%mul3A_2] : memref<10240xi32, #tpu.memory_space<hbm>> -> memref<320xi32, #tpu.memory_space<hbm>>
      %dma_start3A_226 = tpu.memref_slice %arg3[%mul3A_2] : memref<10240xi32, #tpu.memory_space<hbm>> -> memref<320xi32, #tpu.memory_space<hbm>>
      tpu.enqueue_dma source(%dma_start3A_226 : memref<320xi32, #tpu.memory_space<hbm>>) target(%arg5 : memref<320xi32, #tpu.memory_space<vmem>>) target_semaphore(%run_scoped3A : memref<!tpu.dma_semaphore, #tpu.memory_space<semaphore_mem>>)
      %dma_wait3A_227 = tpu.memref_slice %arg3[%mul3A_2] : memref<10240xi32, #tpu.memory_space<hbm>> -> memref<320xi32, #tpu.memory_space<hbm>>
      %dma_wait3A_228 = tpu.memref_slice %arg3[%mul3A_2] : memref<10240xi32, #tpu.memory_space<hbm>> -> memref<320xi32, #tpu.memory_space<hbm>>
      tpu.wait_dma2 semaphore(%run_scoped3A : memref<!tpu.dma_semaphore, #tpu.memory_space<semaphore_mem>>) src(%dma_wait3A_228 : memref<320xi32, #tpu.memory_space<hbm>>) dst(%arg5 : memref<320xi32, #tpu.memory_space<vmem>>)
      tpu.yield
    }) : () -> ()
    %dma_start3A = arith.constant 0 : i32
    %dma_start3A_3 = tpu.memref_slice %arg5[%dma_start3A] : memref<320xi32, #tpu.memory_space<vmem>> -> memref<40xi32, #tpu.memory_space<vmem>>
    %dma_start3A_4 = arith.constant 0 : i32
    %dma_start3A_5 = arith.constant 0 : i32
    %dma_start3A_6 = arith.constant 0 : i32
    %dma_start3A_7 = tpu.memref_slice %arg2[%dma_start3A_4, %dma_start3A_5, %dma_start3A_6] : memref<100000x8x128xf32, #tpu.memory_space<hbm>> -> memref<100000x8x128xf32, #tpu.memory_space<hbm>>
    tpu.enqueue_indirect_dma source(%dma_start3A_7 : memref<100000x8x128xf32, #tpu.memory_space<hbm>>) target(%arg6 : memref<40x8x128xf32, #tpu.memory_space<vmem>>) offsets(%dma_start3A_3 : memref<40xi32, #tpu.memory_space<vmem>>) semaphore(%arg9 : memref<!tpu.dma_semaphore, #tpu.memory_space<semaphore_mem>>)
    %dma_start3A_8 = arith.constant 40 : i32
    %dma_start3A_9 = tpu.memref_slice %arg5[%dma_start3A_8] : memref<320xi32, #tpu.memory_space<vmem>> -> memref<40xi32, #tpu.memory_space<vmem>>
    %dma_start3A_10 = arith.constant 0 : i32
    %dma_start3A_11 = arith.constant 0 : i32
    %dma_start3A_12 = arith.constant 0 : i32
    %dma_start3A_13 = tpu.memref_slice %arg2[%dma_start3A_10, %dma_start3A_11, %dma_start3A_12] : memref<100000x8x128xf32, #tpu.memory_space<hbm>> -> memref<100000x8x128xf32, #tpu.memory_space<hbm>>
    tpu.enqueue_indirect_dma source(%dma_start3A_13 : memref<100000x8x128xf32, #tpu.memory_space<hbm>>) target(%arg7 : memref<40x8x128xf32, #tpu.memory_space<vmem>>) offsets(%dma_start3A_9 : memref<40xi32, #tpu.memory_space<vmem>>) semaphore(%arg10 : memref<!tpu.dma_semaphore, #tpu.memory_space<semaphore_mem>>)
    %dma_start3A_14 = arith.constant 80 : i32
    %dma_start3A_15 = tpu.memref_slice %arg5[%dma_start3A_14] : memref<320xi32, #tpu.memory_space<vmem>> -> memref<40xi32, #tpu.memory_space<vmem>>
    %dma_start3A_16 = arith.constant 0 : i32
    %dma_start3A_17 = arith.constant 0 : i32
    %dma_start3A_18 = arith.constant 0 : i32
    %dma_start3A_19 = tpu.memref_slice %arg2[%dma_start3A_16, %dma_start3A_17, %dma_start3A_18] : memref<100000x8x128xf32, #tpu.memory_space<hbm>> -> memref<100000x8x128xf32, #tpu.memory_space<hbm>>
    tpu.enqueue_indirect_dma source(%dma_start3A_19 : memref<100000x8x128xf32, #tpu.memory_space<hbm>>) target(%arg8 : memref<40x8x128xf32, #tpu.memory_space<vmem>>) offsets(%dma_start3A_15 : memref<40xi32, #tpu.memory_space<vmem>>) semaphore(%arg11 : memref<!tpu.dma_semaphore, #tpu.memory_space<semaphore_mem>>)
    %dma_wait3A = arith.constant 0 : i32
    %dma_wait3A_20 = tpu.memref_slice %arg5[%dma_wait3A] : memref<320xi32, #tpu.memory_space<vmem>> -> memref<40xi32, #tpu.memory_space<vmem>>
    %dma_wait3A_21 = arith.constant 0 : i32
    %dma_wait3A_22 = arith.constant 0 : i32
    %dma_wait3A_23 = arith.constant 0 : i32
    %dma_wait3A_24 = tpu.memref_slice %arg2[%dma_wait3A_21, %dma_wait3A_22, %dma_wait3A_23] : memref<100000x8x128xf32, #tpu.memory_space<hbm>> -> memref<100000x8x128xf32, #tpu.memory_space<hbm>>
    tpu.wait_indirect_dma semaphore(%arg9 : memref<!tpu.dma_semaphore, #tpu.memory_space<semaphore_mem>>) src(%dma_wait3A_24 : memref<100000x8x128xf32, #tpu.memory_space<hbm>>) dst(%arg6 : memref<40x8x128xf32, #tpu.memory_space<vmem>>)
    %add3A_25 = arith.constant 0 : i32
    %add3A_26 = arith.addi %mul3A_2, %add3A_25 : i32
    %dma_start3A_27 = arith.constant 0 : i32
    %dma_start3A_28 = arith.constant 0 : i32
    %dma_start3A_29 = tpu.memref_slice %arg4[%add3A_26, %dma_start3A_27, %dma_start3A_28] : memref<10240x8x128xf32, #tpu.memory_space<hbm>> -> memref<40x8x128xf32, #tpu.memory_space<hbm>>
    %dma_start3A_30 = arith.constant 0 : i32
    %dma_start3A_31 = arith.constant 0 : i32
    %dma_start3A_32 = tpu.memref_slice %arg4[%add3A_26, %dma_start3A_30, %dma_start3A_31] : memref<10240x8x128xf32, #tpu.memory_space<hbm>> -> memref<40x8x128xf32, #tpu.memory_space<hbm>>
    tpu.enqueue_dma source(%arg6 : memref<40x8x128xf32, #tpu.memory_space<vmem>>) target(%dma_start3A_32 : memref<40x8x128xf32, #tpu.memory_space<hbm>>) target_semaphore(%arg12 : memref<!tpu.dma_semaphore, #tpu.memory_space<semaphore_mem>>)
    %dma_wait3A_33 = arith.constant 0 : i32
    %dma_wait3A_34 = arith.constant 0 : i32
    %dma_wait3A_35 = arith.constant 0 : i32
    %dma_wait3A_36 = tpu.memref_slice %arg4[%dma_wait3A_33, %dma_wait3A_34, %dma_wait3A_35] : memref<10240x8x128xf32, #tpu.memory_space<hbm>> -> memref<40x8x128xf32, #tpu.memory_space<hbm>>
    %dma_wait3A_37 = arith.constant 0 : i32
    %dma_wait3A_38 = arith.constant 0 : i32
    %dma_wait3A_39 = arith.constant 0 : i32
    %dma_wait3A_40 = tpu.memref_slice %arg4[%dma_wait3A_37, %dma_wait3A_38, %dma_wait3A_39] : memref<10240x8x128xf32, #tpu.memory_space<hbm>> -> memref<40x8x128xf32, #tpu.memory_space<hbm>>
    tpu.wait_dma2 semaphore(%arg12 : memref<!tpu.dma_semaphore, #tpu.memory_space<semaphore_mem>>) src(%arg6 : memref<40x8x128xf32, #tpu.memory_space<vmem>>) dst(%dma_wait3A_40 : memref<40x8x128xf32, #tpu.memory_space<hbm>>)
    %dma_start3A_41 = arith.constant 120 : i32
    %dma_start3A_42 = tpu.memref_slice %arg5[%dma_start3A_41] : memref<320xi32, #tpu.memory_space<vmem>> -> memref<40xi32, #tpu.memory_space<vmem>>
    %dma_start3A_43 = arith.constant 0 : i32
    %dma_start3A_44 = arith.constant 0 : i32
    %dma_start3A_45 = arith.constant 0 : i32
    %dma_start3A_46 = tpu.memref_slice %arg2[%dma_start3A_43, %dma_start3A_44, %dma_start3A_45] : memref<100000x8x128xf32, #tpu.memory_space<hbm>> -> memref<100000x8x128xf32, #tpu.memory_space<hbm>>
    tpu.enqueue_indirect_dma source(%dma_start3A_46 : memref<100000x8x128xf32, #tpu.memory_space<hbm>>) target(%arg6 : memref<40x8x128xf32, #tpu.memory_space<vmem>>) offsets(%dma_start3A_42 : memref<40xi32, #tpu.memory_space<vmem>>) semaphore(%arg9 : memref<!tpu.dma_semaphore, #tpu.memory_space<semaphore_mem>>)
    %dma_wait3A_47 = arith.constant 40 : i32
    %dma_wait3A_48 = tpu.memref_slice %arg5[%dma_wait3A_47] : memref<320xi32, #tpu.memory_space<vmem>> -> memref<40xi32, #tpu.memory_space<vmem>>
    %dma_wait3A_49 = arith.constant 0 : i32
    %dma_wait3A_50 = arith.constant 0 : i32
    %dma_wait3A_51 = arith.constant 0 : i32
    %dma_wait3A_52 = tpu.memref_slice %arg2[%dma_wait3A_49, %dma_wait3A_50, %dma_wait3A_51] : memref<100000x8x128xf32, #tpu.memory_space<hbm>> -> memref<100000x8x128xf32, #tpu.memory_space<hbm>>
    tpu.wait_indirect_dma semaphore(%arg10 : memref<!tpu.dma_semaphore, #tpu.memory_space<semaphore_mem>>) src(%dma_wait3A_52 : memref<100000x8x128xf32, #tpu.memory_space<hbm>>) dst(%arg7 : memref<40x8x128xf32, #tpu.memory_space<vmem>>)
    %add3A_53 = arith.constant 40 : i32
    %add3A_54 = arith.addi %mul3A_2, %add3A_53 : i32
    %dma_start3A_55 = arith.constant 0 : i32
    %dma_start3A_56 = arith.constant 0 : i32
    %dma_start3A_57 = tpu.memref_slice %arg4[%add3A_54, %dma_start3A_55, %dma_start3A_56] : memref<10240x8x128xf32, #tpu.memory_space<hbm>> -> memref<40x8x128xf32, #tpu.memory_space<hbm>>
    %dma_start3A_58 = arith.constant 0 : i32
    %dma_start3A_59 = arith.constant 0 : i32
    %dma_start3A_60 = tpu.memref_slice %arg4[%add3A_54, %dma_start3A_58, %dma_start3A_59] : memref<10240x8x128xf32, #tpu.memory_space<hbm>> -> memref<40x8x128xf32, #tpu.memory_space<hbm>>
    tpu.enqueue_dma source(%arg7 : memref<40x8x128xf32, #tpu.memory_space<vmem>>) target(%dma_start3A_60 : memref<40x8x128xf32, #tpu.memory_space<hbm>>) target_semaphore(%arg13 : memref<!tpu.dma_semaphore, #tpu.memory_space<semaphore_mem>>)
    %dma_wait3A_61 = arith.constant 0 : i32
    %dma_wait3A_62 = arith.constant 0 : i32
    %dma_wait3A_63 = arith.constant 0 : i32
    %dma_wait3A_64 = tpu.memref_slice %arg4[%dma_wait3A_61, %dma_wait3A_62, %dma_wait3A_63] : memref<10240x8x128xf32, #tpu.memory_space<hbm>> -> memref<40x8x128xf32, #tpu.memory_space<hbm>>
    %dma_wait3A_65 = arith.constant 0 : i32
    %dma_wait3A_66 = arith.constant 0 : i32
    %dma_wait3A_67 = arith.constant 0 : i32
    %dma_wait3A_68 = tpu.memref_slice %arg4[%dma_wait3A_65, %dma_wait3A_66, %dma_wait3A_67] : memref<10240x8x128xf32, #tpu.memory_space<hbm>> -> memref<40x8x128xf32, #tpu.memory_space<hbm>>
    tpu.wait_dma2 semaphore(%arg13 : memref<!tpu.dma_semaphore, #tpu.memory_space<semaphore_mem>>) src(%arg7 : memref<40x8x128xf32, #tpu.memory_space<vmem>>) dst(%dma_wait3A_68 : memref<40x8x128xf32, #tpu.memory_space<hbm>>)
    %dma_start3A_69 = arith.constant 160 : i32
    %dma_start3A_70 = tpu.memref_slice %arg5[%dma_start3A_69] : memref<320xi32, #tpu.memory_space<vmem>> -> memref<40xi32, #tpu.memory_space<vmem>>
    %dma_start3A_71 = arith.constant 0 : i32
    %dma_start3A_72 = arith.constant 0 : i32
    %dma_start3A_73 = arith.constant 0 : i32
    %dma_start3A_74 = tpu.memref_slice %arg2[%dma_start3A_71, %dma_start3A_72, %dma_start3A_73] : memref<100000x8x128xf32, #tpu.memory_space<hbm>> -> memref<100000x8x128xf32, #tpu.memory_space<hbm>>
    tpu.enqueue_indirect_dma source(%dma_start3A_74 : memref<100000x8x128xf32, #tpu.memory_space<hbm>>) target(%arg7 : memref<40x8x128xf32, #tpu.memory_space<vmem>>) offsets(%dma_start3A_70 : memref<40xi32, #tpu.memory_space<vmem>>) semaphore(%arg10 : memref<!tpu.dma_semaphore, #tpu.memory_space<semaphore_mem>>)
    %dma_wait3A_75 = arith.constant 80 : i32
    %dma_wait3A_76 = tpu.memref_slice %arg5[%dma_wait3A_75] : memref<320xi32, #tpu.memory_space<vmem>> -> memref<40xi32, #tpu.memory_space<vmem>>
    %dma_wait3A_77 = arith.constant 0 : i32
    %dma_wait3A_78 = arith.constant 0 : i32
    %dma_wait3A_79 = arith.constant 0 : i32
    %dma_wait3A_80 = tpu.memref_slice %arg2[%dma_wait3A_77, %dma_wait3A_78, %dma_wait3A_79] : memref<100000x8x128xf32, #tpu.memory_space<hbm>> -> memref<100000x8x128xf32, #tpu.memory_space<hbm>>
    tpu.wait_indirect_dma semaphore(%arg11 : memref<!tpu.dma_semaphore, #tpu.memory_space<semaphore_mem>>) src(%dma_wait3A_80 : memref<100000x8x128xf32, #tpu.memory_space<hbm>>) dst(%arg8 : memref<40x8x128xf32, #tpu.memory_space<vmem>>)
    %add3A_81 = arith.constant 80 : i32
    %add3A_82 = arith.addi %mul3A_2, %add3A_81 : i32
    %dma_start3A_83 = arith.constant 0 : i32
    %dma_start3A_84 = arith.constant 0 : i32
    %dma_start3A_85 = tpu.memref_slice %arg4[%add3A_82, %dma_start3A_83, %dma_start3A_84] : memref<10240x8x128xf32, #tpu.memory_space<hbm>> -> memref<40x8x128xf32, #tpu.memory_space<hbm>>
    %dma_start3A_86 = arith.constant 0 : i32
    %dma_start3A_87 = arith.constant 0 : i32
    %dma_start3A_88 = tpu.memref_slice %arg4[%add3A_82, %dma_start3A_86, %dma_start3A_87] : memref<10240x8x128xf32, #tpu.memory_space<hbm>> -> memref<40x8x128xf32, #tpu.memory_space<hbm>>
    tpu.enqueue_dma source(%arg8 : memref<40x8x128xf32, #tpu.memory_space<vmem>>) target(%dma_start3A_88 : memref<40x8x128xf32, #tpu.memory_space<hbm>>) target_semaphore(%arg14 : memref<!tpu.dma_semaphore, #tpu.memory_space<semaphore_mem>>)
    %dma_wait3A_89 = arith.constant 0 : i32
    %dma_wait3A_90 = arith.constant 0 : i32
    %dma_wait3A_91 = arith.constant 0 : i32
    %dma_wait3A_92 = tpu.memref_slice %arg4[%dma_wait3A_89, %dma_wait3A_90, %dma_wait3A_91] : memref<10240x8x128xf32, #tpu.memory_space<hbm>> -> memref<40x8x128xf32, #tpu.memory_space<hbm>>
    %dma_wait3A_93 = arith.constant 0 : i32
    %dma_wait3A_94 = arith.constant 0 : i32
    %dma_wait3A_95 = arith.constant 0 : i32
    %dma_wait3A_96 = tpu.memref_slice %arg4[%dma_wait3A_93, %dma_wait3A_94, %dma_wait3A_95] : memref<10240x8x128xf32, #tpu.memory_space<hbm>> -> memref<40x8x128xf32, #tpu.memory_space<hbm>>
    tpu.wait_dma2 semaphore(%arg14 : memref<!tpu.dma_semaphore, #tpu.memory_space<semaphore_mem>>) src(%arg8 : memref<40x8x128xf32, #tpu.memory_space<vmem>>) dst(%dma_wait3A_96 : memref<40x8x128xf32, #tpu.memory_space<hbm>>)
    %dma_start3A_97 = arith.constant 200 : i32
    %dma_start3A_98 = tpu.memref_slice %arg5[%dma_start3A_97] : memref<320xi32, #tpu.memory_space<vmem>> -> memref<40xi32, #tpu.memory_space<vmem>>
    %dma_start3A_99 = arith.constant 0 : i32
    %dma_start3A_100 = arith.constant 0 : i32
    %dma_start3A_101 = arith.constant 0 : i32
    %dma_start3A_102 = tpu.memref_slice %arg2[%dma_start3A_99, %dma_start3A_100, %dma_start3A_101] : memref<100000x8x128xf32, #tpu.memory_space<hbm>> -> memref<100000x8x128xf32, #tpu.memory_space<hbm>>
    tpu.enqueue_indirect_dma source(%dma_start3A_102 : memref<100000x8x128xf32, #tpu.memory_space<hbm>>) target(%arg8 : memref<40x8x128xf32, #tpu.memory_space<vmem>>) offsets(%dma_start3A_98 : memref<40xi32, #tpu.memory_space<vmem>>) semaphore(%arg11 : memref<!tpu.dma_semaphore, #tpu.memory_space<semaphore_mem>>)
    %dma_wait3A_103 = arith.constant 120 : i32
    %dma_wait3A_104 = tpu.memref_slice %arg5[%dma_wait3A_103] : memref<320xi32, #tpu.memory_space<vmem>> -> memref<40xi32, #tpu.memory_space<vmem>>
    %dma_wait3A_105 = arith.constant 0 : i32
    %dma_wait3A_106 = arith.constant 0 : i32
    %dma_wait3A_107 = arith.constant 0 : i32
    %dma_wait3A_108 = tpu.memref_slice %arg2[%dma_wait3A_105, %dma_wait3A_106, %dma_wait3A_107] : memref<100000x8x128xf32, #tpu.memory_space<hbm>> -> memref<100000x8x128xf32, #tpu.memory_space<hbm>>
    tpu.wait_indirect_dma semaphore(%arg9 : memref<!tpu.dma_semaphore, #tpu.memory_space<semaphore_mem>>) src(%dma_wait3A_108 : memref<100000x8x128xf32, #tpu.memory_space<hbm>>) dst(%arg6 : memref<40x8x128xf32, #tpu.memory_space<vmem>>)
    %add3A_109 = arith.constant 120 : i32
    %add3A_110 = arith.addi %mul3A_2, %add3A_109 : i32
    %dma_start3A_111 = arith.constant 0 : i32
    %dma_start3A_112 = arith.constant 0 : i32
    %dma_start3A_113 = tpu.memref_slice %arg4[%add3A_110, %dma_start3A_111, %dma_start3A_112] : memref<10240x8x128xf32, #tpu.memory_space<hbm>> -> memref<40x8x128xf32, #tpu.memory_space<hbm>>
    %dma_start3A_114 = arith.constant 0 : i32
    %dma_start3A_115 = arith.constant 0 : i32
    %dma_start3A_116 = tpu.memref_slice %arg4[%add3A_110, %dma_start3A_114, %dma_start3A_115] : memref<10240x8x128xf32, #tpu.memory_space<hbm>> -> memref<40x8x128xf32, #tpu.memory_space<hbm>>
    tpu.enqueue_dma source(%arg6 : memref<40x8x128xf32, #tpu.memory_space<vmem>>) target(%dma_start3A_116 : memref<40x8x128xf32, #tpu.memory_space<hbm>>) target_semaphore(%arg12 : memref<!tpu.dma_semaphore, #tpu.memory_space<semaphore_mem>>)
    %dma_wait3A_117 = arith.constant 0 : i32
    %dma_wait3A_118 = arith.constant 0 : i32
    %dma_wait3A_119 = arith.constant 0 : i32
    %dma_wait3A_120 = tpu.memref_slice %arg4[%dma_wait3A_117, %dma_wait3A_118, %dma_wait3A_119] : memref<10240x8x128xf32, #tpu.memory_space<hbm>> -> memref<40x8x128xf32, #tpu.memory_space<hbm>>
    %dma_wait3A_121 = arith.constant 0 : i32
    %dma_wait3A_122 = arith.constant 0 : i32
    %dma_wait3A_123 = arith.constant 0 : i32
    %dma_wait3A_124 = tpu.memref_slice %arg4[%dma_wait3A_121, %dma_wait3A_122, %dma_wait3A_123] : memref<10240x8x128xf32, #tpu.memory_space<hbm>> -> memref<40x8x128xf32, #tpu.memory_space<hbm>>
    tpu.wait_dma2 semaphore(%arg12 : memref<!tpu.dma_semaphore, #tpu.memory_space<semaphore_mem>>) src(%arg6 : memref<40x8x128xf32, #tpu.memory_space<vmem>>) dst(%dma_wait3A_124 : memref<40x8x128xf32, #tpu.memory_space<hbm>>)
    %dma_start3A_125 = arith.constant 240 : i32
    %dma_start3A_126 = tpu.memref_slice %arg5[%dma_start3A_125] : memref<320xi32, #tpu.memory_space<vmem>> -> memref<40xi32, #tpu.memory_space<vmem>>
    %dma_start3A_127 = arith.constant 0 : i32
    %dma_start3A_128 = arith.constant 0 : i32
    %dma_start3A_129 = arith.constant 0 : i32
    %dma_start3A_130 = tpu.memref_slice %arg2[%dma_start3A_127, %dma_start3A_128, %dma_start3A_129] : memref<100000x8x128xf32, #tpu.memory_space<hbm>> -> memref<100000x8x128xf32, #tpu.memory_space<hbm>>
    tpu.enqueue_indirect_dma source(%dma_start3A_130 : memref<100000x8x128xf32, #tpu.memory_space<hbm>>) target(%arg6 : memref<40x8x128xf32, #tpu.memory_space<vmem>>) offsets(%dma_start3A_126 : memref<40xi32, #tpu.memory_space<vmem>>) semaphore(%arg9 : memref<!tpu.dma_semaphore, #tpu.memory_space<semaphore_mem>>)
    %dma_wait3A_131 = arith.constant 160 : i32
    %dma_wait3A_132 = tpu.memref_slice %arg5[%dma_wait3A_131] : memref<320xi32, #tpu.memory_space<vmem>> -> memref<40xi32, #tpu.memory_space<vmem>>
    %dma_wait3A_133 = arith.constant 0 : i32
    %dma_wait3A_134 = arith.constant 0 : i32
    %dma_wait3A_135 = arith.constant 0 : i32
    %dma_wait3A_136 = tpu.memref_slice %arg2[%dma_wait3A_133, %dma_wait3A_134, %dma_wait3A_135] : memref<100000x8x128xf32, #tpu.memory_space<hbm>> -> memref<100000x8x128xf32, #tpu.memory_space<hbm>>
    tpu.wait_indirect_dma semaphore(%arg10 : memref<!tpu.dma_semaphore, #tpu.memory_space<semaphore_mem>>) src(%dma_wait3A_136 : memref<100000x8x128xf32, #tpu.memory_space<hbm>>) dst(%arg7 : memref<40x8x128xf32, #tpu.memory_space<vmem>>)
    %add3A_137 = arith.constant 160 : i32
    %add3A_138 = arith.addi %mul3A_2, %add3A_137 : i32
    %dma_start3A_139 = arith.constant 0 : i32
    %dma_start3A_140 = arith.constant 0 : i32
    %dma_start3A_141 = tpu.memref_slice %arg4[%add3A_138, %dma_start3A_139, %dma_start3A_140] : memref<10240x8x128xf32, #tpu.memory_space<hbm>> -> memref<40x8x128xf32, #tpu.memory_space<hbm>>
    %dma_start3A_142 = arith.constant 0 : i32
    %dma_start3A_143 = arith.constant 0 : i32
    %dma_start3A_144 = tpu.memref_slice %arg4[%add3A_138, %dma_start3A_142, %dma_start3A_143] : memref<10240x8x128xf32, #tpu.memory_space<hbm>> -> memref<40x8x128xf32, #tpu.memory_space<hbm>>
    tpu.enqueue_dma source(%arg7 : memref<40x8x128xf32, #tpu.memory_space<vmem>>) target(%dma_start3A_144 : memref<40x8x128xf32, #tpu.memory_space<hbm>>) target_semaphore(%arg13 : memref<!tpu.dma_semaphore, #tpu.memory_space<semaphore_mem>>)
    %dma_wait3A_145 = arith.constant 0 : i32
    %dma_wait3A_146 = arith.constant 0 : i32
    %dma_wait3A_147 = arith.constant 0 : i32
    %dma_wait3A_148 = tpu.memref_slice %arg4[%dma_wait3A_145, %dma_wait3A_146, %dma_wait3A_147] : memref<10240x8x128xf32, #tpu.memory_space<hbm>> -> memref<40x8x128xf32, #tpu.memory_space<hbm>>
    %dma_wait3A_149 = arith.constant 0 : i32
    %dma_wait3A_150 = arith.constant 0 : i32
    %dma_wait3A_151 = arith.constant 0 : i32
    %dma_wait3A_152 = tpu.memref_slice %arg4[%dma_wait3A_149, %dma_wait3A_150, %dma_wait3A_151] : memref<10240x8x128xf32, #tpu.memory_space<hbm>> -> memref<40x8x128xf32, #tpu.memory_space<hbm>>
    tpu.wait_dma2 semaphore(%arg13 : memref<!tpu.dma_semaphore, #tpu.memory_space<semaphore_mem>>) src(%arg7 : memref<40x8x128xf32, #tpu.memory_space<vmem>>) dst(%dma_wait3A_152 : memref<40x8x128xf32, #tpu.memory_space<hbm>>)
    %dma_start3A_153 = arith.constant 280 : i32
    %dma_start3A_154 = tpu.memref_slice %arg5[%dma_start3A_153] : memref<320xi32, #tpu.memory_space<vmem>> -> memref<40xi32, #tpu.memory_space<vmem>>
    %dma_start3A_155 = arith.constant 0 : i32
    %dma_start3A_156 = arith.constant 0 : i32
    %dma_start3A_157 = arith.constant 0 : i32
    %dma_start3A_158 = tpu.memref_slice %arg2[%dma_start3A_155, %dma_start3A_156, %dma_start3A_157] : memref<100000x8x128xf32, #tpu.memory_space<hbm>> -> memref<100000x8x128xf32, #tpu.memory_space<hbm>>
    tpu.enqueue_indirect_dma source(%dma_start3A_158 : memref<100000x8x128xf32, #tpu.memory_space<hbm>>) target(%arg7 : memref<40x8x128xf32, #tpu.memory_space<vmem>>) offsets(%dma_start3A_154 : memref<40xi32, #tpu.memory_space<vmem>>) semaphore(%arg10 : memref<!tpu.dma_semaphore, #tpu.memory_space<semaphore_mem>>)
    %dma_wait3A_159 = arith.constant 200 : i32
    %dma_wait3A_160 = tpu.memref_slice %arg5[%dma_wait3A_159] : memref<320xi32, #tpu.memory_space<vmem>> -> memref<40xi32, #tpu.memory_space<vmem>>
    %dma_wait3A_161 = arith.constant 0 : i32
    %dma_wait3A_162 = arith.constant 0 : i32
    %dma_wait3A_163 = arith.constant 0 : i32
    %dma_wait3A_164 = tpu.memref_slice %arg2[%dma_wait3A_161, %dma_wait3A_162, %dma_wait3A_163] : memref<100000x8x128xf32, #tpu.memory_space<hbm>> -> memref<100000x8x128xf32, #tpu.memory_space<hbm>>
    tpu.wait_indirect_dma semaphore(%arg11 : memref<!tpu.dma_semaphore, #tpu.memory_space<semaphore_mem>>) src(%dma_wait3A_164 : memref<100000x8x128xf32, #tpu.memory_space<hbm>>) dst(%arg8 : memref<40x8x128xf32, #tpu.memory_space<vmem>>)
    %add3A_165 = arith.constant 200 : i32
    %add3A_166 = arith.addi %mul3A_2, %add3A_165 : i32
    %dma_start3A_167 = arith.constant 0 : i32
    %dma_start3A_168 = arith.constant 0 : i32
    %dma_start3A_169 = tpu.memref_slice %arg4[%add3A_166, %dma_start3A_167, %dma_start3A_168] : memref<10240x8x128xf32, #tpu.memory_space<hbm>> -> memref<40x8x128xf32, #tpu.memory_space<hbm>>
    %dma_start3A_170 = arith.constant 0 : i32
    %dma_start3A_171 = arith.constant 0 : i32
    %dma_start3A_172 = tpu.memref_slice %arg4[%add3A_166, %dma_start3A_170, %dma_start3A_171] : memref<10240x8x128xf32, #tpu.memory_space<hbm>> -> memref<40x8x128xf32, #tpu.memory_space<hbm>>
    tpu.enqueue_dma source(%arg8 : memref<40x8x128xf32, #tpu.memory_space<vmem>>) target(%dma_start3A_172 : memref<40x8x128xf32, #tpu.memory_space<hbm>>) target_semaphore(%arg14 : memref<!tpu.dma_semaphore, #tpu.memory_space<semaphore_mem>>)
    %dma_wait3A_173 = arith.constant 240 : i32
    %dma_wait3A_174 = tpu.memref_slice %arg5[%dma_wait3A_173] : memref<320xi32, #tpu.memory_space<vmem>> -> memref<40xi32, #tpu.memory_space<vmem>>
    %dma_wait3A_175 = arith.constant 0 : i32
    %dma_wait3A_176 = arith.constant 0 : i32
    %dma_wait3A_177 = arith.constant 0 : i32
    %dma_wait3A_178 = tpu.memref_slice %arg2[%dma_wait3A_175, %dma_wait3A_176, %dma_wait3A_177] : memref<100000x8x128xf32, #tpu.memory_space<hbm>> -> memref<100000x8x128xf32, #tpu.memory_space<hbm>>
    tpu.wait_indirect_dma semaphore(%arg9 : memref<!tpu.dma_semaphore, #tpu.memory_space<semaphore_mem>>) src(%dma_wait3A_178 : memref<100000x8x128xf32, #tpu.memory_space<hbm>>) dst(%arg6 : memref<40x8x128xf32, #tpu.memory_space<vmem>>)
    %add3A_179 = arith.constant 240 : i32
    %add3A_180 = arith.addi %mul3A_2, %add3A_179 : i32
    %dma_start3A_181 = arith.constant 0 : i32
    %dma_start3A_182 = arith.constant 0 : i32
    %dma_start3A_183 = tpu.memref_slice %arg4[%add3A_180, %dma_start3A_181, %dma_start3A_182] : memref<10240x8x128xf32, #tpu.memory_space<hbm>> -> memref<40x8x128xf32, #tpu.memory_space<hbm>>
    %dma_start3A_184 = arith.constant 0 : i32
    %dma_start3A_185 = arith.constant 0 : i32
    %dma_start3A_186 = tpu.memref_slice %arg4[%add3A_180, %dma_start3A_184, %dma_start3A_185] : memref<10240x8x128xf32, #tpu.memory_space<hbm>> -> memref<40x8x128xf32, #tpu.memory_space<hbm>>
    tpu.enqueue_dma source(%arg6 : memref<40x8x128xf32, #tpu.memory_space<vmem>>) target(%dma_start3A_186 : memref<40x8x128xf32, #tpu.memory_space<hbm>>) target_semaphore(%arg12 : memref<!tpu.dma_semaphore, #tpu.memory_space<semaphore_mem>>)
    %dma_wait3A_187 = arith.constant 280 : i32
    %dma_wait3A_188 = tpu.memref_slice %arg5[%dma_wait3A_187] : memref<320xi32, #tpu.memory_space<vmem>> -> memref<40xi32, #tpu.memory_space<vmem>>
    %dma_wait3A_189 = arith.constant 0 : i32
    %dma_wait3A_190 = arith.constant 0 : i32
    %dma_wait3A_191 = arith.constant 0 : i32
    %dma_wait3A_192 = tpu.memref_slice %arg2[%dma_wait3A_189, %dma_wait3A_190, %dma_wait3A_191] : memref<100000x8x128xf32, #tpu.memory_space<hbm>> -> memref<100000x8x128xf32, #tpu.memory_space<hbm>>
    tpu.wait_indirect_dma semaphore(%arg10 : memref<!tpu.dma_semaphore, #tpu.memory_space<semaphore_mem>>) src(%dma_wait3A_192 : memref<100000x8x128xf32, #tpu.memory_space<hbm>>) dst(%arg7 : memref<40x8x128xf32, #tpu.memory_space<vmem>>)
    %add3A_193 = arith.constant 280 : i32
    %add3A_194 = arith.addi %mul3A_2, %add3A_193 : i32
    %dma_start3A_195 = arith.constant 0 : i32
    %dma_start3A_196 = arith.constant 0 : i32
    %dma_start3A_197 = tpu.memref_slice %arg4[%add3A_194, %dma_start3A_195, %dma_start3A_196] : memref<10240x8x128xf32, #tpu.memory_space<hbm>> -> memref<40x8x128xf32, #tpu.memory_space<hbm>>
    %dma_start3A_198 = arith.constant 0 : i32
    %dma_start3A_199 = arith.constant 0 : i32
    %dma_start3A_200 = tpu.memref_slice %arg4[%add3A_194, %dma_start3A_198, %dma_start3A_199] : memref<10240x8x128xf32, #tpu.memory_space<hbm>> -> memref<40x8x128xf32, #tpu.memory_space<hbm>>
    tpu.enqueue_dma source(%arg7 : memref<40x8x128xf32, #tpu.memory_space<vmem>>) target(%dma_start3A_200 : memref<40x8x128xf32, #tpu.memory_space<hbm>>) target_semaphore(%arg13 : memref<!tpu.dma_semaphore, #tpu.memory_space<semaphore_mem>>)
    %dma_wait3A_201 = arith.constant 0 : i32
    %dma_wait3A_202 = arith.constant 0 : i32
    %dma_wait3A_203 = arith.constant 0 : i32
    %dma_wait3A_204 = tpu.memref_slice %arg4[%dma_wait3A_201, %dma_wait3A_202, %dma_wait3A_203] : memref<10240x8x128xf32, #tpu.memory_space<hbm>> -> memref<40x8x128xf32, #tpu.memory_space<hbm>>
    %dma_wait3A_205 = arith.constant 0 : i32
    %dma_wait3A_206 = arith.constant 0 : i32
    %dma_wait3A_207 = arith.constant 0 : i32
    %dma_wait3A_208 = tpu.memref_slice %arg4[%dma_wait3A_205, %dma_wait3A_206, %dma_wait3A_207] : memref<10240x8x128xf32, #tpu.memory_space<hbm>> -> memref<40x8x128xf32, #tpu.memory_space<hbm>>
    tpu.wait_dma2 semaphore(%arg12 : memref<!tpu.dma_semaphore, #tpu.memory_space<semaphore_mem>>) src(%arg6 : memref<40x8x128xf32, #tpu.memory_space<vmem>>) dst(%dma_wait3A_208 : memref<40x8x128xf32, #tpu.memory_space<hbm>>)
    %dma_wait3A_209 = arith.constant 0 : i32
    %dma_wait3A_210 = arith.constant 0 : i32
    %dma_wait3A_211 = arith.constant 0 : i32
    %dma_wait3A_212 = tpu.memref_slice %arg4[%dma_wait3A_209, %dma_wait3A_210, %dma_wait3A_211] : memref<10240x8x128xf32, #tpu.memory_space<hbm>> -> memref<40x8x128xf32, #tpu.memory_space<hbm>>
    %dma_wait3A_213 = arith.constant 0 : i32
    %dma_wait3A_214 = arith.constant 0 : i32
    %dma_wait3A_215 = arith.constant 0 : i32
    %dma_wait3A_216 = tpu.memref_slice %arg4[%dma_wait3A_213, %dma_wait3A_214, %dma_wait3A_215] : memref<10240x8x128xf32, #tpu.memory_space<hbm>> -> memref<40x8x128xf32, #tpu.memory_space<hbm>>
    tpu.wait_dma2 semaphore(%arg13 : memref<!tpu.dma_semaphore, #tpu.memory_space<semaphore_mem>>) src(%arg7 : memref<40x8x128xf32, #tpu.memory_space<vmem>>) dst(%dma_wait3A_216 : memref<40x8x128xf32, #tpu.memory_space<hbm>>)
    %dma_wait3A_217 = arith.constant 0 : i32
    %dma_wait3A_218 = arith.constant 0 : i32
    %dma_wait3A_219 = arith.constant 0 : i32
    %dma_wait3A_220 = tpu.memref_slice %arg4[%dma_wait3A_217, %dma_wait3A_218, %dma_wait3A_219] : memref<10240x8x128xf32, #tpu.memory_space<hbm>> -> memref<40x8x128xf32, #tpu.memory_space<hbm>>
    %dma_wait3A_221 = arith.constant 0 : i32
    %dma_wait3A_222 = arith.constant 0 : i32
    %dma_wait3A_223 = arith.constant 0 : i32
    %dma_wait3A_224 = tpu.memref_slice %arg4[%dma_wait3A_221, %dma_wait3A_222, %dma_wait3A_223] : memref<10240x8x128xf32, #tpu.memory_space<hbm>> -> memref<40x8x128xf32, #tpu.memory_space<hbm>>
    tpu.wait_dma2 semaphore(%arg14 : memref<!tpu.dma_semaphore, #tpu.memory_space<semaphore_mem>>) src(%arg8 : memref<40x8x128xf32, #tpu.memory_space<vmem>>) dst(%dma_wait3A_224 : memref<40x8x128xf32, #tpu.memory_space<hbm>>)
    return
  }
}

#map = affine_map<(d0, d1) -> (0, 0, 0)>
#map1 = affine_map<(d0, d1) -> (0)>
module attributes {stable_mosaic.version = 14 : i64} {
  func.func @gather_kernel(%arg0: i32, %arg1: i32, %arg2: memref<100000x8x128xf32, #tpu.memory_space<hbm>>, %arg3: memref<10240xi32, #tpu.memory_space<hbm>>, %arg4: memref<10240x8x128xf32, #tpu.memory_space<hbm>>, %arg5: memref<320xi32, #tpu.memory_space<vmem>>, %arg6: memref<40x8x128xf32, #tpu.memory_space<vmem>>, %arg7: memref<40x8x128xf32, #tpu.memory_space<vmem>>, %arg8: memref<40x8x128xf32, #tpu.memory_space<vmem>>, %arg9: memref<!tpu.dma_semaphore, #tpu.memory_space<semaphore_mem>>, %arg10: memref<!tpu.dma_semaphore, #tpu.memory_space<semaphore_mem>>, %arg11: memref<!tpu.dma_semaphore, #tpu.memory_space<semaphore_mem>>, %arg12: memref<!tpu.dma_semaphore, #tpu.memory_space<semaphore_mem>>, %arg13: memref<!tpu.dma_semaphore, #tpu.memory_space<semaphore_mem>>, %arg14: memref<!tpu.dma_semaphore, #tpu.memory_space<semaphore_mem>>) attributes {dimension_semantics = [#tpu.dimension_semantics<core_parallel>, #tpu.dimension_semantics<subcore_parallel>], iteration_bounds = array<i64: 2, 16>, scalar_prefetch = 0 : i64, scratch_operands = 10 : i64, tpu.core_type = #tpu.core_type<sc_vector_subcore>, window_params = [{transform_indices = #map}, {transform_indices = #map1}, {transform_indices = #map}]} {
    %mul3A = arith.constant 2 : i32
    %mul3A_0 = arith.muli %arg1, %mul3A : i32
    %add3A = arith.addi %mul3A_0, %arg0 : i32
    %mul3A_1 = arith.constant 320 : i32
    %mul3A_2 = arith.muli %add3A, %mul3A_1 : i32
    "tpu.region"() ({
      %run_scoped3A = tpu.sem_alloc : memref<!tpu.dma_semaphore, #tpu.memory_space<semaphore_mem>>
      %dma_start3A_225 = tpu.memref_slice %arg3[%mul3A_2] : memref<10240xi32, #tpu.memory_space<hbm>> -> memref<320xi32, #tpu.memory_space<hbm>>
      %dma_start3A_226 = tpu.memref_slice %arg3[%mul3A_2] : memref<10240xi32, #tpu.memory_space<hbm>> -> memref<320xi32, #tpu.memory_space<hbm>>
      tpu.enqueue_dma source(%dma_start3A_226 : memref<320xi32, #tpu.memory_space<hbm>>) target(%arg5 : memref<320xi32, #tpu.memory_space<vmem>>) target_semaphore(%run_scoped3A : memref<!tpu.dma_semaphore, #tpu.memory_space<semaphore_mem>>)
      %dma_wait3A_227 = tpu.memref_slice %arg3[%mul3A_2] : memref<10240xi32, #tpu.memory_space<hbm>> -> memref<320xi32, #tpu.memory_space<hbm>>
      %dma_wait3A_228 = tpu.memref_slice %arg3[%mul3A_2] : memref<10240xi32, #tpu.memory_space<hbm>> -> memref<320xi32, #tpu.memory_space<hbm>>
      tpu.wait_dma2 semaphore(%run_scoped3A : memref<!tpu.dma_semaphore, #tpu.memory_space<semaphore_mem>>) src(%dma_wait3A_228 : memref<320xi32, #tpu.memory_space<hbm>>) dst(%arg5 : memref<320xi32, #tpu.memory_space<vmem>>)
      tpu.yield
    }) : () -> ()
    %dma_start3A = arith.constant 0 : i32
    %dma_start3A_3 = tpu.memref_slice %arg5[%dma_start3A] : memref<320xi32, #tpu.memory_space<vmem>> -> memref<40xi32, #tpu.memory_space<vmem>>
    %dma_start3A_4 = arith.constant 0 : i32
    %dma_start3A_5 = arith.constant 0 : i32
    %dma_start3A_6 = arith.constant 0 : i32
    %dma_start3A_7 = tpu.memref_slice %arg2[%dma_start3A_4, %dma_start3A_5, %dma_start3A_6] : memref<100000x8x128xf32, #tpu.memory_space<hbm>> -> memref<100000x8x128xf32, #tpu.memory_space<hbm>>
    tpu.enqueue_indirect_dma source(%dma_start3A_7 : memref<100000x8x128xf32, #tpu.memory_space<hbm>>) target(%arg6 : memref<40x8x128xf32, #tpu.memory_space<vmem>>) offsets(%dma_start3A_3 : memref<40xi32, #tpu.memory_space<vmem>>) semaphore(%arg9 : memref<!tpu.dma_semaphore, #tpu.memory_space<semaphore_mem>>)
    %dma_start3A_8 = arith.constant 40 : i32
    %dma_start3A_9 = tpu.memref_slice %arg5[%dma_start3A_8] : memref<320xi32, #tpu.memory_space<vmem>> -> memref<40xi32, #tpu.memory_space<vmem>>
    %dma_start3A_10 = arith.constant 0 : i32
    %dma_start3A_11 = arith.constant 0 : i32
    %dma_start3A_12 = arith.constant 0 : i32
    %dma_start3A_13 = tpu.memref_slice %arg2[%dma_start3A_10, %dma_start3A_11, %dma_start3A_12] : memref<100000x8x128xf32, #tpu.memory_space<hbm>> -> memref<100000x8x128xf32, #tpu.memory_space<hbm>>
    tpu.enqueue_indirect_dma source(%dma_start3A_13 : memref<100000x8x128xf32, #tpu.memory_space<hbm>>) target(%arg7 : memref<40x8x128xf32, #tpu.memory_space<vmem>>) offsets(%dma_start3A_9 : memref<40xi32, #tpu.memory_space<vmem>>) semaphore(%arg10 : memref<!tpu.dma_semaphore, #tpu.memory_space<semaphore_mem>>)
    %dma_start3A_14 = arith.constant 80 : i32
    %dma_start3A_15 = tpu.memref_slice %arg5[%dma_start3A_14] : memref<320xi32, #tpu.memory_space<vmem>> -> memref<40xi32, #tpu.memory_space<vmem>>
    %dma_start3A_16 = arith.constant 0 : i32
    %dma_start3A_17 = arith.constant 0 : i32
    %dma_start3A_18 = arith.constant 0 : i32
    %dma_start3A_19 = tpu.memref_slice %arg2[%dma_start3A_16, %dma_start3A_17, %dma_start3A_18] : memref<100000x8x128xf32, #tpu.memory_space<hbm>> -> memref<100000x8x128xf32, #tpu.memory_space<hbm>>
    tpu.enqueue_indirect_dma source(%dma_start3A_19 : memref<100000x8x128xf32, #tpu.memory_space<hbm>>) target(%arg8 : memref<40x8x128xf32, #tpu.memory_space<vmem>>) offsets(%dma_start3A_15 : memref<40xi32, #tpu.memory_space<vmem>>) semaphore(%arg11 : memref<!tpu.dma_semaphore, #tpu.memory_space<semaphore_mem>>)
    %dma_wait3A = arith.constant 0 : i32
    %dma_wait3A_20 = tpu.memref_slice %arg5[%dma_wait3A] : memref<320xi32, #tpu.memory_space<vmem>> -> memref<40xi32, #tpu.memory_space<vmem>>
    %dma_wait3A_21 = arith.constant 0 : i32
    %dma_wait3A_22 = arith.constant 0 : i32
    %dma_wait3A_23 = arith.constant 0 : i32
    %dma_wait3A_24 = tpu.memref_slice %arg2[%dma_wait3A_21, %dma_wait3A_22, %dma_wait3A_23] : memref<100000x8x128xf32, #tpu.memory_space<hbm>> -> memref<100000x8x128xf32, #tpu.memory_space<hbm>>
    tpu.wait_indirect_dma semaphore(%arg9 : memref<!tpu.dma_semaphore, #tpu.memory_space<semaphore_mem>>) src(%dma_wait3A_24 : memref<100000x8x128xf32, #tpu.memory_space<hbm>>) dst(%arg6 : memref<40x8x128xf32, #tpu.memory_space<vmem>>)
    %add3A_25 = arith.constant 0 : i32
    %add3A_26 = arith.addi %mul3A_2, %add3A_25 : i32
    %dma_start3A_27 = arith.constant 0 : i32
    %dma_start3A_28 = arith.constant 0 : i32
    %dma_start3A_29 = tpu.memref_slice %arg4[%add3A_26, %dma_start3A_27, %dma_start3A_28] : memref<10240x8x128xf32, #tpu.memory_space<hbm>> -> memref<40x8x128xf32, #tpu.memory_space<hbm>>
    %dma_start3A_30 = arith.constant 0 : i32
    %dma_start3A_31 = arith.constant 0 : i32
    %dma_start3A_32 = tpu.memref_slice %arg4[%add3A_26, %dma_start3A_30, %dma_start3A_31] : memref<10240x8x128xf32, #tpu.memory_space<hbm>> -> memref<40x8x128xf32, #tpu.memory_space<hbm>>
    tpu.enqueue_dma source(%arg6 : memref<40x8x128xf32, #tpu.memory_space<vmem>>) target(%dma_start3A_32 : memref<40x8x128xf32, #tpu.memory_space<hbm>>) target_semaphore(%arg12 : memref<!tpu.dma_semaphore, #tpu.memory_space<semaphore_mem>>)
    %dma_wait3A_33 = arith.constant 0 : i32
    %dma_wait3A_34 = arith.constant 0 : i32
    %dma_wait3A_35 = arith.constant 0 : i32
    %dma_wait3A_36 = tpu.memref_slice %arg4[%dma_wait3A_33, %dma_wait3A_34, %dma_wait3A_35] : memref<10240x8x128xf32, #tpu.memory_space<hbm>> -> memref<40x8x128xf32, #tpu.memory_space<hbm>>
    %dma_wait3A_37 = arith.constant 0 : i32
    %dma_wait3A_38 = arith.constant 0 : i32
    %dma_wait3A_39 = arith.constant 0 : i32
    %dma_wait3A_40 = tpu.memref_slice %arg4[%dma_wait3A_37, %dma_wait3A_38, %dma_wait3A_39] : memref<10240x8x128xf32, #tpu.memory_space<hbm>> -> memref<40x8x128xf32, #tpu.memory_space<hbm>>
    tpu.wait_dma2 semaphore(%arg12 : memref<!tpu.dma_semaphore, #tpu.memory_space<semaphore_mem>>) src(%arg6 : memref<40x8x128xf32, #tpu.memory_space<vmem>>) dst(%dma_wait3A_40 : memref<40x8x128xf32, #tpu.memory_space<hbm>>)
    %dma_start3A_41 = arith.constant 120 : i32
    %dma_start3A_42 = tpu.memref_slice %arg5[%dma_start3A_41] : memref<320xi32, #tpu.memory_space<vmem>> -> memref<40xi32, #tpu.memory_space<vmem>>
    %dma_start3A_43 = arith.constant 0 : i32
    %dma_start3A_44 = arith.constant 0 : i32
    %dma_start3A_45 = arith.constant 0 : i32
    %dma_start3A_46 = tpu.memref_slice %arg2[%dma_start3A_43, %dma_start3A_44, %dma_start3A_45] : memref<100000x8x128xf32, #tpu.memory_space<hbm>> -> memref<100000x8x128xf32, #tpu.memory_space<hbm>>
    tpu.enqueue_indirect_dma source(%dma_start3A_46 : memref<100000x8x128xf32, #tpu.memory_space<hbm>>) target(%arg6 : memref<40x8x128xf32, #tpu.memory_space<vmem>>) offsets(%dma_start3A_42 : memref<40xi32, #tpu.memory_space<vmem>>) semaphore(%arg9 : memref<!tpu.dma_semaphore, #tpu.memory_space<semaphore_mem>>)
    %dma_wait3A_47 = arith.constant 40 : i32
    %dma_wait3A_48 = tpu.memref_slice %arg5[%dma_wait3A_47] : memref<320xi32, #tpu.memory_space<vmem>> -> memref<40xi32, #tpu.memory_space<vmem>>
    %dma_wait3A_49 = arith.constant 0 : i32
    %dma_wait3A_50 = arith.constant 0 : i32
    %dma_wait3A_51 = arith.constant 0 : i32
    %dma_wait3A_52 = tpu.memref_slice %arg2[%dma_wait3A_49, %dma_wait3A_50, %dma_wait3A_51] : memref<100000x8x128xf32, #tpu.memory_space<hbm>> -> memref<100000x8x128xf32, #tpu.memory_space<hbm>>
    tpu.wait_indirect_dma semaphore(%arg10 : memref<!tpu.dma_semaphore, #tpu.memory_space<semaphore_mem>>) src(%dma_wait3A_52 : memref<100000x8x128xf32, #tpu.memory_space<hbm>>) dst(%arg7 : memref<40x8x128xf32, #tpu.memory_space<vmem>>)
    %add3A_53 = arith.constant 40 : i32
    %add3A_54 = arith.addi %mul3A_2, %add3A_53 : i32
    %dma_start3A_55 = arith.constant 0 : i32
    %dma_start3A_56 = arith.constant 0 : i32
    %dma_start3A_57 = tpu.memref_slice %arg4[%add3A_54, %dma_start3A_55, %dma_start3A_56] : memref<10240x8x128xf32, #tpu.memory_space<hbm>> -> memref<40x8x128xf32, #tpu.memory_space<hbm>>
    %dma_start3A_58 = arith.constant 0 : i32
    %dma_start3A_59 = arith.constant 0 : i32
    %dma_start3A_60 = tpu.memref_slice %arg4[%add3A_54, %dma_start3A_58, %dma_start3A_59] : memref<10240x8x128xf32, #tpu.memory_space<hbm>> -> memref<40x8x128xf32, #tpu.memory_space<hbm>>
    tpu.enqueue_dma source(%arg7 : memref<40x8x128xf32, #tpu.memory_space<vmem>>) target(%dma_start3A_60 : memref<40x8x128xf32, #tpu.memory_space<hbm>>) target_semaphore(%arg13 : memref<!tpu.dma_semaphore, #tpu.memory_space<semaphore_mem>>)
    %dma_wait3A_61 = arith.constant 0 : i32
    %dma_wait3A_62 = arith.constant 0 : i32
    %dma_wait3A_63 = arith.constant 0 : i32
    %dma_wait3A_64 = tpu.memref_slice %arg4[%dma_wait3A_61, %dma_wait3A_62, %dma_wait3A_63] : memref<10240x8x128xf32, #tpu.memory_space<hbm>> -> memref<40x8x128xf32, #tpu.memory_space<hbm>>
    %dma_wait3A_65 = arith.constant 0 : i32
    %dma_wait3A_66 = arith.constant 0 : i32
    %dma_wait3A_67 = arith.constant 0 : i32
    %dma_wait3A_68 = tpu.memref_slice %arg4[%dma_wait3A_65, %dma_wait3A_66, %dma_wait3A_67] : memref<10240x8x128xf32, #tpu.memory_space<hbm>> -> memref<40x8x128xf32, #tpu.memory_space<hbm>>
    tpu.wait_dma2 semaphore(%arg13 : memref<!tpu.dma_semaphore, #tpu.memory_space<semaphore_mem>>) src(%arg7 : memref<40x8x128xf32, #tpu.memory_space<vmem>>) dst(%dma_wait3A_68 : memref<40x8x128xf32, #tpu.memory_space<hbm>>)
    %dma_start3A_69 = arith.constant 160 : i32
    %dma_start3A_70 = tpu.memref_slice %arg5[%dma_start3A_69] : memref<320xi32, #tpu.memory_space<vmem>> -> memref<40xi32, #tpu.memory_space<vmem>>
    %dma_start3A_71 = arith.constant 0 : i32
    %dma_start3A_72 = arith.constant 0 : i32
    %dma_start3A_73 = arith.constant 0 : i32
    %dma_start3A_74 = tpu.memref_slice %arg2[%dma_start3A_71, %dma_start3A_72, %dma_start3A_73] : memref<100000x8x128xf32, #tpu.memory_space<hbm>> -> memref<100000x8x128xf32, #tpu.memory_space<hbm>>
    tpu.enqueue_indirect_dma source(%dma_start3A_74 : memref<100000x8x128xf32, #tpu.memory_space<hbm>>) target(%arg7 : memref<40x8x128xf32, #tpu.memory_space<vmem>>) offsets(%dma_start3A_70 : memref<40xi32, #tpu.memory_space<vmem>>) semaphore(%arg10 : memref<!tpu.dma_semaphore, #tpu.memory_space<semaphore_mem>>)
    %dma_wait3A_75 = arith.constant 80 : i32
    %dma_wait3A_76 = tpu.memref_slice %arg5[%dma_wait3A_75] : memref<320xi32, #tpu.memory_space<vmem>> -> memref<40xi32, #tpu.memory_space<vmem>>
    %dma_wait3A_77 = arith.constant 0 : i32
    %dma_wait3A_78 = arith.constant 0 : i32
    %dma_wait3A_79 = arith.constant 0 : i32
    %dma_wait3A_80 = tpu.memref_slice %arg2[%dma_wait3A_77, %dma_wait3A_78, %dma_wait3A_79] : memref<100000x8x128xf32, #tpu.memory_space<hbm>> -> memref<100000x8x128xf32, #tpu.memory_space<hbm>>
    tpu.wait_indirect_dma semaphore(%arg11 : memref<!tpu.dma_semaphore, #tpu.memory_space<semaphore_mem>>) src(%dma_wait3A_80 : memref<100000x8x128xf32, #tpu.memory_space<hbm>>) dst(%arg8 : memref<40x8x128xf32, #tpu.memory_space<vmem>>)
    %add3A_81 = arith.constant 80 : i32
    %add3A_82 = arith.addi %mul3A_2, %add3A_81 : i32
    %dma_start3A_83 = arith.constant 0 : i32
    %dma_start3A_84 = arith.constant 0 : i32
    %dma_start3A_85 = tpu.memref_slice %arg4[%add3A_82, %dma_start3A_83, %dma_start3A_84] : memref<10240x8x128xf32, #tpu.memory_space<hbm>> -> memref<40x8x128xf32, #tpu.memory_space<hbm>>
    %dma_start3A_86 = arith.constant 0 : i32
    %dma_start3A_87 = arith.constant 0 : i32
    %dma_start3A_88 = tpu.memref_slice %arg4[%add3A_82, %dma_start3A_86, %dma_start3A_87] : memref<10240x8x128xf32, #tpu.memory_space<hbm>> -> memref<40x8x128xf32, #tpu.memory_space<hbm>>
    tpu.enqueue_dma source(%arg8 : memref<40x8x128xf32, #tpu.memory_space<vmem>>) target(%dma_start3A_88 : memref<40x8x128xf32, #tpu.memory_space<hbm>>) target_semaphore(%arg14 : memref<!tpu.dma_semaphore, #tpu.memory_space<semaphore_mem>>)
    %dma_wait3A_89 = arith.constant 0 : i32
    %dma_wait3A_90 = arith.constant 0 : i32
    %dma_wait3A_91 = arith.constant 0 : i32
    %dma_wait3A_92 = tpu.memref_slice %arg4[%dma_wait3A_89, %dma_wait3A_90, %dma_wait3A_91] : memref<10240x8x128xf32, #tpu.memory_space<hbm>> -> memref<40x8x128xf32, #tpu.memory_space<hbm>>
    %dma_wait3A_93 = arith.constant 0 : i32
    %dma_wait3A_94 = arith.constant 0 : i32
    %dma_wait3A_95 = arith.constant 0 : i32
    %dma_wait3A_96 = tpu.memref_slice %arg4[%dma_wait3A_93, %dma_wait3A_94, %dma_wait3A_95] : memref<10240x8x128xf32, #tpu.memory_space<hbm>> -> memref<40x8x128xf32, #tpu.memory_space<hbm>>
    tpu.wait_dma2 semaphore(%arg14 : memref<!tpu.dma_semaphore, #tpu.memory_space<semaphore_mem>>) src(%arg8 : memref<40x8x128xf32, #tpu.memory_space<vmem>>) dst(%dma_wait3A_96 : memref<40x8x128xf32, #tpu.memory_space<hbm>>)
    %dma_start3A_97 = arith.constant 200 : i32
    %dma_start3A_98 = tpu.memref_slice %arg5[%dma_start3A_97] : memref<320xi32, #tpu.memory_space<vmem>> -> memref<40xi32, #tpu.memory_space<vmem>>
    %dma_start3A_99 = arith.constant 0 : i32
    %dma_start3A_100 = arith.constant 0 : i32
    %dma_start3A_101 = arith.constant 0 : i32
    %dma_start3A_102 = tpu.memref_slice %arg2[%dma_start3A_99, %dma_start3A_100, %dma_start3A_101] : memref<100000x8x128xf32, #tpu.memory_space<hbm>> -> memref<100000x8x128xf32, #tpu.memory_space<hbm>>
    tpu.enqueue_indirect_dma source(%dma_start3A_102 : memref<100000x8x128xf32, #tpu.memory_space<hbm>>) target(%arg8 : memref<40x8x128xf32, #tpu.memory_space<vmem>>) offsets(%dma_start3A_98 : memref<40xi32, #tpu.memory_space<vmem>>) semaphore(%arg11 : memref<!tpu.dma_semaphore, #tpu.memory_space<semaphore_mem>>)
    %dma_wait3A_103 = arith.constant 120 : i32
    %dma_wait3A_104 = tpu.memref_slice %arg5[%dma_wait3A_103] : memref<320xi32, #tpu.memory_space<vmem>> -> memref<40xi32, #tpu.memory_space<vmem>>
    %dma_wait3A_105 = arith.constant 0 : i32
    %dma_wait3A_106 = arith.constant 0 : i32
    %dma_wait3A_107 = arith.constant 0 : i32
    %dma_wait3A_108 = tpu.memref_slice %arg2[%dma_wait3A_105, %dma_wait3A_106, %dma_wait3A_107] : memref<100000x8x128xf32, #tpu.memory_space<hbm>> -> memref<100000x8x128xf32, #tpu.memory_space<hbm>>
    tpu.wait_indirect_dma semaphore(%arg9 : memref<!tpu.dma_semaphore, #tpu.memory_space<semaphore_mem>>) src(%dma_wait3A_108 : memref<100000x8x128xf32, #tpu.memory_space<hbm>>) dst(%arg6 : memref<40x8x128xf32, #tpu.memory_space<vmem>>)
    %add3A_109 = arith.constant 120 : i32
    %add3A_110 = arith.addi %mul3A_2, %add3A_109 : i32
    %dma_start3A_111 = arith.constant 0 : i32
    %dma_start3A_112 = arith.constant 0 : i32
    %dma_start3A_113 = tpu.memref_slice %arg4[%add3A_110, %dma_start3A_111, %dma_start3A_112] : memref<10240x8x128xf32, #tpu.memory_space<hbm>> -> memref<40x8x128xf32, #tpu.memory_space<hbm>>
    %dma_start3A_114 = arith.constant 0 : i32
    %dma_start3A_115 = arith.constant 0 : i32
    %dma_start3A_116 = tpu.memref_slice %arg4[%add3A_110, %dma_start3A_114, %dma_start3A_115] : memref<10240x8x128xf32, #tpu.memory_space<hbm>> -> memref<40x8x128xf32, #tpu.memory_space<hbm>>
    tpu.enqueue_dma source(%arg6 : memref<40x8x128xf32, #tpu.memory_space<vmem>>) target(%dma_start3A_116 : memref<40x8x128xf32, #tpu.memory_space<hbm>>) target_semaphore(%arg12 : memref<!tpu.dma_semaphore, #tpu.memory_space<semaphore_mem>>)
    %dma_wait3A_117 = arith.constant 0 : i32
    %dma_wait3A_118 = arith.constant 0 : i32
    %dma_wait3A_119 = arith.constant 0 : i32
    %dma_wait3A_120 = tpu.memref_slice %arg4[%dma_wait3A_117, %dma_wait3A_118, %dma_wait3A_119] : memref<10240x8x128xf32, #tpu.memory_space<hbm>> -> memref<40x8x128xf32, #tpu.memory_space<hbm>>
    %dma_wait3A_121 = arith.constant 0 : i32
    %dma_wait3A_122 = arith.constant 0 : i32
    %dma_wait3A_123 = arith.constant 0 : i32
    %dma_wait3A_124 = tpu.memref_slice %arg4[%dma_wait3A_121, %dma_wait3A_122, %dma_wait3A_123] : memref<10240x8x128xf32, #tpu.memory_space<hbm>> -> memref<40x8x128xf32, #tpu.memory_space<hbm>>
    tpu.wait_dma2 semaphore(%arg12 : memref<!tpu.dma_semaphore, #tpu.memory_space<semaphore_mem>>) src(%arg6 : memref<40x8x128xf32, #tpu.memory_space<vmem>>) dst(%dma_wait3A_124 : memref<40x8x128xf32, #tpu.memory_space<hbm>>)
    %dma_start3A_125 = arith.constant 240 : i32
    %dma_start3A_126 = tpu.memref_slice %arg5[%dma_start3A_125] : memref<320xi32, #tpu.memory_space<vmem>> -> memref<40xi32, #tpu.memory_space<vmem>>
    %dma_start3A_127 = arith.constant 0 : i32
    %dma_start3A_128 = arith.constant 0 : i32
    %dma_start3A_129 = arith.constant 0 : i32
    %dma_start3A_130 = tpu.memref_slice %arg2[%dma_start3A_127, %dma_start3A_128, %dma_start3A_129] : memref<100000x8x128xf32, #tpu.memory_space<hbm>> -> memref<100000x8x128xf32, #tpu.memory_space<hbm>>
    tpu.enqueue_indirect_dma source(%dma_start3A_130 : memref<100000x8x128xf32, #tpu.memory_space<hbm>>) target(%arg6 : memref<40x8x128xf32, #tpu.memory_space<vmem>>) offsets(%dma_start3A_126 : memref<40xi32, #tpu.memory_space<vmem>>) semaphore(%arg9 : memref<!tpu.dma_semaphore, #tpu.memory_space<semaphore_mem>>)
    %dma_wait3A_131 = arith.constant 160 : i32
    %dma_wait3A_132 = tpu.memref_slice %arg5[%dma_wait3A_131] : memref<320xi32, #tpu.memory_space<vmem>> -> memref<40xi32, #tpu.memory_space<vmem>>
    %dma_wait3A_133 = arith.constant 0 : i32
    %dma_wait3A_134 = arith.constant 0 : i32
    %dma_wait3A_135 = arith.constant 0 : i32
    %dma_wait3A_136 = tpu.memref_slice %arg2[%dma_wait3A_133, %dma_wait3A_134, %dma_wait3A_135] : memref<100000x8x128xf32, #tpu.memory_space<hbm>> -> memref<100000x8x128xf32, #tpu.memory_space<hbm>>
    tpu.wait_indirect_dma semaphore(%arg10 : memref<!tpu.dma_semaphore, #tpu.memory_space<semaphore_mem>>) src(%dma_wait3A_136 : memref<100000x8x128xf32, #tpu.memory_space<hbm>>) dst(%arg7 : memref<40x8x128xf32, #tpu.memory_space<vmem>>)
    %add3A_137 = arith.constant 160 : i32
    %add3A_138 = arith.addi %mul3A_2, %add3A_137 : i32
    %dma_start3A_139 = arith.constant 0 : i32
    %dma_start3A_140 = arith.constant 0 : i32
    %dma_start3A_141 = tpu.memref_slice %arg4[%add3A_138, %dma_start3A_139, %dma_start3A_140] : memref<10240x8x128xf32, #tpu.memory_space<hbm>> -> memref<40x8x128xf32, #tpu.memory_space<hbm>>
    %dma_start3A_142 = arith.constant 0 : i32
    %dma_start3A_143 = arith.constant 0 : i32
    %dma_start3A_144 = tpu.memref_slice %arg4[%add3A_138, %dma_start3A_142, %dma_start3A_143] : memref<10240x8x128xf32, #tpu.memory_space<hbm>> -> memref<40x8x128xf32, #tpu.memory_space<hbm>>
    tpu.enqueue_dma source(%arg7 : memref<40x8x128xf32, #tpu.memory_space<vmem>>) target(%dma_start3A_144 : memref<40x8x128xf32, #tpu.memory_space<hbm>>) target_semaphore(%arg13 : memref<!tpu.dma_semaphore, #tpu.memory_space<semaphore_mem>>)
    %dma_wait3A_145 = arith.constant 0 : i32
    %dma_wait3A_146 = arith.constant 0 : i32
    %dma_wait3A_147 = arith.constant 0 : i32
    %dma_wait3A_148 = tpu.memref_slice %arg4[%dma_wait3A_145, %dma_wait3A_146, %dma_wait3A_147] : memref<10240x8x128xf32, #tpu.memory_space<hbm>> -> memref<40x8x128xf32, #tpu.memory_space<hbm>>
    %dma_wait3A_149 = arith.constant 0 : i32
    %dma_wait3A_150 = arith.constant 0 : i32
    %dma_wait3A_151 = arith.constant 0 : i32
    %dma_wait3A_152 = tpu.memref_slice %arg4[%dma_wait3A_149, %dma_wait3A_150, %dma_wait3A_151] : memref<10240x8x128xf32, #tpu.memory_space<hbm>> -> memref<40x8x128xf32, #tpu.memory_space<hbm>>
    tpu.wait_dma2 semaphore(%arg13 : memref<!tpu.dma_semaphore, #tpu.memory_space<semaphore_mem>>) src(%arg7 : memref<40x8x128xf32, #tpu.memory_space<vmem>>) dst(%dma_wait3A_152 : memref<40x8x128xf32, #tpu.memory_space<hbm>>)
    %dma_start3A_153 = arith.constant 280 : i32
    %dma_start3A_154 = tpu.memref_slice %arg5[%dma_start3A_153] : memref<320xi32, #tpu.memory_space<vmem>> -> memref<40xi32, #tpu.memory_space<vmem>>
    %dma_start3A_155 = arith.constant 0 : i32
    %dma_start3A_156 = arith.constant 0 : i32
    %dma_start3A_157 = arith.constant 0 : i32
    %dma_start3A_158 = tpu.memref_slice %arg2[%dma_start3A_155, %dma_start3A_156, %dma_start3A_157] : memref<100000x8x128xf32, #tpu.memory_space<hbm>> -> memref<100000x8x128xf32, #tpu.memory_space<hbm>>
    tpu.enqueue_indirect_dma source(%dma_start3A_158 : memref<100000x8x128xf32, #tpu.memory_space<hbm>>) target(%arg7 : memref<40x8x128xf32, #tpu.memory_space<vmem>>) offsets(%dma_start3A_154 : memref<40xi32, #tpu.memory_space<vmem>>) semaphore(%arg10 : memref<!tpu.dma_semaphore, #tpu.memory_space<semaphore_mem>>)
    %dma_wait3A_159 = arith.constant 200 : i32
    %dma_wait3A_160 = tpu.memref_slice %arg5[%dma_wait3A_159] : memref<320xi32, #tpu.memory_space<vmem>> -> memref<40xi32, #tpu.memory_space<vmem>>
    %dma_wait3A_161 = arith.constant 0 : i32
    %dma_wait3A_162 = arith.constant 0 : i32
    %dma_wait3A_163 = arith.constant 0 : i32
    %dma_wait3A_164 = tpu.memref_slice %arg2[%dma_wait3A_161, %dma_wait3A_162, %dma_wait3A_163] : memref<100000x8x128xf32, #tpu.memory_space<hbm>> -> memref<100000x8x128xf32, #tpu.memory_space<hbm>>
    tpu.wait_indirect_dma semaphore(%arg11 : memref<!tpu.dma_semaphore, #tpu.memory_space<semaphore_mem>>) src(%dma_wait3A_164 : memref<100000x8x128xf32, #tpu.memory_space<hbm>>) dst(%arg8 : memref<40x8x128xf32, #tpu.memory_space<vmem>>)
    %add3A_165 = arith.constant 200 : i32
    %add3A_166 = arith.addi %mul3A_2, %add3A_165 : i32
    %dma_start3A_167 = arith.constant 0 : i32
    %dma_start3A_168 = arith.constant 0 : i32
    %dma_start3A_169 = tpu.memref_slice %arg4[%add3A_166, %dma_start3A_167, %dma_start3A_168] : memref<10240x8x128xf32, #tpu.memory_space<hbm>> -> memref<40x8x128xf32, #tpu.memory_space<hbm>>
    %dma_start3A_170 = arith.constant 0 : i32
    %dma_start3A_171 = arith.constant 0 : i32
    %dma_start3A_172 = tpu.memref_slice %arg4[%add3A_166, %dma_start3A_170, %dma_start3A_171] : memref<10240x8x128xf32, #tpu.memory_space<hbm>> -> memref<40x8x128xf32, #tpu.memory_space<hbm>>
    tpu.enqueue_dma source(%arg8 : memref<40x8x128xf32, #tpu.memory_space<vmem>>) target(%dma_start3A_172 : memref<40x8x128xf32, #tpu.memory_space<hbm>>) target_semaphore(%arg14 : memref<!tpu.dma_semaphore, #tpu.memory_space<semaphore_mem>>)
    %dma_wait3A_173 = arith.constant 240 : i32
    %dma_wait3A_174 = tpu.memref_slice %arg5[%dma_wait3A_173] : memref<320xi32, #tpu.memory_space<vmem>> -> memref<40xi32, #tpu.memory_space<vmem>>
    %dma_wait3A_175 = arith.constant 0 : i32
    %dma_wait3A_176 = arith.constant 0 : i32
    %dma_wait3A_177 = arith.constant 0 : i32
    %dma_wait3A_178 = tpu.memref_slice %arg2[%dma_wait3A_175, %dma_wait3A_176, %dma_wait3A_177] : memref<100000x8x128xf32, #tpu.memory_space<hbm>> -> memref<100000x8x128xf32, #tpu.memory_space<hbm>>
    tpu.wait_indirect_dma semaphore(%arg9 : memref<!tpu.dma_semaphore, #tpu.memory_space<semaphore_mem>>) src(%dma_wait3A_178 : memref<100000x8x128xf32, #tpu.memory_space<hbm>>) dst(%arg6 : memref<40x8x128xf32, #tpu.memory_space<vmem>>)
    %add3A_179 = arith.constant 240 : i32
    %add3A_180 = arith.addi %mul3A_2, %add3A_179 : i32
    %dma_start3A_181 = arith.constant 0 : i32
    %dma_start3A_182 = arith.constant 0 : i32
    %dma_start3A_183 = tpu.memref_slice %arg4[%add3A_180, %dma_start3A_181, %dma_start3A_182] : memref<10240x8x128xf32, #tpu.memory_space<hbm>> -> memref<40x8x128xf32, #tpu.memory_space<hbm>>
    %dma_start3A_184 = arith.constant 0 : i32
    %dma_start3A_185 = arith.constant 0 : i32
    %dma_start3A_186 = tpu.memref_slice %arg4[%add3A_180, %dma_start3A_184, %dma_start3A_185] : memref<10240x8x128xf32, #tpu.memory_space<hbm>> -> memref<40x8x128xf32, #tpu.memory_space<hbm>>
    tpu.enqueue_dma source(%arg6 : memref<40x8x128xf32, #tpu.memory_space<vmem>>) target(%dma_start3A_186 : memref<40x8x128xf32, #tpu.memory_space<hbm>>) target_semaphore(%arg12 : memref<!tpu.dma_semaphore, #tpu.memory_space<semaphore_mem>>)
    %dma_wait3A_187 = arith.constant 280 : i32
    %dma_wait3A_188 = tpu.memref_slice %arg5[%dma_wait3A_187] : memref<320xi32, #tpu.memory_space<vmem>> -> memref<40xi32, #tpu.memory_space<vmem>>
    %dma_wait3A_189 = arith.constant 0 : i32
    %dma_wait3A_190 = arith.constant 0 : i32
    %dma_wait3A_191 = arith.constant 0 : i32
    %dma_wait3A_192 = tpu.memref_slice %arg2[%dma_wait3A_189, %dma_wait3A_190, %dma_wait3A_191] : memref<100000x8x128xf32, #tpu.memory_space<hbm>> -> memref<100000x8x128xf32, #tpu.memory_space<hbm>>
    tpu.wait_indirect_dma semaphore(%arg10 : memref<!tpu.dma_semaphore, #tpu.memory_space<semaphore_mem>>) src(%dma_wait3A_192 : memref<100000x8x128xf32, #tpu.memory_space<hbm>>) dst(%arg7 : memref<40x8x128xf32, #tpu.memory_space<vmem>>)
    %add3A_193 = arith.constant 280 : i32
    %add3A_194 = arith.addi %mul3A_2, %add3A_193 : i32
    %dma_start3A_195 = arith.constant 0 : i32
    %dma_start3A_196 = arith.constant 0 : i32
    %dma_start3A_197 = tpu.memref_slice %arg4[%add3A_194, %dma_start3A_195, %dma_start3A_196] : memref<10240x8x128xf32, #tpu.memory_space<hbm>> -> memref<40x8x128xf32, #tpu.memory_space<hbm>>
    %dma_start3A_198 = arith.constant 0 : i32
    %dma_start3A_199 = arith.constant 0 : i32
    %dma_start3A_200 = tpu.memref_slice %arg4[%add3A_194, %dma_start3A_198, %dma_start3A_199] : memref<10240x8x128xf32, #tpu.memory_space<hbm>> -> memref<40x8x128xf32, #tpu.memory_space<hbm>>
    tpu.enqueue_dma source(%arg7 : memref<40x8x128xf32, #tpu.memory_space<vmem>>) target(%dma_start3A_200 : memref<40x8x128xf32, #tpu.memory_space<hbm>>) target_semaphore(%arg13 : memref<!tpu.dma_semaphore, #tpu.memory_space<semaphore_mem>>)
    %dma_wait3A_201 = arith.constant 0 : i32
    %dma_wait3A_202 = arith.constant 0 : i32
    %dma_wait3A_203 = arith.constant 0 : i32
    %dma_wait3A_204 = tpu.memref_slice %arg4[%dma_wait3A_201, %dma_wait3A_202, %dma_wait3A_203] : memref<10240x8x128xf32, #tpu.memory_space<hbm>> -> memref<40x8x128xf32, #tpu.memory_space<hbm>>
    %dma_wait3A_205 = arith.constant 0 : i32
    %dma_wait3A_206 = arith.constant 0 : i32
    %dma_wait3A_207 = arith.constant 0 : i32
    %dma_wait3A_208 = tpu.memref_slice %arg4[%dma_wait3A_205, %dma_wait3A_206, %dma_wait3A_207] : memref<10240x8x128xf32, #tpu.memory_space<hbm>> -> memref<40x8x128xf32, #tpu.memory_space<hbm>>
    tpu.wait_dma2 semaphore(%arg12 : memref<!tpu.dma_semaphore, #tpu.memory_space<semaphore_mem>>) src(%arg6 : memref<40x8x128xf32, #tpu.memory_space<vmem>>) dst(%dma_wait3A_208 : memref<40x8x128xf32, #tpu.memory_space<hbm>>)
    %dma_wait3A_209 = arith.constant 0 : i32
    %dma_wait3A_210 = arith.constant 0 : i32
    %dma_wait3A_211 = arith.constant 0 : i32
    %dma_wait3A_212 = tpu.memref_slice %arg4[%dma_wait3A_209, %dma_wait3A_210, %dma_wait3A_211] : memref<10240x8x128xf32, #tpu.memory_space<hbm>> -> memref<40x8x128xf32, #tpu.memory_space<hbm>>
    %dma_wait3A_213 = arith.constant 0 : i32
    %dma_wait3A_214 = arith.constant 0 : i32
    %dma_wait3A_215 = arith.constant 0 : i32
    %dma_wait3A_216 = tpu.memref_slice %arg4[%dma_wait3A_213, %dma_wait3A_214, %dma_wait3A_215] : memref<10240x8x128xf32, #tpu.memory_space<hbm>> -> memref<40x8x128xf32, #tpu.memory_space<hbm>>
    tpu.wait_dma2 semaphore(%arg13 : memref<!tpu.dma_semaphore, #tpu.memory_space<semaphore_mem>>) src(%arg7 : memref<40x8x128xf32, #tpu.memory_space<vmem>>) dst(%dma_wait3A_216 : memref<40x8x128xf32, #tpu.memory_space<hbm>>)
    %dma_wait3A_217 = arith.constant 0 : i32
    %dma_wait3A_218 = arith.constant 0 : i32
    %dma_wait3A_219 = arith.constant 0 : i32
    %dma_wait3A_220 = tpu.memref_slice %arg4[%dma_wait3A_217, %dma_wait3A_218, %dma_wait3A_219] : memref<10240x8x128xf32, #tpu.memory_space<hbm>> -> memref<40x8x128xf32, #tpu.memory_space<hbm>>
    %dma_wait3A_221 = arith.constant 0 : i32
    %dma_wait3A_222 = arith.constant 0 : i32
    %dma_wait3A_223 = arith.constant 0 : i32
    %dma_wait3A_224 = tpu.memref_slice %arg4[%dma_wait3A_221, %dma_wait3A_222, %dma_wait3A_223] : memref<10240x8x128xf32, #tpu.memory_space<hbm>> -> memref<40x8x128xf32, #tpu.memory_space<hbm>>
    tpu.wait_dma2 semaphore(%arg14 : memref<!tpu.dma_semaphore, #tpu.memory_space<semaphore_mem>>) src(%arg8 : memref<40x8x128xf32, #tpu.memory_space<vmem>>) dst(%dma_wait3A_224 : memref<40x8x128xf32, #tpu.memory_space<hbm>>)
    return
  }
}

#map = affine_map<(d0, d1) -> (0, 0, 0)>
#map1 = affine_map<(d0, d1) -> (0)>
module attributes {stable_mosaic.version = 14 : i64} {
  func.func @gather_kernel(%arg0: i32, %arg1: i32, %arg2: memref<100000x8x128xf32, #tpu.memory_space<hbm>>, %arg3: memref<10240xi32, #tpu.memory_space<hbm>>, %arg4: memref<10240x8x128xf32, #tpu.memory_space<hbm>>, %arg5: memref<320xi32, #tpu.memory_space<vmem>>, %arg6: memref<40x8x128xf32, #tpu.memory_space<vmem>>, %arg7: memref<40x8x128xf32, #tpu.memory_space<vmem>>, %arg8: memref<40x8x128xf32, #tpu.memory_space<vmem>>, %arg9: memref<!tpu.dma_semaphore, #tpu.memory_space<semaphore_mem>>, %arg10: memref<!tpu.dma_semaphore, #tpu.memory_space<semaphore_mem>>, %arg11: memref<!tpu.dma_semaphore, #tpu.memory_space<semaphore_mem>>, %arg12: memref<!tpu.dma_semaphore, #tpu.memory_space<semaphore_mem>>, %arg13: memref<!tpu.dma_semaphore, #tpu.memory_space<semaphore_mem>>, %arg14: memref<!tpu.dma_semaphore, #tpu.memory_space<semaphore_mem>>) attributes {dimension_semantics = [#tpu.dimension_semantics<core_parallel>, #tpu.dimension_semantics<subcore_parallel>], iteration_bounds = array<i64: 2, 16>, scalar_prefetch = 0 : i64, scratch_operands = 10 : i64, tpu.core_type = #tpu.core_type<sc_vector_subcore>, window_params = [{transform_indices = #map}, {transform_indices = #map1}, {transform_indices = #map}]} {
    %mul3A = arith.constant 2 : i32
    %mul3A_0 = arith.muli %arg1, %mul3A : i32
    %add3A = arith.addi %mul3A_0, %arg0 : i32
    %mul3A_1 = arith.constant 320 : i32
    %mul3A_2 = arith.muli %add3A, %mul3A_1 : i32
    "tpu.region"() ({
      %run_scoped3A = tpu.sem_alloc : memref<!tpu.dma_semaphore, #tpu.memory_space<semaphore_mem>>
      %dma_start3A_225 = tpu.memref_slice %arg3[%mul3A_2] : memref<10240xi32, #tpu.memory_space<hbm>> -> memref<320xi32, #tpu.memory_space<hbm>>
      %dma_start3A_226 = tpu.memref_slice %arg3[%mul3A_2] : memref<10240xi32, #tpu.memory_space<hbm>> -> memref<320xi32, #tpu.memory_space<hbm>>
      tpu.enqueue_dma source(%dma_start3A_226 : memref<320xi32, #tpu.memory_space<hbm>>) target(%arg5 : memref<320xi32, #tpu.memory_space<vmem>>) target_semaphore(%run_scoped3A : memref<!tpu.dma_semaphore, #tpu.memory_space<semaphore_mem>>)
      %dma_wait3A_227 = tpu.memref_slice %arg3[%mul3A_2] : memref<10240xi32, #tpu.memory_space<hbm>> -> memref<320xi32, #tpu.memory_space<hbm>>
      %dma_wait3A_228 = tpu.memref_slice %arg3[%mul3A_2] : memref<10240xi32, #tpu.memory_space<hbm>> -> memref<320xi32, #tpu.memory_space<hbm>>
      tpu.wait_dma2 semaphore(%run_scoped3A : memref<!tpu.dma_semaphore, #tpu.memory_space<semaphore_mem>>) src(%dma_wait3A_228 : memref<320xi32, #tpu.memory_space<hbm>>) dst(%arg5 : memref<320xi32, #tpu.memory_space<vmem>>)
      tpu.yield
    }) : () -> ()
    %dma_start3A = arith.constant 0 : i32
    %dma_start3A_3 = tpu.memref_slice %arg5[%dma_start3A] : memref<320xi32, #tpu.memory_space<vmem>> -> memref<40xi32, #tpu.memory_space<vmem>>
    %dma_start3A_4 = arith.constant 0 : i32
    %dma_start3A_5 = arith.constant 0 : i32
    %dma_start3A_6 = arith.constant 0 : i32
    %dma_start3A_7 = tpu.memref_slice %arg2[%dma_start3A_4, %dma_start3A_5, %dma_start3A_6] : memref<100000x8x128xf32, #tpu.memory_space<hbm>> -> memref<100000x8x128xf32, #tpu.memory_space<hbm>>
    tpu.enqueue_indirect_dma source(%dma_start3A_7 : memref<100000x8x128xf32, #tpu.memory_space<hbm>>) target(%arg6 : memref<40x8x128xf32, #tpu.memory_space<vmem>>) offsets(%dma_start3A_3 : memref<40xi32, #tpu.memory_space<vmem>>) semaphore(%arg9 : memref<!tpu.dma_semaphore, #tpu.memory_space<semaphore_mem>>)
    %dma_start3A_8 = arith.constant 40 : i32
    %dma_start3A_9 = tpu.memref_slice %arg5[%dma_start3A_8] : memref<320xi32, #tpu.memory_space<vmem>> -> memref<40xi32, #tpu.memory_space<vmem>>
    %dma_start3A_10 = arith.constant 0 : i32
    %dma_start3A_11 = arith.constant 0 : i32
    %dma_start3A_12 = arith.constant 0 : i32
    %dma_start3A_13 = tpu.memref_slice %arg2[%dma_start3A_10, %dma_start3A_11, %dma_start3A_12] : memref<100000x8x128xf32, #tpu.memory_space<hbm>> -> memref<100000x8x128xf32, #tpu.memory_space<hbm>>
    tpu.enqueue_indirect_dma source(%dma_start3A_13 : memref<100000x8x128xf32, #tpu.memory_space<hbm>>) target(%arg7 : memref<40x8x128xf32, #tpu.memory_space<vmem>>) offsets(%dma_start3A_9 : memref<40xi32, #tpu.memory_space<vmem>>) semaphore(%arg10 : memref<!tpu.dma_semaphore, #tpu.memory_space<semaphore_mem>>)
    %dma_start3A_14 = arith.constant 80 : i32
    %dma_start3A_15 = tpu.memref_slice %arg5[%dma_start3A_14] : memref<320xi32, #tpu.memory_space<vmem>> -> memref<40xi32, #tpu.memory_space<vmem>>
    %dma_start3A_16 = arith.constant 0 : i32
    %dma_start3A_17 = arith.constant 0 : i32
    %dma_start3A_18 = arith.constant 0 : i32
    %dma_start3A_19 = tpu.memref_slice %arg2[%dma_start3A_16, %dma_start3A_17, %dma_start3A_18] : memref<100000x8x128xf32, #tpu.memory_space<hbm>> -> memref<100000x8x128xf32, #tpu.memory_space<hbm>>
    tpu.enqueue_indirect_dma source(%dma_start3A_19 : memref<100000x8x128xf32, #tpu.memory_space<hbm>>) target(%arg8 : memref<40x8x128xf32, #tpu.memory_space<vmem>>) offsets(%dma_start3A_15 : memref<40xi32, #tpu.memory_space<vmem>>) semaphore(%arg11 : memref<!tpu.dma_semaphore, #tpu.memory_space<semaphore_mem>>)
    %dma_wait3A = arith.constant 0 : i32
    %dma_wait3A_20 = tpu.memref_slice %arg5[%dma_wait3A] : memref<320xi32, #tpu.memory_space<vmem>> -> memref<40xi32, #tpu.memory_space<vmem>>
    %dma_wait3A_21 = arith.constant 0 : i32
    %dma_wait3A_22 = arith.constant 0 : i32
    %dma_wait3A_23 = arith.constant 0 : i32
    %dma_wait3A_24 = tpu.memref_slice %arg2[%dma_wait3A_21, %dma_wait3A_22, %dma_wait3A_23] : memref<100000x8x128xf32, #tpu.memory_space<hbm>> -> memref<100000x8x128xf32, #tpu.memory_space<hbm>>
    tpu.wait_indirect_dma semaphore(%arg9 : memref<!tpu.dma_semaphore, #tpu.memory_space<semaphore_mem>>) src(%dma_wait3A_24 : memref<100000x8x128xf32, #tpu.memory_space<hbm>>) dst(%arg6 : memref<40x8x128xf32, #tpu.memory_space<vmem>>)
    %add3A_25 = arith.constant 0 : i32
    %add3A_26 = arith.addi %mul3A_2, %add3A_25 : i32
    %dma_start3A_27 = arith.constant 0 : i32
    %dma_start3A_28 = arith.constant 0 : i32
    %dma_start3A_29 = tpu.memref_slice %arg4[%add3A_26, %dma_start3A_27, %dma_start3A_28] : memref<10240x8x128xf32, #tpu.memory_space<hbm>> -> memref<40x8x128xf32, #tpu.memory_space<hbm>>
    %dma_start3A_30 = arith.constant 0 : i32
    %dma_start3A_31 = arith.constant 0 : i32
    %dma_start3A_32 = tpu.memref_slice %arg4[%add3A_26, %dma_start3A_30, %dma_start3A_31] : memref<10240x8x128xf32, #tpu.memory_space<hbm>> -> memref<40x8x128xf32, #tpu.memory_space<hbm>>
    tpu.enqueue_dma source(%arg6 : memref<40x8x128xf32, #tpu.memory_space<vmem>>) target(%dma_start3A_32 : memref<40x8x128xf32, #tpu.memory_space<hbm>>) target_semaphore(%arg12 : memref<!tpu.dma_semaphore, #tpu.memory_space<semaphore_mem>>)
    %dma_wait3A_33 = arith.constant 0 : i32
    %dma_wait3A_34 = arith.constant 0 : i32
    %dma_wait3A_35 = arith.constant 0 : i32
    %dma_wait3A_36 = tpu.memref_slice %arg4[%dma_wait3A_33, %dma_wait3A_34, %dma_wait3A_35] : memref<10240x8x128xf32, #tpu.memory_space<hbm>> -> memref<40x8x128xf32, #tpu.memory_space<hbm>>
    %dma_wait3A_37 = arith.constant 0 : i32
    %dma_wait3A_38 = arith.constant 0 : i32
    %dma_wait3A_39 = arith.constant 0 : i32
    %dma_wait3A_40 = tpu.memref_slice %arg4[%dma_wait3A_37, %dma_wait3A_38, %dma_wait3A_39] : memref<10240x8x128xf32, #tpu.memory_space<hbm>> -> memref<40x8x128xf32, #tpu.memory_space<hbm>>
    tpu.wait_dma2 semaphore(%arg12 : memref<!tpu.dma_semaphore, #tpu.memory_space<semaphore_mem>>) src(%arg6 : memref<40x8x128xf32, #tpu.memory_space<vmem>>) dst(%dma_wait3A_40 : memref<40x8x128xf32, #tpu.memory_space<hbm>>)
    %dma_start3A_41 = arith.constant 120 : i32
    %dma_start3A_42 = tpu.memref_slice %arg5[%dma_start3A_41] : memref<320xi32, #tpu.memory_space<vmem>> -> memref<40xi32, #tpu.memory_space<vmem>>
    %dma_start3A_43 = arith.constant 0 : i32
    %dma_start3A_44 = arith.constant 0 : i32
    %dma_start3A_45 = arith.constant 0 : i32
    %dma_start3A_46 = tpu.memref_slice %arg2[%dma_start3A_43, %dma_start3A_44, %dma_start3A_45] : memref<100000x8x128xf32, #tpu.memory_space<hbm>> -> memref<100000x8x128xf32, #tpu.memory_space<hbm>>
    tpu.enqueue_indirect_dma source(%dma_start3A_46 : memref<100000x8x128xf32, #tpu.memory_space<hbm>>) target(%arg6 : memref<40x8x128xf32, #tpu.memory_space<vmem>>) offsets(%dma_start3A_42 : memref<40xi32, #tpu.memory_space<vmem>>) semaphore(%arg9 : memref<!tpu.dma_semaphore, #tpu.memory_space<semaphore_mem>>)
    %dma_wait3A_47 = arith.constant 40 : i32
    %dma_wait3A_48 = tpu.memref_slice %arg5[%dma_wait3A_47] : memref<320xi32, #tpu.memory_space<vmem>> -> memref<40xi32, #tpu.memory_space<vmem>>
    %dma_wait3A_49 = arith.constant 0 : i32
    %dma_wait3A_50 = arith.constant 0 : i32
    %dma_wait3A_51 = arith.constant 0 : i32
    %dma_wait3A_52 = tpu.memref_slice %arg2[%dma_wait3A_49, %dma_wait3A_50, %dma_wait3A_51] : memref<100000x8x128xf32, #tpu.memory_space<hbm>> -> memref<100000x8x128xf32, #tpu.memory_space<hbm>>
    tpu.wait_indirect_dma semaphore(%arg10 : memref<!tpu.dma_semaphore, #tpu.memory_space<semaphore_mem>>) src(%dma_wait3A_52 : memref<100000x8x128xf32, #tpu.memory_space<hbm>>) dst(%arg7 : memref<40x8x128xf32, #tpu.memory_space<vmem>>)
    %add3A_53 = arith.constant 40 : i32
    %add3A_54 = arith.addi %mul3A_2, %add3A_53 : i32
    %dma_start3A_55 = arith.constant 0 : i32
    %dma_start3A_56 = arith.constant 0 : i32
    %dma_start3A_57 = tpu.memref_slice %arg4[%add3A_54, %dma_start3A_55, %dma_start3A_56] : memref<10240x8x128xf32, #tpu.memory_space<hbm>> -> memref<40x8x128xf32, #tpu.memory_space<hbm>>
    %dma_start3A_58 = arith.constant 0 : i32
    %dma_start3A_59 = arith.constant 0 : i32
    %dma_start3A_60 = tpu.memref_slice %arg4[%add3A_54, %dma_start3A_58, %dma_start3A_59] : memref<10240x8x128xf32, #tpu.memory_space<hbm>> -> memref<40x8x128xf32, #tpu.memory_space<hbm>>
    tpu.enqueue_dma source(%arg7 : memref<40x8x128xf32, #tpu.memory_space<vmem>>) target(%dma_start3A_60 : memref<40x8x128xf32, #tpu.memory_space<hbm>>) target_semaphore(%arg13 : memref<!tpu.dma_semaphore, #tpu.memory_space<semaphore_mem>>)
    %dma_wait3A_61 = arith.constant 0 : i32
    %dma_wait3A_62 = arith.constant 0 : i32
    %dma_wait3A_63 = arith.constant 0 : i32
    %dma_wait3A_64 = tpu.memref_slice %arg4[%dma_wait3A_61, %dma_wait3A_62, %dma_wait3A_63] : memref<10240x8x128xf32, #tpu.memory_space<hbm>> -> memref<40x8x128xf32, #tpu.memory_space<hbm>>
    %dma_wait3A_65 = arith.constant 0 : i32
    %dma_wait3A_66 = arith.constant 0 : i32
    %dma_wait3A_67 = arith.constant 0 : i32
    %dma_wait3A_68 = tpu.memref_slice %arg4[%dma_wait3A_65, %dma_wait3A_66, %dma_wait3A_67] : memref<10240x8x128xf32, #tpu.memory_space<hbm>> -> memref<40x8x128xf32, #tpu.memory_space<hbm>>
    tpu.wait_dma2 semaphore(%arg13 : memref<!tpu.dma_semaphore, #tpu.memory_space<semaphore_mem>>) src(%arg7 : memref<40x8x128xf32, #tpu.memory_space<vmem>>) dst(%dma_wait3A_68 : memref<40x8x128xf32, #tpu.memory_space<hbm>>)
    %dma_start3A_69 = arith.constant 160 : i32
    %dma_start3A_70 = tpu.memref_slice %arg5[%dma_start3A_69] : memref<320xi32, #tpu.memory_space<vmem>> -> memref<40xi32, #tpu.memory_space<vmem>>
    %dma_start3A_71 = arith.constant 0 : i32
    %dma_start3A_72 = arith.constant 0 : i32
    %dma_start3A_73 = arith.constant 0 : i32
    %dma_start3A_74 = tpu.memref_slice %arg2[%dma_start3A_71, %dma_start3A_72, %dma_start3A_73] : memref<100000x8x128xf32, #tpu.memory_space<hbm>> -> memref<100000x8x128xf32, #tpu.memory_space<hbm>>
    tpu.enqueue_indirect_dma source(%dma_start3A_74 : memref<100000x8x128xf32, #tpu.memory_space<hbm>>) target(%arg7 : memref<40x8x128xf32, #tpu.memory_space<vmem>>) offsets(%dma_start3A_70 : memref<40xi32, #tpu.memory_space<vmem>>) semaphore(%arg10 : memref<!tpu.dma_semaphore, #tpu.memory_space<semaphore_mem>>)
    %dma_wait3A_75 = arith.constant 80 : i32
    %dma_wait3A_76 = tpu.memref_slice %arg5[%dma_wait3A_75] : memref<320xi32, #tpu.memory_space<vmem>> -> memref<40xi32, #tpu.memory_space<vmem>>
    %dma_wait3A_77 = arith.constant 0 : i32
    %dma_wait3A_78 = arith.constant 0 : i32
    %dma_wait3A_79 = arith.constant 0 : i32
    %dma_wait3A_80 = tpu.memref_slice %arg2[%dma_wait3A_77, %dma_wait3A_78, %dma_wait3A_79] : memref<100000x8x128xf32, #tpu.memory_space<hbm>> -> memref<100000x8x128xf32, #tpu.memory_space<hbm>>
    tpu.wait_indirect_dma semaphore(%arg11 : memref<!tpu.dma_semaphore, #tpu.memory_space<semaphore_mem>>) src(%dma_wait3A_80 : memref<100000x8x128xf32, #tpu.memory_space<hbm>>) dst(%arg8 : memref<40x8x128xf32, #tpu.memory_space<vmem>>)
    %add3A_81 = arith.constant 80 : i32
    %add3A_82 = arith.addi %mul3A_2, %add3A_81 : i32
    %dma_start3A_83 = arith.constant 0 : i32
    %dma_start3A_84 = arith.constant 0 : i32
    %dma_start3A_85 = tpu.memref_slice %arg4[%add3A_82, %dma_start3A_83, %dma_start3A_84] : memref<10240x8x128xf32, #tpu.memory_space<hbm>> -> memref<40x8x128xf32, #tpu.memory_space<hbm>>
    %dma_start3A_86 = arith.constant 0 : i32
    %dma_start3A_87 = arith.constant 0 : i32
    %dma_start3A_88 = tpu.memref_slice %arg4[%add3A_82, %dma_start3A_86, %dma_start3A_87] : memref<10240x8x128xf32, #tpu.memory_space<hbm>> -> memref<40x8x128xf32, #tpu.memory_space<hbm>>
    tpu.enqueue_dma source(%arg8 : memref<40x8x128xf32, #tpu.memory_space<vmem>>) target(%dma_start3A_88 : memref<40x8x128xf32, #tpu.memory_space<hbm>>) target_semaphore(%arg14 : memref<!tpu.dma_semaphore, #tpu.memory_space<semaphore_mem>>)
    %dma_wait3A_89 = arith.constant 0 : i32
    %dma_wait3A_90 = arith.constant 0 : i32
    %dma_wait3A_91 = arith.constant 0 : i32
    %dma_wait3A_92 = tpu.memref_slice %arg4[%dma_wait3A_89, %dma_wait3A_90, %dma_wait3A_91] : memref<10240x8x128xf32, #tpu.memory_space<hbm>> -> memref<40x8x128xf32, #tpu.memory_space<hbm>>
    %dma_wait3A_93 = arith.constant 0 : i32
    %dma_wait3A_94 = arith.constant 0 : i32
    %dma_wait3A_95 = arith.constant 0 : i32
    %dma_wait3A_96 = tpu.memref_slice %arg4[%dma_wait3A_93, %dma_wait3A_94, %dma_wait3A_95] : memref<10240x8x128xf32, #tpu.memory_space<hbm>> -> memref<40x8x128xf32, #tpu.memory_space<hbm>>
    tpu.wait_dma2 semaphore(%arg14 : memref<!tpu.dma_semaphore, #tpu.memory_space<semaphore_mem>>) src(%arg8 : memref<40x8x128xf32, #tpu.memory_space<vmem>>) dst(%dma_wait3A_96 : memref<40x8x128xf32, #tpu.memory_space<hbm>>)
    %dma_start3A_97 = arith.constant 200 : i32
    %dma_start3A_98 = tpu.memref_slice %arg5[%dma_start3A_97] : memref<320xi32, #tpu.memory_space<vmem>> -> memref<40xi32, #tpu.memory_space<vmem>>
    %dma_start3A_99 = arith.constant 0 : i32
    %dma_start3A_100 = arith.constant 0 : i32
    %dma_start3A_101 = arith.constant 0 : i32
    %dma_start3A_102 = tpu.memref_slice %arg2[%dma_start3A_99, %dma_start3A_100, %dma_start3A_101] : memref<100000x8x128xf32, #tpu.memory_space<hbm>> -> memref<100000x8x128xf32, #tpu.memory_space<hbm>>
    tpu.enqueue_indirect_dma source(%dma_start3A_102 : memref<100000x8x128xf32, #tpu.memory_space<hbm>>) target(%arg8 : memref<40x8x128xf32, #tpu.memory_space<vmem>>) offsets(%dma_start3A_98 : memref<40xi32, #tpu.memory_space<vmem>>) semaphore(%arg11 : memref<!tpu.dma_semaphore, #tpu.memory_space<semaphore_mem>>)
    %dma_wait3A_103 = arith.constant 120 : i32
    %dma_wait3A_104 = tpu.memref_slice %arg5[%dma_wait3A_103] : memref<320xi32, #tpu.memory_space<vmem>> -> memref<40xi32, #tpu.memory_space<vmem>>
    %dma_wait3A_105 = arith.constant 0 : i32
    %dma_wait3A_106 = arith.constant 0 : i32
    %dma_wait3A_107 = arith.constant 0 : i32
    %dma_wait3A_108 = tpu.memref_slice %arg2[%dma_wait3A_105, %dma_wait3A_106, %dma_wait3A_107] : memref<100000x8x128xf32, #tpu.memory_space<hbm>> -> memref<100000x8x128xf32, #tpu.memory_space<hbm>>
    tpu.wait_indirect_dma semaphore(%arg9 : memref<!tpu.dma_semaphore, #tpu.memory_space<semaphore_mem>>) src(%dma_wait3A_108 : memref<100000x8x128xf32, #tpu.memory_space<hbm>>) dst(%arg6 : memref<40x8x128xf32, #tpu.memory_space<vmem>>)
    %add3A_109 = arith.constant 120 : i32
    %add3A_110 = arith.addi %mul3A_2, %add3A_109 : i32
    %dma_start3A_111 = arith.constant 0 : i32
    %dma_start3A_112 = arith.constant 0 : i32
    %dma_start3A_113 = tpu.memref_slice %arg4[%add3A_110, %dma_start3A_111, %dma_start3A_112] : memref<10240x8x128xf32, #tpu.memory_space<hbm>> -> memref<40x8x128xf32, #tpu.memory_space<hbm>>
    %dma_start3A_114 = arith.constant 0 : i32
    %dma_start3A_115 = arith.constant 0 : i32
    %dma_start3A_116 = tpu.memref_slice %arg4[%add3A_110, %dma_start3A_114, %dma_start3A_115] : memref<10240x8x128xf32, #tpu.memory_space<hbm>> -> memref<40x8x128xf32, #tpu.memory_space<hbm>>
    tpu.enqueue_dma source(%arg6 : memref<40x8x128xf32, #tpu.memory_space<vmem>>) target(%dma_start3A_116 : memref<40x8x128xf32, #tpu.memory_space<hbm>>) target_semaphore(%arg12 : memref<!tpu.dma_semaphore, #tpu.memory_space<semaphore_mem>>)
    %dma_wait3A_117 = arith.constant 0 : i32
    %dma_wait3A_118 = arith.constant 0 : i32
    %dma_wait3A_119 = arith.constant 0 : i32
    %dma_wait3A_120 = tpu.memref_slice %arg4[%dma_wait3A_117, %dma_wait3A_118, %dma_wait3A_119] : memref<10240x8x128xf32, #tpu.memory_space<hbm>> -> memref<40x8x128xf32, #tpu.memory_space<hbm>>
    %dma_wait3A_121 = arith.constant 0 : i32
    %dma_wait3A_122 = arith.constant 0 : i32
    %dma_wait3A_123 = arith.constant 0 : i32
    %dma_wait3A_124 = tpu.memref_slice %arg4[%dma_wait3A_121, %dma_wait3A_122, %dma_wait3A_123] : memref<10240x8x128xf32, #tpu.memory_space<hbm>> -> memref<40x8x128xf32, #tpu.memory_space<hbm>>
    tpu.wait_dma2 semaphore(%arg12 : memref<!tpu.dma_semaphore, #tpu.memory_space<semaphore_mem>>) src(%arg6 : memref<40x8x128xf32, #tpu.memory_space<vmem>>) dst(%dma_wait3A_124 : memref<40x8x128xf32, #tpu.memory_space<hbm>>)
    %dma_start3A_125 = arith.constant 240 : i32
    %dma_start3A_126 = tpu.memref_slice %arg5[%dma_start3A_125] : memref<320xi32, #tpu.memory_space<vmem>> -> memref<40xi32, #tpu.memory_space<vmem>>
    %dma_start3A_127 = arith.constant 0 : i32
    %dma_start3A_128 = arith.constant 0 : i32
    %dma_start3A_129 = arith.constant 0 : i32
    %dma_start3A_130 = tpu.memref_slice %arg2[%dma_start3A_127, %dma_start3A_128, %dma_start3A_129] : memref<100000x8x128xf32, #tpu.memory_space<hbm>> -> memref<100000x8x128xf32, #tpu.memory_space<hbm>>
    tpu.enqueue_indirect_dma source(%dma_start3A_130 : memref<100000x8x128xf32, #tpu.memory_space<hbm>>) target(%arg6 : memref<40x8x128xf32, #tpu.memory_space<vmem>>) offsets(%dma_start3A_126 : memref<40xi32, #tpu.memory_space<vmem>>) semaphore(%arg9 : memref<!tpu.dma_semaphore, #tpu.memory_space<semaphore_mem>>)
    %dma_wait3A_131 = arith.constant 160 : i32
    %dma_wait3A_132 = tpu.memref_slice %arg5[%dma_wait3A_131] : memref<320xi32, #tpu.memory_space<vmem>> -> memref<40xi32, #tpu.memory_space<vmem>>
    %dma_wait3A_133 = arith.constant 0 : i32
    %dma_wait3A_134 = arith.constant 0 : i32
    %dma_wait3A_135 = arith.constant 0 : i32
    %dma_wait3A_136 = tpu.memref_slice %arg2[%dma_wait3A_133, %dma_wait3A_134, %dma_wait3A_135] : memref<100000x8x128xf32, #tpu.memory_space<hbm>> -> memref<100000x8x128xf32, #tpu.memory_space<hbm>>
    tpu.wait_indirect_dma semaphore(%arg10 : memref<!tpu.dma_semaphore, #tpu.memory_space<semaphore_mem>>) src(%dma_wait3A_136 : memref<100000x8x128xf32, #tpu.memory_space<hbm>>) dst(%arg7 : memref<40x8x128xf32, #tpu.memory_space<vmem>>)
    %add3A_137 = arith.constant 160 : i32
    %add3A_138 = arith.addi %mul3A_2, %add3A_137 : i32
    %dma_start3A_139 = arith.constant 0 : i32
    %dma_start3A_140 = arith.constant 0 : i32
    %dma_start3A_141 = tpu.memref_slice %arg4[%add3A_138, %dma_start3A_139, %dma_start3A_140] : memref<10240x8x128xf32, #tpu.memory_space<hbm>> -> memref<40x8x128xf32, #tpu.memory_space<hbm>>
    %dma_start3A_142 = arith.constant 0 : i32
    %dma_start3A_143 = arith.constant 0 : i32
    %dma_start3A_144 = tpu.memref_slice %arg4[%add3A_138, %dma_start3A_142, %dma_start3A_143] : memref<10240x8x128xf32, #tpu.memory_space<hbm>> -> memref<40x8x128xf32, #tpu.memory_space<hbm>>
    tpu.enqueue_dma source(%arg7 : memref<40x8x128xf32, #tpu.memory_space<vmem>>) target(%dma_start3A_144 : memref<40x8x128xf32, #tpu.memory_space<hbm>>) target_semaphore(%arg13 : memref<!tpu.dma_semaphore, #tpu.memory_space<semaphore_mem>>)
    %dma_wait3A_145 = arith.constant 0 : i32
    %dma_wait3A_146 = arith.constant 0 : i32
    %dma_wait3A_147 = arith.constant 0 : i32
    %dma_wait3A_148 = tpu.memref_slice %arg4[%dma_wait3A_145, %dma_wait3A_146, %dma_wait3A_147] : memref<10240x8x128xf32, #tpu.memory_space<hbm>> -> memref<40x8x128xf32, #tpu.memory_space<hbm>>
    %dma_wait3A_149 = arith.constant 0 : i32
    %dma_wait3A_150 = arith.constant 0 : i32
    %dma_wait3A_151 = arith.constant 0 : i32
    %dma_wait3A_152 = tpu.memref_slice %arg4[%dma_wait3A_149, %dma_wait3A_150, %dma_wait3A_151] : memref<10240x8x128xf32, #tpu.memory_space<hbm>> -> memref<40x8x128xf32, #tpu.memory_space<hbm>>
    tpu.wait_dma2 semaphore(%arg13 : memref<!tpu.dma_semaphore, #tpu.memory_space<semaphore_mem>>) src(%arg7 : memref<40x8x128xf32, #tpu.memory_space<vmem>>) dst(%dma_wait3A_152 : memref<40x8x128xf32, #tpu.memory_space<hbm>>)
    %dma_start3A_153 = arith.constant 280 : i32
    %dma_start3A_154 = tpu.memref_slice %arg5[%dma_start3A_153] : memref<320xi32, #tpu.memory_space<vmem>> -> memref<40xi32, #tpu.memory_space<vmem>>
    %dma_start3A_155 = arith.constant 0 : i32
    %dma_start3A_156 = arith.constant 0 : i32
    %dma_start3A_157 = arith.constant 0 : i32
    %dma_start3A_158 = tpu.memref_slice %arg2[%dma_start3A_155, %dma_start3A_156, %dma_start3A_157] : memref<100000x8x128xf32, #tpu.memory_space<hbm>> -> memref<100000x8x128xf32, #tpu.memory_space<hbm>>
    tpu.enqueue_indirect_dma source(%dma_start3A_158 : memref<100000x8x128xf32, #tpu.memory_space<hbm>>) target(%arg7 : memref<40x8x128xf32, #tpu.memory_space<vmem>>) offsets(%dma_start3A_154 : memref<40xi32, #tpu.memory_space<vmem>>) semaphore(%arg10 : memref<!tpu.dma_semaphore, #tpu.memory_space<semaphore_mem>>)
    %dma_wait3A_159 = arith.constant 200 : i32
    %dma_wait3A_160 = tpu.memref_slice %arg5[%dma_wait3A_159] : memref<320xi32, #tpu.memory_space<vmem>> -> memref<40xi32, #tpu.memory_space<vmem>>
    %dma_wait3A_161 = arith.constant 0 : i32
    %dma_wait3A_162 = arith.constant 0 : i32
    %dma_wait3A_163 = arith.constant 0 : i32
    %dma_wait3A_164 = tpu.memref_slice %arg2[%dma_wait3A_161, %dma_wait3A_162, %dma_wait3A_163] : memref<100000x8x128xf32, #tpu.memory_space<hbm>> -> memref<100000x8x128xf32, #tpu.memory_space<hbm>>
    tpu.wait_indirect_dma semaphore(%arg11 : memref<!tpu.dma_semaphore, #tpu.memory_space<semaphore_mem>>) src(%dma_wait3A_164 : memref<100000x8x128xf32, #tpu.memory_space<hbm>>) dst(%arg8 : memref<40x8x128xf32, #tpu.memory_space<vmem>>)
    %add3A_165 = arith.constant 200 : i32
    %add3A_166 = arith.addi %mul3A_2, %add3A_165 : i32
    %dma_start3A_167 = arith.constant 0 : i32
    %dma_start3A_168 = arith.constant 0 : i32
    %dma_start3A_169 = tpu.memref_slice %arg4[%add3A_166, %dma_start3A_167, %dma_start3A_168] : memref<10240x8x128xf32, #tpu.memory_space<hbm>> -> memref<40x8x128xf32, #tpu.memory_space<hbm>>
    %dma_start3A_170 = arith.constant 0 : i32
    %dma_start3A_171 = arith.constant 0 : i32
    %dma_start3A_172 = tpu.memref_slice %arg4[%add3A_166, %dma_start3A_170, %dma_start3A_171] : memref<10240x8x128xf32, #tpu.memory_space<hbm>> -> memref<40x8x128xf32, #tpu.memory_space<hbm>>
    tpu.enqueue_dma source(%arg8 : memref<40x8x128xf32, #tpu.memory_space<vmem>>) target(%dma_start3A_172 : memref<40x8x128xf32, #tpu.memory_space<hbm>>) target_semaphore(%arg14 : memref<!tpu.dma_semaphore, #tpu.memory_space<semaphore_mem>>)
    %dma_wait3A_173 = arith.constant 240 : i32
    %dma_wait3A_174 = tpu.memref_slice %arg5[%dma_wait3A_173] : memref<320xi32, #tpu.memory_space<vmem>> -> memref<40xi32, #tpu.memory_space<vmem>>
    %dma_wait3A_175 = arith.constant 0 : i32
    %dma_wait3A_176 = arith.constant 0 : i32
    %dma_wait3A_177 = arith.constant 0 : i32
    %dma_wait3A_178 = tpu.memref_slice %arg2[%dma_wait3A_175, %dma_wait3A_176, %dma_wait3A_177] : memref<100000x8x128xf32, #tpu.memory_space<hbm>> -> memref<100000x8x128xf32, #tpu.memory_space<hbm>>
    tpu.wait_indirect_dma semaphore(%arg9 : memref<!tpu.dma_semaphore, #tpu.memory_space<semaphore_mem>>) src(%dma_wait3A_178 : memref<100000x8x128xf32, #tpu.memory_space<hbm>>) dst(%arg6 : memref<40x8x128xf32, #tpu.memory_space<vmem>>)
    %add3A_179 = arith.constant 240 : i32
    %add3A_180 = arith.addi %mul3A_2, %add3A_179 : i32
    %dma_start3A_181 = arith.constant 0 : i32
    %dma_start3A_182 = arith.constant 0 : i32
    %dma_start3A_183 = tpu.memref_slice %arg4[%add3A_180, %dma_start3A_181, %dma_start3A_182] : memref<10240x8x128xf32, #tpu.memory_space<hbm>> -> memref<40x8x128xf32, #tpu.memory_space<hbm>>
    %dma_start3A_184 = arith.constant 0 : i32
    %dma_start3A_185 = arith.constant 0 : i32
    %dma_start3A_186 = tpu.memref_slice %arg4[%add3A_180, %dma_start3A_184, %dma_start3A_185] : memref<10240x8x128xf32, #tpu.memory_space<hbm>> -> memref<40x8x128xf32, #tpu.memory_space<hbm>>
    tpu.enqueue_dma source(%arg6 : memref<40x8x128xf32, #tpu.memory_space<vmem>>) target(%dma_start3A_186 : memref<40x8x128xf32, #tpu.memory_space<hbm>>) target_semaphore(%arg12 : memref<!tpu.dma_semaphore, #tpu.memory_space<semaphore_mem>>)
    %dma_wait3A_187 = arith.constant 280 : i32
    %dma_wait3A_188 = tpu.memref_slice %arg5[%dma_wait3A_187] : memref<320xi32, #tpu.memory_space<vmem>> -> memref<40xi32, #tpu.memory_space<vmem>>
    %dma_wait3A_189 = arith.constant 0 : i32
    %dma_wait3A_190 = arith.constant 0 : i32
    %dma_wait3A_191 = arith.constant 0 : i32
    %dma_wait3A_192 = tpu.memref_slice %arg2[%dma_wait3A_189, %dma_wait3A_190, %dma_wait3A_191] : memref<100000x8x128xf32, #tpu.memory_space<hbm>> -> memref<100000x8x128xf32, #tpu.memory_space<hbm>>
    tpu.wait_indirect_dma semaphore(%arg10 : memref<!tpu.dma_semaphore, #tpu.memory_space<semaphore_mem>>) src(%dma_wait3A_192 : memref<100000x8x128xf32, #tpu.memory_space<hbm>>) dst(%arg7 : memref<40x8x128xf32, #tpu.memory_space<vmem>>)
    %add3A_193 = arith.constant 280 : i32
    %add3A_194 = arith.addi %mul3A_2, %add3A_193 : i32
    %dma_start3A_195 = arith.constant 0 : i32
    %dma_start3A_196 = arith.constant 0 : i32
    %dma_start3A_197 = tpu.memref_slice %arg4[%add3A_194, %dma_start3A_195, %dma_start3A_196] : memref<10240x8x128xf32, #tpu.memory_space<hbm>> -> memref<40x8x128xf32, #tpu.memory_space<hbm>>
    %dma_start3A_198 = arith.constant 0 : i32
    %dma_start3A_199 = arith.constant 0 : i32
    %dma_start3A_200 = tpu.memref_slice %arg4[%add3A_194, %dma_start3A_198, %dma_start3A_199] : memref<10240x8x128xf32, #tpu.memory_space<hbm>> -> memref<40x8x128xf32, #tpu.memory_space<hbm>>
    tpu.enqueue_dma source(%arg7 : memref<40x8x128xf32, #tpu.memory_space<vmem>>) target(%dma_start3A_200 : memref<40x8x128xf32, #tpu.memory_space<hbm>>) target_semaphore(%arg13 : memref<!tpu.dma_semaphore, #tpu.memory_space<semaphore_mem>>)
    %dma_wait3A_201 = arith.constant 0 : i32
    %dma_wait3A_202 = arith.constant 0 : i32
    %dma_wait3A_203 = arith.constant 0 : i32
    %dma_wait3A_204 = tpu.memref_slice %arg4[%dma_wait3A_201, %dma_wait3A_202, %dma_wait3A_203] : memref<10240x8x128xf32, #tpu.memory_space<hbm>> -> memref<40x8x128xf32, #tpu.memory_space<hbm>>
    %dma_wait3A_205 = arith.constant 0 : i32
    %dma_wait3A_206 = arith.constant 0 : i32
    %dma_wait3A_207 = arith.constant 0 : i32
    %dma_wait3A_208 = tpu.memref_slice %arg4[%dma_wait3A_205, %dma_wait3A_206, %dma_wait3A_207] : memref<10240x8x128xf32, #tpu.memory_space<hbm>> -> memref<40x8x128xf32, #tpu.memory_space<hbm>>
    tpu.wait_dma2 semaphore(%arg12 : memref<!tpu.dma_semaphore, #tpu.memory_space<semaphore_mem>>) src(%arg6 : memref<40x8x128xf32, #tpu.memory_space<vmem>>) dst(%dma_wait3A_208 : memref<40x8x128xf32, #tpu.memory_space<hbm>>)
    %dma_wait3A_209 = arith.constant 0 : i32
    %dma_wait3A_210 = arith.constant 0 : i32
    %dma_wait3A_211 = arith.constant 0 : i32
    %dma_wait3A_212 = tpu.memref_slice %arg4[%dma_wait3A_209, %dma_wait3A_210, %dma_wait3A_211] : memref<10240x8x128xf32, #tpu.memory_space<hbm>> -> memref<40x8x128xf32, #tpu.memory_space<hbm>>
    %dma_wait3A_213 = arith.constant 0 : i32
    %dma_wait3A_214 = arith.constant 0 : i32
    %dma_wait3A_215 = arith.constant 0 : i32
    %dma_wait3A_216 = tpu.memref_slice %arg4[%dma_wait3A_213, %dma_wait3A_214, %dma_wait3A_215] : memref<10240x8x128xf32, #tpu.memory_space<hbm>> -> memref<40x8x128xf32, #tpu.memory_space<hbm>>
    tpu.wait_dma2 semaphore(%arg13 : memref<!tpu.dma_semaphore, #tpu.memory_space<semaphore_mem>>) src(%arg7 : memref<40x8x128xf32, #tpu.memory_space<vmem>>) dst(%dma_wait3A_216 : memref<40x8x128xf32, #tpu.memory_space<hbm>>)
    %dma_wait3A_217 = arith.constant 0 : i32
    %dma_wait3A_218 = arith.constant 0 : i32
    %dma_wait3A_219 = arith.constant 0 : i32
    %dma_wait3A_220 = tpu.memref_slice %arg4[%dma_wait3A_217, %dma_wait3A_218, %dma_wait3A_219] : memref<10240x8x128xf32, #tpu.memory_space<hbm>> -> memref<40x8x128xf32, #tpu.memory_space<hbm>>
    %dma_wait3A_221 = arith.constant 0 : i32
    %dma_wait3A_222 = arith.constant 0 : i32
    %dma_wait3A_223 = arith.constant 0 : i32
    %dma_wait3A_224 = tpu.memref_slice %arg4[%dma_wait3A_221, %dma_wait3A_222, %dma_wait3A_223] : memref<10240x8x128xf32, #tpu.memory_space<hbm>> -> memref<40x8x128xf32, #tpu.memory_space<hbm>>
    tpu.wait_dma2 semaphore(%arg14 : memref<!tpu.dma_semaphore, #tpu.memory_space<semaphore_mem>>) src(%arg8 : memref<40x8x128xf32, #tpu.memory_space<vmem>>) dst(%dma_wait3A_224 : memref<40x8x128xf32, #tpu.memory_space<hbm>>)
    return
  }
}

#map = affine_map<(d0, d1) -> (0, 0, 0)>
#map1 = affine_map<(d0, d1) -> (0)>
module attributes {stable_mosaic.version = 14 : i64} {
  func.func @gather_kernel(%arg0: i32, %arg1: i32, %arg2: memref<100000x8x128xf32, #tpu.memory_space<hbm>>, %arg3: memref<10240xi32, #tpu.memory_space<hbm>>, %arg4: memref<10240x8x128xf32, #tpu.memory_space<hbm>>, %arg5: memref<320xi32, #tpu.memory_space<vmem>>, %arg6: memref<40x8x128xf32, #tpu.memory_space<vmem>>, %arg7: memref<40x8x128xf32, #tpu.memory_space<vmem>>, %arg8: memref<40x8x128xf32, #tpu.memory_space<vmem>>, %arg9: memref<!tpu.dma_semaphore, #tpu.memory_space<semaphore_mem>>, %arg10: memref<!tpu.dma_semaphore, #tpu.memory_space<semaphore_mem>>, %arg11: memref<!tpu.dma_semaphore, #tpu.memory_space<semaphore_mem>>, %arg12: memref<!tpu.dma_semaphore, #tpu.memory_space<semaphore_mem>>, %arg13: memref<!tpu.dma_semaphore, #tpu.memory_space<semaphore_mem>>, %arg14: memref<!tpu.dma_semaphore, #tpu.memory_space<semaphore_mem>>) attributes {dimension_semantics = [#tpu.dimension_semantics<core_parallel>, #tpu.dimension_semantics<subcore_parallel>], iteration_bounds = array<i64: 2, 16>, scalar_prefetch = 0 : i64, scratch_operands = 10 : i64, tpu.core_type = #tpu.core_type<sc_vector_subcore>, window_params = [{transform_indices = #map}, {transform_indices = #map1}, {transform_indices = #map}]} {
    %mul3A = arith.constant 2 : i32
    %mul3A_0 = arith.muli %arg1, %mul3A : i32
    %add3A = arith.addi %mul3A_0, %arg0 : i32
    %mul3A_1 = arith.constant 320 : i32
    %mul3A_2 = arith.muli %add3A, %mul3A_1 : i32
    "tpu.region"() ({
      %run_scoped3A = tpu.sem_alloc : memref<!tpu.dma_semaphore, #tpu.memory_space<semaphore_mem>>
      %dma_start3A_225 = tpu.memref_slice %arg3[%mul3A_2] : memref<10240xi32, #tpu.memory_space<hbm>> -> memref<320xi32, #tpu.memory_space<hbm>>
      %dma_start3A_226 = tpu.memref_slice %arg3[%mul3A_2] : memref<10240xi32, #tpu.memory_space<hbm>> -> memref<320xi32, #tpu.memory_space<hbm>>
      tpu.enqueue_dma source(%dma_start3A_226 : memref<320xi32, #tpu.memory_space<hbm>>) target(%arg5 : memref<320xi32, #tpu.memory_space<vmem>>) target_semaphore(%run_scoped3A : memref<!tpu.dma_semaphore, #tpu.memory_space<semaphore_mem>>)
      %dma_wait3A_227 = tpu.memref_slice %arg3[%mul3A_2] : memref<10240xi32, #tpu.memory_space<hbm>> -> memref<320xi32, #tpu.memory_space<hbm>>
      %dma_wait3A_228 = tpu.memref_slice %arg3[%mul3A_2] : memref<10240xi32, #tpu.memory_space<hbm>> -> memref<320xi32, #tpu.memory_space<hbm>>
      tpu.wait_dma2 semaphore(%run_scoped3A : memref<!tpu.dma_semaphore, #tpu.memory_space<semaphore_mem>>) src(%dma_wait3A_228 : memref<320xi32, #tpu.memory_space<hbm>>) dst(%arg5 : memref<320xi32, #tpu.memory_space<vmem>>)
      tpu.yield
    }) : () -> ()
    %dma_start3A = arith.constant 0 : i32
    %dma_start3A_3 = tpu.memref_slice %arg5[%dma_start3A] : memref<320xi32, #tpu.memory_space<vmem>> -> memref<40xi32, #tpu.memory_space<vmem>>
    %dma_start3A_4 = arith.constant 0 : i32
    %dma_start3A_5 = arith.constant 0 : i32
    %dma_start3A_6 = arith.constant 0 : i32
    %dma_start3A_7 = tpu.memref_slice %arg2[%dma_start3A_4, %dma_start3A_5, %dma_start3A_6] : memref<100000x8x128xf32, #tpu.memory_space<hbm>> -> memref<100000x8x128xf32, #tpu.memory_space<hbm>>
    tpu.enqueue_indirect_dma source(%dma_start3A_7 : memref<100000x8x128xf32, #tpu.memory_space<hbm>>) target(%arg6 : memref<40x8x128xf32, #tpu.memory_space<vmem>>) offsets(%dma_start3A_3 : memref<40xi32, #tpu.memory_space<vmem>>) semaphore(%arg9 : memref<!tpu.dma_semaphore, #tpu.memory_space<semaphore_mem>>)
    %dma_start3A_8 = arith.constant 40 : i32
    %dma_start3A_9 = tpu.memref_slice %arg5[%dma_start3A_8] : memref<320xi32, #tpu.memory_space<vmem>> -> memref<40xi32, #tpu.memory_space<vmem>>
    %dma_start3A_10 = arith.constant 0 : i32
    %dma_start3A_11 = arith.constant 0 : i32
    %dma_start3A_12 = arith.constant 0 : i32
    %dma_start3A_13 = tpu.memref_slice %arg2[%dma_start3A_10, %dma_start3A_11, %dma_start3A_12] : memref<100000x8x128xf32, #tpu.memory_space<hbm>> -> memref<100000x8x128xf32, #tpu.memory_space<hbm>>
    tpu.enqueue_indirect_dma source(%dma_start3A_13 : memref<100000x8x128xf32, #tpu.memory_space<hbm>>) target(%arg7 : memref<40x8x128xf32, #tpu.memory_space<vmem>>) offsets(%dma_start3A_9 : memref<40xi32, #tpu.memory_space<vmem>>) semaphore(%arg10 : memref<!tpu.dma_semaphore, #tpu.memory_space<semaphore_mem>>)
    %dma_start3A_14 = arith.constant 80 : i32
    %dma_start3A_15 = tpu.memref_slice %arg5[%dma_start3A_14] : memref<320xi32, #tpu.memory_space<vmem>> -> memref<40xi32, #tpu.memory_space<vmem>>
    %dma_start3A_16 = arith.constant 0 : i32
    %dma_start3A_17 = arith.constant 0 : i32
    %dma_start3A_18 = arith.constant 0 : i32
    %dma_start3A_19 = tpu.memref_slice %arg2[%dma_start3A_16, %dma_start3A_17, %dma_start3A_18] : memref<100000x8x128xf32, #tpu.memory_space<hbm>> -> memref<100000x8x128xf32, #tpu.memory_space<hbm>>
    tpu.enqueue_indirect_dma source(%dma_start3A_19 : memref<100000x8x128xf32, #tpu.memory_space<hbm>>) target(%arg8 : memref<40x8x128xf32, #tpu.memory_space<vmem>>) offsets(%dma_start3A_15 : memref<40xi32, #tpu.memory_space<vmem>>) semaphore(%arg11 : memref<!tpu.dma_semaphore, #tpu.memory_space<semaphore_mem>>)
    %dma_wait3A = arith.constant 0 : i32
    %dma_wait3A_20 = tpu.memref_slice %arg5[%dma_wait3A] : memref<320xi32, #tpu.memory_space<vmem>> -> memref<40xi32, #tpu.memory_space<vmem>>
    %dma_wait3A_21 = arith.constant 0 : i32
    %dma_wait3A_22 = arith.constant 0 : i32
    %dma_wait3A_23 = arith.constant 0 : i32
    %dma_wait3A_24 = tpu.memref_slice %arg2[%dma_wait3A_21, %dma_wait3A_22, %dma_wait3A_23] : memref<100000x8x128xf32, #tpu.memory_space<hbm>> -> memref<100000x8x128xf32, #tpu.memory_space<hbm>>
    tpu.wait_indirect_dma semaphore(%arg9 : memref<!tpu.dma_semaphore, #tpu.memory_space<semaphore_mem>>) src(%dma_wait3A_24 : memref<100000x8x128xf32, #tpu.memory_space<hbm>>) dst(%arg6 : memref<40x8x128xf32, #tpu.memory_space<vmem>>)
    %add3A_25 = arith.constant 0 : i32
    %add3A_26 = arith.addi %mul3A_2, %add3A_25 : i32
    %dma_start3A_27 = arith.constant 0 : i32
    %dma_start3A_28 = arith.constant 0 : i32
    %dma_start3A_29 = tpu.memref_slice %arg4[%add3A_26, %dma_start3A_27, %dma_start3A_28] : memref<10240x8x128xf32, #tpu.memory_space<hbm>> -> memref<40x8x128xf32, #tpu.memory_space<hbm>>
    %dma_start3A_30 = arith.constant 0 : i32
    %dma_start3A_31 = arith.constant 0 : i32
    %dma_start3A_32 = tpu.memref_slice %arg4[%add3A_26, %dma_start3A_30, %dma_start3A_31] : memref<10240x8x128xf32, #tpu.memory_space<hbm>> -> memref<40x8x128xf32, #tpu.memory_space<hbm>>
    tpu.enqueue_dma source(%arg6 : memref<40x8x128xf32, #tpu.memory_space<vmem>>) target(%dma_start3A_32 : memref<40x8x128xf32, #tpu.memory_space<hbm>>) target_semaphore(%arg12 : memref<!tpu.dma_semaphore, #tpu.memory_space<semaphore_mem>>)
    %dma_wait3A_33 = arith.constant 0 : i32
    %dma_wait3A_34 = arith.constant 0 : i32
    %dma_wait3A_35 = arith.constant 0 : i32
    %dma_wait3A_36 = tpu.memref_slice %arg4[%dma_wait3A_33, %dma_wait3A_34, %dma_wait3A_35] : memref<10240x8x128xf32, #tpu.memory_space<hbm>> -> memref<40x8x128xf32, #tpu.memory_space<hbm>>
    %dma_wait3A_37 = arith.constant 0 : i32
    %dma_wait3A_38 = arith.constant 0 : i32
    %dma_wait3A_39 = arith.constant 0 : i32
    %dma_wait3A_40 = tpu.memref_slice %arg4[%dma_wait3A_37, %dma_wait3A_38, %dma_wait3A_39] : memref<10240x8x128xf32, #tpu.memory_space<hbm>> -> memref<40x8x128xf32, #tpu.memory_space<hbm>>
    tpu.wait_dma2 semaphore(%arg12 : memref<!tpu.dma_semaphore, #tpu.memory_space<semaphore_mem>>) src(%arg6 : memref<40x8x128xf32, #tpu.memory_space<vmem>>) dst(%dma_wait3A_40 : memref<40x8x128xf32, #tpu.memory_space<hbm>>)
    %dma_start3A_41 = arith.constant 120 : i32
    %dma_start3A_42 = tpu.memref_slice %arg5[%dma_start3A_41] : memref<320xi32, #tpu.memory_space<vmem>> -> memref<40xi32, #tpu.memory_space<vmem>>
    %dma_start3A_43 = arith.constant 0 : i32
    %dma_start3A_44 = arith.constant 0 : i32
    %dma_start3A_45 = arith.constant 0 : i32
    %dma_start3A_46 = tpu.memref_slice %arg2[%dma_start3A_43, %dma_start3A_44, %dma_start3A_45] : memref<100000x8x128xf32, #tpu.memory_space<hbm>> -> memref<100000x8x128xf32, #tpu.memory_space<hbm>>
    tpu.enqueue_indirect_dma source(%dma_start3A_46 : memref<100000x8x128xf32, #tpu.memory_space<hbm>>) target(%arg6 : memref<40x8x128xf32, #tpu.memory_space<vmem>>) offsets(%dma_start3A_42 : memref<40xi32, #tpu.memory_space<vmem>>) semaphore(%arg9 : memref<!tpu.dma_semaphore, #tpu.memory_space<semaphore_mem>>)
    %dma_wait3A_47 = arith.constant 40 : i32
    %dma_wait3A_48 = tpu.memref_slice %arg5[%dma_wait3A_47] : memref<320xi32, #tpu.memory_space<vmem>> -> memref<40xi32, #tpu.memory_space<vmem>>
    %dma_wait3A_49 = arith.constant 0 : i32
    %dma_wait3A_50 = arith.constant 0 : i32
    %dma_wait3A_51 = arith.constant 0 : i32
    %dma_wait3A_52 = tpu.memref_slice %arg2[%dma_wait3A_49, %dma_wait3A_50, %dma_wait3A_51] : memref<100000x8x128xf32, #tpu.memory_space<hbm>> -> memref<100000x8x128xf32, #tpu.memory_space<hbm>>
    tpu.wait_indirect_dma semaphore(%arg10 : memref<!tpu.dma_semaphore, #tpu.memory_space<semaphore_mem>>) src(%dma_wait3A_52 : memref<100000x8x128xf32, #tpu.memory_space<hbm>>) dst(%arg7 : memref<40x8x128xf32, #tpu.memory_space<vmem>>)
    %add3A_53 = arith.constant 40 : i32
    %add3A_54 = arith.addi %mul3A_2, %add3A_53 : i32
    %dma_start3A_55 = arith.constant 0 : i32
    %dma_start3A_56 = arith.constant 0 : i32
    %dma_start3A_57 = tpu.memref_slice %arg4[%add3A_54, %dma_start3A_55, %dma_start3A_56] : memref<10240x8x128xf32, #tpu.memory_space<hbm>> -> memref<40x8x128xf32, #tpu.memory_space<hbm>>
    %dma_start3A_58 = arith.constant 0 : i32
    %dma_start3A_59 = arith.constant 0 : i32
    %dma_start3A_60 = tpu.memref_slice %arg4[%add3A_54, %dma_start3A_58, %dma_start3A_59] : memref<10240x8x128xf32, #tpu.memory_space<hbm>> -> memref<40x8x128xf32, #tpu.memory_space<hbm>>
    tpu.enqueue_dma source(%arg7 : memref<40x8x128xf32, #tpu.memory_space<vmem>>) target(%dma_start3A_60 : memref<40x8x128xf32, #tpu.memory_space<hbm>>) target_semaphore(%arg13 : memref<!tpu.dma_semaphore, #tpu.memory_space<semaphore_mem>>)
    %dma_wait3A_61 = arith.constant 0 : i32
    %dma_wait3A_62 = arith.constant 0 : i32
    %dma_wait3A_63 = arith.constant 0 : i32
    %dma_wait3A_64 = tpu.memref_slice %arg4[%dma_wait3A_61, %dma_wait3A_62, %dma_wait3A_63] : memref<10240x8x128xf32, #tpu.memory_space<hbm>> -> memref<40x8x128xf32, #tpu.memory_space<hbm>>
    %dma_wait3A_65 = arith.constant 0 : i32
    %dma_wait3A_66 = arith.constant 0 : i32
    %dma_wait3A_67 = arith.constant 0 : i32
    %dma_wait3A_68 = tpu.memref_slice %arg4[%dma_wait3A_65, %dma_wait3A_66, %dma_wait3A_67] : memref<10240x8x128xf32, #tpu.memory_space<hbm>> -> memref<40x8x128xf32, #tpu.memory_space<hbm>>
    tpu.wait_dma2 semaphore(%arg13 : memref<!tpu.dma_semaphore, #tpu.memory_space<semaphore_mem>>) src(%arg7 : memref<40x8x128xf32, #tpu.memory_space<vmem>>) dst(%dma_wait3A_68 : memref<40x8x128xf32, #tpu.memory_space<hbm>>)
    %dma_start3A_69 = arith.constant 160 : i32
    %dma_start3A_70 = tpu.memref_slice %arg5[%dma_start3A_69] : memref<320xi32, #tpu.memory_space<vmem>> -> memref<40xi32, #tpu.memory_space<vmem>>
    %dma_start3A_71 = arith.constant 0 : i32
    %dma_start3A_72 = arith.constant 0 : i32
    %dma_start3A_73 = arith.constant 0 : i32
    %dma_start3A_74 = tpu.memref_slice %arg2[%dma_start3A_71, %dma_start3A_72, %dma_start3A_73] : memref<100000x8x128xf32, #tpu.memory_space<hbm>> -> memref<100000x8x128xf32, #tpu.memory_space<hbm>>
    tpu.enqueue_indirect_dma source(%dma_start3A_74 : memref<100000x8x128xf32, #tpu.memory_space<hbm>>) target(%arg7 : memref<40x8x128xf32, #tpu.memory_space<vmem>>) offsets(%dma_start3A_70 : memref<40xi32, #tpu.memory_space<vmem>>) semaphore(%arg10 : memref<!tpu.dma_semaphore, #tpu.memory_space<semaphore_mem>>)
    %dma_wait3A_75 = arith.constant 80 : i32
    %dma_wait3A_76 = tpu.memref_slice %arg5[%dma_wait3A_75] : memref<320xi32, #tpu.memory_space<vmem>> -> memref<40xi32, #tpu.memory_space<vmem>>
    %dma_wait3A_77 = arith.constant 0 : i32
    %dma_wait3A_78 = arith.constant 0 : i32
    %dma_wait3A_79 = arith.constant 0 : i32
    %dma_wait3A_80 = tpu.memref_slice %arg2[%dma_wait3A_77, %dma_wait3A_78, %dma_wait3A_79] : memref<100000x8x128xf32, #tpu.memory_space<hbm>> -> memref<100000x8x128xf32, #tpu.memory_space<hbm>>
    tpu.wait_indirect_dma semaphore(%arg11 : memref<!tpu.dma_semaphore, #tpu.memory_space<semaphore_mem>>) src(%dma_wait3A_80 : memref<100000x8x128xf32, #tpu.memory_space<hbm>>) dst(%arg8 : memref<40x8x128xf32, #tpu.memory_space<vmem>>)
    %add3A_81 = arith.constant 80 : i32
    %add3A_82 = arith.addi %mul3A_2, %add3A_81 : i32
    %dma_start3A_83 = arith.constant 0 : i32
    %dma_start3A_84 = arith.constant 0 : i32
    %dma_start3A_85 = tpu.memref_slice %arg4[%add3A_82, %dma_start3A_83, %dma_start3A_84] : memref<10240x8x128xf32, #tpu.memory_space<hbm>> -> memref<40x8x128xf32, #tpu.memory_space<hbm>>
    %dma_start3A_86 = arith.constant 0 : i32
    %dma_start3A_87 = arith.constant 0 : i32
    %dma_start3A_88 = tpu.memref_slice %arg4[%add3A_82, %dma_start3A_86, %dma_start3A_87] : memref<10240x8x128xf32, #tpu.memory_space<hbm>> -> memref<40x8x128xf32, #tpu.memory_space<hbm>>
    tpu.enqueue_dma source(%arg8 : memref<40x8x128xf32, #tpu.memory_space<vmem>>) target(%dma_start3A_88 : memref<40x8x128xf32, #tpu.memory_space<hbm>>) target_semaphore(%arg14 : memref<!tpu.dma_semaphore, #tpu.memory_space<semaphore_mem>>)
    %dma_wait3A_89 = arith.constant 0 : i32
    %dma_wait3A_90 = arith.constant 0 : i32
    %dma_wait3A_91 = arith.constant 0 : i32
    %dma_wait3A_92 = tpu.memref_slice %arg4[%dma_wait3A_89, %dma_wait3A_90, %dma_wait3A_91] : memref<10240x8x128xf32, #tpu.memory_space<hbm>> -> memref<40x8x128xf32, #tpu.memory_space<hbm>>
    %dma_wait3A_93 = arith.constant 0 : i32
    %dma_wait3A_94 = arith.constant 0 : i32
    %dma_wait3A_95 = arith.constant 0 : i32
    %dma_wait3A_96 = tpu.memref_slice %arg4[%dma_wait3A_93, %dma_wait3A_94, %dma_wait3A_95] : memref<10240x8x128xf32, #tpu.memory_space<hbm>> -> memref<40x8x128xf32, #tpu.memory_space<hbm>>
    tpu.wait_dma2 semaphore(%arg14 : memref<!tpu.dma_semaphore, #tpu.memory_space<semaphore_mem>>) src(%arg8 : memref<40x8x128xf32, #tpu.memory_space<vmem>>) dst(%dma_wait3A_96 : memref<40x8x128xf32, #tpu.memory_space<hbm>>)
    %dma_start3A_97 = arith.constant 200 : i32
    %dma_start3A_98 = tpu.memref_slice %arg5[%dma_start3A_97] : memref<320xi32, #tpu.memory_space<vmem>> -> memref<40xi32, #tpu.memory_space<vmem>>
    %dma_start3A_99 = arith.constant 0 : i32
    %dma_start3A_100 = arith.constant 0 : i32
    %dma_start3A_101 = arith.constant 0 : i32
    %dma_start3A_102 = tpu.memref_slice %arg2[%dma_start3A_99, %dma_start3A_100, %dma_start3A_101] : memref<100000x8x128xf32, #tpu.memory_space<hbm>> -> memref<100000x8x128xf32, #tpu.memory_space<hbm>>
    tpu.enqueue_indirect_dma source(%dma_start3A_102 : memref<100000x8x128xf32, #tpu.memory_space<hbm>>) target(%arg8 : memref<40x8x128xf32, #tpu.memory_space<vmem>>) offsets(%dma_start3A_98 : memref<40xi32, #tpu.memory_space<vmem>>) semaphore(%arg11 : memref<!tpu.dma_semaphore, #tpu.memory_space<semaphore_mem>>)
    %dma_wait3A_103 = arith.constant 120 : i32
    %dma_wait3A_104 = tpu.memref_slice %arg5[%dma_wait3A_103] : memref<320xi32, #tpu.memory_space<vmem>> -> memref<40xi32, #tpu.memory_space<vmem>>
    %dma_wait3A_105 = arith.constant 0 : i32
    %dma_wait3A_106 = arith.constant 0 : i32
    %dma_wait3A_107 = arith.constant 0 : i32
    %dma_wait3A_108 = tpu.memref_slice %arg2[%dma_wait3A_105, %dma_wait3A_106, %dma_wait3A_107] : memref<100000x8x128xf32, #tpu.memory_space<hbm>> -> memref<100000x8x128xf32, #tpu.memory_space<hbm>>
    tpu.wait_indirect_dma semaphore(%arg9 : memref<!tpu.dma_semaphore, #tpu.memory_space<semaphore_mem>>) src(%dma_wait3A_108 : memref<100000x8x128xf32, #tpu.memory_space<hbm>>) dst(%arg6 : memref<40x8x128xf32, #tpu.memory_space<vmem>>)
    %add3A_109 = arith.constant 120 : i32
    %add3A_110 = arith.addi %mul3A_2, %add3A_109 : i32
    %dma_start3A_111 = arith.constant 0 : i32
    %dma_start3A_112 = arith.constant 0 : i32
    %dma_start3A_113 = tpu.memref_slice %arg4[%add3A_110, %dma_start3A_111, %dma_start3A_112] : memref<10240x8x128xf32, #tpu.memory_space<hbm>> -> memref<40x8x128xf32, #tpu.memory_space<hbm>>
    %dma_start3A_114 = arith.constant 0 : i32
    %dma_start3A_115 = arith.constant 0 : i32
    %dma_start3A_116 = tpu.memref_slice %arg4[%add3A_110, %dma_start3A_114, %dma_start3A_115] : memref<10240x8x128xf32, #tpu.memory_space<hbm>> -> memref<40x8x128xf32, #tpu.memory_space<hbm>>
    tpu.enqueue_dma source(%arg6 : memref<40x8x128xf32, #tpu.memory_space<vmem>>) target(%dma_start3A_116 : memref<40x8x128xf32, #tpu.memory_space<hbm>>) target_semaphore(%arg12 : memref<!tpu.dma_semaphore, #tpu.memory_space<semaphore_mem>>)
    %dma_wait3A_117 = arith.constant 0 : i32
    %dma_wait3A_118 = arith.constant 0 : i32
    %dma_wait3A_119 = arith.constant 0 : i32
    %dma_wait3A_120 = tpu.memref_slice %arg4[%dma_wait3A_117, %dma_wait3A_118, %dma_wait3A_119] : memref<10240x8x128xf32, #tpu.memory_space<hbm>> -> memref<40x8x128xf32, #tpu.memory_space<hbm>>
    %dma_wait3A_121 = arith.constant 0 : i32
    %dma_wait3A_122 = arith.constant 0 : i32
    %dma_wait3A_123 = arith.constant 0 : i32
    %dma_wait3A_124 = tpu.memref_slice %arg4[%dma_wait3A_121, %dma_wait3A_122, %dma_wait3A_123] : memref<10240x8x128xf32, #tpu.memory_space<hbm>> -> memref<40x8x128xf32, #tpu.memory_space<hbm>>
    tpu.wait_dma2 semaphore(%arg12 : memref<!tpu.dma_semaphore, #tpu.memory_space<semaphore_mem>>) src(%arg6 : memref<40x8x128xf32, #tpu.memory_space<vmem>>) dst(%dma_wait3A_124 : memref<40x8x128xf32, #tpu.memory_space<hbm>>)
    %dma_start3A_125 = arith.constant 240 : i32
    %dma_start3A_126 = tpu.memref_slice %arg5[%dma_start3A_125] : memref<320xi32, #tpu.memory_space<vmem>> -> memref<40xi32, #tpu.memory_space<vmem>>
    %dma_start3A_127 = arith.constant 0 : i32
    %dma_start3A_128 = arith.constant 0 : i32
    %dma_start3A_129 = arith.constant 0 : i32
    %dma_start3A_130 = tpu.memref_slice %arg2[%dma_start3A_127, %dma_start3A_128, %dma_start3A_129] : memref<100000x8x128xf32, #tpu.memory_space<hbm>> -> memref<100000x8x128xf32, #tpu.memory_space<hbm>>
    tpu.enqueue_indirect_dma source(%dma_start3A_130 : memref<100000x8x128xf32, #tpu.memory_space<hbm>>) target(%arg6 : memref<40x8x128xf32, #tpu.memory_space<vmem>>) offsets(%dma_start3A_126 : memref<40xi32, #tpu.memory_space<vmem>>) semaphore(%arg9 : memref<!tpu.dma_semaphore, #tpu.memory_space<semaphore_mem>>)
    %dma_wait3A_131 = arith.constant 160 : i32
    %dma_wait3A_132 = tpu.memref_slice %arg5[%dma_wait3A_131] : memref<320xi32, #tpu.memory_space<vmem>> -> memref<40xi32, #tpu.memory_space<vmem>>
    %dma_wait3A_133 = arith.constant 0 : i32
    %dma_wait3A_134 = arith.constant 0 : i32
    %dma_wait3A_135 = arith.constant 0 : i32
    %dma_wait3A_136 = tpu.memref_slice %arg2[%dma_wait3A_133, %dma_wait3A_134, %dma_wait3A_135] : memref<100000x8x128xf32, #tpu.memory_space<hbm>> -> memref<100000x8x128xf32, #tpu.memory_space<hbm>>
    tpu.wait_indirect_dma semaphore(%arg10 : memref<!tpu.dma_semaphore, #tpu.memory_space<semaphore_mem>>) src(%dma_wait3A_136 : memref<100000x8x128xf32, #tpu.memory_space<hbm>>) dst(%arg7 : memref<40x8x128xf32, #tpu.memory_space<vmem>>)
    %add3A_137 = arith.constant 160 : i32
    %add3A_138 = arith.addi %mul3A_2, %add3A_137 : i32
    %dma_start3A_139 = arith.constant 0 : i32
    %dma_start3A_140 = arith.constant 0 : i32
    %dma_start3A_141 = tpu.memref_slice %arg4[%add3A_138, %dma_start3A_139, %dma_start3A_140] : memref<10240x8x128xf32, #tpu.memory_space<hbm>> -> memref<40x8x128xf32, #tpu.memory_space<hbm>>
    %dma_start3A_142 = arith.constant 0 : i32
    %dma_start3A_143 = arith.constant 0 : i32
    %dma_start3A_144 = tpu.memref_slice %arg4[%add3A_138, %dma_start3A_142, %dma_start3A_143] : memref<10240x8x128xf32, #tpu.memory_space<hbm>> -> memref<40x8x128xf32, #tpu.memory_space<hbm>>
    tpu.enqueue_dma source(%arg7 : memref<40x8x128xf32, #tpu.memory_space<vmem>>) target(%dma_start3A_144 : memref<40x8x128xf32, #tpu.memory_space<hbm>>) target_semaphore(%arg13 : memref<!tpu.dma_semaphore, #tpu.memory_space<semaphore_mem>>)
    %dma_wait3A_145 = arith.constant 0 : i32
    %dma_wait3A_146 = arith.constant 0 : i32
    %dma_wait3A_147 = arith.constant 0 : i32
    %dma_wait3A_148 = tpu.memref_slice %arg4[%dma_wait3A_145, %dma_wait3A_146, %dma_wait3A_147] : memref<10240x8x128xf32, #tpu.memory_space<hbm>> -> memref<40x8x128xf32, #tpu.memory_space<hbm>>
    %dma_wait3A_149 = arith.constant 0 : i32
    %dma_wait3A_150 = arith.constant 0 : i32
    %dma_wait3A_151 = arith.constant 0 : i32
    %dma_wait3A_152 = tpu.memref_slice %arg4[%dma_wait3A_149, %dma_wait3A_150, %dma_wait3A_151] : memref<10240x8x128xf32, #tpu.memory_space<hbm>> -> memref<40x8x128xf32, #tpu.memory_space<hbm>>
    tpu.wait_dma2 semaphore(%arg13 : memref<!tpu.dma_semaphore, #tpu.memory_space<semaphore_mem>>) src(%arg7 : memref<40x8x128xf32, #tpu.memory_space<vmem>>) dst(%dma_wait3A_152 : memref<40x8x128xf32, #tpu.memory_space<hbm>>)
    %dma_start3A_153 = arith.constant 280 : i32
    %dma_start3A_154 = tpu.memref_slice %arg5[%dma_start3A_153] : memref<320xi32, #tpu.memory_space<vmem>> -> memref<40xi32, #tpu.memory_space<vmem>>
    %dma_start3A_155 = arith.constant 0 : i32
    %dma_start3A_156 = arith.constant 0 : i32
    %dma_start3A_157 = arith.constant 0 : i32
    %dma_start3A_158 = tpu.memref_slice %arg2[%dma_start3A_155, %dma_start3A_156, %dma_start3A_157] : memref<100000x8x128xf32, #tpu.memory_space<hbm>> -> memref<100000x8x128xf32, #tpu.memory_space<hbm>>
    tpu.enqueue_indirect_dma source(%dma_start3A_158 : memref<100000x8x128xf32, #tpu.memory_space<hbm>>) target(%arg7 : memref<40x8x128xf32, #tpu.memory_space<vmem>>) offsets(%dma_start3A_154 : memref<40xi32, #tpu.memory_space<vmem>>) semaphore(%arg10 : memref<!tpu.dma_semaphore, #tpu.memory_space<semaphore_mem>>)
    %dma_wait3A_159 = arith.constant 200 : i32
    %dma_wait3A_160 = tpu.memref_slice %arg5[%dma_wait3A_159] : memref<320xi32, #tpu.memory_space<vmem>> -> memref<40xi32, #tpu.memory_space<vmem>>
    %dma_wait3A_161 = arith.constant 0 : i32
    %dma_wait3A_162 = arith.constant 0 : i32
    %dma_wait3A_163 = arith.constant 0 : i32
    %dma_wait3A_164 = tpu.memref_slice %arg2[%dma_wait3A_161, %dma_wait3A_162, %dma_wait3A_163] : memref<100000x8x128xf32, #tpu.memory_space<hbm>> -> memref<100000x8x128xf32, #tpu.memory_space<hbm>>
    tpu.wait_indirect_dma semaphore(%arg11 : memref<!tpu.dma_semaphore, #tpu.memory_space<semaphore_mem>>) src(%dma_wait3A_164 : memref<100000x8x128xf32, #tpu.memory_space<hbm>>) dst(%arg8 : memref<40x8x128xf32, #tpu.memory_space<vmem>>)
    %add3A_165 = arith.constant 200 : i32
    %add3A_166 = arith.addi %mul3A_2, %add3A_165 : i32
    %dma_start3A_167 = arith.constant 0 : i32
    %dma_start3A_168 = arith.constant 0 : i32
    %dma_start3A_169 = tpu.memref_slice %arg4[%add3A_166, %dma_start3A_167, %dma_start3A_168] : memref<10240x8x128xf32, #tpu.memory_space<hbm>> -> memref<40x8x128xf32, #tpu.memory_space<hbm>>
    %dma_start3A_170 = arith.constant 0 : i32
    %dma_start3A_171 = arith.constant 0 : i32
    %dma_start3A_172 = tpu.memref_slice %arg4[%add3A_166, %dma_start3A_170, %dma_start3A_171] : memref<10240x8x128xf32, #tpu.memory_space<hbm>> -> memref<40x8x128xf32, #tpu.memory_space<hbm>>
    tpu.enqueue_dma source(%arg8 : memref<40x8x128xf32, #tpu.memory_space<vmem>>) target(%dma_start3A_172 : memref<40x8x128xf32, #tpu.memory_space<hbm>>) target_semaphore(%arg14 : memref<!tpu.dma_semaphore, #tpu.memory_space<semaphore_mem>>)
    %dma_wait3A_173 = arith.constant 240 : i32
    %dma_wait3A_174 = tpu.memref_slice %arg5[%dma_wait3A_173] : memref<320xi32, #tpu.memory_space<vmem>> -> memref<40xi32, #tpu.memory_space<vmem>>
    %dma_wait3A_175 = arith.constant 0 : i32
    %dma_wait3A_176 = arith.constant 0 : i32
    %dma_wait3A_177 = arith.constant 0 : i32
    %dma_wait3A_178 = tpu.memref_slice %arg2[%dma_wait3A_175, %dma_wait3A_176, %dma_wait3A_177] : memref<100000x8x128xf32, #tpu.memory_space<hbm>> -> memref<100000x8x128xf32, #tpu.memory_space<hbm>>
    tpu.wait_indirect_dma semaphore(%arg9 : memref<!tpu.dma_semaphore, #tpu.memory_space<semaphore_mem>>) src(%dma_wait3A_178 : memref<100000x8x128xf32, #tpu.memory_space<hbm>>) dst(%arg6 : memref<40x8x128xf32, #tpu.memory_space<vmem>>)
    %add3A_179 = arith.constant 240 : i32
    %add3A_180 = arith.addi %mul3A_2, %add3A_179 : i32
    %dma_start3A_181 = arith.constant 0 : i32
    %dma_start3A_182 = arith.constant 0 : i32
    %dma_start3A_183 = tpu.memref_slice %arg4[%add3A_180, %dma_start3A_181, %dma_start3A_182] : memref<10240x8x128xf32, #tpu.memory_space<hbm>> -> memref<40x8x128xf32, #tpu.memory_space<hbm>>
    %dma_start3A_184 = arith.constant 0 : i32
    %dma_start3A_185 = arith.constant 0 : i32
    %dma_start3A_186 = tpu.memref_slice %arg4[%add3A_180, %dma_start3A_184, %dma_start3A_185] : memref<10240x8x128xf32, #tpu.memory_space<hbm>> -> memref<40x8x128xf32, #tpu.memory_space<hbm>>
    tpu.enqueue_dma source(%arg6 : memref<40x8x128xf32, #tpu.memory_space<vmem>>) target(%dma_start3A_186 : memref<40x8x128xf32, #tpu.memory_space<hbm>>) target_semaphore(%arg12 : memref<!tpu.dma_semaphore, #tpu.memory_space<semaphore_mem>>)
    %dma_wait3A_187 = arith.constant 280 : i32
    %dma_wait3A_188 = tpu.memref_slice %arg5[%dma_wait3A_187] : memref<320xi32, #tpu.memory_space<vmem>> -> memref<40xi32, #tpu.memory_space<vmem>>
    %dma_wait3A_189 = arith.constant 0 : i32
    %dma_wait3A_190 = arith.constant 0 : i32
    %dma_wait3A_191 = arith.constant 0 : i32
    %dma_wait3A_192 = tpu.memref_slice %arg2[%dma_wait3A_189, %dma_wait3A_190, %dma_wait3A_191] : memref<100000x8x128xf32, #tpu.memory_space<hbm>> -> memref<100000x8x128xf32, #tpu.memory_space<hbm>>
    tpu.wait_indirect_dma semaphore(%arg10 : memref<!tpu.dma_semaphore, #tpu.memory_space<semaphore_mem>>) src(%dma_wait3A_192 : memref<100000x8x128xf32, #tpu.memory_space<hbm>>) dst(%arg7 : memref<40x8x128xf32, #tpu.memory_space<vmem>>)
    %add3A_193 = arith.constant 280 : i32
    %add3A_194 = arith.addi %mul3A_2, %add3A_193 : i32
    %dma_start3A_195 = arith.constant 0 : i32
    %dma_start3A_196 = arith.constant 0 : i32
    %dma_start3A_197 = tpu.memref_slice %arg4[%add3A_194, %dma_start3A_195, %dma_start3A_196] : memref<10240x8x128xf32, #tpu.memory_space<hbm>> -> memref<40x8x128xf32, #tpu.memory_space<hbm>>
    %dma_start3A_198 = arith.constant 0 : i32
    %dma_start3A_199 = arith.constant 0 : i32
    %dma_start3A_200 = tpu.memref_slice %arg4[%add3A_194, %dma_start3A_198, %dma_start3A_199] : memref<10240x8x128xf32, #tpu.memory_space<hbm>> -> memref<40x8x128xf32, #tpu.memory_space<hbm>>
    tpu.enqueue_dma source(%arg7 : memref<40x8x128xf32, #tpu.memory_space<vmem>>) target(%dma_start3A_200 : memref<40x8x128xf32, #tpu.memory_space<hbm>>) target_semaphore(%arg13 : memref<!tpu.dma_semaphore, #tpu.memory_space<semaphore_mem>>)
    %dma_wait3A_201 = arith.constant 0 : i32
    %dma_wait3A_202 = arith.constant 0 : i32
    %dma_wait3A_203 = arith.constant 0 : i32
    %dma_wait3A_204 = tpu.memref_slice %arg4[%dma_wait3A_201, %dma_wait3A_202, %dma_wait3A_203] : memref<10240x8x128xf32, #tpu.memory_space<hbm>> -> memref<40x8x128xf32, #tpu.memory_space<hbm>>
    %dma_wait3A_205 = arith.constant 0 : i32
    %dma_wait3A_206 = arith.constant 0 : i32
    %dma_wait3A_207 = arith.constant 0 : i32
    %dma_wait3A_208 = tpu.memref_slice %arg4[%dma_wait3A_205, %dma_wait3A_206, %dma_wait3A_207] : memref<10240x8x128xf32, #tpu.memory_space<hbm>> -> memref<40x8x128xf32, #tpu.memory_space<hbm>>
    tpu.wait_dma2 semaphore(%arg12 : memref<!tpu.dma_semaphore, #tpu.memory_space<semaphore_mem>>) src(%arg6 : memref<40x8x128xf32, #tpu.memory_space<vmem>>) dst(%dma_wait3A_208 : memref<40x8x128xf32, #tpu.memory_space<hbm>>)
    %dma_wait3A_209 = arith.constant 0 : i32
    %dma_wait3A_210 = arith.constant 0 : i32
    %dma_wait3A_211 = arith.constant 0 : i32
    %dma_wait3A_212 = tpu.memref_slice %arg4[%dma_wait3A_209, %dma_wait3A_210, %dma_wait3A_211] : memref<10240x8x128xf32, #tpu.memory_space<hbm>> -> memref<40x8x128xf32, #tpu.memory_space<hbm>>
    %dma_wait3A_213 = arith.constant 0 : i32
    %dma_wait3A_214 = arith.constant 0 : i32
    %dma_wait3A_215 = arith.constant 0 : i32
    %dma_wait3A_216 = tpu.memref_slice %arg4[%dma_wait3A_213, %dma_wait3A_214, %dma_wait3A_215] : memref<10240x8x128xf32, #tpu.memory_space<hbm>> -> memref<40x8x128xf32, #tpu.memory_space<hbm>>
    tpu.wait_dma2 semaphore(%arg13 : memref<!tpu.dma_semaphore, #tpu.memory_space<semaphore_mem>>) src(%arg7 : memref<40x8x128xf32, #tpu.memory_space<vmem>>) dst(%dma_wait3A_216 : memref<40x8x128xf32, #tpu.memory_space<hbm>>)
    %dma_wait3A_217 = arith.constant 0 : i32
    %dma_wait3A_218 = arith.constant 0 : i32
    %dma_wait3A_219 = arith.constant 0 : i32
    %dma_wait3A_220 = tpu.memref_slice %arg4[%dma_wait3A_217, %dma_wait3A_218, %dma_wait3A_219] : memref<10240x8x128xf32, #tpu.memory_space<hbm>> -> memref<40x8x128xf32, #tpu.memory_space<hbm>>
    %dma_wait3A_221 = arith.constant 0 : i32
    %dma_wait3A_222 = arith.constant 0 : i32
    %dma_wait3A_223 = arith.constant 0 : i32
    %dma_wait3A_224 = tpu.memref_slice %arg4[%dma_wait3A_221, %dma_wait3A_222, %dma_wait3A_223] : memref<10240x8x128xf32, #tpu.memory_space<hbm>> -> memref<40x8x128xf32, #tpu.memory_space<hbm>>
    tpu.wait_dma2 semaphore(%arg14 : memref<!tpu.dma_semaphore, #tpu.memory_space<semaphore_mem>>) src(%arg8 : memref<40x8x128xf32, #tpu.memory_space<vmem>>) dst(%dma_wait3A_224 : memref<40x8x128xf32, #tpu.memory_space<hbm>>)
    return
  }
}

#map = affine_map<(d0, d1) -> (0, 0, 0)>
#map1 = affine_map<(d0, d1) -> (0)>
module attributes {stable_mosaic.version = 14 : i64} {
  func.func @gather_kernel(%arg0: i32, %arg1: i32, %arg2: memref<100000x8x128xf32, #tpu.memory_space<hbm>>, %arg3: memref<5120xi32, #tpu.memory_space<hbm>>, %arg4: memref<5120x8x128xf32, #tpu.memory_space<hbm>>, %arg5: memref<160xi32, #tpu.memory_space<vmem>>, %arg6: memref<40x8x128xf32, #tpu.memory_space<vmem>>, %arg7: memref<40x8x128xf32, #tpu.memory_space<vmem>>, %arg8: memref<40x8x128xf32, #tpu.memory_space<vmem>>, %arg9: memref<!tpu.dma_semaphore, #tpu.memory_space<semaphore_mem>>, %arg10: memref<!tpu.dma_semaphore, #tpu.memory_space<semaphore_mem>>, %arg11: memref<!tpu.dma_semaphore, #tpu.memory_space<semaphore_mem>>, %arg12: memref<!tpu.dma_semaphore, #tpu.memory_space<semaphore_mem>>, %arg13: memref<!tpu.dma_semaphore, #tpu.memory_space<semaphore_mem>>, %arg14: memref<!tpu.dma_semaphore, #tpu.memory_space<semaphore_mem>>) attributes {dimension_semantics = [#tpu.dimension_semantics<core_parallel>, #tpu.dimension_semantics<subcore_parallel>], iteration_bounds = array<i64: 2, 16>, scalar_prefetch = 0 : i64, scratch_operands = 10 : i64, tpu.core_type = #tpu.core_type<sc_vector_subcore>, window_params = [{transform_indices = #map}, {transform_indices = #map1}, {transform_indices = #map}]} {
    %mul3A = arith.constant 2 : i32
    %mul3A_0 = arith.muli %arg1, %mul3A : i32
    %add3A = arith.addi %mul3A_0, %arg0 : i32
    %mul3A_1 = arith.constant 160 : i32
    %mul3A_2 = arith.muli %add3A, %mul3A_1 : i32
    "tpu.region"() ({
      %run_scoped3A = tpu.sem_alloc : memref<!tpu.dma_semaphore, #tpu.memory_space<semaphore_mem>>
      %dma_start3A_113 = tpu.memref_slice %arg3[%mul3A_2] : memref<5120xi32, #tpu.memory_space<hbm>> -> memref<160xi32, #tpu.memory_space<hbm>>
      %dma_start3A_114 = tpu.memref_slice %arg3[%mul3A_2] : memref<5120xi32, #tpu.memory_space<hbm>> -> memref<160xi32, #tpu.memory_space<hbm>>
      tpu.enqueue_dma source(%dma_start3A_114 : memref<160xi32, #tpu.memory_space<hbm>>) target(%arg5 : memref<160xi32, #tpu.memory_space<vmem>>) target_semaphore(%run_scoped3A : memref<!tpu.dma_semaphore, #tpu.memory_space<semaphore_mem>>)
      %dma_wait3A_115 = tpu.memref_slice %arg3[%mul3A_2] : memref<5120xi32, #tpu.memory_space<hbm>> -> memref<160xi32, #tpu.memory_space<hbm>>
      %dma_wait3A_116 = tpu.memref_slice %arg3[%mul3A_2] : memref<5120xi32, #tpu.memory_space<hbm>> -> memref<160xi32, #tpu.memory_space<hbm>>
      tpu.wait_dma2 semaphore(%run_scoped3A : memref<!tpu.dma_semaphore, #tpu.memory_space<semaphore_mem>>) src(%dma_wait3A_116 : memref<160xi32, #tpu.memory_space<hbm>>) dst(%arg5 : memref<160xi32, #tpu.memory_space<vmem>>)
      tpu.yield
    }) : () -> ()
    %dma_start3A = arith.constant 0 : i32
    %dma_start3A_3 = tpu.memref_slice %arg5[%dma_start3A] : memref<160xi32, #tpu.memory_space<vmem>> -> memref<40xi32, #tpu.memory_space<vmem>>
    %dma_start3A_4 = arith.constant 0 : i32
    %dma_start3A_5 = arith.constant 0 : i32
    %dma_start3A_6 = arith.constant 0 : i32
    %dma_start3A_7 = tpu.memref_slice %arg2[%dma_start3A_4, %dma_start3A_5, %dma_start3A_6] : memref<100000x8x128xf32, #tpu.memory_space<hbm>> -> memref<100000x8x128xf32, #tpu.memory_space<hbm>>
    tpu.enqueue_indirect_dma source(%dma_start3A_7 : memref<100000x8x128xf32, #tpu.memory_space<hbm>>) target(%arg6 : memref<40x8x128xf32, #tpu.memory_space<vmem>>) offsets(%dma_start3A_3 : memref<40xi32, #tpu.memory_space<vmem>>) semaphore(%arg9 : memref<!tpu.dma_semaphore, #tpu.memory_space<semaphore_mem>>)
    %dma_start3A_8 = arith.constant 40 : i32
    %dma_start3A_9 = tpu.memref_slice %arg5[%dma_start3A_8] : memref<160xi32, #tpu.memory_space<vmem>> -> memref<40xi32, #tpu.memory_space<vmem>>
    %dma_start3A_10 = arith.constant 0 : i32
    %dma_start3A_11 = arith.constant 0 : i32
    %dma_start3A_12 = arith.constant 0 : i32
    %dma_start3A_13 = tpu.memref_slice %arg2[%dma_start3A_10, %dma_start3A_11, %dma_start3A_12] : memref<100000x8x128xf32, #tpu.memory_space<hbm>> -> memref<100000x8x128xf32, #tpu.memory_space<hbm>>
    tpu.enqueue_indirect_dma source(%dma_start3A_13 : memref<100000x8x128xf32, #tpu.memory_space<hbm>>) target(%arg7 : memref<40x8x128xf32, #tpu.memory_space<vmem>>) offsets(%dma_start3A_9 : memref<40xi32, #tpu.memory_space<vmem>>) semaphore(%arg10 : memref<!tpu.dma_semaphore, #tpu.memory_space<semaphore_mem>>)
    %dma_start3A_14 = arith.constant 80 : i32
    %dma_start3A_15 = tpu.memref_slice %arg5[%dma_start3A_14] : memref<160xi32, #tpu.memory_space<vmem>> -> memref<40xi32, #tpu.memory_space<vmem>>
    %dma_start3A_16 = arith.constant 0 : i32
    %dma_start3A_17 = arith.constant 0 : i32
    %dma_start3A_18 = arith.constant 0 : i32
    %dma_start3A_19 = tpu.memref_slice %arg2[%dma_start3A_16, %dma_start3A_17, %dma_start3A_18] : memref<100000x8x128xf32, #tpu.memory_space<hbm>> -> memref<100000x8x128xf32, #tpu.memory_space<hbm>>
    tpu.enqueue_indirect_dma source(%dma_start3A_19 : memref<100000x8x128xf32, #tpu.memory_space<hbm>>) target(%arg8 : memref<40x8x128xf32, #tpu.memory_space<vmem>>) offsets(%dma_start3A_15 : memref<40xi32, #tpu.memory_space<vmem>>) semaphore(%arg11 : memref<!tpu.dma_semaphore, #tpu.memory_space<semaphore_mem>>)
    %dma_wait3A = arith.constant 0 : i32
    %dma_wait3A_20 = tpu.memref_slice %arg5[%dma_wait3A] : memref<160xi32, #tpu.memory_space<vmem>> -> memref<40xi32, #tpu.memory_space<vmem>>
    %dma_wait3A_21 = arith.constant 0 : i32
    %dma_wait3A_22 = arith.constant 0 : i32
    %dma_wait3A_23 = arith.constant 0 : i32
    %dma_wait3A_24 = tpu.memref_slice %arg2[%dma_wait3A_21, %dma_wait3A_22, %dma_wait3A_23] : memref<100000x8x128xf32, #tpu.memory_space<hbm>> -> memref<100000x8x128xf32, #tpu.memory_space<hbm>>
    tpu.wait_indirect_dma semaphore(%arg9 : memref<!tpu.dma_semaphore, #tpu.memory_space<semaphore_mem>>) src(%dma_wait3A_24 : memref<100000x8x128xf32, #tpu.memory_space<hbm>>) dst(%arg6 : memref<40x8x128xf32, #tpu.memory_space<vmem>>)
    %add3A_25 = arith.constant 0 : i32
    %add3A_26 = arith.addi %mul3A_2, %add3A_25 : i32
    %dma_start3A_27 = arith.constant 0 : i32
    %dma_start3A_28 = arith.constant 0 : i32
    %dma_start3A_29 = tpu.memref_slice %arg4[%add3A_26, %dma_start3A_27, %dma_start3A_28] : memref<5120x8x128xf32, #tpu.memory_space<hbm>> -> memref<40x8x128xf32, #tpu.memory_space<hbm>>
    %dma_start3A_30 = arith.constant 0 : i32
    %dma_start3A_31 = arith.constant 0 : i32
    %dma_start3A_32 = tpu.memref_slice %arg4[%add3A_26, %dma_start3A_30, %dma_start3A_31] : memref<5120x8x128xf32, #tpu.memory_space<hbm>> -> memref<40x8x128xf32, #tpu.memory_space<hbm>>
    tpu.enqueue_dma source(%arg6 : memref<40x8x128xf32, #tpu.memory_space<vmem>>) target(%dma_start3A_32 : memref<40x8x128xf32, #tpu.memory_space<hbm>>) target_semaphore(%arg12 : memref<!tpu.dma_semaphore, #tpu.memory_space<semaphore_mem>>)
    %dma_wait3A_33 = arith.constant 0 : i32
    %dma_wait3A_34 = arith.constant 0 : i32
    %dma_wait3A_35 = arith.constant 0 : i32
    %dma_wait3A_36 = tpu.memref_slice %arg4[%dma_wait3A_33, %dma_wait3A_34, %dma_wait3A_35] : memref<5120x8x128xf32, #tpu.memory_space<hbm>> -> memref<40x8x128xf32, #tpu.memory_space<hbm>>
    %dma_wait3A_37 = arith.constant 0 : i32
    %dma_wait3A_38 = arith.constant 0 : i32
    %dma_wait3A_39 = arith.constant 0 : i32
    %dma_wait3A_40 = tpu.memref_slice %arg4[%dma_wait3A_37, %dma_wait3A_38, %dma_wait3A_39] : memref<5120x8x128xf32, #tpu.memory_space<hbm>> -> memref<40x8x128xf32, #tpu.memory_space<hbm>>
    tpu.wait_dma2 semaphore(%arg12 : memref<!tpu.dma_semaphore, #tpu.memory_space<semaphore_mem>>) src(%arg6 : memref<40x8x128xf32, #tpu.memory_space<vmem>>) dst(%dma_wait3A_40 : memref<40x8x128xf32, #tpu.memory_space<hbm>>)
    %dma_start3A_41 = arith.constant 120 : i32
    %dma_start3A_42 = tpu.memref_slice %arg5[%dma_start3A_41] : memref<160xi32, #tpu.memory_space<vmem>> -> memref<40xi32, #tpu.memory_space<vmem>>
    %dma_start3A_43 = arith.constant 0 : i32
    %dma_start3A_44 = arith.constant 0 : i32
    %dma_start3A_45 = arith.constant 0 : i32
    %dma_start3A_46 = tpu.memref_slice %arg2[%dma_start3A_43, %dma_start3A_44, %dma_start3A_45] : memref<100000x8x128xf32, #tpu.memory_space<hbm>> -> memref<100000x8x128xf32, #tpu.memory_space<hbm>>
    tpu.enqueue_indirect_dma source(%dma_start3A_46 : memref<100000x8x128xf32, #tpu.memory_space<hbm>>) target(%arg6 : memref<40x8x128xf32, #tpu.memory_space<vmem>>) offsets(%dma_start3A_42 : memref<40xi32, #tpu.memory_space<vmem>>) semaphore(%arg9 : memref<!tpu.dma_semaphore, #tpu.memory_space<semaphore_mem>>)
    %dma_wait3A_47 = arith.constant 40 : i32
    %dma_wait3A_48 = tpu.memref_slice %arg5[%dma_wait3A_47] : memref<160xi32, #tpu.memory_space<vmem>> -> memref<40xi32, #tpu.memory_space<vmem>>
    %dma_wait3A_49 = arith.constant 0 : i32
    %dma_wait3A_50 = arith.constant 0 : i32
    %dma_wait3A_51 = arith.constant 0 : i32
    %dma_wait3A_52 = tpu.memref_slice %arg2[%dma_wait3A_49, %dma_wait3A_50, %dma_wait3A_51] : memref<100000x8x128xf32, #tpu.memory_space<hbm>> -> memref<100000x8x128xf32, #tpu.memory_space<hbm>>
    tpu.wait_indirect_dma semaphore(%arg10 : memref<!tpu.dma_semaphore, #tpu.memory_space<semaphore_mem>>) src(%dma_wait3A_52 : memref<100000x8x128xf32, #tpu.memory_space<hbm>>) dst(%arg7 : memref<40x8x128xf32, #tpu.memory_space<vmem>>)
    %add3A_53 = arith.constant 40 : i32
    %add3A_54 = arith.addi %mul3A_2, %add3A_53 : i32
    %dma_start3A_55 = arith.constant 0 : i32
    %dma_start3A_56 = arith.constant 0 : i32
    %dma_start3A_57 = tpu.memref_slice %arg4[%add3A_54, %dma_start3A_55, %dma_start3A_56] : memref<5120x8x128xf32, #tpu.memory_space<hbm>> -> memref<40x8x128xf32, #tpu.memory_space<hbm>>
    %dma_start3A_58 = arith.constant 0 : i32
    %dma_start3A_59 = arith.constant 0 : i32
    %dma_start3A_60 = tpu.memref_slice %arg4[%add3A_54, %dma_start3A_58, %dma_start3A_59] : memref<5120x8x128xf32, #tpu.memory_space<hbm>> -> memref<40x8x128xf32, #tpu.memory_space<hbm>>
    tpu.enqueue_dma source(%arg7 : memref<40x8x128xf32, #tpu.memory_space<vmem>>) target(%dma_start3A_60 : memref<40x8x128xf32, #tpu.memory_space<hbm>>) target_semaphore(%arg13 : memref<!tpu.dma_semaphore, #tpu.memory_space<semaphore_mem>>)
    %dma_wait3A_61 = arith.constant 80 : i32
    %dma_wait3A_62 = tpu.memref_slice %arg5[%dma_wait3A_61] : memref<160xi32, #tpu.memory_space<vmem>> -> memref<40xi32, #tpu.memory_space<vmem>>
    %dma_wait3A_63 = arith.constant 0 : i32
    %dma_wait3A_64 = arith.constant 0 : i32
    %dma_wait3A_65 = arith.constant 0 : i32
    %dma_wait3A_66 = tpu.memref_slice %arg2[%dma_wait3A_63, %dma_wait3A_64, %dma_wait3A_65] : memref<100000x8x128xf32, #tpu.memory_space<hbm>> -> memref<100000x8x128xf32, #tpu.memory_space<hbm>>
    tpu.wait_indirect_dma semaphore(%arg11 : memref<!tpu.dma_semaphore, #tpu.memory_space<semaphore_mem>>) src(%dma_wait3A_66 : memref<100000x8x128xf32, #tpu.memory_space<hbm>>) dst(%arg8 : memref<40x8x128xf32, #tpu.memory_space<vmem>>)
    %add3A_67 = arith.constant 80 : i32
    %add3A_68 = arith.addi %mul3A_2, %add3A_67 : i32
    %dma_start3A_69 = arith.constant 0 : i32
    %dma_start3A_70 = arith.constant 0 : i32
    %dma_start3A_71 = tpu.memref_slice %arg4[%add3A_68, %dma_start3A_69, %dma_start3A_70] : memref<5120x8x128xf32, #tpu.memory_space<hbm>> -> memref<40x8x128xf32, #tpu.memory_space<hbm>>
    %dma_start3A_72 = arith.constant 0 : i32
    %dma_start3A_73 = arith.constant 0 : i32
    %dma_start3A_74 = tpu.memref_slice %arg4[%add3A_68, %dma_start3A_72, %dma_start3A_73] : memref<5120x8x128xf32, #tpu.memory_space<hbm>> -> memref<40x8x128xf32, #tpu.memory_space<hbm>>
    tpu.enqueue_dma source(%arg8 : memref<40x8x128xf32, #tpu.memory_space<vmem>>) target(%dma_start3A_74 : memref<40x8x128xf32, #tpu.memory_space<hbm>>) target_semaphore(%arg14 : memref<!tpu.dma_semaphore, #tpu.memory_space<semaphore_mem>>)
    %dma_wait3A_75 = arith.constant 120 : i32
    %dma_wait3A_76 = tpu.memref_slice %arg5[%dma_wait3A_75] : memref<160xi32, #tpu.memory_space<vmem>> -> memref<40xi32, #tpu.memory_space<vmem>>
    %dma_wait3A_77 = arith.constant 0 : i32
    %dma_wait3A_78 = arith.constant 0 : i32
    %dma_wait3A_79 = arith.constant 0 : i32
    %dma_wait3A_80 = tpu.memref_slice %arg2[%dma_wait3A_77, %dma_wait3A_78, %dma_wait3A_79] : memref<100000x8x128xf32, #tpu.memory_space<hbm>> -> memref<100000x8x128xf32, #tpu.memory_space<hbm>>
    tpu.wait_indirect_dma semaphore(%arg9 : memref<!tpu.dma_semaphore, #tpu.memory_space<semaphore_mem>>) src(%dma_wait3A_80 : memref<100000x8x128xf32, #tpu.memory_space<hbm>>) dst(%arg6 : memref<40x8x128xf32, #tpu.memory_space<vmem>>)
    %add3A_81 = arith.constant 120 : i32
    %add3A_82 = arith.addi %mul3A_2, %add3A_81 : i32
    %dma_start3A_83 = arith.constant 0 : i32
    %dma_start3A_84 = arith.constant 0 : i32
    %dma_start3A_85 = tpu.memref_slice %arg4[%add3A_82, %dma_start3A_83, %dma_start3A_84] : memref<5120x8x128xf32, #tpu.memory_space<hbm>> -> memref<40x8x128xf32, #tpu.memory_space<hbm>>
    %dma_start3A_86 = arith.constant 0 : i32
    %dma_start3A_87 = arith.constant 0 : i32
    %dma_start3A_88 = tpu.memref_slice %arg4[%add3A_82, %dma_start3A_86, %dma_start3A_87] : memref<5120x8x128xf32, #tpu.memory_space<hbm>> -> memref<40x8x128xf32, #tpu.memory_space<hbm>>
    tpu.enqueue_dma source(%arg6 : memref<40x8x128xf32, #tpu.memory_space<vmem>>) target(%dma_start3A_88 : memref<40x8x128xf32, #tpu.memory_space<hbm>>) target_semaphore(%arg12 : memref<!tpu.dma_semaphore, #tpu.memory_space<semaphore_mem>>)
    %dma_wait3A_89 = arith.constant 0 : i32
    %dma_wait3A_90 = arith.constant 0 : i32
    %dma_wait3A_91 = arith.constant 0 : i32
    %dma_wait3A_92 = tpu.memref_slice %arg4[%dma_wait3A_89, %dma_wait3A_90, %dma_wait3A_91] : memref<5120x8x128xf32, #tpu.memory_space<hbm>> -> memref<40x8x128xf32, #tpu.memory_space<hbm>>
    %dma_wait3A_93 = arith.constant 0 : i32
    %dma_wait3A_94 = arith.constant 0 : i32
    %dma_wait3A_95 = arith.constant 0 : i32
    %dma_wait3A_96 = tpu.memref_slice %arg4[%dma_wait3A_93, %dma_wait3A_94, %dma_wait3A_95] : memref<5120x8x128xf32, #tpu.memory_space<hbm>> -> memref<40x8x128xf32, #tpu.memory_space<hbm>>
    tpu.wait_dma2 semaphore(%arg12 : memref<!tpu.dma_semaphore, #tpu.memory_space<semaphore_mem>>) src(%arg6 : memref<40x8x128xf32, #tpu.memory_space<vmem>>) dst(%dma_wait3A_96 : memref<40x8x128xf32, #tpu.memory_space<hbm>>)
    %dma_wait3A_97 = arith.constant 0 : i32
    %dma_wait3A_98 = arith.constant 0 : i32
    %dma_wait3A_99 = arith.constant 0 : i32
    %dma_wait3A_100 = tpu.memref_slice %arg4[%dma_wait3A_97, %dma_wait3A_98, %dma_wait3A_99] : memref<5120x8x128xf32, #tpu.memory_space<hbm>> -> memref<40x8x128xf32, #tpu.memory_space<hbm>>
    %dma_wait3A_101 = arith.constant 0 : i32
    %dma_wait3A_102 = arith.constant 0 : i32
    %dma_wait3A_103 = arith.constant 0 : i32
    %dma_wait3A_104 = tpu.memref_slice %arg4[%dma_wait3A_101, %dma_wait3A_102, %dma_wait3A_103] : memref<5120x8x128xf32, #tpu.memory_space<hbm>> -> memref<40x8x128xf32, #tpu.memory_space<hbm>>
    tpu.wait_dma2 semaphore(%arg13 : memref<!tpu.dma_semaphore, #tpu.memory_space<semaphore_mem>>) src(%arg7 : memref<40x8x128xf32, #tpu.memory_space<vmem>>) dst(%dma_wait3A_104 : memref<40x8x128xf32, #tpu.memory_space<hbm>>)
    %dma_wait3A_105 = arith.constant 0 : i32
    %dma_wait3A_106 = arith.constant 0 : i32
    %dma_wait3A_107 = arith.constant 0 : i32
    %dma_wait3A_108 = tpu.memref_slice %arg4[%dma_wait3A_105, %dma_wait3A_106, %dma_wait3A_107] : memref<5120x8x128xf32, #tpu.memory_space<hbm>> -> memref<40x8x128xf32, #tpu.memory_space<hbm>>
    %dma_wait3A_109 = arith.constant 0 : i32
    %dma_wait3A_110 = arith.constant 0 : i32
    %dma_wait3A_111 = arith.constant 0 : i32
    %dma_wait3A_112 = tpu.memref_slice %arg4[%dma_wait3A_109, %dma_wait3A_110, %dma_wait3A_111] : memref<5120x8x128xf32, #tpu.memory_space<hbm>> -> memref<40x8x128xf32, #tpu.memory_space<hbm>>
    tpu.wait_dma2 semaphore(%arg14 : memref<!tpu.dma_semaphore, #tpu.memory_space<semaphore_mem>>) src(%arg8 : memref<40x8x128xf32, #tpu.memory_space<vmem>>) dst(%dma_wait3A_112 : memref<40x8x128xf32, #tpu.memory_space<hbm>>)
    return
  }
}

module attributes {stable_mosaic.version = 14 : i64} {
  func.func @scan_kernel(%arg0: i32, %arg1: memref<1024x32xf32, #tpu.memory_space<vmem>>, %arg2: memref<32x2xf32, #tpu.memory_space<vmem>>, %arg3: memref<128x8x8x128xf32, #tpu.memory_space<vmem>>, %arg4: memref<1x1024x2xf32, #tpu.memory_space<vmem>>, %arg5: memref<1024x32xf32, #tpu.memory_space<vmem>>, %arg6: memref<1024x32xf32, #tpu.memory_space<vmem>>) attributes {dimension_semantics = [#tpu.dimension_semantics<arbitrary>], iteration_bounds = array<i64: 5>, scalar_prefetch = 0 : i64, scratch_operands = 1 : i64, tpu.core_type = #tpu.core_type<tc>, window_params = [{pipeline_mode = #tpu.pipeline_mode<synchronous>, transform_indices = @transform_0, window_bounds = array<i64: 1024, 32>}, {pipeline_mode = #tpu.pipeline_mode<synchronous>, transform_indices = @transform_1, window_bounds = array<i64: 32, 2>}, {transform_indices = @transform_2, window_bounds = array<i64: 128, 8, 8, 128>}, {transform_indices = @transform_3, window_bounds = array<i64: 1, 1024, 2>}, {pipeline_mode = #tpu.pipeline_mode<synchronous>, transform_indices = @transform_4, window_bounds = array<i64: 1024, 32>}]} {
    %eq3A = arith.constant 0 : i32
    %eq3A_0 = arith.cmpi eq, %arg0, %eq3A : i32
    %convert_element_type3A = arith.extui %eq3A_0 : i1 to i32
    %cond3A = arith.constant 0 : i32
    %cond3A_1 = arith.cmpi ne, %convert_element_type3A, %cond3A : i32
    scf.if %cond3A_1 {
      %get3A_101 = arith.constant 0 : index
      %get3A_102 = arith.constant 0 : index
      %get3A_103 = vector.load %arg1[%get3A_101, %get3A_102] : memref<1024x32xf32, #tpu.memory_space<vmem>>, vector<1024x32xf32>
      %swap3A_104 = arith.constant 0 : index
      %swap3A_105 = arith.constant 0 : index
      %swap3A_106 = vector.load %arg6[%swap3A_104, %swap3A_105] : memref<1024x32xf32, #tpu.memory_space<vmem>>, vector<1024x32xf32>
      tpu.vector_store %arg6[%swap3A_104, %swap3A_105], %get3A_103 {strides = array<i32>} : memref<1024x32xf32, #tpu.memory_space<vmem>>, vector<1024x32xf32>,
    } else {
    }
    %get3A = arith.constant 0 : index
    %get3A_2 = arith.constant 0 : index
    %get3A_3 = vector.load %arg6[%get3A, %get3A_2] : memref<1024x32xf32, #tpu.memory_space<vmem>>, vector<1024x32xf32>
    %get3A_4 = arith.constant 0 : index
    %get3A_5 = arith.constant 0 : index
    %get3A_6 = arith.constant 0 : index
    %get3A_7 = arith.constant 0 : index
    %get3A_8 = vector.load %arg3[%get3A_4, %get3A_5, %get3A_6, %get3A_7] : memref<128x8x8x128xf32, #tpu.memory_space<vmem>>, vector<128x8x8x128xf32>
    %reshape3A = vector.shape_cast %get3A_8 : vector<128x8x8x128xf32> to vector<1024x1024xf32>
    %iota3A = tpu.iota {dimensions = array<i32: 0>} : vector<64x1024xi32>
    %jit3A = arith.constant 32 : i32
    %eq3A_9 = arith.constant 0 : i32
    %eq3A_10 = arith.cmpi eq, %jit3A, %eq3A_9 : i32
    %jit3A_11 = arith.constant 1 : i32
    %select_n3A = arith.select %eq3A_10, %jit3A_11, %jit3A : i32
    %rem3A = vector.broadcast %select_n3A : i32 to vector<64x1024xi32>
    %rem3A_12 = arith.remsi %iota3A, %rem3A : vector<64x1024xi32>
    %ne3A = arith.constant 0 : i32
    %ne3A_13 = vector.broadcast %ne3A : i32 to vector<64x1024xi32>
    %ne3A_14 = arith.cmpi ne, %rem3A_12, %ne3A_13 : vector<64x1024xi32>
    %lt3A = arith.constant 0 : i32
    %lt3A_15 = vector.broadcast %lt3A : i32 to vector<64x1024xi32>
    %lt3A_16 = arith.cmpi slt, %rem3A_12, %lt3A_15 : vector<64x1024xi32>
    %lt3A_17 = arith.constant 0 : i32
    %lt3A_18 = arith.cmpi slt, %select_n3A, %lt3A_17 : i32
    %ne3A_19 = vector.broadcast %lt3A_18 : i1 to vector<64x1024xi1>
    %ne3A_20 = vector.broadcast %ne3A_19 : vector<64x1024xi1> to vector<64x1024xi1>
    %ne3A_21 = arith.xori %lt3A_16, %ne3A_20 : vector<64x1024xi1>
    %and3A = arith.andi %ne3A_21, %ne3A_14 : vector<64x1024xi1>
    %add3A = vector.broadcast %select_n3A : i32 to vector<64x1024xi32>
    %add3A_22 = arith.addi %rem3A_12, %add3A : vector<64x1024xi32>
    %select_n3A_23 = arith.select %and3A, %add3A_22, %rem3A_12 : vector<64x1024xi1>, vector<64x1024xi32>
    %iota3A_24 = tpu.iota {dimensions = array<i32: 1>} : vector<64x1024xi32>
    %jit3A_25 = arith.constant 32 : i32
    %div3A = vector.broadcast %jit3A_25 : i32 to vector<64x1024xi32>
    %div3A_26 = arith.divsi %iota3A_24, %div3A : vector<64x1024xi32>
    %sign3A = arith.constant 0 : i32
    %sign3A_27 = vector.broadcast %sign3A : i32 to vector<64x1024xi32>
    %sign3A_28 = arith.cmpi sgt, %iota3A_24, %sign3A_27 : vector<64x1024xi32>
    %sign3A_29 = arith.extui %sign3A_28 : vector<64x1024xi1> to vector<64x1024xi32>
    %sign3A_30 = arith.constant 0 : i32
    %sign3A_31 = vector.broadcast %sign3A_30 : i32 to vector<64x1024xi32>
    %sign3A_32 = arith.cmpi slt, %iota3A_24, %sign3A_31 : vector<64x1024xi32>
    %sign3A_33 = arith.extui %sign3A_32 : vector<64x1024xi1> to vector<64x1024xi32>
    %sign3A_34 = arith.subi %sign3A_29, %sign3A_33 : vector<64x1024xi32>
    %sign3A_35 = arith.constant 0 : i32
    %sign3A_36 = arith.cmpi sgt, %jit3A_25, %sign3A_35 : i32
    %sign3A_37 = arith.extui %sign3A_36 : i1 to i32
    %sign3A_38 = arith.constant 0 : i32
    %sign3A_39 = arith.cmpi slt, %jit3A_25, %sign3A_38 : i32
    %sign3A_40 = arith.extui %sign3A_39 : i1 to i32
    %sign3A_41 = arith.subi %sign3A_37, %sign3A_40 : i32
    %ne3A_42 = vector.broadcast %sign3A_41 : i32 to vector<64x1024xi32>
    %ne3A_43 = arith.cmpi ne, %sign3A_34, %ne3A_42 : vector<64x1024xi32>
    %rem3A_44 = vector.broadcast %jit3A_25 : i32 to vector<64x1024xi32>
    %rem3A_45 = arith.remsi %iota3A_24, %rem3A_44 : vector<64x1024xi32>
    %ne3A_46 = arith.constant 0 : i32
    %ne3A_47 = vector.broadcast %ne3A_46 : i32 to vector<64x1024xi32>
    %ne3A_48 = arith.cmpi ne, %rem3A_45, %ne3A_47 : vector<64x1024xi32>
    %and3A_49 = arith.andi %ne3A_43, %ne3A_48 : vector<64x1024xi1>
    %sub3A = arith.constant 1 : i32
    %sub3A_50 = vector.broadcast %sub3A : i32 to vector<64x1024xi32>
    %sub3A_51 = arith.subi %div3A_26, %sub3A_50 : vector<64x1024xi32>
    %select_n3A_52 = arith.select %and3A_49, %sub3A_51, %div3A_26 : vector<64x1024xi1>, vector<64x1024xi32>
    %eq3A_53 = arith.cmpi eq, %select_n3A_23, %select_n3A_52 : vector<64x1024xi32>
    %jit3A_54 = arith.constant 1.000000e+00 : f32
    %jit3A_55 = arith.constant 0.000000e+00 : f32
    %broadcast_in_dim3A = vector.broadcast %jit3A_54 : f32 to vector<64x1024xf32>
    %broadcast_in_dim3A_56 = vector.broadcast %jit3A_55 : f32 to vector<64x1024xf32>
    %select_n3A_57 = arith.select %eq3A_53, %broadcast_in_dim3A, %broadcast_in_dim3A_56 : vector<64x1024xi1>, vector<64x1024xf32>
    %convert_element_type3A_58 = arith.truncf %get3A_3 : vector<1024x32xf32> to vector<1024x32xbf16>
    %convert_element_type3A_59 = arith.extf %convert_element_type3A_58 : vector<1024x32xbf16> to vector<1024x32xf32>
    %sub3A_60 = arith.subf %get3A_3, %convert_element_type3A_59 : vector<1024x32xf32>
    %concatenate3A = tpu.concatenate %convert_element_type3A_59, %sub3A_60 in 1 : vector<1024x32xf32>, vector<1024x32xf32> -> vector<1024x64xf32>
    %dot_general3A = arith.constant dense<0.000000e+00> : vector<1024x1024xf32>
    %dot_general3A_61 = tpu.matmul %concatenate3A, %select_n3A_57, %dot_general3A {dimension_numbers = #tpu.dot_dimension_numbers<[1], [0], [0], [1], [0, 0, 1, 1], [], []>, transpose_lhs_hint = false} : vector<1024x64xf32>, vector<64x1024xf32>, vector<1024x1024xf32> -> vector<1024x1024xf32>
    %mul3A = arith.mulf %reshape3A, %dot_general3A_61 : vector<1024x1024xf32>
    %slice3A = vector.extract_strided_slice %mul3A {offsets = [0, 0], sizes = [1024, 128], strides = [1, 1]} : vector<1024x1024xf32> to vector<1024x128xf32>
    %slice3A_62 = vector.extract_strided_slice %mul3A {offsets = [0, 128], sizes = [1024, 128], strides = [1, 1]} : vector<1024x1024xf32> to vector<1024x128xf32>
    %add3A_63 = arith.addf %slice3A, %slice3A_62 : vector<1024x128xf32>
    %slice3A_64 = vector.extract_strided_slice %mul3A {offsets = [0, 256], sizes = [1024, 128], strides = [1, 1]} : vector<1024x1024xf32> to vector<1024x128xf32>
    %add3A_65 = arith.addf %add3A_63, %slice3A_64 : vector<1024x128xf32>
    %slice3A_66 = vector.extract_strided_slice %mul3A {offsets = [0, 384], sizes = [1024, 128], strides = [1, 1]} : vector<1024x1024xf32> to vector<1024x128xf32>
    %add3A_67 = arith.addf %add3A_65, %slice3A_66 : vector<1024x128xf32>
    %slice3A_68 = vector.extract_strided_slice %mul3A {offsets = [0, 512], sizes = [1024, 128], strides = [1, 1]} : vector<1024x1024xf32> to vector<1024x128xf32>
    %add3A_69 = arith.addf %add3A_67, %slice3A_68 : vector<1024x128xf32>
    %slice3A_70 = vector.extract_strided_slice %mul3A {offsets = [0, 640], sizes = [1024, 128], strides = [1, 1]} : vector<1024x1024xf32> to vector<1024x128xf32>
    %add3A_71 = arith.addf %add3A_69, %slice3A_70 : vector<1024x128xf32>
    %slice3A_72 = vector.extract_strided_slice %mul3A {offsets = [0, 768], sizes = [1024, 128], strides = [1, 1]} : vector<1024x1024xf32> to vector<1024x128xf32>
    %add3A_73 = arith.addf %add3A_71, %slice3A_72 : vector<1024x128xf32>
    %slice3A_74 = vector.extract_strided_slice %mul3A {offsets = [0, 896], sizes = [1024, 128], strides = [1, 1]} : vector<1024x1024xf32> to vector<1024x128xf32>
    %add3A_75 = arith.addf %add3A_73, %slice3A_74 : vector<1024x128xf32>
    %slice3A_76 = vector.extract_strided_slice %add3A_75 {offsets = [0, 0], sizes = [1024, 32], strides = [1, 1]} : vector<1024x128xf32> to vector<1024x32xf32>
    %slice3A_77 = vector.extract_strided_slice %add3A_75 {offsets = [0, 32], sizes = [1024, 32], strides = [1, 1]} : vector<1024x128xf32> to vector<1024x32xf32>
    %add3A_78 = arith.addf %slice3A_76, %slice3A_77 : vector<1024x32xf32>
    %slice3A_79 = vector.extract_strided_slice %add3A_75 {offsets = [0, 64], sizes = [1024, 32], strides = [1, 1]} : vector<1024x128xf32> to vector<1024x32xf32>
    %add3A_80 = arith.addf %add3A_78, %slice3A_79 : vector<1024x32xf32>
    %slice3A_81 = vector.extract_strided_slice %add3A_75 {offsets = [0, 96], sizes = [1024, 32], strides = [1, 1]} : vector<1024x128xf32> to vector<1024x32xf32>
    %add3A_82 = arith.addf %add3A_80, %slice3A_81 : vector<1024x32xf32>
    %swap3A = arith.constant 0 : index
    %swap3A_83 = arith.constant 0 : index
    %swap3A_84 = vector.load %arg6[%swap3A, %swap3A_83] : memref<1024x32xf32, #tpu.memory_space<vmem>>, vector<1024x32xf32>
    tpu.vector_store %arg6[%swap3A, %swap3A_83], %add3A_82 {strides = array<i32>} : memref<1024x32xf32, #tpu.memory_space<vmem>>, vector<1024x32xf32>,
    %get3A_85 = arith.constant 0 : index
    %get3A_86 = arith.constant 0 : index
    %get3A_87 = vector.load %arg2[%get3A_85, %get3A_86] : memref<32x2xf32, #tpu.memory_space<vmem>>, vector<32x2xf32>
    %dot_general3A_88 = arith.constant dense<0.000000e+00> : vector<1024x2xf32>
    %dot_general3A_89 = tpu.matmul %add3A_82, %get3A_87, %dot_general3A_88 {dimension_numbers = #tpu.dot_dimension_numbers<[1], [0], [0], [1], [0, 0, 1, 1], [], []>, precision = #tpu.contract_precision<fp32>, transpose_lhs_hint = false} : vector<1024x32xf32>, vector<32x2xf32>, vector<1024x2xf32> -> vector<1024x2xf32>
    %swap3A_90 = arith.constant 0 : index
    %swap3A_91 = arith.constant 0 : index
    %swap3A_92 = arith.constant 0 : index
    %swap3A_93 = vector.load %arg4[%swap3A_90, %swap3A_91, %swap3A_92] : memref<1x1024x2xf32, #tpu.memory_space<vmem>>, vector<1x1024x2xf32>
    %swap3A_94 = vector.shape_cast %swap3A_93 : vector<1x1024x2xf32> to vector<1024x2xf32>
    %swap3A_95 = vector.shape_cast %dot_general3A_89 : vector<1024x2xf32> to vector<1x1024x2xf32>
    tpu.vector_store %arg4[%swap3A_90, %swap3A_91, %swap3A_92], %swap3A_95 {strides = array<i32>} : memref<1x1024x2xf32, #tpu.memory_space<vmem>>, vector<1x1024x2xf32>,
    %eq3A_96 = arith.constant 4 : i32
    %eq3A_97 = arith.cmpi eq, %arg0, %eq3A_96 : i32
    %convert_element_type3A_98 = arith.extui %eq3A_97 : i1 to i32
    %cond3A_99 = arith.constant 0 : i32
    %cond3A_100 = arith.cmpi ne, %convert_element_type3A_98, %cond3A_99 : i32
    scf.if %cond3A_100 {
      %swap3A_101 = arith.constant 0 : index
      %swap3A_102 = arith.constant 0 : index
      %swap3A_103 = vector.load %arg5[%swap3A_101, %swap3A_102] : memref<1024x32xf32, #tpu.memory_space<vmem>>, vector<1024x32xf32>
      tpu.vector_store %arg5[%swap3A_101, %swap3A_102], %add3A_82 {strides = array<i32>} : memref<1024x32xf32, #tpu.memory_space<vmem>>, vector<1024x32xf32>,
    } else {
    }
    return
  }
  func.func @transform_0(%arg0: i32) -> (i32, i32) {
    %c0_i32 = arith.constant 0 : i32
    %c0_i32_0 = arith.constant 0 : i32
    %c0_i32_1 = arith.constant 0 : i32
    return %c0_i32, %c0_i32_0 : i32, i32
  }
  func.func @transform_1(%arg0: i32) -> (i32, i32) {
    %c0_i32 = arith.constant 0 : i32
    %c0_i32_0 = arith.constant 0 : i32
    %c0_i32_1 = arith.constant 0 : i32
    return %c0_i32, %c0_i32_0 : i32, i32
  }
  func.func @transform_2(%arg0: i32) -> (i32, i32, i32, i32) {
    %c0_i32 = arith.constant 0 : i32
    %c0_i32_0 = arith.constant 0 : i32
    %c0_i32_1 = arith.constant 0 : i32
    %c0_i32_2 = arith.constant 0 : i32
    return %arg0, %c0_i32, %c0_i32_0, %c0_i32_1 : i32, i32, i32, i32
  }
  func.func @transform_3(%arg0: i32) -> (i32, i32, i32) {
    %c0_i32 = arith.constant 0 : i32
    %c0_i32_0 = arith.constant 0 : i32
    %c0_i32_1 = arith.constant 0 : i32
    return %arg0, %c0_i32, %c0_i32_0 : i32, i32, i32
  }
  func.func @transform_4(%arg0: i32) -> (i32, i32) {
    %c0_i32 = arith.constant 0 : i32
    %c0_i32_0 = arith.constant 0 : i32
    %c0_i32_1 = arith.constant 0 : i32
    return %c0_i32, %c0_i32_0 : i32, i32
  }
}

module attributes {stable_mosaic.version = 14 : i64} {
  func.func @scan_kernel(%arg0: i32, %arg1: memref<1024x32xf32, #tpu.memory_space<vmem>>, %arg2: memref<32x2xf32, #tpu.memory_space<vmem>>, %arg3: memref<128x8x8x128xf32, #tpu.memory_space<vmem>>, %arg4: memref<1x1024x2xf32, #tpu.memory_space<vmem>>, %arg5: memref<1024x32xf32, #tpu.memory_space<vmem>>, %arg6: memref<1024x32xf32, #tpu.memory_space<vmem>>) attributes {dimension_semantics = [#tpu.dimension_semantics<arbitrary>], iteration_bounds = array<i64: 10>, scalar_prefetch = 0 : i64, scratch_operands = 1 : i64, tpu.core_type = #tpu.core_type<tc>, window_params = [{pipeline_mode = #tpu.pipeline_mode<synchronous>, transform_indices = @transform_0, window_bounds = array<i64: 1024, 32>}, {pipeline_mode = #tpu.pipeline_mode<synchronous>, transform_indices = @transform_1, window_bounds = array<i64: 32, 2>}, {transform_indices = @transform_2, window_bounds = array<i64: 128, 8, 8, 128>}, {transform_indices = @transform_3, window_bounds = array<i64: 1, 1024, 2>}, {pipeline_mode = #tpu.pipeline_mode<synchronous>, transform_indices = @transform_4, window_bounds = array<i64: 1024, 32>}]} {
    %eq3A = arith.constant 0 : i32
    %eq3A_0 = arith.cmpi eq, %arg0, %eq3A : i32
    %convert_element_type3A = arith.extui %eq3A_0 : i1 to i32
    %cond3A = arith.constant 0 : i32
    %cond3A_1 = arith.cmpi ne, %convert_element_type3A, %cond3A : i32
    scf.if %cond3A_1 {
      %get3A_101 = arith.constant 0 : index
      %get3A_102 = arith.constant 0 : index
      %get3A_103 = vector.load %arg1[%get3A_101, %get3A_102] : memref<1024x32xf32, #tpu.memory_space<vmem>>, vector<1024x32xf32>
      %swap3A_104 = arith.constant 0 : index
      %swap3A_105 = arith.constant 0 : index
      %swap3A_106 = vector.load %arg6[%swap3A_104, %swap3A_105] : memref<1024x32xf32, #tpu.memory_space<vmem>>, vector<1024x32xf32>
      tpu.vector_store %arg6[%swap3A_104, %swap3A_105], %get3A_103 {strides = array<i32>} : memref<1024x32xf32, #tpu.memory_space<vmem>>, vector<1024x32xf32>,
    } else {
    }
    %get3A = arith.constant 0 : index
    %get3A_2 = arith.constant 0 : index
    %get3A_3 = vector.load %arg6[%get3A, %get3A_2] : memref<1024x32xf32, #tpu.memory_space<vmem>>, vector<1024x32xf32>
    %get3A_4 = arith.constant 0 : index
    %get3A_5 = arith.constant 0 : index
    %get3A_6 = arith.constant 0 : index
    %get3A_7 = arith.constant 0 : index
    %get3A_8 = vector.load %arg3[%get3A_4, %get3A_5, %get3A_6, %get3A_7] : memref<128x8x8x128xf32, #tpu.memory_space<vmem>>, vector<128x8x8x128xf32>
    %reshape3A = vector.shape_cast %get3A_8 : vector<128x8x8x128xf32> to vector<1024x1024xf32>
    %iota3A = tpu.iota {dimensions = array<i32: 0>} : vector<64x1024xi32>
    %jit3A = arith.constant 32 : i32
    %eq3A_9 = arith.constant 0 : i32
    %eq3A_10 = arith.cmpi eq, %jit3A, %eq3A_9 : i32
    %jit3A_11 = arith.constant 1 : i32
    %select_n3A = arith.select %eq3A_10, %jit3A_11, %jit3A : i32
    %rem3A = vector.broadcast %select_n3A : i32 to vector<64x1024xi32>
    %rem3A_12 = arith.remsi %iota3A, %rem3A : vector<64x1024xi32>
    %ne3A = arith.constant 0 : i32
    %ne3A_13 = vector.broadcast %ne3A : i32 to vector<64x1024xi32>
    %ne3A_14 = arith.cmpi ne, %rem3A_12, %ne3A_13 : vector<64x1024xi32>
    %lt3A = arith.constant 0 : i32
    %lt3A_15 = vector.broadcast %lt3A : i32 to vector<64x1024xi32>
    %lt3A_16 = arith.cmpi slt, %rem3A_12, %lt3A_15 : vector<64x1024xi32>
    %lt3A_17 = arith.constant 0 : i32
    %lt3A_18 = arith.cmpi slt, %select_n3A, %lt3A_17 : i32
    %ne3A_19 = vector.broadcast %lt3A_18 : i1 to vector<64x1024xi1>
    %ne3A_20 = vector.broadcast %ne3A_19 : vector<64x1024xi1> to vector<64x1024xi1>
    %ne3A_21 = arith.xori %lt3A_16, %ne3A_20 : vector<64x1024xi1>
    %and3A = arith.andi %ne3A_21, %ne3A_14 : vector<64x1024xi1>
    %add3A = vector.broadcast %select_n3A : i32 to vector<64x1024xi32>
    %add3A_22 = arith.addi %rem3A_12, %add3A : vector<64x1024xi32>
    %select_n3A_23 = arith.select %and3A, %add3A_22, %rem3A_12 : vector<64x1024xi1>, vector<64x1024xi32>
    %iota3A_24 = tpu.iota {dimensions = array<i32: 1>} : vector<64x1024xi32>
    %jit3A_25 = arith.constant 32 : i32
    %div3A = vector.broadcast %jit3A_25 : i32 to vector<64x1024xi32>
    %div3A_26 = arith.divsi %iota3A_24, %div3A : vector<64x1024xi32>
    %sign3A = arith.constant 0 : i32
    %sign3A_27 = vector.broadcast %sign3A : i32 to vector<64x1024xi32>
    %sign3A_28 = arith.cmpi sgt, %iota3A_24, %sign3A_27 : vector<64x1024xi32>
    %sign3A_29 = arith.extui %sign3A_28 : vector<64x1024xi1> to vector<64x1024xi32>
    %sign3A_30 = arith.constant 0 : i32
    %sign3A_31 = vector.broadcast %sign3A_30 : i32 to vector<64x1024xi32>
    %sign3A_32 = arith.cmpi slt, %iota3A_24, %sign3A_31 : vector<64x1024xi32>
    %sign3A_33 = arith.extui %sign3A_32 : vector<64x1024xi1> to vector<64x1024xi32>
    %sign3A_34 = arith.subi %sign3A_29, %sign3A_33 : vector<64x1024xi32>
    %sign3A_35 = arith.constant 0 : i32
    %sign3A_36 = arith.cmpi sgt, %jit3A_25, %sign3A_35 : i32
    %sign3A_37 = arith.extui %sign3A_36 : i1 to i32
    %sign3A_38 = arith.constant 0 : i32
    %sign3A_39 = arith.cmpi slt, %jit3A_25, %sign3A_38 : i32
    %sign3A_40 = arith.extui %sign3A_39 : i1 to i32
    %sign3A_41 = arith.subi %sign3A_37, %sign3A_40 : i32
    %ne3A_42 = vector.broadcast %sign3A_41 : i32 to vector<64x1024xi32>
    %ne3A_43 = arith.cmpi ne, %sign3A_34, %ne3A_42 : vector<64x1024xi32>
    %rem3A_44 = vector.broadcast %jit3A_25 : i32 to vector<64x1024xi32>
    %rem3A_45 = arith.remsi %iota3A_24, %rem3A_44 : vector<64x1024xi32>
    %ne3A_46 = arith.constant 0 : i32
    %ne3A_47 = vector.broadcast %ne3A_46 : i32 to vector<64x1024xi32>
    %ne3A_48 = arith.cmpi ne, %rem3A_45, %ne3A_47 : vector<64x1024xi32>
    %and3A_49 = arith.andi %ne3A_43, %ne3A_48 : vector<64x1024xi1>
    %sub3A = arith.constant 1 : i32
    %sub3A_50 = vector.broadcast %sub3A : i32 to vector<64x1024xi32>
    %sub3A_51 = arith.subi %div3A_26, %sub3A_50 : vector<64x1024xi32>
    %select_n3A_52 = arith.select %and3A_49, %sub3A_51, %div3A_26 : vector<64x1024xi1>, vector<64x1024xi32>
    %eq3A_53 = arith.cmpi eq, %select_n3A_23, %select_n3A_52 : vector<64x1024xi32>
    %jit3A_54 = arith.constant 1.000000e+00 : f32
    %jit3A_55 = arith.constant 0.000000e+00 : f32
    %broadcast_in_dim3A = vector.broadcast %jit3A_54 : f32 to vector<64x1024xf32>
    %broadcast_in_dim3A_56 = vector.broadcast %jit3A_55 : f32 to vector<64x1024xf32>
    %select_n3A_57 = arith.select %eq3A_53, %broadcast_in_dim3A, %broadcast_in_dim3A_56 : vector<64x1024xi1>, vector<64x1024xf32>
    %convert_element_type3A_58 = arith.truncf %get3A_3 : vector<1024x32xf32> to vector<1024x32xbf16>
    %convert_element_type3A_59 = arith.extf %convert_element_type3A_58 : vector<1024x32xbf16> to vector<1024x32xf32>
    %sub3A_60 = arith.subf %get3A_3, %convert_element_type3A_59 : vector<1024x32xf32>
    %concatenate3A = tpu.concatenate %convert_element_type3A_59, %sub3A_60 in 1 : vector<1024x32xf32>, vector<1024x32xf32> -> vector<1024x64xf32>
    %dot_general3A = arith.constant dense<0.000000e+00> : vector<1024x1024xf32>
    %dot_general3A_61 = tpu.matmul %concatenate3A, %select_n3A_57, %dot_general3A {dimension_numbers = #tpu.dot_dimension_numbers<[1], [0], [0], [1], [0, 0, 1, 1], [], []>, transpose_lhs_hint = false} : vector<1024x64xf32>, vector<64x1024xf32>, vector<1024x1024xf32> -> vector<1024x1024xf32>
    %mul3A = arith.mulf %reshape3A, %dot_general3A_61 : vector<1024x1024xf32>
    %slice3A = vector.extract_strided_slice %mul3A {offsets = [0, 0], sizes = [1024, 128], strides = [1, 1]} : vector<1024x1024xf32> to vector<1024x128xf32>
    %slice3A_62 = vector.extract_strided_slice %mul3A {offsets = [0, 128], sizes = [1024, 128], strides = [1, 1]} : vector<1024x1024xf32> to vector<1024x128xf32>
    %add3A_63 = arith.addf %slice3A, %slice3A_62 : vector<1024x128xf32>
    %slice3A_64 = vector.extract_strided_slice %mul3A {offsets = [0, 256], sizes = [1024, 128], strides = [1, 1]} : vector<1024x1024xf32> to vector<1024x128xf32>
    %add3A_65 = arith.addf %add3A_63, %slice3A_64 : vector<1024x128xf32>
    %slice3A_66 = vector.extract_strided_slice %mul3A {offsets = [0, 384], sizes = [1024, 128], strides = [1, 1]} : vector<1024x1024xf32> to vector<1024x128xf32>
    %add3A_67 = arith.addf %add3A_65, %slice3A_66 : vector<1024x128xf32>
    %slice3A_68 = vector.extract_strided_slice %mul3A {offsets = [0, 512], sizes = [1024, 128], strides = [1, 1]} : vector<1024x1024xf32> to vector<1024x128xf32>
    %add3A_69 = arith.addf %add3A_67, %slice3A_68 : vector<1024x128xf32>
    %slice3A_70 = vector.extract_strided_slice %mul3A {offsets = [0, 640], sizes = [1024, 128], strides = [1, 1]} : vector<1024x1024xf32> to vector<1024x128xf32>
    %add3A_71 = arith.addf %add3A_69, %slice3A_70 : vector<1024x128xf32>
    %slice3A_72 = vector.extract_strided_slice %mul3A {offsets = [0, 768], sizes = [1024, 128], strides = [1, 1]} : vector<1024x1024xf32> to vector<1024x128xf32>
    %add3A_73 = arith.addf %add3A_71, %slice3A_72 : vector<1024x128xf32>
    %slice3A_74 = vector.extract_strided_slice %mul3A {offsets = [0, 896], sizes = [1024, 128], strides = [1, 1]} : vector<1024x1024xf32> to vector<1024x128xf32>
    %add3A_75 = arith.addf %add3A_73, %slice3A_74 : vector<1024x128xf32>
    %slice3A_76 = vector.extract_strided_slice %add3A_75 {offsets = [0, 0], sizes = [1024, 32], strides = [1, 1]} : vector<1024x128xf32> to vector<1024x32xf32>
    %slice3A_77 = vector.extract_strided_slice %add3A_75 {offsets = [0, 32], sizes = [1024, 32], strides = [1, 1]} : vector<1024x128xf32> to vector<1024x32xf32>
    %add3A_78 = arith.addf %slice3A_76, %slice3A_77 : vector<1024x32xf32>
    %slice3A_79 = vector.extract_strided_slice %add3A_75 {offsets = [0, 64], sizes = [1024, 32], strides = [1, 1]} : vector<1024x128xf32> to vector<1024x32xf32>
    %add3A_80 = arith.addf %add3A_78, %slice3A_79 : vector<1024x32xf32>
    %slice3A_81 = vector.extract_strided_slice %add3A_75 {offsets = [0, 96], sizes = [1024, 32], strides = [1, 1]} : vector<1024x128xf32> to vector<1024x32xf32>
    %add3A_82 = arith.addf %add3A_80, %slice3A_81 : vector<1024x32xf32>
    %swap3A = arith.constant 0 : index
    %swap3A_83 = arith.constant 0 : index
    %swap3A_84 = vector.load %arg6[%swap3A, %swap3A_83] : memref<1024x32xf32, #tpu.memory_space<vmem>>, vector<1024x32xf32>
    tpu.vector_store %arg6[%swap3A, %swap3A_83], %add3A_82 {strides = array<i32>} : memref<1024x32xf32, #tpu.memory_space<vmem>>, vector<1024x32xf32>,
    %get3A_85 = arith.constant 0 : index
    %get3A_86 = arith.constant 0 : index
    %get3A_87 = vector.load %arg2[%get3A_85, %get3A_86] : memref<32x2xf32, #tpu.memory_space<vmem>>, vector<32x2xf32>
    %dot_general3A_88 = arith.constant dense<0.000000e+00> : vector<1024x2xf32>
    %dot_general3A_89 = tpu.matmul %add3A_82, %get3A_87, %dot_general3A_88 {dimension_numbers = #tpu.dot_dimension_numbers<[1], [0], [0], [1], [0, 0, 1, 1], [], []>, precision = #tpu.contract_precision<fp32>, transpose_lhs_hint = false} : vector<1024x32xf32>, vector<32x2xf32>, vector<1024x2xf32> -> vector<1024x2xf32>
    %swap3A_90 = arith.constant 0 : index
    %swap3A_91 = arith.constant 0 : index
    %swap3A_92 = arith.constant 0 : index
    %swap3A_93 = vector.load %arg4[%swap3A_90, %swap3A_91, %swap3A_92] : memref<1x1024x2xf32, #tpu.memory_space<vmem>>, vector<1x1024x2xf32>
    %swap3A_94 = vector.shape_cast %swap3A_93 : vector<1x1024x2xf32> to vector<1024x2xf32>
    %swap3A_95 = vector.shape_cast %dot_general3A_89 : vector<1024x2xf32> to vector<1x1024x2xf32>
    tpu.vector_store %arg4[%swap3A_90, %swap3A_91, %swap3A_92], %swap3A_95 {strides = array<i32>} : memref<1x1024x2xf32, #tpu.memory_space<vmem>>, vector<1x1024x2xf32>,
    %eq3A_96 = arith.constant 9 : i32
    %eq3A_97 = arith.cmpi eq, %arg0, %eq3A_96 : i32
    %convert_element_type3A_98 = arith.extui %eq3A_97 : i1 to i32
    %cond3A_99 = arith.constant 0 : i32
    %cond3A_100 = arith.cmpi ne, %convert_element_type3A_98, %cond3A_99 : i32
    scf.if %cond3A_100 {
      %swap3A_101 = arith.constant 0 : index
      %swap3A_102 = arith.constant 0 : index
      %swap3A_103 = vector.load %arg5[%swap3A_101, %swap3A_102] : memref<1024x32xf32, #tpu.memory_space<vmem>>, vector<1024x32xf32>
      tpu.vector_store %arg5[%swap3A_101, %swap3A_102], %add3A_82 {strides = array<i32>} : memref<1024x32xf32, #tpu.memory_space<vmem>>, vector<1024x32xf32>,
    } else {
    }
    return
  }
  func.func @transform_0(%arg0: i32) -> (i32, i32) {
    %c0_i32 = arith.constant 0 : i32
    %c0_i32_0 = arith.constant 0 : i32
    %c0_i32_1 = arith.constant 0 : i32
    return %c0_i32, %c0_i32_0 : i32, i32
  }
  func.func @transform_1(%arg0: i32) -> (i32, i32) {
    %c0_i32 = arith.constant 0 : i32
    %c0_i32_0 = arith.constant 0 : i32
    %c0_i32_1 = arith.constant 0 : i32
    return %c0_i32, %c0_i32_0 : i32, i32
  }
  func.func @transform_2(%arg0: i32) -> (i32, i32, i32, i32) {
    %c0_i32 = arith.constant 0 : i32
    %c0_i32_0 = arith.constant 0 : i32
    %c0_i32_1 = arith.constant 0 : i32
    %c0_i32_2 = arith.constant 0 : i32
    return %arg0, %c0_i32, %c0_i32_0, %c0_i32_1 : i32, i32, i32, i32
  }
  func.func @transform_3(%arg0: i32) -> (i32, i32, i32) {
    %c0_i32 = arith.constant 0 : i32
    %c0_i32_0 = arith.constant 0 : i32
    %c0_i32_1 = arith.constant 0 : i32
    return %arg0, %c0_i32, %c0_i32_0 : i32, i32, i32
  }
  func.func @transform_4(%arg0: i32) -> (i32, i32) {
    %c0_i32 = arith.constant 0 : i32
    %c0_i32_0 = arith.constant 0 : i32
    %c0_i32_1 = arith.constant 0 : i32
    return %c0_i32, %c0_i32_0 : i32, i32
  }
}

</mosaic_0001>

<sc_bundles>
// kernel: kernel.14.cloned.1.call-start
scs
__scs_entry_jumppad:
0x0: {  	(pc) =	sbr.rel $0x88, $3  }
0x1: {  	(tag) =	ssettag $0x0;
	lr =	simm.s32 $0x1  }
0x2: {  	[smem:$0x3F9E] =	sst lr;
	_ =	strace $0xD0000000  }
0x3: {  	_ = 	snop  }
0x4: {  	_ = 	snop  }
0x5: {  	_ = 	snop  }
0x6: {  	_ = 	snop  }
0x7: {  	_ = 	snop  }
__scs_overlays_trampoline_lowered:
0x8: {  	[smem:$0x3FAD] =	sst s0  }
0x9: {  	[smem:$0x3FAE] =	sst s1  }
0xa: {  	[smem:$0x3FAF] =	sst s2  }
0xb: {  	[smem:$0x3FB0] =	sst s3  }
0xc: {  	[smem:$0x3FB1] =	sst s4  }
0xd: {  	[smem:$0x3FB2] =	sst s5  }
0xe: {  	[smem:$0x3FB3] =	sst s6  }
0xf: {  	[smem:$0x3FB4] =	sst s7  }
0x10: {  	[smem:$0x3FB5] =	sst s8  }
0x11: {  	[smem:$0x3FB6] =	sst s9;
	s0 =	simm.s32 @!p0 $0x0  }
0x12: {  	s1 =	sld [smem:$0x3F9C];
	s0 =	simm.s32 @p0 $0x1  }
0x13: {  	[smem:$0x3FB7] =	sst s0;
	s0 =	simm.s32 @!p1 $0x0  }
0x14: {  	s2 =	sld [smem:$0x3F9B];
	s0 =	simm.s32 @p1 $0x1  }
0x15: {  	[smem:$0x3FB8] =	sst s0;
	s0 =	simm.s32 @!p2 $0x0  }
0x16: {  	s3 =	sld [smem:$0x3FDB];
	s0 =	simm.s32 @p2 $0x1  }
0x17: {  	s4 =	simm.s32 $0x1BF5;
	[smem:$0x3FBA] =	sst s0  }
0x18: {  	s0 =	sld [smem:$0x3F9D];
	_ =	swait.ge [sflag:s4], $0x0  }
0x19: {  	s7 =	sld [smem:$0x3F9E]  }
0x1a: {  	s8 =	sadd.s32 $0xFFFFE003, lr  }
0x1b: {  	s9 =	sadd.s32 $0xFFFFFEF7, lr;
	s5 =	simm.s32 $0xFFFFFFFF;
	p2 =	slt.u32 s8, $0xFFFFF086  }
0x1c: {  	p1 =	slt.u32 s9, $0xF7A;
	s5 =	simm.s32 @!p2 $0x0  }
0x1d: {  	s5 =	simm.s32 @p1 $0x1;
	p0 =	seq.s32 s7, s2  }
0x1e: {  	s7 =	smul.u32 @!p0 $0xF7A, s2;
	p2 =	seq.s32 @!p0 s5, $0x0  }
0x1f: {  	s9 =	smul.u32 $0xF7A, s1;
	s8 =	simm.s32 @!p0 $0x1BF5;
	p2 =	por !p2, p0  }
0x20: {  	[sflag:s8] =	ssyncset.s32 @!p0 $0xFFFFF086;
	s6 =	sadd.s32 @!p0 s3, s7;
	s7 =	simm.s32 @!p0 $0x108  }
0x21: {  	s3 =	sadd.s32 s3, s9;
	s6 =	sadd.s32 @!p0 $0x88, s6;
	s7 =	simm.s32 @p2 $0x1082  }
0x22: {  	[simem:s7], [sflag:s8] =	dma.local @!p0 [hbm:s6], $0xF7A  }
0x23: {  	s9 =	sor.u32 $0xD0000000, s2;
	s6 =	simm.s32 $0x108;
	_ =	swait.ge @!p0 [sflag:s8], $0x0  }
0x24: {  	s3 =	sadd.s32 $0x88, s3;
	s6 =	simm.s32 @!p1 $0x1082;
	[sflag:s4] =	ssyncset.s32 $0xFFFFF086  }
0x25: {  	[simem:s6], [sflag:s4] =	dma.local [hbm:s3], $0xF7A  }
0x26: {  	[smem:$0x3F9E] =	sst s1;
	(tag) =	ssettag s2;
	_ =	strace s9  }
0x27: {  	s1 =	sld [smem:$0x3FAE]  }
0x28: {  	s2 =	sld [smem:$0x3FAF]  }
0x29: {  	s4 =	sld [smem:$0x3FB1]  }
0x2a: {  	p0 =	seq.s32 s5, $0x0;
	s5 =	sld [smem:$0x3FB2]  }
0x2b: {  	s6 =	sld [smem:$0x3FB3]  }
0x2c: {  	s7 =	sld [smem:$0x3FB4]  }
0x2d: {  	s3 =	simm.s32 $0x108;
	s8 =	sld [smem:$0x3FB5]  }
0x2e: {  	s3 =	simm.s32 @!p0 $0x1082;
	s9 =	sld [smem:$0x3FB6]  }
0x2f: {  	lr =	sadd.s32 s0, s3;
	s0 =	sld [smem:$0x3FAD]  }
0x30: {  	s3 =	sld [smem:$0x3FB0]  }
0x31: {  	[smem:$0x3FB9] =	sst s10  }
0x32: {  	s10 =	sld [smem:$0x3FB7];
	_ =	sdelay $0x3  }
0x33: {  	p0 =	seq.s32 s10, $0x1;
	s10 =	sld [smem:$0x3FB9];
	_ =	sdelay $0x3  }
0x34: {  	[smem:$0x3FB9] =	sst s10  }
0x35: {  	s10 =	sld [smem:$0x3FB8];
	_ =	sdelay $0x3  }
0x36: {  	p1 =	seq.s32 s10, $0x1;
	s10 =	sld [smem:$0x3FB9];
	_ =	sdelay $0x3  }
0x37: {  	[smem:$0x3FB9] =	sst s10  }
0x38: {  	s10 =	sld [smem:$0x3FBA]  }
0x39: {  	_ = 	snop;
	(pc) =	sbr.ind lr, $3  }
0x3a: {  	_ = 	snop  }
0x3b: {  	_ = 	snop  }
0x3c: {  	p2 =	seq.s32 s10, $0x1;
	s10 =	sld [smem:$0x3FB9]  }
0x3d: {  	_ =	shalt  }
0x3e: {  	_ =	shalt  }
0x3f: {  	_ =	shalt  }
0x40: {  	_ =	shalt  }
0x41: {  	_ =	shalt  }
0x42: {  	_ =	shalt  }
0x43: {  	_ =	shalt  }
0x44: {  	_ =	shalt  }
0x45: {  	_ =	shalt  }
0x46: {  	_ =	shalt  }
0x47: {  	_ =	shalt  }
0x48: {  	_ =	shalt  }
0x49: {  	_ =	shalt  }
0x4a: {  	_ =	shalt  }
0x4b: {  	_ =	shalt  }
0x4c: {  	_ =	shalt  }
0x4d: {  	_ =	shalt  }
0x4e: {  	_ =	shalt  }
0x4f: {  	_ =	shalt  }
0x50: {  	_ =	shalt  }
0x51: {  	_ =	shalt  }
0x52: {  	_ =	shalt  }
0x53: {  	_ =	shalt  }
0x54: {  	_ =	shalt  }
0x55: {  	_ =	shalt  }
0x56: {  	_ =	shalt  }
0x57: {  	_ =	shalt  }
0x58: {  	_ =	shalt  }
0x59: {  	_ =	shalt  }
0x5a: {  	_ =	shalt  }
0x5b: {  	_ =	shalt  }
0x5c: {  	_ =	shalt  }
0x5d: {  	_ =	shalt  }
0x5e: {  	_ =	shalt  }
0x5f: {  	_ =	shalt  }
0x60: {  	_ =	shalt  }
0x61: {  	_ =	shalt  }
0x62: {  	_ =	shalt  }
0x63: {  	_ =	shalt  }
0x64: {  	_ =	shalt  }
0x65: {  	_ =	shalt  }
0x66: {  	_ =	shalt  }
0x67: {  	_ =	shalt  }
0x68: {  	_ =	shalt  }
0x69: {  	_ =	shalt  }
0x6a: {  	_ =	shalt  }
0x6b: {  	_ =	shalt  }
0x6c: {  	_ =	shalt  }
0x6d: {  	_ =	shalt  }
0x6e: {  	_ =	shalt  }
0x6f: {  	_ =	shalt  }
0x70: {  	_ =	shalt  }
0x71: {  	_ =	shalt  }
0x72: {  	_ =	shalt  }
0x73: {  	_ =	shalt  }
0x74: {  	_ =	shalt  }
0x75: {  	_ =	shalt  }
0x76: {  	_ =	shalt  }
0x77: {  	_ =	shalt  }
0x78: {  	_ =	shalt  }
0x79: {  	_ =	shalt  }
0x7a: {  	_ =	shalt  }
0x7b: {  	_ =	shalt  }
0x7c: {  	_ =	shalt  }
0x7d: {  	_ =	shalt  }
0x7e: {  	_ =	shalt  }
0x7f: {  	_ =	shalt  }
0x80: {  	_ =	shalt  }
0x81: {  	_ =	shalt  }
0x82: {  	_ =	shalt  }
0x83: {  	_ =	shalt  }
0x84: {  	_ =	shalt  }
0x85: {  	_ =	shalt  }
0x86: {  	_ =	shalt  }
0x87: {  	_ =	shalt  }
.Lfunc_end0:
.L_simem_size_0:
called_computation_lowered:
.L_overlay_start_0:
0x88: {  	s2 =	sld [smem:$0x3FD9]  }
0x89: {  	s3 =	sld [smem:$0x3FFE];
	_ =	sdelay $0x1  }
0x8a: {  	s1 =	srdreg.scid  }
0x8b: {  	s0 =	sand.u32 $0x1, s1  }
0x8c: {  	s16 =	sshll.u32 s0, $0xA;
	s2 =	sadd.s32 s3, s2  }
0x8d: {  	s2 =	sadd.s32 s2, s16  }
0x8e: {  	[smem:$0x3FC5] =	sst s2  }
0x8f: {  	_ = 	snop  }
0x90: {  	(tm) =	ssettm $0x1  }
0x91: {  	s17 =	sld [smem:$0x3FFB];
	_ =	sdelay $0x3  }
0x92: {  	_ =	strace s17  }
0x93: {  	s2 =	sld [smem:$0x3FFC];
	_ =	sdelay $0x3  }
0x94: {  	_ =	strace s2  }
0x95: {  	s2 =	sld [smem:$0x3FFD];
	_ =	sdelay $0x3  }
0x96: {  	_ =	strace s2  }
0x97: {  	_ =	strace $0x8FFFFFFF  }
0x98: {  	s18 =	sld [smem:$0x3FDB];
	_ =	sdelay $0x1  }
0x99: {  	s19 =	simm.s32 $_scs_section_size  }
0x9a: {  	s4 =	simm.s32 $_size__tile_overlayer_lowered;
	s5 =	simm.s32 $_tile_overlayer_lowered  }
0x9b: {  	s22 =	simm.s32 $0x1BFF;
	s21 =	sshll.u32 s5, $0x1;
	s2 =	sadd.s32 s19, s18  }
0x9c: {  	s6 =	simm.s32 $0x0;
	s20 =	sshll.u32 s4, $0x1;
	s4 =	sadd.s32 s21, s2  }
0x9d: {  	[timem:s6], [sflag:s22] =	dma.local [hbm:s4], s20  }
0x9e: {  	_ =	swait.ge [sflag:s22], s20  }
0x9f: {  	s3 =	ssub.s32 $0x0, s20;
	[sflag:s22] =	ssyncset.done $0x0  }
0xa0: {  	[sflag:s22] =	ssyncadd.s32 s3;
	_ =	sdelay $0x1  }
0xa1: {  	s23 =	simm.s32 $0x1B8B  }
0xa2: {  	_ =	swait.ge [sflag:s23], $0x1  }
0xa3: {  	[sflag:s23] =	ssyncset.done $0x0  }
0xa4: {  	s25 =	simm.s32 $0x1B8E;
	s24 =	sld [smem:$0x3FFE];
	[sflag:s23] =	ssyncadd.s32 $0xFFFFFFFF  }
0xa5: {  	s26 =	simm.s32 $execute0_lowered;
	[smem:$0x3FD2] =	sst s25  }
0xa6: {  	s4 =	sshll.u32 s26, $0x1;
	_ =	strace $0x80000046;
	[dreg:$0x1] =	wrdreg $0xFFFFFFFF  }
0xa7: {  	s28 =	simm.s32 $_size_execute0_lowered;
	s2 =	sadd.s32 s2, s4;
	[dreg:$0x0] =	wrdreg $0x0  }
0xa8: {  	s4 =	sshll.u32 s28, $0x1;
	[dreg:$0x2] =	wrdreg s2  }
0xa9: {  	[dreg:$0x3] =	wrdreg s4  }
0xaa: {  	[dreg:$0x4] =	wrdreg $0xC0  }
0xab: {  	_ =	task [dreg:s6], $0x5FFFF  }
0xac: {  	[dreg:$0x1] =	wrdreg $0xFFFFFFFF  }
0xad: {  	[dreg:$0x0] =	wrdreg $0x60  }
0xae: {  	[dreg:$0x2] =	wrdreg s24  }
0xaf: {  	[dreg:$0x3] =	wrdreg $0x9  }
0xb0: {  	_ =	task.clear_ibuf [dreg:s6], $0x4FFFF;
	_ =	strace $0x90000046  }
0xb1: {  	s29 =	simm.s32 $0x9;
	_ =	strace $0x80000048  }
0xb2: {  	_ =	swait.ge [sflag:s29], $0x1  }
0xb3: {  	[sflag:s29] =	ssyncadd.s32 $0xFFFFFFFF  }
0xb4: {  	_ =	strace $0x90000048  }
0xb5: {  	_ =	sfence  }
0xb6: {  	s30 =	sld [smem:$0x0];
	_ =	sdelay $0x2  }
0xb7: {  	s31 =	sshll.u32 s1, $0xD;
	s1 =	sshrl.u32 s1, $0x2  }
0xb8: {  	s3 =	sand.u32 $0x4000, s31;
	s1 =	sadd.s32 s1, s30  }
0xb9: {  	s0 =	sor.u32 s3, s0;
	s1 =	sshll.u32 s1, $0x11  }
0xba: {  	s0 =	sor.u32 s1, s0  }
0xbb: {  	s0 =	sadd.s32 $0x8F2B, s0  }
0xbc: {  	[sflag:s0] =	ssyncadd.remote.s32 $0x1  }
0xbd: {  	_ =	sfence.sel $0xFFFF  }
0xbe: {  	[dreg:$0x0] =	wrdreg $0xFFFFFFFF;
	(pc) =	sbr.abs _section_cstart, $3  }
0xbf: {  	[dreg:$0x1] =	wrdreg $0xFFFFFFFF  }
0xc0: {  	_ =	task.clear_ibuf [dreg:s6], $0x2FFFF;
	_ =	strace $0x9FFFFFFF  }
0xc1: {  	(tm) =	ssettm $0x7FFFFFFF  }
tec
execute0_lowered:
.L_overlay_start_1:
0x0: {  	(tag) =	ssettag $0x1  }
0x1: {  	s1 =	srdreg.scid;
	s0 =	stileid.u32  }
0x2: {  	s20 =	sand.u32 $0x1, s1;
	s31 =	sshll.u32 s0, $0x1  }
0x3: {  	s14 =	sor.u32 s20, s31  }
0x4: {  	s3 =	smul.u32 $0x14, s14  }
0x5: {  	s12 =	rddreg [dreg:$0x0];
	s2 =	simm.s32 $0x0  }
0x6: {  	s4 =	simm.s32 $0x7;
	[smem:$0x7FF] =	sst s2;
	s3 =	sadd.s32 s3, s12  }
0x7: {  	s1 =	rddreg [dreg:$0x1];
	_ =	strace $0x80000047;
	s3 =	sadd.s32 $0xC37A00, s3  }
0x8: {  	[tilespmem:s2], [sflag:$0x7] =	stream.linear.gather [hbm4b:s3+s2], $0xA0, $0x38;
	[tilespmem:$0x1E100] =	vst v63  }
0x9: {  	_ =	swait.ge [sflag:s4], $0xA0  }
0xa: {  	s6 =	simm.s32 $0x28;
	[sflag:s4] =	ssyncset.done $0x0  }
0xb: {  	s7 =	simm.s32 $0x100;
	s5 =	sadd.s32 $0x2A00, s12;
	[sflag:s4] =	ssyncadd.s32 $0xFFFFFF60  }
0xc: {  	[tilespmem:s7], [sflag:$0x1] =	stream.indirect.gather [hbm4b:s5+s6], $0x400, s2, s6, $0xb8;
	[tilespmem:$0x1E100] =	vst v63  }
0xd: {  	s8 =	simm.s32 $0xA100  }
0xe: {  	[tilespmem:s8], [sflag:$0x2] =	stream.indirect.gather [hbm4b:s5+s6], $0x400, s6, s6, $0xb8;
	[tilespmem:$0x1E100] =	vst v63  }
0xf: {  	s9 =	simm.s32 $0x50;
	s10 =	simm.s32 $0x14100;
	s11 =	simm.s32 $0x1  }
0x10: {  	[tilespmem:s10], [sflag:$0x3] =	stream.indirect.gather [hbm4b:s5+s6], $0x400, s9, s6, $0xb8;
	[tilespmem:$0x1E100] =	vst v63  }
0x11: {  	s13 =	smul.u32 $0x5000, s14;
	_ =	swait.ge [sflag:s11], $0xA000  }
0x12: {  	s16 =	sadd.s32 $0xC37E00, s12;
	[sflag:s11] =	ssyncset.done $0x0  }
0x13: {  	s12 =	sadd.s32 s16, s13;
	s13 =	simm.s32 $0x4;
	[sflag:s11] =	ssyncadd.s32 $0xFFFF6000  }
0x14: {  	[hbm4b:s12+s2] =	stream.linear.scatter [tilespmem:s7], [sflag:$0x4], $0xA000, $0x38;
	[tilespmem:$0x1E100] =	vst v63  }
0x15: {  	_ =	swait.ge [sflag:s13], $0xA000  }
0x16: {  	s15 =	simm.s32 $0x2;
	[sflag:s13] =	ssyncset.done $0x0  }
0x17: {  	s17 =	smul.u32 $0x28000, s14;
	s14 =	simm.s32 $0x78;
	[sflag:s13] =	ssyncadd.s32 $0xFFFF6000  }
0x18: {  	[tilespmem:s7], [sflag:$0x1] =	stream.indirect.gather [hbm4b:s5+s6], $0x400, s14, s6, $0xb8;
	[tilespmem:$0x1E100] =	vst v63  }
0x19: {  	s17 =	sshrl.u32 s17, $0x3;
	_ =	swait.ge [sflag:s15], $0xA000  }
0x1a: {  	s19 =	sadd.s32 s16, s17;
	[sflag:s15] =	ssyncset.done $0x0  }
0x1b: {  	s17 =	simm.s32 $0x3;
	s16 =	sadd.s32 $0x1400, s19;
	[sflag:s15] =	ssyncadd.s32 $0xFFFF6000  }
0x1c: {  	[hbm4b:s16+s2] =	stream.linear.scatter [tilespmem:s8], [sflag:$0x5], $0xA000, $0x38;
	[tilespmem:$0x1E100] =	vst v63  }
0x1d: {  	_ =	swait.ge [sflag:s17], $0xA000  }
0x1e: {  	[sflag:s17] =	ssyncset.done $0x0  }
0x1f: {  	s18 =	sadd.s32 $0x2800, s19;
	[sflag:s17] =	ssyncadd.s32 $0xFFFF6000  }
0x20: {  	[hbm4b:s18+s2] =	stream.linear.scatter [tilespmem:s10], [sflag:$0x6], $0xA000, $0x38;
	[tilespmem:$0x1E100] =	vst v63  }
0x21: {  	_ =	swait.ge [sflag:s11], $0xA000  }
0x22: {  	s21 =	ssub.s32 $0x2, s20;
	[sflag:s11] =	ssyncset.done $0x0  }
0x23: {  	s22 =	sshrl.u32 s21, $0x1;
	s19 =	sadd.s32 $0x3C00, s19;
	[sflag:s11] =	ssyncadd.s32 $0xFFFF6000  }
0x24: {  	[hbm4b:s19+s2] =	stream.linear.scatter [tilespmem:s7], [sflag:$0x4], $0xA000, $0x38;
	[tilespmem:$0x1E100] =	vst v63  }
0x25: {  	s21 =	ssub.s32 s21, s22;
	_ =	swait.ge [sflag:s13], $0xA000  }
0x26: {  	s22 =	smax.u32 s21, $0x1;
	[sflag:s13] =	ssyncset.done $0x0  }
0x27: {  	s20 =	simm.s32 $0x5;
	p0 =	sne.s32 s22, $0x1;
	[sflag:s13] =	ssyncadd.s32 $0xFFFF6000  }
.Ltmp0:
0x28: {  	_ =	swait.ge [sflag:s20], $0xA000;
	(pc) =	sbr.rel @!p0 .LBB2_2-.Ltmp0, $4  }
0x29: {  	[sflag:s20] =	ssyncset.done $0x0  }
0x2a: {  	s21 =	simm.s32 $0x6;
	[sflag:s20] =	ssyncadd.s32 $0xFFFF6000  }
0x2b: {  	_ =	swait.ge [sflag:s21], $0xA000  }
0x2c: {  	s22 =	sadd.s32 $0xFFFFFFFF, s22;
	[sflag:s21] =	ssyncset.done $0x0  }
.LBB2_1:
0x2d: {  	p0 =	sne.s32 s22, $0x1;
	s22 =	sadd.s32 $0xFFFFFFFF, s22;
	[sflag:s21] =	ssyncadd.s32 $0xFFFF6000  }
0x2e: {  	[tilespmem:s2], [sflag:$0x7] =	stream.linear.gather [hbm4b:s3+s2], $0xA0, $0x38;
	[tilespmem:$0x1E100] =	vst v63  }
0x2f: {  	_ =	swait.ge [sflag:s4], $0xA0  }
0x30: {  	[sflag:s4] =	ssyncset.done $0x0  }
0x31: {  	[sflag:s4] =	ssyncadd.s32 $0xFFFFFF60  }
0x32: {  	[tilespmem:s7], [sflag:$0x1] =	stream.indirect.gather [hbm4b:s5+s6], $0x400, s2, s6, $0xb8;
	[tilespmem:$0x1E100] =	vst v63  }
0x33: {  	_ = 	snop  }
0x34: {  	[tilespmem:s8], [sflag:$0x2] =	stream.indirect.gather [hbm4b:s5+s6], $0x400, s6, s6, $0xb8;
	[tilespmem:$0x1E100] =	vst v63  }
0x35: {  	_ = 	snop  }
0x36: {  	[tilespmem:s10], [sflag:$0x3] =	stream.indirect.gather [hbm4b:s5+s6], $0x400, s9, s6, $0xb8;
	[tilespmem:$0x1E100] =	vst v63  }
0x37: {  	_ =	swait.ge [sflag:s11], $0xA000  }
0x38: {  	[sflag:s11] =	ssyncset.done $0x0  }
0x39: {  	[sflag:s11] =	ssyncadd.s32 $0xFFFF6000  }
0x3a: {  	[hbm4b:s12+s2] =	stream.linear.scatter [tilespmem:s7], [sflag:$0x4], $0xA000, $0x38;
	[tilespmem:$0x1E100] =	vst v63  }
0x3b: {  	_ =	swait.ge [sflag:s13], $0xA000  }
0x3c: {  	[sflag:s13] =	ssyncset.done $0x0  }
0x3d: {  	[sflag:s13] =	ssyncadd.s32 $0xFFFF6000  }
0x3e: {  	[tilespmem:s7], [sflag:$0x1] =	stream.indirect.gather [hbm4b:s5+s6], $0x400, s14, s6, $0xb8;
	[tilespmem:$0x1E100] =	vst v63  }
0x3f: {  	_ =	swait.ge [sflag:s15], $0xA000  }
0x40: {  	[sflag:s15] =	ssyncset.done $0x0  }
0x41: {  	[sflag:s15] =	ssyncadd.s32 $0xFFFF6000  }
0x42: {  	[hbm4b:s16+s2] =	stream.linear.scatter [tilespmem:s8], [sflag:$0x5], $0xA000, $0x38;
	[tilespmem:$0x1E100] =	vst v63  }
0x43: {  	_ =	swait.ge [sflag:s17], $0xA000  }
0x44: {  	[sflag:s17] =	ssyncset.done $0x0  }
0x45: {  	[sflag:s17] =	ssyncadd.s32 $0xFFFF6000  }
0x46: {  	[hbm4b:s18+s2] =	stream.linear.scatter [tilespmem:s10], [sflag:$0x6], $0xA000, $0x38;
	[tilespmem:$0x1E100] =	vst v63  }
0x47: {  	_ =	swait.ge [sflag:s11], $0xA000  }
0x48: {  	[sflag:s11] =	ssyncset.done $0x0  }
0x49: {  	[sflag:s11] =	ssyncadd.s32 $0xFFFF6000  }
0x4a: {  	[hbm4b:s19+s2] =	stream.linear.scatter [tilespmem:s7], [sflag:$0x4], $0xA000, $0x38;
	[tilespmem:$0x1E100] =	vst v63  }
0x4b: {  	_ =	swait.ge [sflag:s13], $0xA000  }
0x4c: {  	[sflag:s13] =	ssyncset.done $0x0  }
0x4d: {  	[sflag:s13] =	ssyncadd.s32 $0xFFFF6000  }
.Ltmp1:
0x4e: {  	_ =	swait.ge [sflag:s20], $0xA000;
	(pc) =	sbr.rel @p0 .LBB2_1-.Ltmp1, $4  }
0x4f: {  	[sflag:s20] =	ssyncset.done $0x0  }
0x50: {  	[sflag:s20] =	ssyncadd.s32 $0xFFFF6000  }
0x51: {  	_ =	swait.ge [sflag:s21], $0xA000  }
0x52: {  	[sflag:s21] =	ssyncset.done $0x0  }
.LBB2_2:
0x53: {  	[sflag:s21] =	ssyncadd.s32 $0xFFFF6000  }
0x54: {  	_ =	sfence.sel $0x180000  }
0x55: {  	[bflag:$0x0] =	sbarrier.arrive $0xFFFF  }
0x56: {  	p0 =	sne.s32 s0, $0x0;
	_ =	strace $0x90000047  }
0x57: {  	s0 =	sadd.s32 @!p0 $0x100000, s1;
	[bflag:$0x2] =	sbarrier.arrive $0xFFFF  }
0x58: {  	[sflag:s0] =	ssyncadd.tile.s32 @!p0 $0x1;
	_ =	shalt  }
.Lfunc_end2:
_tile_overlayer_lowered:
.L_overlay_start_2:
0x59: {  	(tag) =	ssettag $0x2  }
0x5a: {  	s0 =	rddreg [dreg:$0x0];
	s2 =	stileid.u32  }
0x5b: {  	s1 =	rddreg [dreg:$0x1];
	p0 =	sne.s32 s2, $0x0  }
0x5c: {  	s3 =	rddreg [dreg:$0x2];
	[bflag:$0x3] =	sbarrier.arrive $0xFFFF;
	s2 =	simm.s32 @!p0 $0x1C07  }
0x5d: {  	[timem:s3], [sflag:s2] =	dma.local @!p0 [hbm:s0], s1  }
0x5e: {  	s0 =	simm.s32 @!p0 $0x7  }
0x5f: {  	_ =	swait.ge @!p0 [sflag:s0], s1  }
0x60: {  	s1 =	ssub.s32 @!p0 $0x0, s1;
	[sflag:s0] =	ssyncset.done @!p0 $0x0  }
0x61: {  	[sflag:s0] =	ssyncadd.s32 @!p0 s1  }
0x62: {  	[bflag:$0x3] =	sbarrier.arrive $0xFFFF  }
0x63: {  	_ =	shalt  }

// kernel: kernel.17.cloned.1.call-start
scs
__scs_entry_jumppad:
0x0: {  	(pc) =	sbr.rel $0x88, $3  }
0x1: {  	(tag) =	ssettag $0x0;
	lr =	simm.s32 $0x1  }
0x2: {  	[smem:$0x3F9E] =	sst lr;
	_ =	strace $0xD0000000  }
0x3: {  	_ = 	snop  }
0x4: {  	_ = 	snop  }
0x5: {  	_ = 	snop  }
0x6: {  	_ = 	snop  }
0x7: {  	_ = 	snop  }
__scs_overlays_trampoline_lowered:
0x8: {  	[smem:$0x3FAD] =	sst s0  }
0x9: {  	[smem:$0x3FAE] =	sst s1  }
0xa: {  	[smem:$0x3FAF] =	sst s2  }
0xb: {  	[smem:$0x3FB0] =	sst s3  }
0xc: {  	[smem:$0x3FB1] =	sst s4  }
0xd: {  	[smem:$0x3FB2] =	sst s5  }
0xe: {  	[smem:$0x3FB3] =	sst s6  }
0xf: {  	[smem:$0x3FB4] =	sst s7  }
0x10: {  	[smem:$0x3FB5] =	sst s8  }
0x11: {  	[smem:$0x3FB6] =	sst s9;
	s0 =	simm.s32 @!p0 $0x0  }
0x12: {  	s1 =	sld [smem:$0x3F9C];
	s0 =	simm.s32 @p0 $0x1  }
0x13: {  	[smem:$0x3FB7] =	sst s0;
	s0 =	simm.s32 @!p1 $0x0  }
0x14: {  	s2 =	sld [smem:$0x3F9B];
	s0 =	simm.s32 @p1 $0x1  }
0x15: {  	[smem:$0x3FB8] =	sst s0;
	s0 =	simm.s32 @!p2 $0x0  }
0x16: {  	s3 =	sld [smem:$0x3FDB];
	s0 =	simm.s32 @p2 $0x1  }
0x17: {  	s4 =	simm.s32 $0x1BF5;
	[smem:$0x3FBA] =	sst s0  }
0x18: {  	s0 =	sld [smem:$0x3F9D];
	_ =	swait.ge [sflag:s4], $0x0  }
0x19: {  	s7 =	sld [smem:$0x3F9E]  }
0x1a: {  	s8 =	sadd.s32 $0xFFFFE003, lr  }
0x1b: {  	s9 =	sadd.s32 $0xFFFFFEF7, lr;
	s5 =	simm.s32 $0xFFFFFFFF;
	p2 =	slt.u32 s8, $0xFFFFF086  }
0x1c: {  	p1 =	slt.u32 s9, $0xF7A;
	s5 =	simm.s32 @!p2 $0x0  }
0x1d: {  	s5 =	simm.s32 @p1 $0x1;
	p0 =	seq.s32 s7, s2  }
0x1e: {  	s7 =	smul.u32 @!p0 $0xF7A, s2;
	p2 =	seq.s32 @!p0 s5, $0x0  }
0x1f: {  	s9 =	smul.u32 $0xF7A, s1;
	s8 =	simm.s32 @!p0 $0x1BF5;
	p2 =	por !p2, p0  }
0x20: {  	[sflag:s8] =	ssyncset.s32 @!p0 $0xFFFFF086;
	s6 =	sadd.s32 @!p0 s3, s7;
	s7 =	simm.s32 @!p0 $0x108  }
0x21: {  	s3 =	sadd.s32 s3, s9;
	s6 =	sadd.s32 @!p0 $0x88, s6;
	s7 =	simm.s32 @p2 $0x1082  }
0x22: {  	[simem:s7], [sflag:s8] =	dma.local @!p0 [hbm:s6], $0xF7A  }
0x23: {  	s9 =	sor.u32 $0xD0000000, s2;
	s6 =	simm.s32 $0x108;
	_ =	swait.ge @!p0 [sflag:s8], $0x0  }
0x24: {  	s3 =	sadd.s32 $0x88, s3;
	s6 =	simm.s32 @!p1 $0x1082;
	[sflag:s4] =	ssyncset.s32 $0xFFFFF086  }
0x25: {  	[simem:s6], [sflag:s4] =	dma.local [hbm:s3], $0xF7A  }
0x26: {  	[smem:$0x3F9E] =	sst s1;
	(tag) =	ssettag s2;
	_ =	strace s9  }
0x27: {  	s1 =	sld [smem:$0x3FAE]  }
0x28: {  	s2 =	sld [smem:$0x3FAF]  }
0x29: {  	s4 =	sld [smem:$0x3FB1]  }
0x2a: {  	p0 =	seq.s32 s5, $0x0;
	s5 =	sld [smem:$0x3FB2]  }
0x2b: {  	s6 =	sld [smem:$0x3FB3]  }
0x2c: {  	s7 =	sld [smem:$0x3FB4]  }
0x2d: {  	s3 =	simm.s32 $0x108;
	s8 =	sld [smem:$0x3FB5]  }
0x2e: {  	s3 =	simm.s32 @!p0 $0x1082;
	s9 =	sld [smem:$0x3FB6]  }
0x2f: {  	lr =	sadd.s32 s0, s3;
	s0 =	sld [smem:$0x3FAD]  }
0x30: {  	s3 =	sld [smem:$0x3FB0]  }
0x31: {  	[smem:$0x3FB9] =	sst s10  }
0x32: {  	s10 =	sld [smem:$0x3FB7];
	_ =	sdelay $0x3  }
0x33: {  	p0 =	seq.s32 s10, $0x1;
	s10 =	sld [smem:$0x3FB9];
	_ =	sdelay $0x3  }
0x34: {  	[smem:$0x3FB9] =	sst s10  }
0x35: {  	s10 =	sld [smem:$0x3FB8];
	_ =	sdelay $0x3  }
0x36: {  	p1 =	seq.s32 s10, $0x1;
	s10 =	sld [smem:$0x3FB9];
	_ =	sdelay $0x3  }
0x37: {  	[smem:$0x3FB9] =	sst s10  }
0x38: {  	s10 =	sld [smem:$0x3FBA]  }
0x39: {  	_ = 	snop;
	(pc) =	sbr.ind lr, $3  }
0x3a: {  	_ = 	snop  }
0x3b: {  	_ = 	snop  }
0x3c: {  	p2 =	seq.s32 s10, $0x1;
	s10 =	sld [smem:$0x3FB9]  }
0x3d: {  	_ =	shalt  }
0x3e: {  	_ =	shalt  }
0x3f: {  	_ =	shalt  }
0x40: {  	_ =	shalt  }
0x41: {  	_ =	shalt  }
0x42: {  	_ =	shalt  }
0x43: {  	_ =	shalt  }
0x44: {  	_ =	shalt  }
0x45: {  	_ =	shalt  }
0x46: {  	_ =	shalt  }
0x47: {  	_ =	shalt  }
0x48: {  	_ =	shalt  }
0x49: {  	_ =	shalt  }
0x4a: {  	_ =	shalt  }
0x4b: {  	_ =	shalt  }
0x4c: {  	_ =	shalt  }
0x4d: {  	_ =	shalt  }
0x4e: {  	_ =	shalt  }
0x4f: {  	_ =	shalt  }
0x50: {  	_ =	shalt  }
0x51: {  	_ =	shalt  }
0x52: {  	_ =	shalt  }
0x53: {  	_ =	shalt  }
0x54: {  	_ =	shalt  }
0x55: {  	_ =	shalt  }
0x56: {  	_ =	shalt  }
0x57: {  	_ =	shalt  }
0x58: {  	_ =	shalt  }
0x59: {  	_ =	shalt  }
0x5a: {  	_ =	shalt  }
0x5b: {  	_ =	shalt  }
0x5c: {  	_ =	shalt  }
0x5d: {  	_ =	shalt  }
0x5e: {  	_ =	shalt  }
0x5f: {  	_ =	shalt  }
0x60: {  	_ =	shalt  }
0x61: {  	_ =	shalt  }
0x62: {  	_ =	shalt  }
0x63: {  	_ =	shalt  }
0x64: {  	_ =	shalt  }
0x65: {  	_ =	shalt  }
0x66: {  	_ =	shalt  }
0x67: {  	_ =	shalt  }
0x68: {  	_ =	shalt  }
0x69: {  	_ =	shalt  }
0x6a: {  	_ =	shalt  }
0x6b: {  	_ =	shalt  }
0x6c: {  	_ =	shalt  }
0x6d: {  	_ =	shalt  }
0x6e: {  	_ =	shalt  }
0x6f: {  	_ =	shalt  }
0x70: {  	_ =	shalt  }
0x71: {  	_ =	shalt  }
0x72: {  	_ =	shalt  }
0x73: {  	_ =	shalt  }
0x74: {  	_ =	shalt  }
0x75: {  	_ =	shalt  }
0x76: {  	_ =	shalt  }
0x77: {  	_ =	shalt  }
0x78: {  	_ =	shalt  }
0x79: {  	_ =	shalt  }
0x7a: {  	_ =	shalt  }
0x7b: {  	_ =	shalt  }
0x7c: {  	_ =	shalt  }
0x7d: {  	_ =	shalt  }
0x7e: {  	_ =	shalt  }
0x7f: {  	_ =	shalt  }
0x80: {  	_ =	shalt  }
0x81: {  	_ =	shalt  }
0x82: {  	_ =	shalt  }
0x83: {  	_ =	shalt  }
0x84: {  	_ =	shalt  }
0x85: {  	_ =	shalt  }
0x86: {  	_ =	shalt  }
0x87: {  	_ =	shalt  }
.Lfunc_end0:
.L_simem_size_0:
called_computation.1_lowered:
.L_overlay_start_0:
0x88: {  	s2 =	sld [smem:$0x3FD9]  }
0x89: {  	s3 =	sld [smem:$0x3FFE];
	_ =	sdelay $0x1  }
0x8a: {  	s1 =	srdreg.scid  }
0x8b: {  	s0 =	sand.u32 $0x1, s1  }
0x8c: {  	s17 =	sshll.u32 s0, $0xA;
	s2 =	sadd.s32 s3, s2  }
0x8d: {  	s2 =	sadd.s32 s2, s17  }
0x8e: {  	[smem:$0x3FC5] =	sst s2  }
0x8f: {  	_ = 	snop  }
0x90: {  	(tm) =	ssettm $0x1  }
0x91: {  	s18 =	sld [smem:$0x3FFB];
	_ =	sdelay $0x3  }
0x92: {  	_ =	strace s18  }
0x93: {  	s2 =	sld [smem:$0x3FFC];
	_ =	sdelay $0x3  }
0x94: {  	_ =	strace s2  }
0x95: {  	s2 =	sld [smem:$0x3FFD];
	_ =	sdelay $0x3  }
0x96: {  	_ =	strace s2  }
0x97: {  	_ =	strace $0x8FFFFFFF  }
0x98: {  	s19 =	sld [smem:$0x3FDB];
	_ =	sdelay $0x1  }
0x99: {  	s20 =	simm.s32 $_scs_section_size  }
0x9a: {  	s4 =	simm.s32 $_size__tile_overlayer_lowered;
	s5 =	simm.s32 $_tile_overlayer_lowered  }
0x9b: {  	s6 =	simm.s32 $0x1BFF;
	s21 =	sshll.u32 s5, $0x1;
	s3 =	sadd.s32 s20, s19  }
0x9c: {  	s22 =	simm.s32 $0x0;
	s4 =	sshll.u32 s4, $0x1;
	s5 =	sadd.s32 s21, s3  }
0x9d: {  	[timem:s22], [sflag:s6] =	dma.local [hbm:s5], s4  }
0x9e: {  	_ =	swait.ge [sflag:s6], s4  }
0x9f: {  	s4 =	ssub.s32 $0x0, s4;
	[sflag:s6] =	ssyncset.done $0x0  }
0xa0: {  	[sflag:s6] =	ssyncadd.s32 s4;
	_ =	sdelay $0x1  }
0xa1: {  	s23 =	simm.s32 $0x1B8B  }
0xa2: {  	_ =	swait.ge [sflag:s23], $0x1  }
0xa3: {  	[sflag:s23] =	ssyncset.done $0x0  }
0xa4: {  	[sflag:s23] =	ssyncadd.s32 $0xFFFFFFFF  }
0xa5: {  	s4 =	sld [smem:$0x0]  }
0xa6: {  	s5 =	sand.u32 $0xFFFFFFFE, s1  }
0xa7: {  	p0 =	sne.s32 s1, s5  }
0xa8: {  	s5 =	sshll.u32 @p0 s5, $0xE  }
0xa9: {  	s5 =	sadd.s32 @p0 $0x11B8D, s5;
	s6 =	sshll.u32 @p0 s4, $0x11  }
0xaa: {  	s5 =	sor.u32 @p0 s6, s5  }
0xab: {  	[sflag:s5] =	ssyncadd.remote.s32 @p0 $0x1;
	_ =	sdelay $0x1  }
0xac: {  	s5 =	simm.s32 @p0 $0x1B8D  }
0xad: {  	_ =	swait.eq @p0 [sflag:s5], $0x1  }
0xae: {  	[sflag:s5] =	ssyncadd.s32 @p0 $0xFFFFFFFF  }
0xaf: {  	s6 =	sshll.u32 @!p0 s1, $0xE  }
0xb0: {  	s6 =	sor.u32 @!p0 $0x4000, s6;
	s5 =	simm.s32 @!p0 $0x1B8D  }
0xb1: {  	s4 =	sshll.u32 @!p0 s4, $0x11;
	s6 =	sadd.s32 @!p0 $0x11B8D, s6;
	_ =	swait.eq @!p0 [sflag:s5], $0x1  }
0xb2: {  	s4 =	sor.u32 @!p0 s4, s6;
	[sflag:s5] =	ssyncadd.s32 @!p0 $0xFFFFFFFF  }
0xb3: {  	s25 =	simm.s32 $0x1B8E;
	s24 =	sld [smem:$0x3FFE];
	[sflag:s4] =	ssyncadd.remote.s32 @!p0 $0x1  }
0xb4: {  	s26 =	simm.s32 $execute0_lowered;
	[smem:$0x3FD2] =	sst s25  }
0xb5: {  	s5 =	sshll.u32 s26, $0x1;
	_ =	strace $0x80000049;
	[dreg:$0x1] =	wrdreg $0xFFFFFFFF  }
0xb6: {  	s28 =	simm.s32 $_size_execute0_lowered;
	s3 =	sadd.s32 s3, s5;
	[dreg:$0x0] =	wrdreg $0x0  }
0xb7: {  	s5 =	sshll.u32 s28, $0x1;
	[dreg:$0x2] =	wrdreg s3  }
0xb8: {  	[dreg:$0x3] =	wrdreg s5  }
0xb9: {  	[dreg:$0x4] =	wrdreg $0xC0  }
0xba: {  	_ =	task [dreg:s22], $0x5FFFF  }
0xbb: {  	[dreg:$0x1] =	wrdreg $0xFFFFFFFF  }
0xbc: {  	[dreg:$0x0] =	wrdreg $0x60  }
0xbd: {  	[dreg:$0x2] =	wrdreg s24  }
0xbe: {  	[dreg:$0x3] =	wrdreg $0xA  }
0xbf: {  	_ =	task.clear_ibuf [dreg:s22], $0x4FFFF;
	_ =	strace $0x90000049  }
0xc0: {  	s29 =	simm.s32 $0xA;
	_ =	strace $0x8000004B  }
0xc1: {  	_ =	swait.ge [sflag:s29], $0x1  }
0xc2: {  	[sflag:s29] =	ssyncadd.s32 $0xFFFFFFFF  }
0xc3: {  	_ =	strace $0x9000004B  }
0xc4: {  	_ =	sfence  }
0xc5: {  	s30 =	sld [smem:$0x0];
	_ =	sdelay $0x2  }
0xc6: {  	s31 =	sshll.u32 s1, $0xD;
	s1 =	sshrl.u32 s1, $0x2  }
0xc7: {  	s4 =	sand.u32 $0x4000, s31;
	s1 =	sadd.s32 s1, s30  }
0xc8: {  	s0 =	sor.u32 s4, s0;
	s1 =	sshll.u32 s1, $0x11  }
0xc9: {  	s0 =	sor.u32 s1, s0  }
0xca: {  	s0 =	sadd.s32 $0x8F2B, s0  }
0xcb: {  	[sflag:s0] =	ssyncadd.remote.s32 $0x1  }
0xcc: {  	_ =	sfence.sel $0xFFFF  }
0xcd: {  	[dreg:$0x0] =	wrdreg $0xFFFFFFFF;
	(pc) =	sbr.abs _section_cstart, $3  }
0xce: {  	[dreg:$0x1] =	wrdreg $0xFFFFFFFF  }
0xcf: {  	_ =	task.clear_ibuf [dreg:s22], $0x2FFFF;
	_ =	strace $0x9FFFFFFF  }
0xd0: {  	(tm) =	ssettm $0x7FFFFFFF  }
0xd1: {  	_ =	shalt  }
tec
execute0_lowered:
.L_overlay_start_1:
0x0: {  	(tag) =	ssettag $0x1  }
0x1: {  	s1 =	srdreg.scid;
	s0 =	stileid.u32  }
0x2: {  	s31 =	sand.u32 $0x1, s1;
	s26 =	sshll.u32 s0, $0x1  }
0x3: {  	s18 =	sor.u32 s31, s26  }
0x4: {  	s3 =	smul.u32 $0x28, s18  }
0x5: {  	s12 =	rddreg [dreg:$0x0];
	s2 =	simm.s32 $0x0  }
0x6: {  	[smem:$0x7FF] =	sst s2;
	s3 =	sadd.s32 s3, s12  }
0x7: {  	s4 =	simm.s32 $0x7;
	_ =	strace $0x8000004A;
	s3 =	sadd.s32 $0xCD7E00, s3  }
0x8: {  	[tilespmem:s2], [sflag:$0x7] =	stream.linear.gather [hbm4b:s3+s2], $0x140, $0x38;
	[tilespmem:$0x1E180] =	vst v63  }
0x9: {  	_ =	swait.ge [sflag:s4], $0x140  }
0xa: {  	s6 =	simm.s32 $0x28;
	[sflag:s4] =	ssyncset.done $0x0  }
0xb: {  	s7 =	simm.s32 $0x180;
	s5 =	sadd.s32 $0x2A00, s12;
	[sflag:s4] =	ssyncadd.s32 $0xFFFFFEC0  }
0xc: {  	[tilespmem:s7], [sflag:$0x1] =	stream.indirect.gather [hbm4b:s5+s6], $0x400, s2, s6, $0xb8;
	[tilespmem:$0x1E180] =	vst v63  }
0xd: {  	s8 =	simm.s32 $0xA180  }
0xe: {  	[tilespmem:s8], [sflag:$0x2] =	stream.indirect.gather [hbm4b:s5+s6], $0x400, s6, s6, $0xb8;
	[tilespmem:$0x1E180] =	vst v63  }
0xf: {  	s9 =	simm.s32 $0x50;
	s10 =	simm.s32 $0x14180;
	s11 =	simm.s32 $0x1  }
0x10: {  	[tilespmem:s10], [sflag:$0x3] =	stream.indirect.gather [hbm4b:s5+s6], $0x400, s9, s6, $0xb8;
	[tilespmem:$0x1E180] =	vst v63  }
0x11: {  	s13 =	smul.u32 $0xA000, s18;
	_ =	swait.ge [sflag:s11], $0xA000  }
0x12: {  	s20 =	sadd.s32 $0xCD9000, s12;
	[sflag:s11] =	ssyncset.done $0x0  }
0x13: {  	s12 =	sadd.s32 s20, s13;
	s13 =	simm.s32 $0x4;
	[sflag:s11] =	ssyncadd.s32 $0xFFFF6000  }
0x14: {  	[hbm4b:s12+s2] =	stream.linear.scatter [tilespmem:s7], [sflag:$0x4], $0xA000, $0x38;
	[tilespmem:$0x1E180] =	vst v63  }
0x15: {  	_ =	swait.ge [sflag:s13], $0xA000  }
0x16: {  	[sflag:s13] =	ssyncset.done $0x0  }
0x17: {  	s14 =	simm.s32 $0x78;
	s15 =	simm.s32 $0x2;
	[sflag:s13] =	ssyncadd.s32 $0xFFFF6000  }
0x18: {  	[tilespmem:s7], [sflag:$0x1] =	stream.indirect.gather [hbm4b:s5+s6], $0x400, s14, s6, $0xb8;
	[tilespmem:$0x1E180] =	vst v63  }
0x19: {  	_ =	swait.ge [sflag:s15], $0xA000  }
0x1a: {  	[sflag:s15] =	ssyncset.done $0x0  }
0x1b: {  	s17 =	simm.s32 $0x5;
	s16 =	sadd.s32 $0x1400, s12;
	[sflag:s15] =	ssyncadd.s32 $0xFFFF6000  }
0x1c: {  	[hbm4b:s16+s2] =	stream.linear.scatter [tilespmem:s8], [sflag:$0x5], $0xA000, $0x38;
	[tilespmem:$0x1E180] =	vst v63  }
0x1d: {  	_ =	swait.ge [sflag:s17], $0xA000  }
0x1e: {  	s19 =	simm.s32 $0x3;
	[sflag:s17] =	ssyncset.done $0x0  }
0x1f: {  	s21 =	smul.u32 $0x50000, s18;
	s18 =	simm.s32 $0xA0;
	[sflag:s17] =	ssyncadd.s32 $0xFFFF6000  }
0x20: {  	[tilespmem:s8], [sflag:$0x2] =	stream.indirect.gather [hbm4b:s5+s6], $0x400, s18, s6, $0xb8;
	[tilespmem:$0x1E180] =	vst v63  }
0x21: {  	s21 =	sshrl.u32 s21, $0x3;
	_ =	swait.ge [sflag:s19], $0xA000  }
0x22: {  	s30 =	sadd.s32 s20, s21;
	[sflag:s19] =	ssyncset.done $0x0  }
0x23: {  	s20 =	simm.s32 $0x6;
	s21 =	sadd.s32 $0x2800, s30;
	[sflag:s19] =	ssyncadd.s32 $0xFFFF6000  }
0x24: {  	[hbm4b:s21+s2] =	stream.linear.scatter [tilespmem:s10], [sflag:$0x6], $0xA000, $0x38;
	[tilespmem:$0x1E180] =	vst v63  }
0x25: {  	_ =	swait.ge [sflag:s20], $0xA000  }
0x26: {  	[sflag:s20] =	ssyncset.done $0x0  }
0x27: {  	s22 =	simm.s32 $0xC8;
	[sflag:s20] =	ssyncadd.s32 $0xFFFF6000  }
0x28: {  	[tilespmem:s10], [sflag:$0x3] =	stream.indirect.gather [hbm4b:s5+s6], $0x400, s22, s6, $0xb8;
	[tilespmem:$0x1E180] =	vst v63  }
0x29: {  	_ =	swait.ge [sflag:s11], $0xA000  }
0x2a: {  	[sflag:s11] =	ssyncset.done $0x0  }
0x2b: {  	s23 =	sadd.s32 $0x3C00, s30;
	[sflag:s11] =	ssyncadd.s32 $0xFFFF6000  }
0x2c: {  	[hbm4b:s23+s2] =	stream.linear.scatter [tilespmem:s7], [sflag:$0x4], $0xA000, $0x38;
	[tilespmem:$0x1E180] =	vst v63  }
0x2d: {  	_ =	swait.ge [sflag:s13], $0xA000  }
0x2e: {  	[sflag:s13] =	ssyncset.done $0x0  }
0x2f: {  	s24 =	simm.s32 $0xF0;
	[sflag:s13] =	ssyncadd.s32 $0xFFFF6000  }
0x30: {  	[tilespmem:s7], [sflag:$0x1] =	stream.indirect.gather [hbm4b:s5+s6], $0x400, s24, s6, $0xb8;
	[tilespmem:$0x1E180] =	vst v63  }
0x31: {  	_ =	swait.ge [sflag:s15], $0xA000  }
0x32: {  	[sflag:s15] =	ssyncset.done $0x0  }
0x33: {  	s25 =	sadd.s32 $0x5000, s30;
	[sflag:s15] =	ssyncadd.s32 $0xFFFF6000  }
0x34: {  	[hbm4b:s25+s2] =	stream.linear.scatter [tilespmem:s8], [sflag:$0x5], $0xA000, $0x38;
	[tilespmem:$0x1E180] =	vst v63  }
0x35: {  	_ =	swait.ge [sflag:s17], $0xA000  }
0x36: {  	[sflag:s17] =	ssyncset.done $0x0  }
0x37: {  	s26 =	simm.s32 $0x118;
	[sflag:s17] =	ssyncadd.s32 $0xFFFF6000  }
0x38: {  	[tilespmem:s8], [sflag:$0x2] =	stream.indirect.gather [hbm4b:s5+s6], $0x400, s26, s6, $0xb8;
	[tilespmem:$0x1E180] =	vst v63  }
0x39: {  	_ =	swait.ge [sflag:s19], $0xA000  }
0x3a: {  	[sflag:s19] =	ssyncset.done $0x0  }
0x3b: {  	s28 =	sadd.s32 $0x6400, s30;
	[sflag:s19] =	ssyncadd.s32 $0xFFFF6000  }
0x3c: {  	[hbm4b:s28+s2] =	stream.linear.scatter [tilespmem:s10], [sflag:$0x6], $0xA000, $0x38;
	[tilespmem:$0x1E180] =	vst v63  }
0x3d: {  	_ =	swait.ge [sflag:s11], $0xA000  }
0x3e: {  	[sflag:s11] =	ssyncset.done $0x0  }
0x3f: {  	s29 =	sadd.s32 $0x7800, s30;
	[sflag:s11] =	ssyncadd.s32 $0xFFFF6000  }
0x40: {  	[hbm4b:s29+s2] =	stream.linear.scatter [tilespmem:s7], [sflag:$0x4], $0xA000, $0x38;
	[tilespmem:$0x1E180] =	vst v63  }
0x41: {  	_ =	swait.ge [sflag:s15], $0xA000  }
0x42: {  	s31 =	ssub.s32 $0x2, s31;
	[sflag:s15] =	ssyncset.done $0x0  }
0x43: {  	s1 =	sshrl.u32 s31, $0x1;
	s30 =	sadd.s32 $0x8C00, s30;
	[sflag:s15] =	ssyncadd.s32 $0xFFFF6000  }
0x44: {  	[hbm4b:s30+s2] =	stream.linear.scatter [tilespmem:s8], [sflag:$0x5], $0xA000, $0x38;
	[tilespmem:$0x1E180] =	vst v63  }
0x45: {  	s1 =	ssub.s32 s31, s1;
	_ =	swait.ge [sflag:s13], $0xA000  }
0x46: {  	s1 =	smax.u32 s1, $0x1;
	[sflag:s13] =	ssyncset.done $0x0  }
0x47: {  	p0 =	sne.s32 s1, $0x1;
	[sflag:s13] =	ssyncadd.s32 $0xFFFF6000  }
.Ltmp0:
0x48: {  	_ =	swait.ge [sflag:s17], $0xA000;
	(pc) =	sbr.rel @!p0 .LBB2_2-.Ltmp0, $4  }
0x49: {  	[sflag:s17] =	ssyncset.done $0x0  }
0x4a: {  	[sflag:s17] =	ssyncadd.s32 $0xFFFF6000  }
0x4b: {  	_ =	swait.ge [sflag:s20], $0xA000  }
0x4c: {  	s31 =	sadd.s32 $0xFFFFFFFF, s1;
	[sflag:s20] =	ssyncset.done $0x0  }
.LBB2_1:
0x4d: {  	p0 =	sne.s32 s31, $0x1;
	s31 =	sadd.s32 $0xFFFFFFFF, s31;
	[sflag:s20] =	ssyncadd.s32 $0xFFFF6000  }
0x4e: {  	[tilespmem:s2], [sflag:$0x7] =	stream.linear.gather [hbm4b:s3+s2], $0x140, $0x38;
	[tilespmem:$0x1E180] =	vst v63  }
0x4f: {  	_ =	swait.ge [sflag:s4], $0x140  }
0x50: {  	[sflag:s4] =	ssyncset.done $0x0  }
0x51: {  	[sflag:s4] =	ssyncadd.s32 $0xFFFFFEC0  }
0x52: {  	[tilespmem:s7], [sflag:$0x1] =	stream.indirect.gather [hbm4b:s5+s6], $0x400, s2, s6, $0xb8;
	[tilespmem:$0x1E180] =	vst v63  }
0x53: {  	_ = 	snop  }
0x54: {  	[tilespmem:s8], [sflag:$0x2] =	stream.indirect.gather [hbm4b:s5+s6], $0x400, s6, s6, $0xb8;
	[tilespmem:$0x1E180] =	vst v63  }
0x55: {  	_ = 	snop  }
0x56: {  	[tilespmem:s10], [sflag:$0x3] =	stream.indirect.gather [hbm4b:s5+s6], $0x400, s9, s6, $0xb8;
	[tilespmem:$0x1E180] =	vst v63  }
0x57: {  	_ =	swait.ge [sflag:s11], $0xA000  }
0x58: {  	[sflag:s11] =	ssyncset.done $0x0  }
0x59: {  	[sflag:s11] =	ssyncadd.s32 $0xFFFF6000  }
0x5a: {  	[hbm4b:s12+s2] =	stream.linear.scatter [tilespmem:s7], [sflag:$0x4], $0xA000, $0x38;
	[tilespmem:$0x1E180] =	vst v63  }
0x5b: {  	_ =	swait.ge [sflag:s13], $0xA000  }
0x5c: {  	[sflag:s13] =	ssyncset.done $0x0  }
0x5d: {  	[sflag:s13] =	ssyncadd.s32 $0xFFFF6000  }
0x5e: {  	[tilespmem:s7], [sflag:$0x1] =	stream.indirect.gather [hbm4b:s5+s6], $0x400, s14, s6, $0xb8;
	[tilespmem:$0x1E180] =	vst v63  }
0x5f: {  	_ =	swait.ge [sflag:s15], $0xA000  }
0x60: {  	[sflag:s15] =	ssyncset.done $0x0  }
0x61: {  	[sflag:s15] =	ssyncadd.s32 $0xFFFF6000  }
0x62: {  	[hbm4b:s16+s2] =	stream.linear.scatter [tilespmem:s8], [sflag:$0x5], $0xA000, $0x38;
	[tilespmem:$0x1E180] =	vst v63  }
0x63: {  	_ =	swait.ge [sflag:s17], $0xA000  }
0x64: {  	[sflag:s17] =	ssyncset.done $0x0  }
0x65: {  	[sflag:s17] =	ssyncadd.s32 $0xFFFF6000  }
0x66: {  	[tilespmem:s8], [sflag:$0x2] =	stream.indirect.gather [hbm4b:s5+s6], $0x400, s18, s6, $0xb8;
	[tilespmem:$0x1E180] =	vst v63  }
0x67: {  	_ =	swait.ge [sflag:s19], $0xA000  }
0x68: {  	[sflag:s19] =	ssyncset.done $0x0  }
0x69: {  	[sflag:s19] =	ssyncadd.s32 $0xFFFF6000  }
0x6a: {  	[hbm4b:s21+s2] =	stream.linear.scatter [tilespmem:s10], [sflag:$0x6], $0xA000, $0x38;
	[tilespmem:$0x1E180] =	vst v63  }
0x6b: {  	_ =	swait.ge [sflag:s20], $0xA000  }
0x6c: {  	[sflag:s20] =	ssyncset.done $0x0  }
0x6d: {  	[sflag:s20] =	ssyncadd.s32 $0xFFFF6000  }
0x6e: {  	[tilespmem:s10], [sflag:$0x3] =	stream.indirect.gather [hbm4b:s5+s6], $0x400, s22, s6, $0xb8;
	[tilespmem:$0x1E180] =	vst v63  }
0x6f: {  	_ =	swait.ge [sflag:s11], $0xA000  }
0x70: {  	[sflag:s11] =	ssyncset.done $0x0  }
0x71: {  	[sflag:s11] =	ssyncadd.s32 $0xFFFF6000  }
0x72: {  	[hbm4b:s23+s2] =	stream.linear.scatter [tilespmem:s7], [sflag:$0x4], $0xA000, $0x38;
	[tilespmem:$0x1E180] =	vst v63  }
0x73: {  	_ =	swait.ge [sflag:s13], $0xA000  }
0x74: {  	[sflag:s13] =	ssyncset.done $0x0  }
0x75: {  	[sflag:s13] =	ssyncadd.s32 $0xFFFF6000  }
0x76: {  	[tilespmem:s7], [sflag:$0x1] =	stream.indirect.gather [hbm4b:s5+s6], $0x400, s24, s6, $0xb8;
	[tilespmem:$0x1E180] =	vst v63  }
0x77: {  	_ =	swait.ge [sflag:s15], $0xA000  }
0x78: {  	[sflag:s15] =	ssyncset.done $0x0  }
0x79: {  	[sflag:s15] =	ssyncadd.s32 $0xFFFF6000  }
0x7a: {  	[hbm4b:s25+s2] =	stream.linear.scatter [tilespmem:s8], [sflag:$0x5], $0xA000, $0x38;
	[tilespmem:$0x1E180] =	vst v63  }
0x7b: {  	_ =	swait.ge [sflag:s17], $0xA000  }
0x7c: {  	[sflag:s17] =	ssyncset.done $0x0  }
0x7d: {  	[sflag:s17] =	ssyncadd.s32 $0xFFFF6000  }
0x7e: {  	[tilespmem:s8], [sflag:$0x2] =	stream.indirect.gather [hbm4b:s5+s6], $0x400, s26, s6, $0xb8;
	[tilespmem:$0x1E180] =	vst v63  }
0x7f: {  	_ =	swait.ge [sflag:s19], $0xA000  }
0x80: {  	[sflag:s19] =	ssyncset.done $0x0  }
0x81: {  	[sflag:s19] =	ssyncadd.s32 $0xFFFF6000  }
0x82: {  	[hbm4b:s28+s2] =	stream.linear.scatter [tilespmem:s10], [sflag:$0x6], $0xA000, $0x38;
	[tilespmem:$0x1E180] =	vst v63  }
0x83: {  	_ =	swait.ge [sflag:s11], $0xA000  }
0x84: {  	[sflag:s11] =	ssyncset.done $0x0  }
0x85: {  	[sflag:s11] =	ssyncadd.s32 $0xFFFF6000  }
0x86: {  	[hbm4b:s29+s2] =	stream.linear.scatter [tilespmem:s7], [sflag:$0x4], $0xA000, $0x38;
	[tilespmem:$0x1E180] =	vst v63  }
0x87: {  	_ =	swait.ge [sflag:s15], $0xA000  }
0x88: {  	[sflag:s15] =	ssyncset.done $0x0  }
0x89: {  	[sflag:s15] =	ssyncadd.s32 $0xFFFF6000  }
0x8a: {  	[hbm4b:s30+s2] =	stream.linear.scatter [tilespmem:s8], [sflag:$0x5], $0xA000, $0x38;
	[tilespmem:$0x1E180] =	vst v63  }
0x8b: {  	_ =	swait.ge [sflag:s13], $0xA000  }
0x8c: {  	[sflag:s13] =	ssyncset.done $0x0  }
0x8d: {  	[sflag:s13] =	ssyncadd.s32 $0xFFFF6000  }
.Ltmp1:
0x8e: {  	_ =	swait.ge [sflag:s17], $0xA000;
	(pc) =	sbr.rel @p0 .LBB2_1-.Ltmp1, $4  }
0x8f: {  	[sflag:s17] =	ssyncset.done $0x0  }
0x90: {  	[sflag:s17] =	ssyncadd.s32 $0xFFFF6000  }
0x91: {  	_ =	swait.ge [sflag:s20], $0xA000  }
0x92: {  	[sflag:s20] =	ssyncset.done $0x0  }
.LBB2_2:
0x93: {  	[sflag:s20] =	ssyncadd.s32 $0xFFFF6000  }
0x94: {  	_ =	sfence.sel $0x180000  }
0x95: {  	[bflag:$0x0] =	sbarrier.arrive $0xFFFF  }
0x96: {  	_ =	strace $0x9000004A  }
0x97: {  	[bflag:$0x2] =	sbarrier.arrive $0xFFFF  }
0x98: {  	p0 =	sne.s32 s0, $0x0;
	s0 =	rddreg [dreg:$0x1]  }
0x99: {  	s0 =	sadd.s32 @!p0 $0x100000, s0  }
0x9a: {  	[sflag:s0] =	ssyncadd.tile.s32 @!p0 $0x1;
	_ =	shalt  }
.Lfunc_end2:
_tile_overlayer_lowered:
.L_overlay_start_2:
0x9b: {  	(tag) =	ssettag $0x2  }
0x9c: {  	s0 =	rddreg [dreg:$0x0];
	s2 =	stileid.u32  }
0x9d: {  	s1 =	rddreg [dreg:$0x1];
	p0 =	sne.s32 s2, $0x0  }
0x9e: {  	s3 =	rddreg [dreg:$0x2];
	[bflag:$0x3] =	sbarrier.arrive $0xFFFF;
	s2 =	simm.s32 @!p0 $0x1C07  }
0x9f: {  	[timem:s3], [sflag:s2] =	dma.local @!p0 [hbm:s0], s1  }
0xa0: {  	s0 =	simm.s32 @!p0 $0x7  }
0xa1: {  	_ =	swait.ge @!p0 [sflag:s0], s1  }
0xa2: {  	s1 =	ssub.s32 @!p0 $0x0, s1;
	[sflag:s0] =	ssyncset.done @!p0 $0x0  }
0xa3: {  	[sflag:s0] =	ssyncadd.s32 @!p0 s1  }
0xa4: {  	[bflag:$0x3] =	sbarrier.arrive $0xFFFF  }
0xa5: {  	_ =	shalt  }

// kernel: kernel.20.cloned.1.call-start
scs
__scs_entry_jumppad:
0x0: {  	(pc) =	sbr.rel $0x88, $3  }
0x1: {  	(tag) =	ssettag $0x0;
	lr =	simm.s32 $0x1  }
0x2: {  	[smem:$0x3F9E] =	sst lr;
	_ =	strace $0xD0000000  }
0x3: {  	_ = 	snop  }
0x4: {  	_ = 	snop  }
0x5: {  	_ = 	snop  }
0x6: {  	_ = 	snop  }
0x7: {  	_ = 	snop  }
__scs_overlays_trampoline_lowered:
0x8: {  	[smem:$0x3FAD] =	sst s0  }
0x9: {  	[smem:$0x3FAE] =	sst s1  }
0xa: {  	[smem:$0x3FAF] =	sst s2  }
0xb: {  	[smem:$0x3FB0] =	sst s3  }
0xc: {  	[smem:$0x3FB1] =	sst s4  }
0xd: {  	[smem:$0x3FB2] =	sst s5  }
0xe: {  	[smem:$0x3FB3] =	sst s6  }
0xf: {  	[smem:$0x3FB4] =	sst s7  }
0x10: {  	[smem:$0x3FB5] =	sst s8  }
0x11: {  	[smem:$0x3FB6] =	sst s9;
	s0 =	simm.s32 @!p0 $0x0  }
0x12: {  	s1 =	sld [smem:$0x3F9C];
	s0 =	simm.s32 @p0 $0x1  }
0x13: {  	[smem:$0x3FB7] =	sst s0;
	s0 =	simm.s32 @!p1 $0x0  }
0x14: {  	s2 =	sld [smem:$0x3F9B];
	s0 =	simm.s32 @p1 $0x1  }
0x15: {  	[smem:$0x3FB8] =	sst s0;
	s0 =	simm.s32 @!p2 $0x0  }
0x16: {  	s3 =	sld [smem:$0x3FDB];
	s0 =	simm.s32 @p2 $0x1  }
0x17: {  	s4 =	simm.s32 $0x1BF5;
	[smem:$0x3FBA] =	sst s0  }
0x18: {  	s0 =	sld [smem:$0x3F9D];
	_ =	swait.ge [sflag:s4], $0x0  }
0x19: {  	s7 =	sld [smem:$0x3F9E]  }
0x1a: {  	s8 =	sadd.s32 $0xFFFFE003, lr  }
0x1b: {  	s9 =	sadd.s32 $0xFFFFFEF7, lr;
	s5 =	simm.s32 $0xFFFFFFFF;
	p2 =	slt.u32 s8, $0xFFFFF086  }
0x1c: {  	p1 =	slt.u32 s9, $0xF7A;
	s5 =	simm.s32 @!p2 $0x0  }
0x1d: {  	s5 =	simm.s32 @p1 $0x1;
	p0 =	seq.s32 s7, s2  }
0x1e: {  	s7 =	smul.u32 @!p0 $0xF7A, s2;
	p2 =	seq.s32 @!p0 s5, $0x0  }
0x1f: {  	s9 =	smul.u32 $0xF7A, s1;
	s8 =	simm.s32 @!p0 $0x1BF5;
	p2 =	por !p2, p0  }
0x20: {  	[sflag:s8] =	ssyncset.s32 @!p0 $0xFFFFF086;
	s6 =	sadd.s32 @!p0 s3, s7;
	s7 =	simm.s32 @!p0 $0x108  }
0x21: {  	s3 =	sadd.s32 s3, s9;
	s6 =	sadd.s32 @!p0 $0x88, s6;
	s7 =	simm.s32 @p2 $0x1082  }
0x22: {  	[simem:s7], [sflag:s8] =	dma.local @!p0 [hbm:s6], $0xF7A  }
0x23: {  	s9 =	sor.u32 $0xD0000000, s2;
	s6 =	simm.s32 $0x108;
	_ =	swait.ge @!p0 [sflag:s8], $0x0  }
0x24: {  	s3 =	sadd.s32 $0x88, s3;
	s6 =	simm.s32 @!p1 $0x1082;
	[sflag:s4] =	ssyncset.s32 $0xFFFFF086  }
0x25: {  	[simem:s6], [sflag:s4] =	dma.local [hbm:s3], $0xF7A  }
0x26: {  	[smem:$0x3F9E] =	sst s1;
	(tag) =	ssettag s2;
	_ =	strace s9  }
0x27: {  	s1 =	sld [smem:$0x3FAE]  }
0x28: {  	s2 =	sld [smem:$0x3FAF]  }
0x29: {  	s4 =	sld [smem:$0x3FB1]  }
0x2a: {  	p0 =	seq.s32 s5, $0x0;
	s5 =	sld [smem:$0x3FB2]  }
0x2b: {  	s6 =	sld [smem:$0x3FB3]  }
0x2c: {  	s7 =	sld [smem:$0x3FB4]  }
0x2d: {  	s3 =	simm.s32 $0x108;
	s8 =	sld [smem:$0x3FB5]  }
0x2e: {  	s3 =	simm.s32 @!p0 $0x1082;
	s9 =	sld [smem:$0x3FB6]  }
0x2f: {  	lr =	sadd.s32 s0, s3;
	s0 =	sld [smem:$0x3FAD]  }
0x30: {  	s3 =	sld [smem:$0x3FB0]  }
0x31: {  	[smem:$0x3FB9] =	sst s10  }
0x32: {  	s10 =	sld [smem:$0x3FB7];
	_ =	sdelay $0x3  }
0x33: {  	p0 =	seq.s32 s10, $0x1;
	s10 =	sld [smem:$0x3FB9];
	_ =	sdelay $0x3  }
0x34: {  	[smem:$0x3FB9] =	sst s10  }
0x35: {  	s10 =	sld [smem:$0x3FB8];
	_ =	sdelay $0x3  }
0x36: {  	p1 =	seq.s32 s10, $0x1;
	s10 =	sld [smem:$0x3FB9];
	_ =	sdelay $0x3  }
0x37: {  	[smem:$0x3FB9] =	sst s10  }
0x38: {  	s10 =	sld [smem:$0x3FBA]  }
0x39: {  	_ = 	snop;
	(pc) =	sbr.ind lr, $3  }
0x3a: {  	_ = 	snop  }
0x3b: {  	_ = 	snop  }
0x3c: {  	p2 =	seq.s32 s10, $0x1;
	s10 =	sld [smem:$0x3FB9]  }
0x3d: {  	_ =	shalt  }
0x3e: {  	_ =	shalt  }
0x3f: {  	_ =	shalt  }
0x40: {  	_ =	shalt  }
0x41: {  	_ =	shalt  }
0x42: {  	_ =	shalt  }
0x43: {  	_ =	shalt  }
0x44: {  	_ =	shalt  }
0x45: {  	_ =	shalt  }
0x46: {  	_ =	shalt  }
0x47: {  	_ =	shalt  }
0x48: {  	_ =	shalt  }
0x49: {  	_ =	shalt  }
0x4a: {  	_ =	shalt  }
0x4b: {  	_ =	shalt  }
0x4c: {  	_ =	shalt  }
0x4d: {  	_ =	shalt  }
0x4e: {  	_ =	shalt  }
0x4f: {  	_ =	shalt  }
0x50: {  	_ =	shalt  }
0x51: {  	_ =	shalt  }
0x52: {  	_ =	shalt  }
0x53: {  	_ =	shalt  }
0x54: {  	_ =	shalt  }
0x55: {  	_ =	shalt  }
0x56: {  	_ =	shalt  }
0x57: {  	_ =	shalt  }
0x58: {  	_ =	shalt  }
0x59: {  	_ =	shalt  }
0x5a: {  	_ =	shalt  }
0x5b: {  	_ =	shalt  }
0x5c: {  	_ =	shalt  }
0x5d: {  	_ =	shalt  }
0x5e: {  	_ =	shalt  }
0x5f: {  	_ =	shalt  }
0x60: {  	_ =	shalt  }
0x61: {  	_ =	shalt  }
0x62: {  	_ =	shalt  }
0x63: {  	_ =	shalt  }
0x64: {  	_ =	shalt  }
0x65: {  	_ =	shalt  }
0x66: {  	_ =	shalt  }
0x67: {  	_ =	shalt  }
0x68: {  	_ =	shalt  }
0x69: {  	_ =	shalt  }
0x6a: {  	_ =	shalt  }
0x6b: {  	_ =	shalt  }
0x6c: {  	_ =	shalt  }
0x6d: {  	_ =	shalt  }
0x6e: {  	_ =	shalt  }
0x6f: {  	_ =	shalt  }
0x70: {  	_ =	shalt  }
0x71: {  	_ =	shalt  }
0x72: {  	_ =	shalt  }
0x73: {  	_ =	shalt  }
0x74: {  	_ =	shalt  }
0x75: {  	_ =	shalt  }
0x76: {  	_ =	shalt  }
0x77: {  	_ =	shalt  }
0x78: {  	_ =	shalt  }
0x79: {  	_ =	shalt  }
0x7a: {  	_ =	shalt  }
0x7b: {  	_ =	shalt  }
0x7c: {  	_ =	shalt  }
0x7d: {  	_ =	shalt  }
0x7e: {  	_ =	shalt  }
0x7f: {  	_ =	shalt  }
0x80: {  	_ =	shalt  }
0x81: {  	_ =	shalt  }
0x82: {  	_ =	shalt  }
0x83: {  	_ =	shalt  }
0x84: {  	_ =	shalt  }
0x85: {  	_ =	shalt  }
0x86: {  	_ =	shalt  }
0x87: {  	_ =	shalt  }
.Lfunc_end0:
.L_simem_size_0:
called_computation.2_lowered:
.L_overlay_start_0:
0x88: {  	s2 =	sld [smem:$0x3FD9]  }
0x89: {  	s3 =	sld [smem:$0x3FFE];
	_ =	sdelay $0x1  }
0x8a: {  	s1 =	srdreg.scid  }
0x8b: {  	s0 =	sand.u32 $0x1, s1  }
0x8c: {  	s17 =	sshll.u32 s0, $0xA;
	s2 =	sadd.s32 s3, s2  }
0x8d: {  	s2 =	sadd.s32 s2, s17  }
0x8e: {  	[smem:$0x3FC5] =	sst s2  }
0x8f: {  	_ = 	snop  }
0x90: {  	(tm) =	ssettm $0x1  }
0x91: {  	s18 =	sld [smem:$0x3FFB];
	_ =	sdelay $0x3  }
0x92: {  	_ =	strace s18  }
0x93: {  	s2 =	sld [smem:$0x3FFC];
	_ =	sdelay $0x3  }
0x94: {  	_ =	strace s2  }
0x95: {  	s2 =	sld [smem:$0x3FFD];
	_ =	sdelay $0x3  }
0x96: {  	_ =	strace s2  }
0x97: {  	_ =	strace $0x8FFFFFFF  }
0x98: {  	s19 =	sld [smem:$0x3FDB];
	_ =	sdelay $0x1  }
0x99: {  	s20 =	simm.s32 $_scs_section_size  }
0x9a: {  	s4 =	simm.s32 $_size__tile_overlayer_lowered;
	s5 =	simm.s32 $_tile_overlayer_lowered  }
0x9b: {  	s6 =	simm.s32 $0x1BFF;
	s21 =	sshll.u32 s5, $0x1;
	s3 =	sadd.s32 s20, s19  }
0x9c: {  	s22 =	simm.s32 $0x0;
	s4 =	sshll.u32 s4, $0x1;
	s5 =	sadd.s32 s21, s3  }
0x9d: {  	[timem:s22], [sflag:s6] =	dma.local [hbm:s5], s4  }
0x9e: {  	_ =	swait.ge [sflag:s6], s4  }
0x9f: {  	s4 =	ssub.s32 $0x0, s4;
	[sflag:s6] =	ssyncset.done $0x0  }
0xa0: {  	[sflag:s6] =	ssyncadd.s32 s4;
	_ =	sdelay $0x1  }
0xa1: {  	s23 =	simm.s32 $0x1B8B  }
0xa2: {  	_ =	swait.ge [sflag:s23], $0x1  }
0xa3: {  	[sflag:s23] =	ssyncset.done $0x0  }
0xa4: {  	[sflag:s23] =	ssyncadd.s32 $0xFFFFFFFF  }
0xa5: {  	s4 =	sld [smem:$0x0]  }
0xa6: {  	s5 =	sand.u32 $0xFFFFFFFE, s1  }
0xa7: {  	p0 =	sne.s32 s1, s5  }
0xa8: {  	s5 =	sshll.u32 @p0 s5, $0xE  }
0xa9: {  	s5 =	sadd.s32 @p0 $0x11B8D, s5;
	s6 =	sshll.u32 @p0 s4, $0x11  }
0xaa: {  	s5 =	sor.u32 @p0 s6, s5  }
0xab: {  	[sflag:s5] =	ssyncadd.remote.s32 @p0 $0x1;
	_ =	sdelay $0x1  }
0xac: {  	s5 =	simm.s32 @p0 $0x1B8D  }
0xad: {  	_ =	swait.eq @p0 [sflag:s5], $0x1  }
0xae: {  	[sflag:s5] =	ssyncadd.s32 @p0 $0xFFFFFFFF  }
0xaf: {  	s6 =	sshll.u32 @!p0 s1, $0xE  }
0xb0: {  	s6 =	sor.u32 @!p0 $0x4000, s6;
	s5 =	simm.s32 @!p0 $0x1B8D  }
0xb1: {  	s4 =	sshll.u32 @!p0 s4, $0x11;
	s6 =	sadd.s32 @!p0 $0x11B8D, s6;
	_ =	swait.eq @!p0 [sflag:s5], $0x1  }
0xb2: {  	s4 =	sor.u32 @!p0 s4, s6;
	[sflag:s5] =	ssyncadd.s32 @!p0 $0xFFFFFFFF  }
0xb3: {  	s25 =	simm.s32 $0x1B8E;
	s24 =	sld [smem:$0x3FFE];
	[sflag:s4] =	ssyncadd.remote.s32 @!p0 $0x1  }
0xb4: {  	s26 =	simm.s32 $execute0_lowered;
	[smem:$0x3FD2] =	sst s25  }
0xb5: {  	s5 =	sshll.u32 s26, $0x1;
	_ =	strace $0x8000004C;
	[dreg:$0x1] =	wrdreg $0xFFFFFFFF  }
0xb6: {  	s28 =	simm.s32 $_size_execute0_lowered;
	s3 =	sadd.s32 s3, s5;
	[dreg:$0x0] =	wrdreg $0x0  }
0xb7: {  	s5 =	sshll.u32 s28, $0x1;
	[dreg:$0x2] =	wrdreg s3  }
0xb8: {  	[dreg:$0x3] =	wrdreg s5  }
0xb9: {  	[dreg:$0x4] =	wrdreg $0xC0  }
0xba: {  	_ =	task [dreg:s22], $0x5FFFF  }
0xbb: {  	[dreg:$0x1] =	wrdreg $0xFFFFFFFF  }
0xbc: {  	[dreg:$0x0] =	wrdreg $0x60  }
0xbd: {  	[dreg:$0x2] =	wrdreg s24  }
0xbe: {  	[dreg:$0x3] =	wrdreg $0xB  }
0xbf: {  	_ =	task.clear_ibuf [dreg:s22], $0x4FFFF;
	_ =	strace $0x9000004C  }
0xc0: {  	s29 =	simm.s32 $0xB;
	_ =	strace $0x8000004E  }
0xc1: {  	_ =	swait.ge [sflag:s29], $0x1  }
0xc2: {  	[sflag:s29] =	ssyncadd.s32 $0xFFFFFFFF  }
0xc3: {  	_ =	strace $0x9000004E  }
0xc4: {  	_ =	sfence  }
0xc5: {  	s30 =	sld [smem:$0x0];
	_ =	sdelay $0x2  }
0xc6: {  	s31 =	sshll.u32 s1, $0xD;
	s1 =	sshrl.u32 s1, $0x2  }
0xc7: {  	s4 =	sand.u32 $0x4000, s31;
	s1 =	sadd.s32 s1, s30  }
0xc8: {  	s0 =	sor.u32 s4, s0;
	s1 =	sshll.u32 s1, $0x11  }
0xc9: {  	s0 =	sor.u32 s1, s0  }
0xca: {  	s0 =	sadd.s32 $0x8F2B, s0  }
0xcb: {  	[sflag:s0] =	ssyncadd.remote.s32 $0x1  }
0xcc: {  	_ =	sfence.sel $0xFFFF  }
0xcd: {  	[dreg:$0x0] =	wrdreg $0xFFFFFFFF;
	(pc) =	sbr.abs _section_cstart, $3  }
0xce: {  	[dreg:$0x1] =	wrdreg $0xFFFFFFFF  }
0xcf: {  	_ =	task.clear_ibuf [dreg:s22], $0x2FFFF;
	_ =	strace $0x9FFFFFFF  }
0xd0: {  	(tm) =	ssettm $0x7FFFFFFF  }
0xd1: {  	_ =	shalt  }
tec
execute0_lowered:
.L_overlay_start_1:
0x0: {  	(tag) =	ssettag $0x1  }
0x1: {  	s1 =	srdreg.scid;
	s0 =	stileid.u32  }
0x2: {  	s31 =	sand.u32 $0x1, s1;
	s26 =	sshll.u32 s0, $0x1  }
0x3: {  	s18 =	sor.u32 s31, s26  }
0x4: {  	s3 =	smul.u32 $0x28, s18  }
0x5: {  	s12 =	rddreg [dreg:$0x0];
	s2 =	simm.s32 $0x0  }
0x6: {  	[smem:$0x7FF] =	sst s2;
	s3 =	sadd.s32 s3, s12  }
0x7: {  	s4 =	simm.s32 $0x7;
	_ =	strace $0x8000004D;
	s3 =	sadd.s32 $0xCD8400, s3  }
0x8: {  	[tilespmem:s2], [sflag:$0x7] =	stream.linear.gather [hbm4b:s3+s2], $0x140, $0x38;
	[tilespmem:$0x1E180] =	vst v63  }
0x9: {  	_ =	swait.ge [sflag:s4], $0x140  }
0xa: {  	s6 =	simm.s32 $0x28;
	[sflag:s4] =	ssyncset.done $0x0  }
0xb: {  	s7 =	simm.s32 $0x180;
	s5 =	sadd.s32 $0x2A00, s12;
	[sflag:s4] =	ssyncadd.s32 $0xFFFFFEC0  }
0xc: {  	[tilespmem:s7], [sflag:$0x1] =	stream.indirect.gather [hbm4b:s5+s6], $0x400, s2, s6, $0xb8;
	[tilespmem:$0x1E180] =	vst v63  }
0xd: {  	s8 =	simm.s32 $0xA180  }
0xe: {  	[tilespmem:s8], [sflag:$0x2] =	stream.indirect.gather [hbm4b:s5+s6], $0x400, s6, s6, $0xb8;
	[tilespmem:$0x1E180] =	vst v63  }
0xf: {  	s9 =	simm.s32 $0x50;
	s10 =	simm.s32 $0x14180;
	s11 =	simm.s32 $0x1  }
0x10: {  	[tilespmem:s10], [sflag:$0x3] =	stream.indirect.gather [hbm4b:s5+s6], $0x400, s9, s6, $0xb8;
	[tilespmem:$0x1E180] =	vst v63  }
0x11: {  	s13 =	smul.u32 $0xA000, s18;
	_ =	swait.ge [sflag:s11], $0xA000  }
0x12: {  	s20 =	sadd.s32 $0xE19000, s12;
	[sflag:s11] =	ssyncset.done $0x0  }
0x13: {  	s12 =	sadd.s32 s20, s13;
	s13 =	simm.s32 $0x4;
	[sflag:s11] =	ssyncadd.s32 $0xFFFF6000  }
0x14: {  	[hbm4b:s12+s2] =	stream.linear.scatter [tilespmem:s7], [sflag:$0x4], $0xA000, $0x38;
	[tilespmem:$0x1E180] =	vst v63  }
0x15: {  	_ =	swait.ge [sflag:s13], $0xA000  }
0x16: {  	[sflag:s13] =	ssyncset.done $0x0  }
0x17: {  	s14 =	simm.s32 $0x78;
	s15 =	simm.s32 $0x2;
	[sflag:s13] =	ssyncadd.s32 $0xFFFF6000  }
0x18: {  	[tilespmem:s7], [sflag:$0x1] =	stream.indirect.gather [hbm4b:s5+s6], $0x400, s14, s6, $0xb8;
	[tilespmem:$0x1E180] =	vst v63  }
0x19: {  	_ =	swait.ge [sflag:s15], $0xA000  }
0x1a: {  	[sflag:s15] =	ssyncset.done $0x0  }
0x1b: {  	s17 =	simm.s32 $0x5;
	s16 =	sadd.s32 $0x1400, s12;
	[sflag:s15] =	ssyncadd.s32 $0xFFFF6000  }
0x1c: {  	[hbm4b:s16+s2] =	stream.linear.scatter [tilespmem:s8], [sflag:$0x5], $0xA000, $0x38;
	[tilespmem:$0x1E180] =	vst v63  }
0x1d: {  	_ =	swait.ge [sflag:s17], $0xA000  }
0x1e: {  	s19 =	simm.s32 $0x3;
	[sflag:s17] =	ssyncset.done $0x0  }
0x1f: {  	s21 =	smul.u32 $0x50000, s18;
	s18 =	simm.s32 $0xA0;
	[sflag:s17] =	ssyncadd.s32 $0xFFFF6000  }
0x20: {  	[tilespmem:s8], [sflag:$0x2] =	stream.indirect.gather [hbm4b:s5+s6], $0x400, s18, s6, $0xb8;
	[tilespmem:$0x1E180] =	vst v63  }
0x21: {  	s21 =	sshrl.u32 s21, $0x3;
	_ =	swait.ge [sflag:s19], $0xA000  }
0x22: {  	s30 =	sadd.s32 s20, s21;
	[sflag:s19] =	ssyncset.done $0x0  }
0x23: {  	s20 =	simm.s32 $0x6;
	s21 =	sadd.s32 $0x2800, s30;
	[sflag:s19] =	ssyncadd.s32 $0xFFFF6000  }
0x24: {  	[hbm4b:s21+s2] =	stream.linear.scatter [tilespmem:s10], [sflag:$0x6], $0xA000, $0x38;
	[tilespmem:$0x1E180] =	vst v63  }
0x25: {  	_ =	swait.ge [sflag:s20], $0xA000  }
0x26: {  	[sflag:s20] =	ssyncset.done $0x0  }
0x27: {  	s22 =	simm.s32 $0xC8;
	[sflag:s20] =	ssyncadd.s32 $0xFFFF6000  }
0x28: {  	[tilespmem:s10], [sflag:$0x3] =	stream.indirect.gather [hbm4b:s5+s6], $0x400, s22, s6, $0xb8;
	[tilespmem:$0x1E180] =	vst v63  }
0x29: {  	_ =	swait.ge [sflag:s11], $0xA000  }
0x2a: {  	[sflag:s11] =	ssyncset.done $0x0  }
0x2b: {  	s23 =	sadd.s32 $0x3C00, s30;
	[sflag:s11] =	ssyncadd.s32 $0xFFFF6000  }
0x2c: {  	[hbm4b:s23+s2] =	stream.linear.scatter [tilespmem:s7], [sflag:$0x4], $0xA000, $0x38;
	[tilespmem:$0x1E180] =	vst v63  }
0x2d: {  	_ =	swait.ge [sflag:s13], $0xA000  }
0x2e: {  	[sflag:s13] =	ssyncset.done $0x0  }
0x2f: {  	s24 =	simm.s32 $0xF0;
	[sflag:s13] =	ssyncadd.s32 $0xFFFF6000  }
0x30: {  	[tilespmem:s7], [sflag:$0x1] =	stream.indirect.gather [hbm4b:s5+s6], $0x400, s24, s6, $0xb8;
	[tilespmem:$0x1E180] =	vst v63  }
0x31: {  	_ =	swait.ge [sflag:s15], $0xA000  }
0x32: {  	[sflag:s15] =	ssyncset.done $0x0  }
0x33: {  	s25 =	sadd.s32 $0x5000, s30;
	[sflag:s15] =	ssyncadd.s32 $0xFFFF6000  }
0x34: {  	[hbm4b:s25+s2] =	stream.linear.scatter [tilespmem:s8], [sflag:$0x5], $0xA000, $0x38;
	[tilespmem:$0x1E180] =	vst v63  }
0x35: {  	_ =	swait.ge [sflag:s17], $0xA000  }
0x36: {  	[sflag:s17] =	ssyncset.done $0x0  }
0x37: {  	s26 =	simm.s32 $0x118;
	[sflag:s17] =	ssyncadd.s32 $0xFFFF6000  }
0x38: {  	[tilespmem:s8], [sflag:$0x2] =	stream.indirect.gather [hbm4b:s5+s6], $0x400, s26, s6, $0xb8;
	[tilespmem:$0x1E180] =	vst v63  }
0x39: {  	_ =	swait.ge [sflag:s19], $0xA000  }
0x3a: {  	[sflag:s19] =	ssyncset.done $0x0  }
0x3b: {  	s28 =	sadd.s32 $0x6400, s30;
	[sflag:s19] =	ssyncadd.s32 $0xFFFF6000  }
0x3c: {  	[hbm4b:s28+s2] =	stream.linear.scatter [tilespmem:s10], [sflag:$0x6], $0xA000, $0x38;
	[tilespmem:$0x1E180] =	vst v63  }
0x3d: {  	_ =	swait.ge [sflag:s11], $0xA000  }
0x3e: {  	[sflag:s11] =	ssyncset.done $0x0  }
0x3f: {  	s29 =	sadd.s32 $0x7800, s30;
	[sflag:s11] =	ssyncadd.s32 $0xFFFF6000  }
0x40: {  	[hbm4b:s29+s2] =	stream.linear.scatter [tilespmem:s7], [sflag:$0x4], $0xA000, $0x38;
	[tilespmem:$0x1E180] =	vst v63  }
0x41: {  	_ =	swait.ge [sflag:s15], $0xA000  }
0x42: {  	s31 =	ssub.s32 $0x2, s31;
	[sflag:s15] =	ssyncset.done $0x0  }
0x43: {  	s1 =	sshrl.u32 s31, $0x1;
	s30 =	sadd.s32 $0x8C00, s30;
	[sflag:s15] =	ssyncadd.s32 $0xFFFF6000  }
0x44: {  	[hbm4b:s30+s2] =	stream.linear.scatter [tilespmem:s8], [sflag:$0x5], $0xA000, $0x38;
	[tilespmem:$0x1E180] =	vst v63  }
0x45: {  	s1 =	ssub.s32 s31, s1;
	_ =	swait.ge [sflag:s13], $0xA000  }
0x46: {  	s1 =	smax.u32 s1, $0x1;
	[sflag:s13] =	ssyncset.done $0x0  }
0x47: {  	p0 =	sne.s32 s1, $0x1;
	[sflag:s13] =	ssyncadd.s32 $0xFFFF6000  }
.Ltmp0:
0x48: {  	_ =	swait.ge [sflag:s17], $0xA000;
	(pc) =	sbr.rel @!p0 .LBB2_2-.Ltmp0, $4  }
0x49: {  	[sflag:s17] =	ssyncset.done $0x0  }
0x4a: {  	[sflag:s17] =	ssyncadd.s32 $0xFFFF6000  }
0x4b: {  	_ =	swait.ge [sflag:s20], $0xA000  }
0x4c: {  	s31 =	sadd.s32 $0xFFFFFFFF, s1;
	[sflag:s20] =	ssyncset.done $0x0  }
.LBB2_1:
0x4d: {  	p0 =	sne.s32 s31, $0x1;
	s31 =	sadd.s32 $0xFFFFFFFF, s31;
	[sflag:s20] =	ssyncadd.s32 $0xFFFF6000  }
0x4e: {  	[tilespmem:s2], [sflag:$0x7] =	stream.linear.gather [hbm4b:s3+s2], $0x140, $0x38;
	[tilespmem:$0x1E180] =	vst v63  }
0x4f: {  	_ =	swait.ge [sflag:s4], $0x140  }
0x50: {  	[sflag:s4] =	ssyncset.done $0x0  }
0x51: {  	[sflag:s4] =	ssyncadd.s32 $0xFFFFFEC0  }
0x52: {  	[tilespmem:s7], [sflag:$0x1] =	stream.indirect.gather [hbm4b:s5+s6], $0x400, s2, s6, $0xb8;
	[tilespmem:$0x1E180] =	vst v63  }
0x53: {  	_ = 	snop  }
0x54: {  	[tilespmem:s8], [sflag:$0x2] =	stream.indirect.gather [hbm4b:s5+s6], $0x400, s6, s6, $0xb8;
	[tilespmem:$0x1E180] =	vst v63  }
0x55: {  	_ = 	snop  }
0x56: {  	[tilespmem:s10], [sflag:$0x3] =	stream.indirect.gather [hbm4b:s5+s6], $0x400, s9, s6, $0xb8;
	[tilespmem:$0x1E180] =	vst v63  }
0x57: {  	_ =	swait.ge [sflag:s11], $0xA000  }
0x58: {  	[sflag:s11] =	ssyncset.done $0x0  }
0x59: {  	[sflag:s11] =	ssyncadd.s32 $0xFFFF6000  }
0x5a: {  	[hbm4b:s12+s2] =	stream.linear.scatter [tilespmem:s7], [sflag:$0x4], $0xA000, $0x38;
	[tilespmem:$0x1E180] =	vst v63  }
0x5b: {  	_ =	swait.ge [sflag:s13], $0xA000  }
0x5c: {  	[sflag:s13] =	ssyncset.done $0x0  }
0x5d: {  	[sflag:s13] =	ssyncadd.s32 $0xFFFF6000  }
0x5e: {  	[tilespmem:s7], [sflag:$0x1] =	stream.indirect.gather [hbm4b:s5+s6], $0x400, s14, s6, $0xb8;
	[tilespmem:$0x1E180] =	vst v63  }
0x5f: {  	_ =	swait.ge [sflag:s15], $0xA000  }
0x60: {  	[sflag:s15] =	ssyncset.done $0x0  }
0x61: {  	[sflag:s15] =	ssyncadd.s32 $0xFFFF6000  }
0x62: {  	[hbm4b:s16+s2] =	stream.linear.scatter [tilespmem:s8], [sflag:$0x5], $0xA000, $0x38;
	[tilespmem:$0x1E180] =	vst v63  }
0x63: {  	_ =	swait.ge [sflag:s17], $0xA000  }
0x64: {  	[sflag:s17] =	ssyncset.done $0x0  }
0x65: {  	[sflag:s17] =	ssyncadd.s32 $0xFFFF6000  }
0x66: {  	[tilespmem:s8], [sflag:$0x2] =	stream.indirect.gather [hbm4b:s5+s6], $0x400, s18, s6, $0xb8;
	[tilespmem:$0x1E180] =	vst v63  }
0x67: {  	_ =	swait.ge [sflag:s19], $0xA000  }
0x68: {  	[sflag:s19] =	ssyncset.done $0x0  }
0x69: {  	[sflag:s19] =	ssyncadd.s32 $0xFFFF6000  }
0x6a: {  	[hbm4b:s21+s2] =	stream.linear.scatter [tilespmem:s10], [sflag:$0x6], $0xA000, $0x38;
	[tilespmem:$0x1E180] =	vst v63  }
0x6b: {  	_ =	swait.ge [sflag:s20], $0xA000  }
0x6c: {  	[sflag:s20] =	ssyncset.done $0x0  }
0x6d: {  	[sflag:s20] =	ssyncadd.s32 $0xFFFF6000  }
0x6e: {  	[tilespmem:s10], [sflag:$0x3] =	stream.indirect.gather [hbm4b:s5+s6], $0x400, s22, s6, $0xb8;
	[tilespmem:$0x1E180] =	vst v63  }
0x6f: {  	_ =	swait.ge [sflag:s11], $0xA000  }
0x70: {  	[sflag:s11] =	ssyncset.done $0x0  }
0x71: {  	[sflag:s11] =	ssyncadd.s32 $0xFFFF6000  }
0x72: {  	[hbm4b:s23+s2] =	stream.linear.scatter [tilespmem:s7], [sflag:$0x4], $0xA000, $0x38;
	[tilespmem:$0x1E180] =	vst v63  }
0x73: {  	_ =	swait.ge [sflag:s13], $0xA000  }
0x74: {  	[sflag:s13] =	ssyncset.done $0x0  }
0x75: {  	[sflag:s13] =	ssyncadd.s32 $0xFFFF6000  }
0x76: {  	[tilespmem:s7], [sflag:$0x1] =	stream.indirect.gather [hbm4b:s5+s6], $0x400, s24, s6, $0xb8;
	[tilespmem:$0x1E180] =	vst v63  }
0x77: {  	_ =	swait.ge [sflag:s15], $0xA000  }
0x78: {  	[sflag:s15] =	ssyncset.done $0x0  }
0x79: {  	[sflag:s15] =	ssyncadd.s32 $0xFFFF6000  }
0x7a: {  	[hbm4b:s25+s2] =	stream.linear.scatter [tilespmem:s8], [sflag:$0x5], $0xA000, $0x38;
	[tilespmem:$0x1E180] =	vst v63  }
0x7b: {  	_ =	swait.ge [sflag:s17], $0xA000  }
0x7c: {  	[sflag:s17] =	ssyncset.done $0x0  }
0x7d: {  	[sflag:s17] =	ssyncadd.s32 $0xFFFF6000  }
0x7e: {  	[tilespmem:s8], [sflag:$0x2] =	stream.indirect.gather [hbm4b:s5+s6], $0x400, s26, s6, $0xb8;
	[tilespmem:$0x1E180] =	vst v63  }
0x7f: {  	_ =	swait.ge [sflag:s19], $0xA000  }
0x80: {  	[sflag:s19] =	ssyncset.done $0x0  }
0x81: {  	[sflag:s19] =	ssyncadd.s32 $0xFFFF6000  }
0x82: {  	[hbm4b:s28+s2] =	stream.linear.scatter [tilespmem:s10], [sflag:$0x6], $0xA000, $0x38;
	[tilespmem:$0x1E180] =	vst v63  }
0x83: {  	_ =	swait.ge [sflag:s11], $0xA000  }
0x84: {  	[sflag:s11] =	ssyncset.done $0x0  }
0x85: {  	[sflag:s11] =	ssyncadd.s32 $0xFFFF6000  }
0x86: {  	[hbm4b:s29+s2] =	stream.linear.scatter [tilespmem:s7], [sflag:$0x4], $0xA000, $0x38;
	[tilespmem:$0x1E180] =	vst v63  }
0x87: {  	_ =	swait.ge [sflag:s15], $0xA000  }
0x88: {  	[sflag:s15] =	ssyncset.done $0x0  }
0x89: {  	[sflag:s15] =	ssyncadd.s32 $0xFFFF6000  }
0x8a: {  	[hbm4b:s30+s2] =	stream.linear.scatter [tilespmem:s8], [sflag:$0x5], $0xA000, $0x38;
	[tilespmem:$0x1E180] =	vst v63  }
0x8b: {  	_ =	swait.ge [sflag:s13], $0xA000  }
0x8c: {  	[sflag:s13] =	ssyncset.done $0x0  }
0x8d: {  	[sflag:s13] =	ssyncadd.s32 $0xFFFF6000  }
.Ltmp1:
0x8e: {  	_ =	swait.ge [sflag:s17], $0xA000;
	(pc) =	sbr.rel @p0 .LBB2_1-.Ltmp1, $4  }
0x8f: {  	[sflag:s17] =	ssyncset.done $0x0  }
0x90: {  	[sflag:s17] =	ssyncadd.s32 $0xFFFF6000  }
0x91: {  	_ =	swait.ge [sflag:s20], $0xA000  }
0x92: {  	[sflag:s20] =	ssyncset.done $0x0  }
.LBB2_2:
0x93: {  	[sflag:s20] =	ssyncadd.s32 $0xFFFF6000  }
0x94: {  	_ =	sfence.sel $0x180000  }
0x95: {  	[bflag:$0x0] =	sbarrier.arrive $0xFFFF  }
0x96: {  	_ =	strace $0x9000004D  }
0x97: {  	[bflag:$0x2] =	sbarrier.arrive $0xFFFF  }
0x98: {  	p0 =	sne.s32 s0, $0x0;
	s0 =	rddreg [dreg:$0x1]  }
0x99: {  	s0 =	sadd.s32 @!p0 $0x100000, s0  }
0x9a: {  	[sflag:s0] =	ssyncadd.tile.s32 @!p0 $0x1;
	_ =	shalt  }
.Lfunc_end2:
_tile_overlayer_lowered:
.L_overlay_start_2:
0x9b: {  	(tag) =	ssettag $0x2  }
0x9c: {  	s0 =	rddreg [dreg:$0x0];
	s2 =	stileid.u32  }
0x9d: {  	s1 =	rddreg [dreg:$0x1];
	p0 =	sne.s32 s2, $0x0  }
0x9e: {  	s3 =	rddreg [dreg:$0x2];
	[bflag:$0x3] =	sbarrier.arrive $0xFFFF;
	s2 =	simm.s32 @!p0 $0x1C07  }
0x9f: {  	[timem:s3], [sflag:s2] =	dma.local @!p0 [hbm:s0], s1  }
0xa0: {  	s0 =	simm.s32 @!p0 $0x7  }
0xa1: {  	_ =	swait.ge @!p0 [sflag:s0], s1  }
0xa2: {  	s1 =	ssub.s32 @!p0 $0x0, s1;
	[sflag:s0] =	ssyncset.done @!p0 $0x0  }
0xa3: {  	[sflag:s0] =	ssyncadd.s32 @!p0 s1  }
0xa4: {  	[bflag:$0x3] =	sbarrier.arrive $0xFFFF  }
0xa5: {  	_ =	shalt  }

// kernel: kernel.23.cloned.1.call-start
scs
__scs_entry_jumppad:
0x0: {  	(pc) =	sbr.rel $0x88, $3  }
0x1: {  	(tag) =	ssettag $0x0;
	lr =	simm.s32 $0x1  }
0x2: {  	[smem:$0x3F9E] =	sst lr;
	_ =	strace $0xD0000000  }
0x3: {  	_ = 	snop  }
0x4: {  	_ = 	snop  }
0x5: {  	_ = 	snop  }
0x6: {  	_ = 	snop  }
0x7: {  	_ = 	snop  }
__scs_overlays_trampoline_lowered:
0x8: {  	[smem:$0x3FAD] =	sst s0  }
0x9: {  	[smem:$0x3FAE] =	sst s1  }
0xa: {  	[smem:$0x3FAF] =	sst s2  }
0xb: {  	[smem:$0x3FB0] =	sst s3  }
0xc: {  	[smem:$0x3FB1] =	sst s4  }
0xd: {  	[smem:$0x3FB2] =	sst s5  }
0xe: {  	[smem:$0x3FB3] =	sst s6  }
0xf: {  	[smem:$0x3FB4] =	sst s7  }
0x10: {  	[smem:$0x3FB5] =	sst s8  }
0x11: {  	[smem:$0x3FB6] =	sst s9;
	s0 =	simm.s32 @!p0 $0x0  }
0x12: {  	s1 =	sld [smem:$0x3F9C];
	s0 =	simm.s32 @p0 $0x1  }
0x13: {  	[smem:$0x3FB7] =	sst s0;
	s0 =	simm.s32 @!p1 $0x0  }
0x14: {  	s2 =	sld [smem:$0x3F9B];
	s0 =	simm.s32 @p1 $0x1  }
0x15: {  	[smem:$0x3FB8] =	sst s0;
	s0 =	simm.s32 @!p2 $0x0  }
0x16: {  	s3 =	sld [smem:$0x3FDB];
	s0 =	simm.s32 @p2 $0x1  }
0x17: {  	s4 =	simm.s32 $0x1BF5;
	[smem:$0x3FBA] =	sst s0  }
0x18: {  	s0 =	sld [smem:$0x3F9D];
	_ =	swait.ge [sflag:s4], $0x0  }
0x19: {  	s7 =	sld [smem:$0x3F9E]  }
0x1a: {  	s8 =	sadd.s32 $0xFFFFE003, lr  }
0x1b: {  	s9 =	sadd.s32 $0xFFFFFEF7, lr;
	s5 =	simm.s32 $0xFFFFFFFF;
	p2 =	slt.u32 s8, $0xFFFFF086  }
0x1c: {  	p1 =	slt.u32 s9, $0xF7A;
	s5 =	simm.s32 @!p2 $0x0  }
0x1d: {  	s5 =	simm.s32 @p1 $0x1;
	p0 =	seq.s32 s7, s2  }
0x1e: {  	s7 =	smul.u32 @!p0 $0xF7A, s2;
	p2 =	seq.s32 @!p0 s5, $0x0  }
0x1f: {  	s9 =	smul.u32 $0xF7A, s1;
	s8 =	simm.s32 @!p0 $0x1BF5;
	p2 =	por !p2, p0  }
0x20: {  	[sflag:s8] =	ssyncset.s32 @!p0 $0xFFFFF086;
	s6 =	sadd.s32 @!p0 s3, s7;
	s7 =	simm.s32 @!p0 $0x108  }
0x21: {  	s3 =	sadd.s32 s3, s9;
	s6 =	sadd.s32 @!p0 $0x88, s6;
	s7 =	simm.s32 @p2 $0x1082  }
0x22: {  	[simem:s7], [sflag:s8] =	dma.local @!p0 [hbm:s6], $0xF7A  }
0x23: {  	s9 =	sor.u32 $0xD0000000, s2;
	s6 =	simm.s32 $0x108;
	_ =	swait.ge @!p0 [sflag:s8], $0x0  }
0x24: {  	s3 =	sadd.s32 $0x88, s3;
	s6 =	simm.s32 @!p1 $0x1082;
	[sflag:s4] =	ssyncset.s32 $0xFFFFF086  }
0x25: {  	[simem:s6], [sflag:s4] =	dma.local [hbm:s3], $0xF7A  }
0x26: {  	[smem:$0x3F9E] =	sst s1;
	(tag) =	ssettag s2;
	_ =	strace s9  }
0x27: {  	s1 =	sld [smem:$0x3FAE]  }
0x28: {  	s2 =	sld [smem:$0x3FAF]  }
0x29: {  	s4 =	sld [smem:$0x3FB1]  }
0x2a: {  	p0 =	seq.s32 s5, $0x0;
	s5 =	sld [smem:$0x3FB2]  }
0x2b: {  	s6 =	sld [smem:$0x3FB3]  }
0x2c: {  	s7 =	sld [smem:$0x3FB4]  }
0x2d: {  	s3 =	simm.s32 $0x108;
	s8 =	sld [smem:$0x3FB5]  }
0x2e: {  	s3 =	simm.s32 @!p0 $0x1082;
	s9 =	sld [smem:$0x3FB6]  }
0x2f: {  	lr =	sadd.s32 s0, s3;
	s0 =	sld [smem:$0x3FAD]  }
0x30: {  	s3 =	sld [smem:$0x3FB0]  }
0x31: {  	[smem:$0x3FB9] =	sst s10  }
0x32: {  	s10 =	sld [smem:$0x3FB7];
	_ =	sdelay $0x3  }
0x33: {  	p0 =	seq.s32 s10, $0x1;
	s10 =	sld [smem:$0x3FB9];
	_ =	sdelay $0x3  }
0x34: {  	[smem:$0x3FB9] =	sst s10  }
0x35: {  	s10 =	sld [smem:$0x3FB8];
	_ =	sdelay $0x3  }
0x36: {  	p1 =	seq.s32 s10, $0x1;
	s10 =	sld [smem:$0x3FB9];
	_ =	sdelay $0x3  }
0x37: {  	[smem:$0x3FB9] =	sst s10  }
0x38: {  	s10 =	sld [smem:$0x3FBA]  }
0x39: {  	_ = 	snop;
	(pc) =	sbr.ind lr, $3  }
0x3a: {  	_ = 	snop  }
0x3b: {  	_ = 	snop  }
0x3c: {  	p2 =	seq.s32 s10, $0x1;
	s10 =	sld [smem:$0x3FB9]  }
0x3d: {  	_ =	shalt  }
0x3e: {  	_ =	shalt  }
0x3f: {  	_ =	shalt  }
0x40: {  	_ =	shalt  }
0x41: {  	_ =	shalt  }
0x42: {  	_ =	shalt  }
0x43: {  	_ =	shalt  }
0x44: {  	_ =	shalt  }
0x45: {  	_ =	shalt  }
0x46: {  	_ =	shalt  }
0x47: {  	_ =	shalt  }
0x48: {  	_ =	shalt  }
0x49: {  	_ =	shalt  }
0x4a: {  	_ =	shalt  }
0x4b: {  	_ =	shalt  }
0x4c: {  	_ =	shalt  }
0x4d: {  	_ =	shalt  }
0x4e: {  	_ =	shalt  }
0x4f: {  	_ =	shalt  }
0x50: {  	_ =	shalt  }
0x51: {  	_ =	shalt  }
0x52: {  	_ =	shalt  }
0x53: {  	_ =	shalt  }
0x54: {  	_ =	shalt  }
0x55: {  	_ =	shalt  }
0x56: {  	_ =	shalt  }
0x57: {  	_ =	shalt  }
0x58: {  	_ =	shalt  }
0x59: {  	_ =	shalt  }
0x5a: {  	_ =	shalt  }
0x5b: {  	_ =	shalt  }
0x5c: {  	_ =	shalt  }
0x5d: {  	_ =	shalt  }
0x5e: {  	_ =	shalt  }
0x5f: {  	_ =	shalt  }
0x60: {  	_ =	shalt  }
0x61: {  	_ =	shalt  }
0x62: {  	_ =	shalt  }
0x63: {  	_ =	shalt  }
0x64: {  	_ =	shalt  }
0x65: {  	_ =	shalt  }
0x66: {  	_ =	shalt  }
0x67: {  	_ =	shalt  }
0x68: {  	_ =	shalt  }
0x69: {  	_ =	shalt  }
0x6a: {  	_ =	shalt  }
0x6b: {  	_ =	shalt  }
0x6c: {  	_ =	shalt  }
0x6d: {  	_ =	shalt  }
0x6e: {  	_ =	shalt  }
0x6f: {  	_ =	shalt  }
0x70: {  	_ =	shalt  }
0x71: {  	_ =	shalt  }
0x72: {  	_ =	shalt  }
0x73: {  	_ =	shalt  }
0x74: {  	_ =	shalt  }
0x75: {  	_ =	shalt  }
0x76: {  	_ =	shalt  }
0x77: {  	_ =	shalt  }
0x78: {  	_ =	shalt  }
0x79: {  	_ =	shalt  }
0x7a: {  	_ =	shalt  }
0x7b: {  	_ =	shalt  }
0x7c: {  	_ =	shalt  }
0x7d: {  	_ =	shalt  }
0x7e: {  	_ =	shalt  }
0x7f: {  	_ =	shalt  }
0x80: {  	_ =	shalt  }
0x81: {  	_ =	shalt  }
0x82: {  	_ =	shalt  }
0x83: {  	_ =	shalt  }
0x84: {  	_ =	shalt  }
0x85: {  	_ =	shalt  }
0x86: {  	_ =	shalt  }
0x87: {  	_ =	shalt  }
.Lfunc_end0:
.L_simem_size_0:
called_computation.3_lowered:
.L_overlay_start_0:
0x88: {  	s2 =	sld [smem:$0x3FD9]  }
0x89: {  	s3 =	sld [smem:$0x3FFE];
	_ =	sdelay $0x1  }
0x8a: {  	s1 =	srdreg.scid  }
0x8b: {  	s0 =	sand.u32 $0x1, s1  }
0x8c: {  	s17 =	sshll.u32 s0, $0xA;
	s2 =	sadd.s32 s3, s2  }
0x8d: {  	s2 =	sadd.s32 s2, s17  }
0x8e: {  	[smem:$0x3FC5] =	sst s2  }
0x8f: {  	_ = 	snop  }
0x90: {  	(tm) =	ssettm $0x1  }
0x91: {  	s18 =	sld [smem:$0x3FFB];
	_ =	sdelay $0x3  }
0x92: {  	_ =	strace s18  }
0x93: {  	s2 =	sld [smem:$0x3FFC];
	_ =	sdelay $0x3  }
0x94: {  	_ =	strace s2  }
0x95: {  	s2 =	sld [smem:$0x3FFD];
	_ =	sdelay $0x3  }
0x96: {  	_ =	strace s2  }
0x97: {  	_ =	strace $0x8FFFFFFF  }
0x98: {  	s19 =	sld [smem:$0x3FDB];
	_ =	sdelay $0x1  }
0x99: {  	s20 =	simm.s32 $_scs_section_size  }
0x9a: {  	s4 =	simm.s32 $_size__tile_overlayer_lowered;
	s5 =	simm.s32 $_tile_overlayer_lowered  }
0x9b: {  	s6 =	simm.s32 $0x1BFF;
	s21 =	sshll.u32 s5, $0x1;
	s3 =	sadd.s32 s20, s19  }
0x9c: {  	s22 =	simm.s32 $0x0;
	s4 =	sshll.u32 s4, $0x1;
	s5 =	sadd.s32 s21, s3  }
0x9d: {  	[timem:s22], [sflag:s6] =	dma.local [hbm:s5], s4  }
0x9e: {  	_ =	swait.ge [sflag:s6], s4  }
0x9f: {  	s4 =	ssub.s32 $0x0, s4;
	[sflag:s6] =	ssyncset.done $0x0  }
0xa0: {  	[sflag:s6] =	ssyncadd.s32 s4;
	_ =	sdelay $0x1  }
0xa1: {  	s23 =	simm.s32 $0x1B8B  }
0xa2: {  	_ =	swait.ge [sflag:s23], $0x1  }
0xa3: {  	[sflag:s23] =	ssyncset.done $0x0  }
0xa4: {  	[sflag:s23] =	ssyncadd.s32 $0xFFFFFFFF  }
0xa5: {  	s4 =	sld [smem:$0x0]  }
0xa6: {  	s5 =	sand.u32 $0xFFFFFFFE, s1  }
0xa7: {  	p0 =	sne.s32 s1, s5  }
0xa8: {  	s5 =	sshll.u32 @p0 s5, $0xE  }
0xa9: {  	s5 =	sadd.s32 @p0 $0x11B8D, s5;
	s6 =	sshll.u32 @p0 s4, $0x11  }
0xaa: {  	s5 =	sor.u32 @p0 s6, s5  }
0xab: {  	[sflag:s5] =	ssyncadd.remote.s32 @p0 $0x1;
	_ =	sdelay $0x1  }
0xac: {  	s5 =	simm.s32 @p0 $0x1B8D  }
0xad: {  	_ =	swait.eq @p0 [sflag:s5], $0x1  }
0xae: {  	[sflag:s5] =	ssyncadd.s32 @p0 $0xFFFFFFFF  }
0xaf: {  	s6 =	sshll.u32 @!p0 s1, $0xE  }
0xb0: {  	s6 =	sor.u32 @!p0 $0x4000, s6;
	s5 =	simm.s32 @!p0 $0x1B8D  }
0xb1: {  	s4 =	sshll.u32 @!p0 s4, $0x11;
	s6 =	sadd.s32 @!p0 $0x11B8D, s6;
	_ =	swait.eq @!p0 [sflag:s5], $0x1  }
0xb2: {  	s4 =	sor.u32 @!p0 s4, s6;
	[sflag:s5] =	ssyncadd.s32 @!p0 $0xFFFFFFFF  }
0xb3: {  	s25 =	simm.s32 $0x1B8E;
	s24 =	sld [smem:$0x3FFE];
	[sflag:s4] =	ssyncadd.remote.s32 @!p0 $0x1  }
0xb4: {  	s26 =	simm.s32 $execute0_lowered;
	[smem:$0x3FD2] =	sst s25  }
0xb5: {  	s5 =	sshll.u32 s26, $0x1;
	_ =	strace $0x8000004F;
	[dreg:$0x1] =	wrdreg $0xFFFFFFFF  }
0xb6: {  	s28 =	simm.s32 $_size_execute0_lowered;
	s3 =	sadd.s32 s3, s5;
	[dreg:$0x0] =	wrdreg $0x0  }
0xb7: {  	s5 =	sshll.u32 s28, $0x1;
	[dreg:$0x2] =	wrdreg s3  }
0xb8: {  	[dreg:$0x3] =	wrdreg s5  }
0xb9: {  	[dreg:$0x4] =	wrdreg $0xC0  }
0xba: {  	_ =	task [dreg:s22], $0x5FFFF  }
0xbb: {  	[dreg:$0x1] =	wrdreg $0xFFFFFFFF  }
0xbc: {  	[dreg:$0x0] =	wrdreg $0x60  }
0xbd: {  	[dreg:$0x2] =	wrdreg s24  }
0xbe: {  	[dreg:$0x3] =	wrdreg $0xC  }
0xbf: {  	_ =	task.clear_ibuf [dreg:s22], $0x4FFFF;
	_ =	strace $0x9000004F  }
0xc0: {  	s29 =	simm.s32 $0xC;
	_ =	strace $0x80000051  }
0xc1: {  	_ =	swait.ge [sflag:s29], $0x1  }
0xc2: {  	[sflag:s29] =	ssyncadd.s32 $0xFFFFFFFF  }
0xc3: {  	_ =	strace $0x90000051  }
0xc4: {  	_ =	sfence  }
0xc5: {  	s30 =	sld [smem:$0x0];
	_ =	sdelay $0x2  }
0xc6: {  	s31 =	sshll.u32 s1, $0xD;
	s1 =	sshrl.u32 s1, $0x2  }
0xc7: {  	s4 =	sand.u32 $0x4000, s31;
	s1 =	sadd.s32 s1, s30  }
0xc8: {  	s0 =	sor.u32 s4, s0;
	s1 =	sshll.u32 s1, $0x11  }
0xc9: {  	s0 =	sor.u32 s1, s0  }
0xca: {  	s0 =	sadd.s32 $0x8F2B, s0  }
0xcb: {  	[sflag:s0] =	ssyncadd.remote.s32 $0x1  }
0xcc: {  	_ =	sfence.sel $0xFFFF  }
0xcd: {  	[dreg:$0x0] =	wrdreg $0xFFFFFFFF;
	(pc) =	sbr.abs _section_cstart, $3  }
0xce: {  	[dreg:$0x1] =	wrdreg $0xFFFFFFFF  }
0xcf: {  	_ =	task.clear_ibuf [dreg:s22], $0x2FFFF;
	_ =	strace $0x9FFFFFFF  }
0xd0: {  	(tm) =	ssettm $0x7FFFFFFF  }
0xd1: {  	_ =	shalt  }
tec
execute0_lowered:
.L_overlay_start_1:
0x0: {  	(tag) =	ssettag $0x1  }
0x1: {  	s1 =	srdreg.scid;
	s0 =	stileid.u32  }
0x2: {  	s31 =	sand.u32 $0x1, s1;
	s26 =	sshll.u32 s0, $0x1  }
0x3: {  	s18 =	sor.u32 s31, s26  }
0x4: {  	s3 =	smul.u32 $0x28, s18  }
0x5: {  	s12 =	rddreg [dreg:$0x0];
	s2 =	simm.s32 $0x0  }
0x6: {  	[smem:$0x7FF] =	sst s2;
	s3 =	sadd.s32 s3, s12  }
0x7: {  	s4 =	simm.s32 $0x7;
	_ =	strace $0x80000050;
	s3 =	sadd.s32 $0xCD8A00, s3  }
0x8: {  	[tilespmem:s2], [sflag:$0x7] =	stream.linear.gather [hbm4b:s3+s2], $0x140, $0x38;
	[tilespmem:$0x1E180] =	vst v63  }
0x9: {  	_ =	swait.ge [sflag:s4], $0x140  }
0xa: {  	s6 =	simm.s32 $0x28;
	[sflag:s4] =	ssyncset.done $0x0  }
0xb: {  	s7 =	simm.s32 $0x180;
	s5 =	sadd.s32 $0x2A00, s12;
	[sflag:s4] =	ssyncadd.s32 $0xFFFFFEC0  }
0xc: {  	[tilespmem:s7], [sflag:$0x1] =	stream.indirect.gather [hbm4b:s5+s6], $0x400, s2, s6, $0xb8;
	[tilespmem:$0x1E180] =	vst v63  }
0xd: {  	s8 =	simm.s32 $0xA180  }
0xe: {  	[tilespmem:s8], [sflag:$0x2] =	stream.indirect.gather [hbm4b:s5+s6], $0x400, s6, s6, $0xb8;
	[tilespmem:$0x1E180] =	vst v63  }
0xf: {  	s9 =	simm.s32 $0x50;
	s10 =	simm.s32 $0x14180;
	s11 =	simm.s32 $0x1  }
0x10: {  	[tilespmem:s10], [sflag:$0x3] =	stream.indirect.gather [hbm4b:s5+s6], $0x400, s9, s6, $0xb8;
	[tilespmem:$0x1E180] =	vst v63  }
0x11: {  	s13 =	smul.u32 $0xA000, s18;
	_ =	swait.ge [sflag:s11], $0xA000  }
0x12: {  	s20 =	sadd.s32 $0xF59000, s12;
	[sflag:s11] =	ssyncset.done $0x0  }
0x13: {  	s12 =	sadd.s32 s20, s13;
	s13 =	simm.s32 $0x4;
	[sflag:s11] =	ssyncadd.s32 $0xFFFF6000  }
0x14: {  	[hbm4b:s12+s2] =	stream.linear.scatter [tilespmem:s7], [sflag:$0x4], $0xA000, $0x38;
	[tilespmem:$0x1E180] =	vst v63  }
0x15: {  	_ =	swait.ge [sflag:s13], $0xA000  }
0x16: {  	[sflag:s13] =	ssyncset.done $0x0  }
0x17: {  	s14 =	simm.s32 $0x78;
	s15 =	simm.s32 $0x2;
	[sflag:s13] =	ssyncadd.s32 $0xFFFF6000  }
0x18: {  	[tilespmem:s7], [sflag:$0x1] =	stream.indirect.gather [hbm4b:s5+s6], $0x400, s14, s6, $0xb8;
	[tilespmem:$0x1E180] =	vst v63  }
0x19: {  	_ =	swait.ge [sflag:s15], $0xA000  }
0x1a: {  	[sflag:s15] =	ssyncset.done $0x0  }
0x1b: {  	s17 =	simm.s32 $0x5;
	s16 =	sadd.s32 $0x1400, s12;
	[sflag:s15] =	ssyncadd.s32 $0xFFFF6000  }
0x1c: {  	[hbm4b:s16+s2] =	stream.linear.scatter [tilespmem:s8], [sflag:$0x5], $0xA000, $0x38;
	[tilespmem:$0x1E180] =	vst v63  }
0x1d: {  	_ =	swait.ge [sflag:s17], $0xA000  }
0x1e: {  	s19 =	simm.s32 $0x3;
	[sflag:s17] =	ssyncset.done $0x0  }
0x1f: {  	s21 =	smul.u32 $0x50000, s18;
	s18 =	simm.s32 $0xA0;
	[sflag:s17] =	ssyncadd.s32 $0xFFFF6000  }
0x20: {  	[tilespmem:s8], [sflag:$0x2] =	stream.indirect.gather [hbm4b:s5+s6], $0x400, s18, s6, $0xb8;
	[tilespmem:$0x1E180] =	vst v63  }
0x21: {  	s21 =	sshrl.u32 s21, $0x3;
	_ =	swait.ge [sflag:s19], $0xA000  }
0x22: {  	s30 =	sadd.s32 s20, s21;
	[sflag:s19] =	ssyncset.done $0x0  }
0x23: {  	s20 =	simm.s32 $0x6;
	s21 =	sadd.s32 $0x2800, s30;
	[sflag:s19] =	ssyncadd.s32 $0xFFFF6000  }
0x24: {  	[hbm4b:s21+s2] =	stream.linear.scatter [tilespmem:s10], [sflag:$0x6], $0xA000, $0x38;
	[tilespmem:$0x1E180] =	vst v63  }
0x25: {  	_ =	swait.ge [sflag:s20], $0xA000  }
0x26: {  	[sflag:s20] =	ssyncset.done $0x0  }
0x27: {  	s22 =	simm.s32 $0xC8;
	[sflag:s20] =	ssyncadd.s32 $0xFFFF6000  }
0x28: {  	[tilespmem:s10], [sflag:$0x3] =	stream.indirect.gather [hbm4b:s5+s6], $0x400, s22, s6, $0xb8;
	[tilespmem:$0x1E180] =	vst v63  }
0x29: {  	_ =	swait.ge [sflag:s11], $0xA000  }
0x2a: {  	[sflag:s11] =	ssyncset.done $0x0  }
0x2b: {  	s23 =	sadd.s32 $0x3C00, s30;
	[sflag:s11] =	ssyncadd.s32 $0xFFFF6000  }
0x2c: {  	[hbm4b:s23+s2] =	stream.linear.scatter [tilespmem:s7], [sflag:$0x4], $0xA000, $0x38;
	[tilespmem:$0x1E180] =	vst v63  }
0x2d: {  	_ =	swait.ge [sflag:s13], $0xA000  }
0x2e: {  	[sflag:s13] =	ssyncset.done $0x0  }
0x2f: {  	s24 =	simm.s32 $0xF0;
	[sflag:s13] =	ssyncadd.s32 $0xFFFF6000  }
0x30: {  	[tilespmem:s7], [sflag:$0x1] =	stream.indirect.gather [hbm4b:s5+s6], $0x400, s24, s6, $0xb8;
	[tilespmem:$0x1E180] =	vst v63  }
0x31: {  	_ =	swait.ge [sflag:s15], $0xA000  }
0x32: {  	[sflag:s15] =	ssyncset.done $0x0  }
0x33: {  	s25 =	sadd.s32 $0x5000, s30;
	[sflag:s15] =	ssyncadd.s32 $0xFFFF6000  }
0x34: {  	[hbm4b:s25+s2] =	stream.linear.scatter [tilespmem:s8], [sflag:$0x5], $0xA000, $0x38;
	[tilespmem:$0x1E180] =	vst v63  }
0x35: {  	_ =	swait.ge [sflag:s17], $0xA000  }
0x36: {  	[sflag:s17] =	ssyncset.done $0x0  }
0x37: {  	s26 =	simm.s32 $0x118;
	[sflag:s17] =	ssyncadd.s32 $0xFFFF6000  }
0x38: {  	[tilespmem:s8], [sflag:$0x2] =	stream.indirect.gather [hbm4b:s5+s6], $0x400, s26, s6, $0xb8;
	[tilespmem:$0x1E180] =	vst v63  }
0x39: {  	_ =	swait.ge [sflag:s19], $0xA000  }
0x3a: {  	[sflag:s19] =	ssyncset.done $0x0  }
0x3b: {  	s28 =	sadd.s32 $0x6400, s30;
	[sflag:s19] =	ssyncadd.s32 $0xFFFF6000  }
0x3c: {  	[hbm4b:s28+s2] =	stream.linear.scatter [tilespmem:s10], [sflag:$0x6], $0xA000, $0x38;
	[tilespmem:$0x1E180] =	vst v63  }
0x3d: {  	_ =	swait.ge [sflag:s11], $0xA000  }
0x3e: {  	[sflag:s11] =	ssyncset.done $0x0  }
0x3f: {  	s29 =	sadd.s32 $0x7800, s30;
	[sflag:s11] =	ssyncadd.s32 $0xFFFF6000  }
0x40: {  	[hbm4b:s29+s2] =	stream.linear.scatter [tilespmem:s7], [sflag:$0x4], $0xA000, $0x38;
	[tilespmem:$0x1E180] =	vst v63  }
0x41: {  	_ =	swait.ge [sflag:s15], $0xA000  }
0x42: {  	s31 =	ssub.s32 $0x2, s31;
	[sflag:s15] =	ssyncset.done $0x0  }
0x43: {  	s1 =	sshrl.u32 s31, $0x1;
	s30 =	sadd.s32 $0x8C00, s30;
	[sflag:s15] =	ssyncadd.s32 $0xFFFF6000  }
0x44: {  	[hbm4b:s30+s2] =	stream.linear.scatter [tilespmem:s8], [sflag:$0x5], $0xA000, $0x38;
	[tilespmem:$0x1E180] =	vst v63  }
0x45: {  	s1 =	ssub.s32 s31, s1;
	_ =	swait.ge [sflag:s13], $0xA000  }
0x46: {  	s1 =	smax.u32 s1, $0x1;
	[sflag:s13] =	ssyncset.done $0x0  }
0x47: {  	p0 =	sne.s32 s1, $0x1;
	[sflag:s13] =	ssyncadd.s32 $0xFFFF6000  }
.Ltmp0:
0x48: {  	_ =	swait.ge [sflag:s17], $0xA000;
	(pc) =	sbr.rel @!p0 .LBB2_2-.Ltmp0, $4  }
0x49: {  	[sflag:s17] =	ssyncset.done $0x0  }
0x4a: {  	[sflag:s17] =	ssyncadd.s32 $0xFFFF6000  }
0x4b: {  	_ =	swait.ge [sflag:s20], $0xA000  }
0x4c: {  	s31 =	sadd.s32 $0xFFFFFFFF, s1;
	[sflag:s20] =	ssyncset.done $0x0  }
.LBB2_1:
0x4d: {  	p0 =	sne.s32 s31, $0x1;
	s31 =	sadd.s32 $0xFFFFFFFF, s31;
	[sflag:s20] =	ssyncadd.s32 $0xFFFF6000  }
0x4e: {  	[tilespmem:s2], [sflag:$0x7] =	stream.linear.gather [hbm4b:s3+s2], $0x140, $0x38;
	[tilespmem:$0x1E180] =	vst v63  }
0x4f: {  	_ =	swait.ge [sflag:s4], $0x140  }
0x50: {  	[sflag:s4] =	ssyncset.done $0x0  }
0x51: {  	[sflag:s4] =	ssyncadd.s32 $0xFFFFFEC0  }
0x52: {  	[tilespmem:s7], [sflag:$0x1] =	stream.indirect.gather [hbm4b:s5+s6], $0x400, s2, s6, $0xb8;
	[tilespmem:$0x1E180] =	vst v63  }
0x53: {  	_ = 	snop  }
0x54: {  	[tilespmem:s8], [sflag:$0x2] =	stream.indirect.gather [hbm4b:s5+s6], $0x400, s6, s6, $0xb8;
	[tilespmem:$0x1E180] =	vst v63  }
0x55: {  	_ = 	snop  }
0x56: {  	[tilespmem:s10], [sflag:$0x3] =	stream.indirect.gather [hbm4b:s5+s6], $0x400, s9, s6, $0xb8;
	[tilespmem:$0x1E180] =	vst v63  }
0x57: {  	_ =	swait.ge [sflag:s11], $0xA000  }
0x58: {  	[sflag:s11] =	ssyncset.done $0x0  }
0x59: {  	[sflag:s11] =	ssyncadd.s32 $0xFFFF6000  }
0x5a: {  	[hbm4b:s12+s2] =	stream.linear.scatter [tilespmem:s7], [sflag:$0x4], $0xA000, $0x38;
	[tilespmem:$0x1E180] =	vst v63  }
0x5b: {  	_ =	swait.ge [sflag:s13], $0xA000  }
0x5c: {  	[sflag:s13] =	ssyncset.done $0x0  }
0x5d: {  	[sflag:s13] =	ssyncadd.s32 $0xFFFF6000  }
0x5e: {  	[tilespmem:s7], [sflag:$0x1] =	stream.indirect.gather [hbm4b:s5+s6], $0x400, s14, s6, $0xb8;
	[tilespmem:$0x1E180] =	vst v63  }
0x5f: {  	_ =	swait.ge [sflag:s15], $0xA000  }
0x60: {  	[sflag:s15] =	ssyncset.done $0x0  }
0x61: {  	[sflag:s15] =	ssyncadd.s32 $0xFFFF6000  }
0x62: {  	[hbm4b:s16+s2] =	stream.linear.scatter [tilespmem:s8], [sflag:$0x5], $0xA000, $0x38;
	[tilespmem:$0x1E180] =	vst v63  }
0x63: {  	_ =	swait.ge [sflag:s17], $0xA000  }
0x64: {  	[sflag:s17] =	ssyncset.done $0x0  }
0x65: {  	[sflag:s17] =	ssyncadd.s32 $0xFFFF6000  }
0x66: {  	[tilespmem:s8], [sflag:$0x2] =	stream.indirect.gather [hbm4b:s5+s6], $0x400, s18, s6, $0xb8;
	[tilespmem:$0x1E180] =	vst v63  }
0x67: {  	_ =	swait.ge [sflag:s19], $0xA000  }
0x68: {  	[sflag:s19] =	ssyncset.done $0x0  }
0x69: {  	[sflag:s19] =	ssyncadd.s32 $0xFFFF6000  }
0x6a: {  	[hbm4b:s21+s2] =	stream.linear.scatter [tilespmem:s10], [sflag:$0x6], $0xA000, $0x38;
	[tilespmem:$0x1E180] =	vst v63  }
0x6b: {  	_ =	swait.ge [sflag:s20], $0xA000  }
0x6c: {  	[sflag:s20] =	ssyncset.done $0x0  }
0x6d: {  	[sflag:s20] =	ssyncadd.s32 $0xFFFF6000  }
0x6e: {  	[tilespmem:s10], [sflag:$0x3] =	stream.indirect.gather [hbm4b:s5+s6], $0x400, s22, s6, $0xb8;
	[tilespmem:$0x1E180] =	vst v63  }
0x6f: {  	_ =	swait.ge [sflag:s11], $0xA000  }
0x70: {  	[sflag:s11] =	ssyncset.done $0x0  }
0x71: {  	[sflag:s11] =	ssyncadd.s32 $0xFFFF6000  }
0x72: {  	[hbm4b:s23+s2] =	stream.linear.scatter [tilespmem:s7], [sflag:$0x4], $0xA000, $0x38;
	[tilespmem:$0x1E180] =	vst v63  }
0x73: {  	_ =	swait.ge [sflag:s13], $0xA000  }
0x74: {  	[sflag:s13] =	ssyncset.done $0x0  }
0x75: {  	[sflag:s13] =	ssyncadd.s32 $0xFFFF6000  }
0x76: {  	[tilespmem:s7], [sflag:$0x1] =	stream.indirect.gather [hbm4b:s5+s6], $0x400, s24, s6, $0xb8;
	[tilespmem:$0x1E180] =	vst v63  }
0x77: {  	_ =	swait.ge [sflag:s15], $0xA000  }
0x78: {  	[sflag:s15] =	ssyncset.done $0x0  }
0x79: {  	[sflag:s15] =	ssyncadd.s32 $0xFFFF6000  }
0x7a: {  	[hbm4b:s25+s2] =	stream.linear.scatter [tilespmem:s8], [sflag:$0x5], $0xA000, $0x38;
	[tilespmem:$0x1E180] =	vst v63  }
0x7b: {  	_ =	swait.ge [sflag:s17], $0xA000  }
0x7c: {  	[sflag:s17] =	ssyncset.done $0x0  }
0x7d: {  	[sflag:s17] =	ssyncadd.s32 $0xFFFF6000  }
0x7e: {  	[tilespmem:s8], [sflag:$0x2] =	stream.indirect.gather [hbm4b:s5+s6], $0x400, s26, s6, $0xb8;
	[tilespmem:$0x1E180] =	vst v63  }
0x7f: {  	_ =	swait.ge [sflag:s19], $0xA000  }
0x80: {  	[sflag:s19] =	ssyncset.done $0x0  }
0x81: {  	[sflag:s19] =	ssyncadd.s32 $0xFFFF6000  }
0x82: {  	[hbm4b:s28+s2] =	stream.linear.scatter [tilespmem:s10], [sflag:$0x6], $0xA000, $0x38;
	[tilespmem:$0x1E180] =	vst v63  }
0x83: {  	_ =	swait.ge [sflag:s11], $0xA000  }
0x84: {  	[sflag:s11] =	ssyncset.done $0x0  }
0x85: {  	[sflag:s11] =	ssyncadd.s32 $0xFFFF6000  }
0x86: {  	[hbm4b:s29+s2] =	stream.linear.scatter [tilespmem:s7], [sflag:$0x4], $0xA000, $0x38;
	[tilespmem:$0x1E180] =	vst v63  }
0x87: {  	_ =	swait.ge [sflag:s15], $0xA000  }
0x88: {  	[sflag:s15] =	ssyncset.done $0x0  }
0x89: {  	[sflag:s15] =	ssyncadd.s32 $0xFFFF6000  }
0x8a: {  	[hbm4b:s30+s2] =	stream.linear.scatter [tilespmem:s8], [sflag:$0x5], $0xA000, $0x38;
	[tilespmem:$0x1E180] =	vst v63  }
0x8b: {  	_ =	swait.ge [sflag:s13], $0xA000  }
0x8c: {  	[sflag:s13] =	ssyncset.done $0x0  }
0x8d: {  	[sflag:s13] =	ssyncadd.s32 $0xFFFF6000  }
.Ltmp1:
0x8e: {  	_ =	swait.ge [sflag:s17], $0xA000;
	(pc) =	sbr.rel @p0 .LBB2_1-.Ltmp1, $4  }
0x8f: {  	[sflag:s17] =	ssyncset.done $0x0  }
0x90: {  	[sflag:s17] =	ssyncadd.s32 $0xFFFF6000  }
0x91: {  	_ =	swait.ge [sflag:s20], $0xA000  }
0x92: {  	[sflag:s20] =	ssyncset.done $0x0  }
.LBB2_2:
0x93: {  	[sflag:s20] =	ssyncadd.s32 $0xFFFF6000  }
0x94: {  	_ =	sfence.sel $0x180000  }
0x95: {  	[bflag:$0x0] =	sbarrier.arrive $0xFFFF  }
0x96: {  	_ =	strace $0x90000050  }
0x97: {  	[bflag:$0x2] =	sbarrier.arrive $0xFFFF  }
0x98: {  	p0 =	sne.s32 s0, $0x0;
	s0 =	rddreg [dreg:$0x1]  }
0x99: {  	s0 =	sadd.s32 @!p0 $0x100000, s0  }
0x9a: {  	[sflag:s0] =	ssyncadd.tile.s32 @!p0 $0x1;
	_ =	shalt  }
.Lfunc_end2:
_tile_overlayer_lowered:
.L_overlay_start_2:
0x9b: {  	(tag) =	ssettag $0x2  }
0x9c: {  	s0 =	rddreg [dreg:$0x0];
	s2 =	stileid.u32  }
0x9d: {  	s1 =	rddreg [dreg:$0x1];
	p0 =	sne.s32 s2, $0x0  }
0x9e: {  	s3 =	rddreg [dreg:$0x2];
	[bflag:$0x3] =	sbarrier.arrive $0xFFFF;
	s2 =	simm.s32 @!p0 $0x1C07  }
0x9f: {  	[timem:s3], [sflag:s2] =	dma.local @!p0 [hbm:s0], s1  }
0xa0: {  	s0 =	simm.s32 @!p0 $0x7  }
0xa1: {  	_ =	swait.ge @!p0 [sflag:s0], s1  }
0xa2: {  	s1 =	ssub.s32 @!p0 $0x0, s1;
	[sflag:s0] =	ssyncset.done @!p0 $0x0  }
0xa3: {  	[sflag:s0] =	ssyncadd.s32 @!p0 s1  }
0xa4: {  	[bflag:$0x3] =	sbarrier.arrive $0xFFFF  }
0xa5: {  	_ =	shalt  }

// kernel: kernel.26.cloned.1.call-start
scs
__scs_entry_jumppad:
0x0: {  	(pc) =	sbr.rel $0x88, $3  }
0x1: {  	(tag) =	ssettag $0x0;
	lr =	simm.s32 $0x1  }
0x2: {  	[smem:$0x3F9E] =	sst lr;
	_ =	strace $0xD0000000  }
0x3: {  	_ = 	snop  }
0x4: {  	_ = 	snop  }
0x5: {  	_ = 	snop  }
0x6: {  	_ = 	snop  }
0x7: {  	_ = 	snop  }
__scs_overlays_trampoline_lowered:
0x8: {  	[smem:$0x3FAD] =	sst s0  }
0x9: {  	[smem:$0x3FAE] =	sst s1  }
0xa: {  	[smem:$0x3FAF] =	sst s2  }
0xb: {  	[smem:$0x3FB0] =	sst s3  }
0xc: {  	[smem:$0x3FB1] =	sst s4  }
0xd: {  	[smem:$0x3FB2] =	sst s5  }
0xe: {  	[smem:$0x3FB3] =	sst s6  }
0xf: {  	[smem:$0x3FB4] =	sst s7  }
0x10: {  	[smem:$0x3FB5] =	sst s8  }
0x11: {  	[smem:$0x3FB6] =	sst s9;
	s0 =	simm.s32 @!p0 $0x0  }
0x12: {  	s1 =	sld [smem:$0x3F9C];
	s0 =	simm.s32 @p0 $0x1  }
0x13: {  	[smem:$0x3FB7] =	sst s0;
	s0 =	simm.s32 @!p1 $0x0  }
0x14: {  	s2 =	sld [smem:$0x3F9B];
	s0 =	simm.s32 @p1 $0x1  }
0x15: {  	[smem:$0x3FB8] =	sst s0;
	s0 =	simm.s32 @!p2 $0x0  }
0x16: {  	s3 =	sld [smem:$0x3FDB];
	s0 =	simm.s32 @p2 $0x1  }
0x17: {  	s4 =	simm.s32 $0x1BF5;
	[smem:$0x3FBA] =	sst s0  }
0x18: {  	s0 =	sld [smem:$0x3F9D];
	_ =	swait.ge [sflag:s4], $0x0  }
0x19: {  	s7 =	sld [smem:$0x3F9E]  }
0x1a: {  	s8 =	sadd.s32 $0xFFFFE003, lr  }
0x1b: {  	s9 =	sadd.s32 $0xFFFFFEF7, lr;
	s5 =	simm.s32 $0xFFFFFFFF;
	p2 =	slt.u32 s8, $0xFFFFF086  }
0x1c: {  	p1 =	slt.u32 s9, $0xF7A;
	s5 =	simm.s32 @!p2 $0x0  }
0x1d: {  	s5 =	simm.s32 @p1 $0x1;
	p0 =	seq.s32 s7, s2  }
0x1e: {  	s7 =	smul.u32 @!p0 $0xF7A, s2;
	p2 =	seq.s32 @!p0 s5, $0x0  }
0x1f: {  	s9 =	smul.u32 $0xF7A, s1;
	s8 =	simm.s32 @!p0 $0x1BF5;
	p2 =	por !p2, p0  }
0x20: {  	[sflag:s8] =	ssyncset.s32 @!p0 $0xFFFFF086;
	s6 =	sadd.s32 @!p0 s3, s7;
	s7 =	simm.s32 @!p0 $0x108  }
0x21: {  	s3 =	sadd.s32 s3, s9;
	s6 =	sadd.s32 @!p0 $0x88, s6;
	s7 =	simm.s32 @p2 $0x1082  }
0x22: {  	[simem:s7], [sflag:s8] =	dma.local @!p0 [hbm:s6], $0xF7A  }
0x23: {  	s9 =	sor.u32 $0xD0000000, s2;
	s6 =	simm.s32 $0x108;
	_ =	swait.ge @!p0 [sflag:s8], $0x0  }
0x24: {  	s3 =	sadd.s32 $0x88, s3;
	s6 =	simm.s32 @!p1 $0x1082;
	[sflag:s4] =	ssyncset.s32 $0xFFFFF086  }
0x25: {  	[simem:s6], [sflag:s4] =	dma.local [hbm:s3], $0xF7A  }
0x26: {  	[smem:$0x3F9E] =	sst s1;
	(tag) =	ssettag s2;
	_ =	strace s9  }
0x27: {  	s1 =	sld [smem:$0x3FAE]  }
0x28: {  	s2 =	sld [smem:$0x3FAF]  }
0x29: {  	s4 =	sld [smem:$0x3FB1]  }
0x2a: {  	p0 =	seq.s32 s5, $0x0;
	s5 =	sld [smem:$0x3FB2]  }
0x2b: {  	s6 =	sld [smem:$0x3FB3]  }
0x2c: {  	s7 =	sld [smem:$0x3FB4]  }
0x2d: {  	s3 =	simm.s32 $0x108;
	s8 =	sld [smem:$0x3FB5]  }
0x2e: {  	s3 =	simm.s32 @!p0 $0x1082;
	s9 =	sld [smem:$0x3FB6]  }
0x2f: {  	lr =	sadd.s32 s0, s3;
	s0 =	sld [smem:$0x3FAD]  }
0x30: {  	s3 =	sld [smem:$0x3FB0]  }
0x31: {  	[smem:$0x3FB9] =	sst s10  }
0x32: {  	s10 =	sld [smem:$0x3FB7];
	_ =	sdelay $0x3  }
0x33: {  	p0 =	seq.s32 s10, $0x1;
	s10 =	sld [smem:$0x3FB9];
	_ =	sdelay $0x3  }
0x34: {  	[smem:$0x3FB9] =	sst s10  }
0x35: {  	s10 =	sld [smem:$0x3FB8];
	_ =	sdelay $0x3  }
0x36: {  	p1 =	seq.s32 s10, $0x1;
	s10 =	sld [smem:$0x3FB9];
	_ =	sdelay $0x3  }
0x37: {  	[smem:$0x3FB9] =	sst s10  }
0x38: {  	s10 =	sld [smem:$0x3FBA]  }
0x39: {  	_ = 	snop;
	(pc) =	sbr.ind lr, $3  }
0x3a: {  	_ = 	snop  }
0x3b: {  	_ = 	snop  }
0x3c: {  	p2 =	seq.s32 s10, $0x1;
	s10 =	sld [smem:$0x3FB9]  }
0x3d: {  	_ =	shalt  }
0x3e: {  	_ =	shalt  }
0x3f: {  	_ =	shalt  }
0x40: {  	_ =	shalt  }
0x41: {  	_ =	shalt  }
0x42: {  	_ =	shalt  }
0x43: {  	_ =	shalt  }
0x44: {  	_ =	shalt  }
0x45: {  	_ =	shalt  }
0x46: {  	_ =	shalt  }
0x47: {  	_ =	shalt  }
0x48: {  	_ =	shalt  }
0x49: {  	_ =	shalt  }
0x4a: {  	_ =	shalt  }
0x4b: {  	_ =	shalt  }
0x4c: {  	_ =	shalt  }
0x4d: {  	_ =	shalt  }
0x4e: {  	_ =	shalt  }
0x4f: {  	_ =	shalt  }
0x50: {  	_ =	shalt  }
0x51: {  	_ =	shalt  }
0x52: {  	_ =	shalt  }
0x53: {  	_ =	shalt  }
0x54: {  	_ =	shalt  }
0x55: {  	_ =	shalt  }
0x56: {  	_ =	shalt  }
0x57: {  	_ =	shalt  }
0x58: {  	_ =	shalt  }
0x59: {  	_ =	shalt  }
0x5a: {  	_ =	shalt  }
0x5b: {  	_ =	shalt  }
0x5c: {  	_ =	shalt  }
0x5d: {  	_ =	shalt  }
0x5e: {  	_ =	shalt  }
0x5f: {  	_ =	shalt  }
0x60: {  	_ =	shalt  }
0x61: {  	_ =	shalt  }
0x62: {  	_ =	shalt  }
0x63: {  	_ =	shalt  }
0x64: {  	_ =	shalt  }
0x65: {  	_ =	shalt  }
0x66: {  	_ =	shalt  }
0x67: {  	_ =	shalt  }
0x68: {  	_ =	shalt  }
0x69: {  	_ =	shalt  }
0x6a: {  	_ =	shalt  }
0x6b: {  	_ =	shalt  }
0x6c: {  	_ =	shalt  }
0x6d: {  	_ =	shalt  }
0x6e: {  	_ =	shalt  }
0x6f: {  	_ =	shalt  }
0x70: {  	_ =	shalt  }
0x71: {  	_ =	shalt  }
0x72: {  	_ =	shalt  }
0x73: {  	_ =	shalt  }
0x74: {  	_ =	shalt  }
0x75: {  	_ =	shalt  }
0x76: {  	_ =	shalt  }
0x77: {  	_ =	shalt  }
0x78: {  	_ =	shalt  }
0x79: {  	_ =	shalt  }
0x7a: {  	_ =	shalt  }
0x7b: {  	_ =	shalt  }
0x7c: {  	_ =	shalt  }
0x7d: {  	_ =	shalt  }
0x7e: {  	_ =	shalt  }
0x7f: {  	_ =	shalt  }
0x80: {  	_ =	shalt  }
0x81: {  	_ =	shalt  }
0x82: {  	_ =	shalt  }
0x83: {  	_ =	shalt  }
0x84: {  	_ =	shalt  }
0x85: {  	_ =	shalt  }
0x86: {  	_ =	shalt  }
0x87: {  	_ =	shalt  }
.Lfunc_end0:
.L_simem_size_0:
called_computation.4_lowered:
.L_overlay_start_0:
0x88: {  	s2 =	sld [smem:$0x3FD9]  }
0x89: {  	s3 =	sld [smem:$0x3FFE];
	_ =	sdelay $0x1  }
0x8a: {  	s1 =	srdreg.scid  }
0x8b: {  	s0 =	sand.u32 $0x1, s1  }
0x8c: {  	s15 =	sshll.u32 s0, $0xA;
	s2 =	sadd.s32 s3, s2  }
0x8d: {  	s2 =	sadd.s32 s2, s15  }
0x8e: {  	[smem:$0x3FC5] =	sst s2  }
0x8f: {  	_ = 	snop  }
0x90: {  	s2 =	sld [smem:$0x3FD0];
	_ =	sdelay $0x2  }
0x91: {  	s16 =	simm.s32 $0xF;
	s4 =	simm.s32 $0x10  }
0x92: {  	[smem:s4], [sflag:s16] =	dma.local [hbm:s2], $0x1  }
0x93: {  	_ =	swait.eq [sflag:s16], $0x1  }
0x94: {  	[sflag:s16] =	ssyncset.done $0x0  }
0x95: {  	[sflag:s16] =	ssyncadd.s32 $0xFFFFFFFF  }
0x96: {  	s17 =	sld [smem:$0x11];
	(tm) =	ssettm $0x1  }
0x97: {  	s18 =	sld [smem:$0x3FFB];
	_ =	sdelay $0x3  }
0x98: {  	_ =	strace s18  }
0x99: {  	s2 =	sld [smem:$0x3FFC];
	_ =	sdelay $0x3  }
0x9a: {  	_ =	strace s2  }
0x9b: {  	s2 =	sld [smem:$0x3FFD];
	_ =	sdelay $0x3  }
0x9c: {  	_ =	strace s2  }
0x9d: {  	_ =	strace $0x8FFFFFFF  }
0x9e: {  	s19 =	sld [smem:$0x3FDB];
	_ =	sdelay $0x1  }
0x9f: {  	s20 =	simm.s32 $_scs_section_size  }
0xa0: {  	s5 =	simm.s32 $_size__tile_overlayer_lowered;
	s6 =	simm.s32 $_tile_overlayer_lowered  }
0xa1: {  	s7 =	simm.s32 $0x1BFF;
	s21 =	sshll.u32 s6, $0x1;
	s4 =	sadd.s32 s20, s19  }
0xa2: {  	s22 =	simm.s32 $0x0;
	s5 =	sshll.u32 s5, $0x1;
	s6 =	sadd.s32 s21, s4  }
0xa3: {  	[timem:s22], [sflag:s7] =	dma.local [hbm:s6], s5  }
0xa4: {  	_ =	swait.ge [sflag:s7], s5  }
0xa5: {  	s5 =	ssub.s32 $0x0, s5;
	[sflag:s7] =	ssyncset.done $0x0  }
0xa6: {  	[sflag:s7] =	ssyncadd.s32 s5;
	_ =	sdelay $0x1  }
0xa7: {  	s23 =	simm.s32 $0x1B8B  }
0xa8: {  	_ =	swait.ge [sflag:s23], $0x1  }
0xa9: {  	[sflag:s23] =	ssyncset.done $0x0  }
0xaa: {  	[sflag:s23] =	ssyncadd.s32 $0xFFFFFFFF  }
0xab: {  	s5 =	sld [smem:$0x0]  }
0xac: {  	s6 =	sand.u32 $0xFFFFFFFE, s1  }
0xad: {  	p0 =	sne.s32 s1, s6  }
0xae: {  	s6 =	sshll.u32 @p0 s6, $0xE  }
0xaf: {  	s6 =	sadd.s32 @p0 $0x11B8D, s6;
	s7 =	sshll.u32 @p0 s5, $0x11  }
0xb0: {  	s6 =	sor.u32 @p0 s7, s6  }
0xb1: {  	[sflag:s6] =	ssyncadd.remote.s32 @p0 $0x1;
	_ =	sdelay $0x1  }
0xb2: {  	s6 =	simm.s32 @p0 $0x1B8D  }
0xb3: {  	_ =	swait.eq @p0 [sflag:s6], $0x1  }
0xb4: {  	[sflag:s6] =	ssyncadd.s32 @p0 $0xFFFFFFFF  }
0xb5: {  	s7 =	sshll.u32 @!p0 s1, $0xE  }
0xb6: {  	s7 =	sor.u32 @!p0 $0x4000, s7;
	s6 =	simm.s32 @!p0 $0x1B8D  }
0xb7: {  	s5 =	sshll.u32 @!p0 s5, $0x11;
	s7 =	sadd.s32 @!p0 $0x11B8D, s7;
	_ =	swait.eq @!p0 [sflag:s6], $0x1  }
0xb8: {  	s5 =	sor.u32 @!p0 s5, s7;
	[sflag:s6] =	ssyncadd.s32 @!p0 $0xFFFFFFFF  }
0xb9: {  	s25 =	simm.s32 $0x1B8E;
	s24 =	sld [smem:$0x3FFE];
	[sflag:s5] =	ssyncadd.remote.s32 @!p0 $0x1  }
0xba: {  	s26 =	simm.s32 $execute0_lowered;
	[smem:$0x3FD2] =	sst s25  }
0xbb: {  	s6 =	sshll.u32 s26, $0x1;
	_ =	strace $0x80000052;
	[dreg:$0x1] =	wrdreg $0xFFFFFFFF  }
0xbc: {  	s28 =	simm.s32 $_size_execute0_lowered;
	s4 =	sadd.s32 s4, s6;
	[dreg:$0x0] =	wrdreg $0x0  }
0xbd: {  	s6 =	sshll.u32 s28, $0x1;
	[dreg:$0x2] =	wrdreg s4  }
0xbe: {  	[dreg:$0x3] =	wrdreg s6  }
0xbf: {  	[dreg:$0x4] =	wrdreg $0xC0  }
0xc0: {  	_ =	task [dreg:s22], $0x5FFFF  }
0xc1: {  	[dreg:$0x1] =	wrdreg $0xFFFFFFFF  }
0xc2: {  	[dreg:$0x0] =	wrdreg $0x60  }
0xc3: {  	[dreg:$0x2] =	wrdreg s24  }
0xc4: {  	[dreg:$0x3] =	wrdreg s17  }
0xc5: {  	[dreg:$0x4] =	wrdreg $0xD  }
0xc6: {  	_ =	task.clear_ibuf [dreg:s22], $0x5FFFF;
	_ =	strace $0x90000052  }
0xc7: {  	s29 =	simm.s32 $0xD;
	_ =	strace $0x80000054  }
0xc8: {  	_ =	swait.ge [sflag:s29], $0x1  }
0xc9: {  	[sflag:s29] =	ssyncadd.s32 $0xFFFFFFFF  }
0xca: {  	_ =	strace $0x90000054  }
0xcb: {  	_ =	sfence  }
0xcc: {  	s30 =	sld [smem:$0x0];
	_ =	sdelay $0x2  }
0xcd: {  	s31 =	sshll.u32 s1, $0xD;
	s1 =	sshrl.u32 s1, $0x2  }
0xce: {  	s4 =	sand.u32 $0x4000, s31;
	s1 =	sadd.s32 s1, s30  }
0xcf: {  	s0 =	sor.u32 s4, s0;
	s1 =	sshll.u32 s1, $0x11  }
0xd0: {  	s0 =	sor.u32 s1, s0  }
0xd1: {  	s0 =	sadd.s32 $0x8F2B, s0  }
0xd2: {  	[sflag:s0] =	ssyncadd.remote.s32 $0x1  }
0xd3: {  	_ =	sfence.sel $0xFFFF  }
0xd4: {  	[dreg:$0x0] =	wrdreg $0xFFFFFFFF;
	(pc) =	sbr.abs _section_cstart, $3  }
0xd5: {  	[dreg:$0x1] =	wrdreg $0xFFFFFFFF  }
0xd6: {  	_ =	task.clear_ibuf [dreg:s22], $0x2FFFF;
	_ =	strace $0x9FFFFFFF  }
0xd7: {  	(tm) =	ssettm $0x7FFFFFFF  }
tec
execute0_lowered:
.L_overlay_start_1:
0x0: {  	(tag) =	ssettag $0x1  }
0x1: {  	s1 =	srdreg.scid;
	s0 =	stileid.u32  }
0x2: {  	s31 =	sand.u32 $0x1, s1;
	s26 =	sshll.u32 s0, $0x1  }
0x3: {  	s12 =	rddreg [dreg:$0x0];
	s18 =	sor.u32 s31, s26  }
0x4: {  	s3 =	rddreg [dreg:$0x1];
	s2 =	simm.s32 $0x0;
	s4 =	smul.u32 $0x28, s18  }
0x5: {  	[smem:$0x7FF] =	sst s2  }
0x6: {  	_ =	strace $0x80000053;
	s3 =	sadd.s32 s3, s4;
	s4 =	simm.s32 $0x7  }
0x7: {  	[tilespmem:s2], [sflag:$0x7] =	stream.linear.gather [hbm4b:s3+s2], $0x140, $0x38;
	[tilespmem:$0x1E180] =	vst v63  }
0x8: {  	_ =	swait.ge [sflag:s4], $0x140  }
0x9: {  	s6 =	simm.s32 $0x28;
	[sflag:s4] =	ssyncset.done $0x0  }
0xa: {  	s7 =	simm.s32 $0x180;
	s5 =	sadd.s32 $0x2A00, s12;
	[sflag:s4] =	ssyncadd.s32 $0xFFFFFEC0  }
0xb: {  	[tilespmem:s7], [sflag:$0x1] =	stream.indirect.gather [hbm4b:s5+s6], $0x400, s2, s6, $0xb8;
	[tilespmem:$0x1E180] =	vst v63  }
0xc: {  	s8 =	simm.s32 $0xA180  }
0xd: {  	[tilespmem:s8], [sflag:$0x2] =	stream.indirect.gather [hbm4b:s5+s6], $0x400, s6, s6, $0xb8;
	[tilespmem:$0x1E180] =	vst v63  }
0xe: {  	s9 =	simm.s32 $0x50;
	s10 =	simm.s32 $0x14180;
	s11 =	simm.s32 $0x1  }
0xf: {  	[tilespmem:s10], [sflag:$0x3] =	stream.indirect.gather [hbm4b:s5+s6], $0x400, s9, s6, $0xb8;
	[tilespmem:$0x1E180] =	vst v63  }
0x10: {  	s13 =	smul.u32 $0xA000, s18;
	_ =	swait.ge [sflag:s11], $0xA000  }
0x11: {  	s20 =	sadd.s32 $0x1099000, s12;
	[sflag:s11] =	ssyncset.done $0x0  }
0x12: {  	s12 =	sadd.s32 s20, s13;
	s13 =	simm.s32 $0x4;
	[sflag:s11] =	ssyncadd.s32 $0xFFFF6000  }
0x13: {  	[hbm4b:s12+s2] =	stream.linear.scatter [tilespmem:s7], [sflag:$0x4], $0xA000, $0x38;
	[tilespmem:$0x1E180] =	vst v63  }
0x14: {  	_ =	swait.ge [sflag:s13], $0xA000  }
0x15: {  	[sflag:s13] =	ssyncset.done $0x0  }
0x16: {  	s14 =	simm.s32 $0x78;
	s15 =	simm.s32 $0x2;
	[sflag:s13] =	ssyncadd.s32 $0xFFFF6000  }
0x17: {  	[tilespmem:s7], [sflag:$0x1] =	stream.indirect.gather [hbm4b:s5+s6], $0x400, s14, s6, $0xb8;
	[tilespmem:$0x1E180] =	vst v63  }
0x18: {  	_ =	swait.ge [sflag:s15], $0xA000  }
0x19: {  	[sflag:s15] =	ssyncset.done $0x0  }
0x1a: {  	s17 =	simm.s32 $0x5;
	s16 =	sadd.s32 $0x1400, s12;
	[sflag:s15] =	ssyncadd.s32 $0xFFFF6000  }
0x1b: {  	[hbm4b:s16+s2] =	stream.linear.scatter [tilespmem:s8], [sflag:$0x5], $0xA000, $0x38;
	[tilespmem:$0x1E180] =	vst v63  }
0x1c: {  	_ =	swait.ge [sflag:s17], $0xA000  }
0x1d: {  	s19 =	simm.s32 $0x3;
	[sflag:s17] =	ssyncset.done $0x0  }
0x1e: {  	s21 =	smul.u32 $0x50000, s18;
	s18 =	simm.s32 $0xA0;
	[sflag:s17] =	ssyncadd.s32 $0xFFFF6000  }
0x1f: {  	[tilespmem:s8], [sflag:$0x2] =	stream.indirect.gather [hbm4b:s5+s6], $0x400, s18, s6, $0xb8;
	[tilespmem:$0x1E180] =	vst v63  }
0x20: {  	s21 =	sshrl.u32 s21, $0x3;
	_ =	swait.ge [sflag:s19], $0xA000  }
0x21: {  	s30 =	sadd.s32 s20, s21;
	[sflag:s19] =	ssyncset.done $0x0  }
0x22: {  	s20 =	simm.s32 $0x6;
	s21 =	sadd.s32 $0x2800, s30;
	[sflag:s19] =	ssyncadd.s32 $0xFFFF6000  }
0x23: {  	[hbm4b:s21+s2] =	stream.linear.scatter [tilespmem:s10], [sflag:$0x6], $0xA000, $0x38;
	[tilespmem:$0x1E180] =	vst v63  }
0x24: {  	_ =	swait.ge [sflag:s20], $0xA000  }
0x25: {  	[sflag:s20] =	ssyncset.done $0x0  }
0x26: {  	s22 =	simm.s32 $0xC8;
	[sflag:s20] =	ssyncadd.s32 $0xFFFF6000  }
0x27: {  	[tilespmem:s10], [sflag:$0x3] =	stream.indirect.gather [hbm4b:s5+s6], $0x400, s22, s6, $0xb8;
	[tilespmem:$0x1E180] =	vst v63  }
0x28: {  	_ =	swait.ge [sflag:s11], $0xA000  }
0x29: {  	[sflag:s11] =	ssyncset.done $0x0  }
0x2a: {  	s23 =	sadd.s32 $0x3C00, s30;
	[sflag:s11] =	ssyncadd.s32 $0xFFFF6000  }
0x2b: {  	[hbm4b:s23+s2] =	stream.linear.scatter [tilespmem:s7], [sflag:$0x4], $0xA000, $0x38;
	[tilespmem:$0x1E180] =	vst v63  }
0x2c: {  	_ =	swait.ge [sflag:s13], $0xA000  }
0x2d: {  	[sflag:s13] =	ssyncset.done $0x0  }
0x2e: {  	s24 =	simm.s32 $0xF0;
	[sflag:s13] =	ssyncadd.s32 $0xFFFF6000  }
0x2f: {  	[tilespmem:s7], [sflag:$0x1] =	stream.indirect.gather [hbm4b:s5+s6], $0x400, s24, s6, $0xb8;
	[tilespmem:$0x1E180] =	vst v63  }
0x30: {  	_ =	swait.ge [sflag:s15], $0xA000  }
0x31: {  	[sflag:s15] =	ssyncset.done $0x0  }
0x32: {  	s25 =	sadd.s32 $0x5000, s30;
	[sflag:s15] =	ssyncadd.s32 $0xFFFF6000  }
0x33: {  	[hbm4b:s25+s2] =	stream.linear.scatter [tilespmem:s8], [sflag:$0x5], $0xA000, $0x38;
	[tilespmem:$0x1E180] =	vst v63  }
0x34: {  	_ =	swait.ge [sflag:s17], $0xA000  }
0x35: {  	[sflag:s17] =	ssyncset.done $0x0  }
0x36: {  	s26 =	simm.s32 $0x118;
	[sflag:s17] =	ssyncadd.s32 $0xFFFF6000  }
0x37: {  	[tilespmem:s8], [sflag:$0x2] =	stream.indirect.gather [hbm4b:s5+s6], $0x400, s26, s6, $0xb8;
	[tilespmem:$0x1E180] =	vst v63  }
0x38: {  	_ =	swait.ge [sflag:s19], $0xA000  }
0x39: {  	[sflag:s19] =	ssyncset.done $0x0  }
0x3a: {  	s28 =	sadd.s32 $0x6400, s30;
	[sflag:s19] =	ssyncadd.s32 $0xFFFF6000  }
0x3b: {  	[hbm4b:s28+s2] =	stream.linear.scatter [tilespmem:s10], [sflag:$0x6], $0xA000, $0x38;
	[tilespmem:$0x1E180] =	vst v63  }
0x3c: {  	_ =	swait.ge [sflag:s11], $0xA000  }
0x3d: {  	[sflag:s11] =	ssyncset.done $0x0  }
0x3e: {  	s29 =	sadd.s32 $0x7800, s30;
	[sflag:s11] =	ssyncadd.s32 $0xFFFF6000  }
0x3f: {  	[hbm4b:s29+s2] =	stream.linear.scatter [tilespmem:s7], [sflag:$0x4], $0xA000, $0x38;
	[tilespmem:$0x1E180] =	vst v63  }
0x40: {  	_ =	swait.ge [sflag:s15], $0xA000  }
0x41: {  	s31 =	ssub.s32 $0x2, s31;
	[sflag:s15] =	ssyncset.done $0x0  }
0x42: {  	s1 =	sshrl.u32 s31, $0x1;
	s30 =	sadd.s32 $0x8C00, s30;
	[sflag:s15] =	ssyncadd.s32 $0xFFFF6000  }
0x43: {  	[hbm4b:s30+s2] =	stream.linear.scatter [tilespmem:s8], [sflag:$0x5], $0xA000, $0x38;
	[tilespmem:$0x1E180] =	vst v63  }
0x44: {  	s1 =	ssub.s32 s31, s1;
	_ =	swait.ge [sflag:s13], $0xA000  }
0x45: {  	s1 =	smax.u32 s1, $0x1;
	[sflag:s13] =	ssyncset.done $0x0  }
0x46: {  	p0 =	sne.s32 s1, $0x1;
	[sflag:s13] =	ssyncadd.s32 $0xFFFF6000  }
.Ltmp0:
0x47: {  	_ =	swait.ge [sflag:s17], $0xA000;
	(pc) =	sbr.rel @!p0 .LBB2_2-.Ltmp0, $4  }
0x48: {  	[sflag:s17] =	ssyncset.done $0x0  }
0x49: {  	[sflag:s17] =	ssyncadd.s32 $0xFFFF6000  }
0x4a: {  	_ =	swait.ge [sflag:s20], $0xA000  }
0x4b: {  	s31 =	sadd.s32 $0xFFFFFFFF, s1;
	[sflag:s20] =	ssyncset.done $0x0  }
.LBB2_1:
0x4c: {  	p0 =	sne.s32 s31, $0x1;
	s31 =	sadd.s32 $0xFFFFFFFF, s31;
	[sflag:s20] =	ssyncadd.s32 $0xFFFF6000  }
0x4d: {  	[tilespmem:s2], [sflag:$0x7] =	stream.linear.gather [hbm4b:s3+s2], $0x140, $0x38;
	[tilespmem:$0x1E180] =	vst v63  }
0x4e: {  	_ =	swait.ge [sflag:s4], $0x140  }
0x4f: {  	[sflag:s4] =	ssyncset.done $0x0  }
0x50: {  	[sflag:s4] =	ssyncadd.s32 $0xFFFFFEC0  }
0x51: {  	[tilespmem:s7], [sflag:$0x1] =	stream.indirect.gather [hbm4b:s5+s6], $0x400, s2, s6, $0xb8;
	[tilespmem:$0x1E180] =	vst v63  }
0x52: {  	_ = 	snop  }
0x53: {  	[tilespmem:s8], [sflag:$0x2] =	stream.indirect.gather [hbm4b:s5+s6], $0x400, s6, s6, $0xb8;
	[tilespmem:$0x1E180] =	vst v63  }
0x54: {  	_ = 	snop  }
0x55: {  	[tilespmem:s10], [sflag:$0x3] =	stream.indirect.gather [hbm4b:s5+s6], $0x400, s9, s6, $0xb8;
	[tilespmem:$0x1E180] =	vst v63  }
0x56: {  	_ =	swait.ge [sflag:s11], $0xA000  }
0x57: {  	[sflag:s11] =	ssyncset.done $0x0  }
0x58: {  	[sflag:s11] =	ssyncadd.s32 $0xFFFF6000  }
0x59: {  	[hbm4b:s12+s2] =	stream.linear.scatter [tilespmem:s7], [sflag:$0x4], $0xA000, $0x38;
	[tilespmem:$0x1E180] =	vst v63  }
0x5a: {  	_ =	swait.ge [sflag:s13], $0xA000  }
0x5b: {  	[sflag:s13] =	ssyncset.done $0x0  }
0x5c: {  	[sflag:s13] =	ssyncadd.s32 $0xFFFF6000  }
0x5d: {  	[tilespmem:s7], [sflag:$0x1] =	stream.indirect.gather [hbm4b:s5+s6], $0x400, s14, s6, $0xb8;
	[tilespmem:$0x1E180] =	vst v63  }
0x5e: {  	_ =	swait.ge [sflag:s15], $0xA000  }
0x5f: {  	[sflag:s15] =	ssyncset.done $0x0  }
0x60: {  	[sflag:s15] =	ssyncadd.s32 $0xFFFF6000  }
0x61: {  	[hbm4b:s16+s2] =	stream.linear.scatter [tilespmem:s8], [sflag:$0x5], $0xA000, $0x38;
	[tilespmem:$0x1E180] =	vst v63  }
0x62: {  	_ =	swait.ge [sflag:s17], $0xA000  }
0x63: {  	[sflag:s17] =	ssyncset.done $0x0  }
0x64: {  	[sflag:s17] =	ssyncadd.s32 $0xFFFF6000  }
0x65: {  	[tilespmem:s8], [sflag:$0x2] =	stream.indirect.gather [hbm4b:s5+s6], $0x400, s18, s6, $0xb8;
	[tilespmem:$0x1E180] =	vst v63  }
0x66: {  	_ =	swait.ge [sflag:s19], $0xA000  }
0x67: {  	[sflag:s19] =	ssyncset.done $0x0  }
0x68: {  	[sflag:s19] =	ssyncadd.s32 $0xFFFF6000  }
0x69: {  	[hbm4b:s21+s2] =	stream.linear.scatter [tilespmem:s10], [sflag:$0x6], $0xA000, $0x38;
	[tilespmem:$0x1E180] =	vst v63  }
0x6a: {  	_ =	swait.ge [sflag:s20], $0xA000  }
0x6b: {  	[sflag:s20] =	ssyncset.done $0x0  }
0x6c: {  	[sflag:s20] =	ssyncadd.s32 $0xFFFF6000  }
0x6d: {  	[tilespmem:s10], [sflag:$0x3] =	stream.indirect.gather [hbm4b:s5+s6], $0x400, s22, s6, $0xb8;
	[tilespmem:$0x1E180] =	vst v63  }
0x6e: {  	_ =	swait.ge [sflag:s11], $0xA000  }
0x6f: {  	[sflag:s11] =	ssyncset.done $0x0  }
0x70: {  	[sflag:s11] =	ssyncadd.s32 $0xFFFF6000  }
0x71: {  	[hbm4b:s23+s2] =	stream.linear.scatter [tilespmem:s7], [sflag:$0x4], $0xA000, $0x38;
	[tilespmem:$0x1E180] =	vst v63  }
0x72: {  	_ =	swait.ge [sflag:s13], $0xA000  }
0x73: {  	[sflag:s13] =	ssyncset.done $0x0  }
0x74: {  	[sflag:s13] =	ssyncadd.s32 $0xFFFF6000  }
0x75: {  	[tilespmem:s7], [sflag:$0x1] =	stream.indirect.gather [hbm4b:s5+s6], $0x400, s24, s6, $0xb8;
	[tilespmem:$0x1E180] =	vst v63  }
0x76: {  	_ =	swait.ge [sflag:s15], $0xA000  }
0x77: {  	[sflag:s15] =	ssyncset.done $0x0  }
0x78: {  	[sflag:s15] =	ssyncadd.s32 $0xFFFF6000  }
0x79: {  	[hbm4b:s25+s2] =	stream.linear.scatter [tilespmem:s8], [sflag:$0x5], $0xA000, $0x38;
	[tilespmem:$0x1E180] =	vst v63  }
0x7a: {  	_ =	swait.ge [sflag:s17], $0xA000  }
0x7b: {  	[sflag:s17] =	ssyncset.done $0x0  }
0x7c: {  	[sflag:s17] =	ssyncadd.s32 $0xFFFF6000  }
0x7d: {  	[tilespmem:s8], [sflag:$0x2] =	stream.indirect.gather [hbm4b:s5+s6], $0x400, s26, s6, $0xb8;
	[tilespmem:$0x1E180] =	vst v63  }
0x7e: {  	_ =	swait.ge [sflag:s19], $0xA000  }
0x7f: {  	[sflag:s19] =	ssyncset.done $0x0  }
0x80: {  	[sflag:s19] =	ssyncadd.s32 $0xFFFF6000  }
0x81: {  	[hbm4b:s28+s2] =	stream.linear.scatter [tilespmem:s10], [sflag:$0x6], $0xA000, $0x38;
	[tilespmem:$0x1E180] =	vst v63  }
0x82: {  	_ =	swait.ge [sflag:s11], $0xA000  }
0x83: {  	[sflag:s11] =	ssyncset.done $0x0  }
0x84: {  	[sflag:s11] =	ssyncadd.s32 $0xFFFF6000  }
0x85: {  	[hbm4b:s29+s2] =	stream.linear.scatter [tilespmem:s7], [sflag:$0x4], $0xA000, $0x38;
	[tilespmem:$0x1E180] =	vst v63  }
0x86: {  	_ =	swait.ge [sflag:s15], $0xA000  }
0x87: {  	[sflag:s15] =	ssyncset.done $0x0  }
0x88: {  	[sflag:s15] =	ssyncadd.s32 $0xFFFF6000  }
0x89: {  	[hbm4b:s30+s2] =	stream.linear.scatter [tilespmem:s8], [sflag:$0x5], $0xA000, $0x38;
	[tilespmem:$0x1E180] =	vst v63  }
0x8a: {  	_ =	swait.ge [sflag:s13], $0xA000  }
0x8b: {  	[sflag:s13] =	ssyncset.done $0x0  }
0x8c: {  	[sflag:s13] =	ssyncadd.s32 $0xFFFF6000  }
.Ltmp1:
0x8d: {  	_ =	swait.ge [sflag:s17], $0xA000;
	(pc) =	sbr.rel @p0 .LBB2_1-.Ltmp1, $4  }
0x8e: {  	[sflag:s17] =	ssyncset.done $0x0  }
0x8f: {  	[sflag:s17] =	ssyncadd.s32 $0xFFFF6000  }
0x90: {  	_ =	swait.ge [sflag:s20], $0xA000  }
0x91: {  	[sflag:s20] =	ssyncset.done $0x0  }
.LBB2_2:
0x92: {  	[sflag:s20] =	ssyncadd.s32 $0xFFFF6000  }
0x93: {  	_ =	sfence.sel $0x180000  }
0x94: {  	[bflag:$0x0] =	sbarrier.arrive $0xFFFF  }
0x95: {  	_ =	strace $0x90000053  }
0x96: {  	[bflag:$0x2] =	sbarrier.arrive $0xFFFF  }
0x97: {  	p0 =	sne.s32 s0, $0x0;
	s0 =	rddreg [dreg:$0x2]  }
0x98: {  	s0 =	sadd.s32 @!p0 $0x100000, s0  }
0x99: {  	[sflag:s0] =	ssyncadd.tile.s32 @!p0 $0x1;
	_ =	shalt  }
.Lfunc_end2:
_tile_overlayer_lowered:
.L_overlay_start_2:
0x9a: {  	(tag) =	ssettag $0x2  }
0x9b: {  	s0 =	rddreg [dreg:$0x0];
	s2 =	stileid.u32  }
0x9c: {  	s1 =	rddreg [dreg:$0x1];
	p0 =	sne.s32 s2, $0x0  }
0x9d: {  	s3 =	rddreg [dreg:$0x2];
	[bflag:$0x3] =	sbarrier.arrive $0xFFFF;
	s2 =	simm.s32 @!p0 $0x1C07  }
0x9e: {  	[timem:s3], [sflag:s2] =	dma.local @!p0 [hbm:s0], s1  }
0x9f: {  	s0 =	simm.s32 @!p0 $0x7  }
0xa0: {  	_ =	swait.ge @!p0 [sflag:s0], s1  }
0xa1: {  	s1 =	ssub.s32 @!p0 $0x0, s1;
	[sflag:s0] =	ssyncset.done @!p0 $0x0  }
0xa2: {  	[sflag:s0] =	ssyncadd.s32 @!p0 s1  }
0xa3: {  	[bflag:$0x3] =	sbarrier.arrive $0xFFFF  }
0xa4: {  	_ =	shalt  }

// kernel: kernel.29.cloned.1.call-start
scs
__scs_entry_jumppad:
0x0: {  	(pc) =	sbr.rel $0x88, $3  }
0x1: {  	(tag) =	ssettag $0x0;
	lr =	simm.s32 $0x1  }
0x2: {  	[smem:$0x3F9E] =	sst lr;
	_ =	strace $0xD0000000  }
0x3: {  	_ = 	snop  }
0x4: {  	_ = 	snop  }
0x5: {  	_ = 	snop  }
0x6: {  	_ = 	snop  }
0x7: {  	_ = 	snop  }
__scs_overlays_trampoline_lowered:
0x8: {  	[smem:$0x3FAD] =	sst s0  }
0x9: {  	[smem:$0x3FAE] =	sst s1  }
0xa: {  	[smem:$0x3FAF] =	sst s2  }
0xb: {  	[smem:$0x3FB0] =	sst s3  }
0xc: {  	[smem:$0x3FB1] =	sst s4  }
0xd: {  	[smem:$0x3FB2] =	sst s5  }
0xe: {  	[smem:$0x3FB3] =	sst s6  }
0xf: {  	[smem:$0x3FB4] =	sst s7  }
0x10: {  	[smem:$0x3FB5] =	sst s8  }
0x11: {  	[smem:$0x3FB6] =	sst s9;
	s0 =	simm.s32 @!p0 $0x0  }
0x12: {  	s1 =	sld [smem:$0x3F9C];
	s0 =	simm.s32 @p0 $0x1  }
0x13: {  	[smem:$0x3FB7] =	sst s0;
	s0 =	simm.s32 @!p1 $0x0  }
0x14: {  	s2 =	sld [smem:$0x3F9B];
	s0 =	simm.s32 @p1 $0x1  }
0x15: {  	[smem:$0x3FB8] =	sst s0;
	s0 =	simm.s32 @!p2 $0x0  }
0x16: {  	s3 =	sld [smem:$0x3FDB];
	s0 =	simm.s32 @p2 $0x1  }
0x17: {  	s4 =	simm.s32 $0x1BF5;
	[smem:$0x3FBA] =	sst s0  }
0x18: {  	s0 =	sld [smem:$0x3F9D];
	_ =	swait.ge [sflag:s4], $0x0  }
0x19: {  	s7 =	sld [smem:$0x3F9E]  }
0x1a: {  	s8 =	sadd.s32 $0xFFFFE003, lr  }
0x1b: {  	s9 =	sadd.s32 $0xFFFFFEF7, lr;
	s5 =	simm.s32 $0xFFFFFFFF;
	p2 =	slt.u32 s8, $0xFFFFF086  }
0x1c: {  	p1 =	slt.u32 s9, $0xF7A;
	s5 =	simm.s32 @!p2 $0x0  }
0x1d: {  	s5 =	simm.s32 @p1 $0x1;
	p0 =	seq.s32 s7, s2  }
0x1e: {  	s7 =	smul.u32 @!p0 $0xF7A, s2;
	p2 =	seq.s32 @!p0 s5, $0x0  }
0x1f: {  	s9 =	smul.u32 $0xF7A, s1;
	s8 =	simm.s32 @!p0 $0x1BF5;
	p2 =	por !p2, p0  }
0x20: {  	[sflag:s8] =	ssyncset.s32 @!p0 $0xFFFFF086;
	s6 =	sadd.s32 @!p0 s3, s7;
	s7 =	simm.s32 @!p0 $0x108  }
0x21: {  	s3 =	sadd.s32 s3, s9;
	s6 =	sadd.s32 @!p0 $0x88, s6;
	s7 =	simm.s32 @p2 $0x1082  }
0x22: {  	[simem:s7], [sflag:s8] =	dma.local @!p0 [hbm:s6], $0xF7A  }
0x23: {  	s9 =	sor.u32 $0xD0000000, s2;
	s6 =	simm.s32 $0x108;
	_ =	swait.ge @!p0 [sflag:s8], $0x0  }
0x24: {  	s3 =	sadd.s32 $0x88, s3;
	s6 =	simm.s32 @!p1 $0x1082;
	[sflag:s4] =	ssyncset.s32 $0xFFFFF086  }
0x25: {  	[simem:s6], [sflag:s4] =	dma.local [hbm:s3], $0xF7A  }
0x26: {  	[smem:$0x3F9E] =	sst s1;
	(tag) =	ssettag s2;
	_ =	strace s9  }
0x27: {  	s1 =	sld [smem:$0x3FAE]  }
0x28: {  	s2 =	sld [smem:$0x3FAF]  }
0x29: {  	s4 =	sld [smem:$0x3FB1]  }
0x2a: {  	p0 =	seq.s32 s5, $0x0;
	s5 =	sld [smem:$0x3FB2]  }
0x2b: {  	s6 =	sld [smem:$0x3FB3]  }
0x2c: {  	s7 =	sld [smem:$0x3FB4]  }
0x2d: {  	s3 =	simm.s32 $0x108;
	s8 =	sld [smem:$0x3FB5]  }
0x2e: {  	s3 =	simm.s32 @!p0 $0x1082;
	s9 =	sld [smem:$0x3FB6]  }
0x2f: {  	lr =	sadd.s32 s0, s3;
	s0 =	sld [smem:$0x3FAD]  }
0x30: {  	s3 =	sld [smem:$0x3FB0]  }
0x31: {  	[smem:$0x3FB9] =	sst s10  }
0x32: {  	s10 =	sld [smem:$0x3FB7];
	_ =	sdelay $0x3  }
0x33: {  	p0 =	seq.s32 s10, $0x1;
	s10 =	sld [smem:$0x3FB9];
	_ =	sdelay $0x3  }
0x34: {  	[smem:$0x3FB9] =	sst s10  }
0x35: {  	s10 =	sld [smem:$0x3FB8];
	_ =	sdelay $0x3  }
0x36: {  	p1 =	seq.s32 s10, $0x1;
	s10 =	sld [smem:$0x3FB9];
	_ =	sdelay $0x3  }
0x37: {  	[smem:$0x3FB9] =	sst s10  }
0x38: {  	s10 =	sld [smem:$0x3FBA]  }
0x39: {  	_ = 	snop;
	(pc) =	sbr.ind lr, $3  }
0x3a: {  	_ = 	snop  }
0x3b: {  	_ = 	snop  }
0x3c: {  	p2 =	seq.s32 s10, $0x1;
	s10 =	sld [smem:$0x3FB9]  }
0x3d: {  	_ =	shalt  }
0x3e: {  	_ =	shalt  }
0x3f: {  	_ =	shalt  }
0x40: {  	_ =	shalt  }
0x41: {  	_ =	shalt  }
0x42: {  	_ =	shalt  }
0x43: {  	_ =	shalt  }
0x44: {  	_ =	shalt  }
0x45: {  	_ =	shalt  }
0x46: {  	_ =	shalt  }
0x47: {  	_ =	shalt  }
0x48: {  	_ =	shalt  }
0x49: {  	_ =	shalt  }
0x4a: {  	_ =	shalt  }
0x4b: {  	_ =	shalt  }
0x4c: {  	_ =	shalt  }
0x4d: {  	_ =	shalt  }
0x4e: {  	_ =	shalt  }
0x4f: {  	_ =	shalt  }
0x50: {  	_ =	shalt  }
0x51: {  	_ =	shalt  }
0x52: {  	_ =	shalt  }
0x53: {  	_ =	shalt  }
0x54: {  	_ =	shalt  }
0x55: {  	_ =	shalt  }
0x56: {  	_ =	shalt  }
0x57: {  	_ =	shalt  }
0x58: {  	_ =	shalt  }
0x59: {  	_ =	shalt  }
0x5a: {  	_ =	shalt  }
0x5b: {  	_ =	shalt  }
0x5c: {  	_ =	shalt  }
0x5d: {  	_ =	shalt  }
0x5e: {  	_ =	shalt  }
0x5f: {  	_ =	shalt  }
0x60: {  	_ =	shalt  }
0x61: {  	_ =	shalt  }
0x62: {  	_ =	shalt  }
0x63: {  	_ =	shalt  }
0x64: {  	_ =	shalt  }
0x65: {  	_ =	shalt  }
0x66: {  	_ =	shalt  }
0x67: {  	_ =	shalt  }
0x68: {  	_ =	shalt  }
0x69: {  	_ =	shalt  }
0x6a: {  	_ =	shalt  }
0x6b: {  	_ =	shalt  }
0x6c: {  	_ =	shalt  }
0x6d: {  	_ =	shalt  }
0x6e: {  	_ =	shalt  }
0x6f: {  	_ =	shalt  }
0x70: {  	_ =	shalt  }
0x71: {  	_ =	shalt  }
0x72: {  	_ =	shalt  }
0x73: {  	_ =	shalt  }
0x74: {  	_ =	shalt  }
0x75: {  	_ =	shalt  }
0x76: {  	_ =	shalt  }
0x77: {  	_ =	shalt  }
0x78: {  	_ =	shalt  }
0x79: {  	_ =	shalt  }
0x7a: {  	_ =	shalt  }
0x7b: {  	_ =	shalt  }
0x7c: {  	_ =	shalt  }
0x7d: {  	_ =	shalt  }
0x7e: {  	_ =	shalt  }
0x7f: {  	_ =	shalt  }
0x80: {  	_ =	shalt  }
0x81: {  	_ =	shalt  }
0x82: {  	_ =	shalt  }
0x83: {  	_ =	shalt  }
0x84: {  	_ =	shalt  }
0x85: {  	_ =	shalt  }
0x86: {  	_ =	shalt  }
0x87: {  	_ =	shalt  }
.Lfunc_end0:
.L_simem_size_0:
called_computation.5_lowered:
.L_overlay_start_0:
0x88: {  	s2 =	sld [smem:$0x3FD9]  }
0x89: {  	s3 =	sld [smem:$0x3FFE];
	_ =	sdelay $0x1  }
0x8a: {  	s1 =	srdreg.scid  }
0x8b: {  	s0 =	sand.u32 $0x1, s1  }
0x8c: {  	s17 =	sshll.u32 s0, $0xA;
	s2 =	sadd.s32 s3, s2  }
0x8d: {  	s2 =	sadd.s32 s2, s17  }
0x8e: {  	[smem:$0x3FC5] =	sst s2  }
0x8f: {  	_ = 	snop  }
0x90: {  	(tm) =	ssettm $0x1  }
0x91: {  	s18 =	sld [smem:$0x3FFB];
	_ =	sdelay $0x3  }
0x92: {  	_ =	strace s18  }
0x93: {  	s2 =	sld [smem:$0x3FFC];
	_ =	sdelay $0x3  }
0x94: {  	_ =	strace s2  }
0x95: {  	s2 =	sld [smem:$0x3FFD];
	_ =	sdelay $0x3  }
0x96: {  	_ =	strace s2  }
0x97: {  	_ =	strace $0x8FFFFFFF  }
0x98: {  	s19 =	sld [smem:$0x3FDB];
	_ =	sdelay $0x1  }
0x99: {  	s20 =	simm.s32 $_scs_section_size  }
0x9a: {  	s4 =	simm.s32 $_size__tile_overlayer_lowered;
	s5 =	simm.s32 $_tile_overlayer_lowered  }
0x9b: {  	s6 =	simm.s32 $0x1BFF;
	s21 =	sshll.u32 s5, $0x1;
	s3 =	sadd.s32 s20, s19  }
0x9c: {  	s22 =	simm.s32 $0x0;
	s4 =	sshll.u32 s4, $0x1;
	s5 =	sadd.s32 s21, s3  }
0x9d: {  	[timem:s22], [sflag:s6] =	dma.local [hbm:s5], s4  }
0x9e: {  	_ =	swait.ge [sflag:s6], s4  }
0x9f: {  	s4 =	ssub.s32 $0x0, s4;
	[sflag:s6] =	ssyncset.done $0x0  }
0xa0: {  	[sflag:s6] =	ssyncadd.s32 s4;
	_ =	sdelay $0x1  }
0xa1: {  	s23 =	simm.s32 $0x1B8B  }
0xa2: {  	_ =	swait.ge [sflag:s23], $0x1  }
0xa3: {  	[sflag:s23] =	ssyncset.done $0x0  }
0xa4: {  	[sflag:s23] =	ssyncadd.s32 $0xFFFFFFFF  }
0xa5: {  	s4 =	sld [smem:$0x0]  }
0xa6: {  	s5 =	sand.u32 $0xFFFFFFFE, s1  }
0xa7: {  	p0 =	sne.s32 s1, s5  }
0xa8: {  	s5 =	sshll.u32 @p0 s5, $0xE  }
0xa9: {  	s5 =	sadd.s32 @p0 $0x11B8D, s5;
	s6 =	sshll.u32 @p0 s4, $0x11  }
0xaa: {  	s5 =	sor.u32 @p0 s6, s5  }
0xab: {  	[sflag:s5] =	ssyncadd.remote.s32 @p0 $0x1;
	_ =	sdelay $0x1  }
0xac: {  	s5 =	simm.s32 @p0 $0x1B8D  }
0xad: {  	_ =	swait.eq @p0 [sflag:s5], $0x1  }
0xae: {  	[sflag:s5] =	ssyncadd.s32 @p0 $0xFFFFFFFF  }
0xaf: {  	s6 =	sshll.u32 @!p0 s1, $0xE  }
0xb0: {  	s6 =	sor.u32 @!p0 $0x4000, s6;
	s5 =	simm.s32 @!p0 $0x1B8D  }
0xb1: {  	s4 =	sshll.u32 @!p0 s4, $0x11;
	s6 =	sadd.s32 @!p0 $0x11B8D, s6;
	_ =	swait.eq @!p0 [sflag:s5], $0x1  }
0xb2: {  	s4 =	sor.u32 @!p0 s4, s6;
	[sflag:s5] =	ssyncadd.s32 @!p0 $0xFFFFFFFF  }
0xb3: {  	s25 =	simm.s32 $0x1B8E;
	s24 =	sld [smem:$0x3FFE];
	[sflag:s4] =	ssyncadd.remote.s32 @!p0 $0x1  }
0xb4: {  	s26 =	simm.s32 $execute0_lowered;
	[smem:$0x3FD2] =	sst s25  }
0xb5: {  	s5 =	sshll.u32 s26, $0x1;
	_ =	strace $0x80000055;
	[dreg:$0x1] =	wrdreg $0xFFFFFFFF  }
0xb6: {  	s28 =	simm.s32 $_size_execute0_lowered;
	s3 =	sadd.s32 s3, s5;
	[dreg:$0x0] =	wrdreg $0x0  }
0xb7: {  	s5 =	sshll.u32 s28, $0x1;
	[dreg:$0x2] =	wrdreg s3  }
0xb8: {  	[dreg:$0x3] =	wrdreg s5  }
0xb9: {  	[dreg:$0x4] =	wrdreg $0xC0  }
0xba: {  	_ =	task [dreg:s22], $0x5FFFF  }
0xbb: {  	[dreg:$0x1] =	wrdreg $0xFFFFFFFF  }
0xbc: {  	[dreg:$0x0] =	wrdreg $0x60  }
0xbd: {  	[dreg:$0x2] =	wrdreg s24  }
0xbe: {  	[dreg:$0x3] =	wrdreg $0xE  }
0xbf: {  	_ =	task.clear_ibuf [dreg:s22], $0x4FFFF;
	_ =	strace $0x90000055  }
0xc0: {  	s29 =	simm.s32 $0xE;
	_ =	strace $0x80000057  }
0xc1: {  	_ =	swait.ge [sflag:s29], $0x1  }
0xc2: {  	[sflag:s29] =	ssyncadd.s32 $0xFFFFFFFF  }
0xc3: {  	_ =	strace $0x90000057  }
0xc4: {  	_ =	sfence  }
0xc5: {  	s30 =	sld [smem:$0x0];
	_ =	sdelay $0x2  }
0xc6: {  	s31 =	sshll.u32 s1, $0xD;
	s1 =	sshrl.u32 s1, $0x2  }
0xc7: {  	s4 =	sand.u32 $0x4000, s31;
	s1 =	sadd.s32 s1, s30  }
0xc8: {  	s0 =	sor.u32 s4, s0;
	s1 =	sshll.u32 s1, $0x11  }
0xc9: {  	s0 =	sor.u32 s1, s0  }
0xca: {  	s0 =	sadd.s32 $0x8F2B, s0  }
0xcb: {  	[sflag:s0] =	ssyncadd.remote.s32 $0x1  }
0xcc: {  	_ =	sfence.sel $0xFFFF  }
0xcd: {  	[dreg:$0x0] =	wrdreg $0xFFFFFFFF;
	(pc) =	sbr.abs _section_cstart, $3  }
0xce: {  	[dreg:$0x1] =	wrdreg $0xFFFFFFFF  }
0xcf: {  	_ =	task.clear_ibuf [dreg:s22], $0x2FFFF;
	_ =	strace $0x9FFFFFFF  }
0xd0: {  	(tm) =	ssettm $0x7FFFFFFF  }
0xd1: {  	_ =	shalt  }
tec
execute0_lowered:
.L_overlay_start_1:
0x0: {  	(tag) =	ssettag $0x1  }
0x1: {  	s1 =	srdreg.scid;
	s0 =	stileid.u32  }
0x2: {  	s20 =	sand.u32 $0x1, s1;
	s31 =	sshll.u32 s0, $0x1  }
0x3: {  	s14 =	sor.u32 s20, s31  }
0x4: {  	s3 =	smul.u32 $0x14, s14  }
0x5: {  	s12 =	rddreg [dreg:$0x0];
	s2 =	simm.s32 $0x0  }
0x6: {  	s4 =	simm.s32 $0x7;
	[smem:$0x7FF] =	sst s2;
	s3 =	sadd.s32 s3, s12  }
0x7: {  	s1 =	rddreg [dreg:$0x1];
	_ =	strace $0x80000056;
	s3 =	sadd.s32 $0x11D9000, s3  }
0x8: {  	[tilespmem:s2], [sflag:$0x7] =	stream.linear.gather [hbm4b:s3+s2], $0xA0, $0x38;
	[tilespmem:$0x1E100] =	vst v63  }
0x9: {  	_ =	swait.ge [sflag:s4], $0xA0  }
0xa: {  	s6 =	simm.s32 $0x28;
	[sflag:s4] =	ssyncset.done $0x0  }
0xb: {  	s7 =	simm.s32 $0x100;
	s5 =	sadd.s32 $0x2A00, s12;
	[sflag:s4] =	ssyncadd.s32 $0xFFFFFF60  }
0xc: {  	[tilespmem:s7], [sflag:$0x1] =	stream.indirect.gather [hbm4b:s5+s6], $0x400, s2, s6, $0xb8;
	[tilespmem:$0x1E100] =	vst v63  }
0xd: {  	s8 =	simm.s32 $0xA100  }
0xe: {  	[tilespmem:s8], [sflag:$0x2] =	stream.indirect.gather [hbm4b:s5+s6], $0x400, s6, s6, $0xb8;
	[tilespmem:$0x1E100] =	vst v63  }
0xf: {  	s9 =	simm.s32 $0x50;
	s10 =	simm.s32 $0x14100;
	s11 =	simm.s32 $0x1  }
0x10: {  	[tilespmem:s10], [sflag:$0x3] =	stream.indirect.gather [hbm4b:s5+s6], $0x400, s9, s6, $0xb8;
	[tilespmem:$0x1E100] =	vst v63  }
0x11: {  	s13 =	smul.u32 $0x5000, s14;
	_ =	swait.ge [sflag:s11], $0xA000  }
0x12: {  	s16 =	sadd.s32 $0x11D9400, s12;
	[sflag:s11] =	ssyncset.done $0x0  }
0x13: {  	s12 =	sadd.s32 s16, s13;
	s13 =	simm.s32 $0x4;
	[sflag:s11] =	ssyncadd.s32 $0xFFFF6000  }
0x14: {  	[hbm4b:s12+s2] =	stream.linear.scatter [tilespmem:s7], [sflag:$0x4], $0xA000, $0x38;
	[tilespmem:$0x1E100] =	vst v63  }
0x15: {  	_ =	swait.ge [sflag:s13], $0xA000  }
0x16: {  	s15 =	simm.s32 $0x2;
	[sflag:s13] =	ssyncset.done $0x0  }
0x17: {  	s17 =	smul.u32 $0x28000, s14;
	s14 =	simm.s32 $0x78;
	[sflag:s13] =	ssyncadd.s32 $0xFFFF6000  }
0x18: {  	[tilespmem:s7], [sflag:$0x1] =	stream.indirect.gather [hbm4b:s5+s6], $0x400, s14, s6, $0xb8;
	[tilespmem:$0x1E100] =	vst v63  }
0x19: {  	s17 =	sshrl.u32 s17, $0x3;
	_ =	swait.ge [sflag:s15], $0xA000  }
0x1a: {  	s19 =	sadd.s32 s16, s17;
	[sflag:s15] =	ssyncset.done $0x0  }
0x1b: {  	s17 =	simm.s32 $0x3;
	s16 =	sadd.s32 $0x1400, s19;
	[sflag:s15] =	ssyncadd.s32 $0xFFFF6000  }
0x1c: {  	[hbm4b:s16+s2] =	stream.linear.scatter [tilespmem:s8], [sflag:$0x5], $0xA000, $0x38;
	[tilespmem:$0x1E100] =	vst v63  }
0x1d: {  	_ =	swait.ge [sflag:s17], $0xA000  }
0x1e: {  	[sflag:s17] =	ssyncset.done $0x0  }
0x1f: {  	s18 =	sadd.s32 $0x2800, s19;
	[sflag:s17] =	ssyncadd.s32 $0xFFFF6000  }
0x20: {  	[hbm4b:s18+s2] =	stream.linear.scatter [tilespmem:s10], [sflag:$0x6], $0xA000, $0x38;
	[tilespmem:$0x1E100] =	vst v63  }
0x21: {  	_ =	swait.ge [sflag:s11], $0xA000  }
0x22: {  	s21 =	ssub.s32 $0x2, s20;
	[sflag:s11] =	ssyncset.done $0x0  }
0x23: {  	s22 =	sshrl.u32 s21, $0x1;
	s19 =	sadd.s32 $0x3C00, s19;
	[sflag:s11] =	ssyncadd.s32 $0xFFFF6000  }
0x24: {  	[hbm4b:s19+s2] =	stream.linear.scatter [tilespmem:s7], [sflag:$0x4], $0xA000, $0x38;
	[tilespmem:$0x1E100] =	vst v63  }
0x25: {  	s21 =	ssub.s32 s21, s22;
	_ =	swait.ge [sflag:s13], $0xA000  }
0x26: {  	s22 =	smax.u32 s21, $0x1;
	[sflag:s13] =	ssyncset.done $0x0  }
0x27: {  	s20 =	simm.s32 $0x5;
	p0 =	sne.s32 s22, $0x1;
	[sflag:s13] =	ssyncadd.s32 $0xFFFF6000  }
.Ltmp0:
0x28: {  	_ =	swait.ge [sflag:s20], $0xA000;
	(pc) =	sbr.rel @!p0 .LBB2_2-.Ltmp0, $4  }
0x29: {  	[sflag:s20] =	ssyncset.done $0x0  }
0x2a: {  	s21 =	simm.s32 $0x6;
	[sflag:s20] =	ssyncadd.s32 $0xFFFF6000  }
0x2b: {  	_ =	swait.ge [sflag:s21], $0xA000  }
0x2c: {  	s22 =	sadd.s32 $0xFFFFFFFF, s22;
	[sflag:s21] =	ssyncset.done $0x0  }
.LBB2_1:
0x2d: {  	p0 =	sne.s32 s22, $0x1;
	s22 =	sadd.s32 $0xFFFFFFFF, s22;
	[sflag:s21] =	ssyncadd.s32 $0xFFFF6000  }
0x2e: {  	[tilespmem:s2], [sflag:$0x7] =	stream.linear.gather [hbm4b:s3+s2], $0xA0, $0x38;
	[tilespmem:$0x1E100] =	vst v63  }
0x2f: {  	_ =	swait.ge [sflag:s4], $0xA0  }
0x30: {  	[sflag:s4] =	ssyncset.done $0x0  }
0x31: {  	[sflag:s4] =	ssyncadd.s32 $0xFFFFFF60  }
0x32: {  	[tilespmem:s7], [sflag:$0x1] =	stream.indirect.gather [hbm4b:s5+s6], $0x400, s2, s6, $0xb8;
	[tilespmem:$0x1E100] =	vst v63  }
0x33: {  	_ = 	snop  }
0x34: {  	[tilespmem:s8], [sflag:$0x2] =	stream.indirect.gather [hbm4b:s5+s6], $0x400, s6, s6, $0xb8;
	[tilespmem:$0x1E100] =	vst v63  }
0x35: {  	_ = 	snop  }
0x36: {  	[tilespmem:s10], [sflag:$0x3] =	stream.indirect.gather [hbm4b:s5+s6], $0x400, s9, s6, $0xb8;
	[tilespmem:$0x1E100] =	vst v63  }
0x37: {  	_ =	swait.ge [sflag:s11], $0xA000  }
0x38: {  	[sflag:s11] =	ssyncset.done $0x0  }
0x39: {  	[sflag:s11] =	ssyncadd.s32 $0xFFFF6000  }
0x3a: {  	[hbm4b:s12+s2] =	stream.linear.scatter [tilespmem:s7], [sflag:$0x4], $0xA000, $0x38;
	[tilespmem:$0x1E100] =	vst v63  }
0x3b: {  	_ =	swait.ge [sflag:s13], $0xA000  }
0x3c: {  	[sflag:s13] =	ssyncset.done $0x0  }
0x3d: {  	[sflag:s13] =	ssyncadd.s32 $0xFFFF6000  }
0x3e: {  	[tilespmem:s7], [sflag:$0x1] =	stream.indirect.gather [hbm4b:s5+s6], $0x400, s14, s6, $0xb8;
	[tilespmem:$0x1E100] =	vst v63  }
0x3f: {  	_ =	swait.ge [sflag:s15], $0xA000  }
0x40: {  	[sflag:s15] =	ssyncset.done $0x0  }
0x41: {  	[sflag:s15] =	ssyncadd.s32 $0xFFFF6000  }
0x42: {  	[hbm4b:s16+s2] =	stream.linear.scatter [tilespmem:s8], [sflag:$0x5], $0xA000, $0x38;
	[tilespmem:$0x1E100] =	vst v63  }
0x43: {  	_ =	swait.ge [sflag:s17], $0xA000  }
0x44: {  	[sflag:s17] =	ssyncset.done $0x0  }
0x45: {  	[sflag:s17] =	ssyncadd.s32 $0xFFFF6000  }
0x46: {  	[hbm4b:s18+s2] =	stream.linear.scatter [tilespmem:s10], [sflag:$0x6], $0xA000, $0x38;
	[tilespmem:$0x1E100] =	vst v63  }
0x47: {  	_ =	swait.ge [sflag:s11], $0xA000  }
0x48: {  	[sflag:s11] =	ssyncset.done $0x0  }
0x49: {  	[sflag:s11] =	ssyncadd.s32 $0xFFFF6000  }
0x4a: {  	[hbm4b:s19+s2] =	stream.linear.scatter [tilespmem:s7], [sflag:$0x4], $0xA000, $0x38;
	[tilespmem:$0x1E100] =	vst v63  }
0x4b: {  	_ =	swait.ge [sflag:s13], $0xA000  }
0x4c: {  	[sflag:s13] =	ssyncset.done $0x0  }
0x4d: {  	[sflag:s13] =	ssyncadd.s32 $0xFFFF6000  }
.Ltmp1:
0x4e: {  	_ =	swait.ge [sflag:s20], $0xA000;
	(pc) =	sbr.rel @p0 .LBB2_1-.Ltmp1, $4  }
0x4f: {  	[sflag:s20] =	ssyncset.done $0x0  }
0x50: {  	[sflag:s20] =	ssyncadd.s32 $0xFFFF6000  }
0x51: {  	_ =	swait.ge [sflag:s21], $0xA000  }
0x52: {  	[sflag:s21] =	ssyncset.done $0x0  }
.LBB2_2:
0x53: {  	[sflag:s21] =	ssyncadd.s32 $0xFFFF6000  }
0x54: {  	_ =	sfence.sel $0x180000  }
0x55: {  	[bflag:$0x0] =	sbarrier.arrive $0xFFFF  }
0x56: {  	p0 =	sne.s32 s0, $0x0;
	_ =	strace $0x90000056  }
0x57: {  	s0 =	sadd.s32 @!p0 $0x100000, s1;
	[bflag:$0x2] =	sbarrier.arrive $0xFFFF  }
0x58: {  	[sflag:s0] =	ssyncadd.tile.s32 @!p0 $0x1;
	_ =	shalt  }
.Lfunc_end2:
_tile_overlayer_lowered:
.L_overlay_start_2:
0x59: {  	(tag) =	ssettag $0x2  }
0x5a: {  	s0 =	rddreg [dreg:$0x0];
	s2 =	stileid.u32  }
0x5b: {  	s1 =	rddreg [dreg:$0x1];
	p0 =	sne.s32 s2, $0x0  }
0x5c: {  	s3 =	rddreg [dreg:$0x2];
	[bflag:$0x3] =	sbarrier.arrive $0xFFFF;
	s2 =	simm.s32 @!p0 $0x1C07  }
0x5d: {  	[timem:s3], [sflag:s2] =	dma.local @!p0 [hbm:s0], s1  }
0x5e: {  	s0 =	simm.s32 @!p0 $0x7  }
0x5f: {  	_ =	swait.ge @!p0 [sflag:s0], s1  }
0x60: {  	s1 =	ssub.s32 @!p0 $0x0, s1;
	[sflag:s0] =	ssyncset.done @!p0 $0x0  }
0x61: {  	[sflag:s0] =	ssyncadd.s32 @!p0 s1  }
0x62: {  	[bflag:$0x3] =	sbarrier.arrive $0xFFFF  }
0x63: {  	_ =	shalt  }

</sc_bundles>
